<compile_context>
chip_gen: v7x
topology: tpu7x:2x2x1
jax: 0.10.2.dev20260603
libtpu: 0.0.44.dev20260713+nightly
codegen_flags: <defaults>
</compile_context>

<pallas_src>
import jax
import jax.numpy as jnp
from jax import lax
from jax.experimental import pallas as pl
from jax.experimental.pallas import tpu as pltpu
from jax.experimental.pallas import tpu_sc as plsc

_N = 4096
_DF = 1024
_DC = 512
_DH = 256
_NCLS = 2
_K = 8
_BLK = 512
_NB = _N // _BLK

_NEG = -3.0e38
_POS = 3.0e38
_IMAX = 2**31 - 1


def _tc_body(x_ref, wfc_ref, bfc_ref, wa1_ref, ba1_ref, wa2_ref, ba2_ref,
             wa3_ref, ba3_ref, wbag_ref, bbag_ref, wins_ref, bins_ref,
             h_ref, attlin_ref, alin_ref, lg0_ref, lg1_ref,
             score_ref, prob_ref, yhat_ref, pred_ref,
             atts_ref, macc_ref, lg_ref, m_ref, z_ref):
    i = pl.program_id(0)

    @pl.when(i == 0)
    def _init():
        m_ref[0, 0] = jnp.float32(-jnp.inf)
        z_ref[0, 0] = jnp.float32(0.0)
        macc_ref[...] = jnp.zeros_like(macc_ref)

    x = x_ref[...].reshape(_BLK, _DF)
    hs = jnp.dot(x, wfc_ref[...], preferred_element_type=jnp.float32)
    a1s = jnp.dot(x, wa1_ref[...], preferred_element_type=jnp.float32)
    a2s = jnp.dot(x, wa2_ref[...], preferred_element_type=jnp.float32)
    h = jnp.maximum(hs + bfc_ref[...], 0.0)
    h_ref[...] = h
    a1 = jnp.tanh(a1s + ba1_ref[...])
    a2 = jax.nn.sigmoid(a2s + ba2_ref[...])
    s = jnp.dot(a1 * a2, wa3_ref[...],
                preferred_element_type=jnp.float32) + ba3_ref[0, 0]
    atts_ref[pl.ds(i * _BLK, _BLK), :] = s
    lg = jnp.dot(h, wins_ref[...],
                 preferred_element_type=jnp.float32) + bins_ref[...]
    lg_ref[pl.ds(i * _BLK, _BLK), :] = lg

    m_old = m_ref[0, 0]
    m_new = jnp.maximum(m_old, jnp.max(s))
    scale = jnp.exp(m_old - m_new)
    e = jnp.exp(s - m_new)
    z_ref[0, 0] = z_ref[0, 0] * scale + jnp.sum(e)
    contrib = lax.dot_general(e, h, (((0,), (0,)), ((), ())),
                              preferred_element_type=jnp.float32)
    macc_ref[...] = macc_ref[...] * scale + contrib
    m_ref[0, 0] = m_new

    @pl.when(i == _NB - 1)
    def _fin():
        m = m_ref[0, 0]
        z = z_ref[0, 0]
        atts = atts_ref[...].reshape(_N // 128, 128)
        attlin_ref[...] = atts
        alin_ref[...] = jnp.exp(atts - m) / z
        lg0_ref[...] = lg_ref[:, 0:1].reshape(_N // 128, 128)
        lg1_ref[...] = lg_ref[:, 1:2].reshape(_N // 128, 128)
        big_m = macc_ref[...] / z
        sc = jnp.dot(big_m, wbag_ref[...],
                     preferred_element_type=jnp.float32) + bbag_ref[...]
        score_ref[...] = sc
        ee = jnp.exp(sc - jnp.max(sc))
        p = ee / jnp.sum(ee)
        prob_ref[...] = p
        yhat_ref[...] = jnp.where(sc[0, 1] > sc[0, 0], 1, 0).astype(
            jnp.int32).reshape(1, 1)
        pred_ref[...] = jnp.where(p[0, 1] > p[0, 0], 1, 0).astype(
            jnp.int32).reshape(1, 1)


def _tc_call(x, wfc, bfc, wa1, ba1, wa2, ba2, wa3, ba3, wbag, bbag,
             wins, bins):
    f32 = jnp.float32
    full = lambda shape: pl.BlockSpec(shape, lambda i: (0, 0))
    return pl.pallas_call(
        _tc_body,
        grid=(_NB,),
        in_specs=[
            pl.BlockSpec((_BLK, 8, 128), lambda i: (i, 0, 0)),
            full((_DF, _DC)), full((1, _DC)),
            full((_DF, _DH)), full((1, _DH)),
            full((_DF, _DH)), full((1, _DH)),
            full((_DH, 1)), full((1, 1)),
            full((_DC, _NCLS)), full((1, _NCLS)),
            full((_DC, _NCLS)), full((1, _NCLS)),
        ],
        out_specs=[
            pl.BlockSpec((_BLK, _DC), lambda i: (i, 0)),
            full((_N // 128, 128)),
            full((_N // 128, 128)),
            full((_N // 128, 128)),
            full((_N // 128, 128)),
            full((1, _NCLS)), full((1, _NCLS)),
            full((1, 1)), full((1, 1)),
        ],
        out_shape=[
            jax.ShapeDtypeStruct((_N, _DC), f32),
            jax.ShapeDtypeStruct((_N // 128, 128), f32),
            jax.ShapeDtypeStruct((_N // 128, 128), f32),
            jax.ShapeDtypeStruct((_N // 128, 128), f32),
            jax.ShapeDtypeStruct((_N // 128, 128), f32),
            jax.ShapeDtypeStruct((1, _NCLS), f32),
            jax.ShapeDtypeStruct((1, _NCLS), f32),
            jax.ShapeDtypeStruct((1, 1), jnp.int32),
            jax.ShapeDtypeStruct((1, 1), jnp.int32),
        ],
        scratch_shapes=[
            pltpu.VMEM((_N, 1), f32),
            pltpu.VMEM((1, _DC), f32),
            pltpu.VMEM((_N, _NCLS), f32),
            pltpu.SMEM((1, 1), f32),
            pltpu.SMEM((1, 1), f32),
        ],
        compiler_params=pltpu.CompilerParams(
            dimension_semantics=("arbitrary",)),
    )(x, wfc, bfc, wa1, ba1, wa2, ba2, wa3, ba3, wbag, bbag, wins, bins)


_NW = 16
_CH = _N // _NW
_NCH = _CH // 16


def _select_pass(score_ref, ids_base, n_vregs, is_top, lane_off, k,
                 tvals, tids):
    lanes = lax.iota(jnp.int32, 16)
    fill = _NEG if is_top else _POS

    def body(t, carry):
        tvals, tids = carry
        vs = [score_ref[pl.ds(j * 16, 16)] for j in range(n_vregs)]
        m0 = vs[0]
        for j in range(1, n_vregs):
            m0 = jnp.maximum(m0, vs[j]) if is_top else jnp.minimum(m0, vs[j])
        best = jnp.max(m0) if is_top else jnp.min(m0)

        mi = jnp.full((16,), _IMAX, jnp.int32)
        for j in range(n_vregs):
            idv = lanes + ids_base + j * 16
            mi = jnp.minimum(mi, jnp.where(vs[j] == best, idv, _IMAX))
        chosen = jnp.min(mi)

        tvals = jnp.where(lanes == (t + lane_off), best, tvals)
        tids = jnp.where(lanes == (t + lane_off), chosen, tids)

        for j in range(n_vregs):
            idv = lanes + ids_base + j * 16
            score_ref[pl.ds(j * 16, 16)] = jnp.where(idv == chosen, fill,
                                                     vs[j])
        return (tvals, tids)

    return lax.fori_loop(0, k, body, (tvals, tids))


def _merge_pass(work_ref, cid_ref, is_top, lane_off, gvals, gids):
    lanes = lax.iota(jnp.int32, 16)
    fill = _NEG if is_top else _POS

    def body(t, carry):
        gvals, gids = carry
        vs = [work_ref[pl.ds(j * 16, 16)] for j in range(_NW)]
        ivs = [cid_ref[pl.ds(j * 16, 16)] for j in range(_NW)]
        m0 = vs[0]
        for j in range(1, _NW):
            m0 = jnp.maximum(m0, vs[j]) if is_top else jnp.minimum(m0, vs[j])
        best = jnp.max(m0) if is_top else jnp.min(m0)

        mi = jnp.full((16,), _IMAX, jnp.int32)
        for j in range(_NW):
            mi = jnp.minimum(mi, jnp.where(vs[j] == best, ivs[j], _IMAX))
        chosen = jnp.min(mi)

        gvals = jnp.where(lanes == (t + lane_off), best, gvals)
        gids = jnp.where(lanes == (t + lane_off), chosen, gids)

        for j in range(_NW):
            work_ref[pl.ds(j * 16, 16)] = jnp.where(ivs[j] == chosen, fill,
                                                    vs[j])
        return (gvals, gids)

    return lax.fori_loop(0, _K, body, (gvals, gids))


def _sc_body(att_hbm, l0_hbm, l1_hbm, stagev_hbm, stagei_hbm,
             u0_hbm, u1_hbm, p0_hbm, p1_hbm,
             loc_ref, loc2_ref, sv_ref, si_ref,
             cv_ref, ci_ref, work_ref, cid_ref, l0v_ref, l1v_ref):
    c = lax.axis_index("c")
    s = lax.axis_index("s")
    lanes = lax.iota(jnp.int32, 16)
    zf = jnp.zeros((16,), jnp.float32)
    zi = jnp.zeros((16,), jnp.int32)

    @pl.when(c == 0)
    def _phase1():
        base = s * _CH
        pltpu.sync_copy(att_hbm.at[pl.ds(base, _CH)], loc_ref)
        for j in range(_NCH):
            loc2_ref[pl.ds(j * 16, 16)] = loc_ref[pl.ds(j * 16, 16)]
        tvals, tids = _select_pass(loc_ref, base, _NCH, True, 0, _K, zf, zi)
        tvals, tids = _select_pass(loc2_ref, base, _NCH, False, _K, _K,
                                   tvals, tids)
        sv_ref[...] = tvals
        si_ref[...] = tids
        pltpu.sync_copy(sv_ref, stagev_hbm.at[pl.ds(s * 16, 16)])
        pltpu.sync_copy(si_ref, stagei_hbm.at[pl.ds(s * 16, 16)])

    plsc.subcore_barrier()

    @pl.when(jnp.logical_and(c == 0, s == 0))
    def _merge():
        pltpu.sync_copy(stagev_hbm, cv_ref)
        pltpu.sync_copy(stagei_hbm, ci_ref)

        for j in range(_NW):
            cv = cv_ref[pl.ds(j * 16, 16)]
            ci = ci_ref[pl.ds(j * 16, 16)]
            work_ref[pl.ds(j * 16, 16)] = jnp.where(lanes < _K, cv, _NEG)
            cid_ref[pl.ds(j * 16, 16)] = jnp.where(lanes < _K, ci, _IMAX)
        gvals, gids = _merge_pass(work_ref, cid_ref, True, 0, zf, zi)

        for j in range(_NW):
            cv = cv_ref[pl.ds(j * 16, 16)]
            ci = ci_ref[pl.ds(j * 16, 16)]
            work_ref[pl.ds(j * 16, 16)] = jnp.where(lanes >= _K, cv, _POS)
            cid_ref[pl.ds(j * 16, 16)] = jnp.where(lanes >= _K, ci, _IMAX)
        gvals, gids = _merge_pass(work_ref, cid_ref, False, _K, gvals, gids)

        gids = jnp.clip(gids, 0, _N - 1)

        pltpu.sync_copy(l0_hbm, l0v_ref)
        pltpu.sync_copy(l1_hbm, l1v_ref)
        g0 = plsc.load_gather(l0v_ref, [gids])
        g1 = plsc.load_gather(l1v_ref, [gids])
        mx = jnp.maximum(g0, g1)
        e0 = jnp.exp(g0 - mx)
        e1 = jnp.exp(g1 - mx)
        tot = e0 + e1
        sv_ref[...] = g0
        pltpu.sync_copy(sv_ref, u0_hbm)
        sv_ref[...] = g1
        pltpu.sync_copy(sv_ref, u1_hbm)
        sv_ref[...] = e0 / tot
        pltpu.sync_copy(sv_ref, p0_hbm)
        sv_ref[...] = e1 / tot
        pltpu.sync_copy(sv_ref, p1_hbm)


def _sc_call(att, l0, l1):
    f32 = jnp.float32
    i32 = jnp.int32
    mesh = plsc.VectorSubcoreMesh(core_axis_name="c", subcore_axis_name="s")
    fn = pl.kernel(
        _sc_body,
        out_type=[
            jax.ShapeDtypeStruct((_NW * 16,), f32),
            jax.ShapeDtypeStruct((_NW * 16,), i32),
            jax.ShapeDtypeStruct((16,), f32),
            jax.ShapeDtypeStruct((16,), f32),
            jax.ShapeDtypeStruct((16,), f32),
            jax.ShapeDtypeStruct((16,), f32),
        ],
        mesh=mesh,
        scratch_types=[
            pltpu.VMEM((_CH,), f32),
            pltpu.VMEM((_CH,), f32),
            pltpu.VMEM((16,), f32),
            pltpu.VMEM((16,), i32),
            pltpu.VMEM((_NW * 16,), f32),
            pltpu.VMEM((_NW * 16,), i32),
            pltpu.VMEM((_NW * 16,), f32),
            pltpu.VMEM((_NW * 16,), i32),
            pltpu.VMEM((_N,), f32),
            pltpu.VMEM((_N,), f32),
        ],
        compiler_params=pltpu.CompilerParams(needs_layout_passes=False),
    )
    _, _, u0, u1, p0, p1 = fn(att, l0, l1)
    return u0, u1, p0, p1


def kernel(img_features, slide_label, W_fc, b_fc, W_a1, b_a1, W_a2, b_a2,
           W_a3, b_a3, W_ins, b_ins, W_bag, b_bag):
    x = img_features.reshape(_N, 8, 128)
    (h, attlin, alin, lg0, lg1, score, prob, yhat, pred) = _tc_call(
        x, W_fc, b_fc.reshape(1, _DC), W_a1, b_a1.reshape(1, _DH),
        W_a2, b_a2.reshape(1, _DH), W_a3, b_a3.reshape(1, 1),
        W_bag, b_bag.reshape(1, _NCLS), W_ins, b_ins.reshape(1, _NCLS))

    u0, u1, p0, p1 = _sc_call(attlin.reshape(_N), lg0.reshape(_N),
                              lg1.reshape(_N))
    unnorm = jnp.stack([u0, u1], axis=1)
    ins_prob = jnp.stack([p0, p1], axis=1)

    ins_labels = jnp.concatenate(
        [jnp.ones((_K,), jnp.int32), jnp.zeros((_K,), jnp.int32)], axis=0)
    y_true = jax.nn.one_hot(jnp.asarray(slide_label), _NCLS)
    return (attlin.reshape(_N, 1), alin.reshape(_N, 1), h, ins_labels,
            unnorm, ins_prob, score, prob,
            yhat.reshape(1), y_true, pred.reshape(1))

# --- scband reference (transcript-rebuilt; emitter-appended) ---
"""Pipeline reference for scband-s-clam-29317446762504 (READ-ONLY COPY).

The authoritative reference and input builder live on the scoring server;
editing this copy changes nothing except your own understanding.
"""

import jax, jax.numpy as jnp
import numpy as np

N_PATCHES = 4096
DIM_FEATURES = 1024
DIM_COMPRESS = 512
N_HIDDEN = 256
N_CLASS = 2
N_INS = 8


def _glorot(key, shape):
    fan_in, fan_out = shape
    std = (2.0 / (fan_in + fan_out)) ** 0.5
    return std * jax.random.normal(key, shape, dtype=jnp.float32)


def setup_inputs(seed: int = 0):
    key = jax.random.key(seed)
    ks = jax.random.split(key, 8)
    img_features = jax.random.normal(ks[0], (N_PATCHES, 1, DIM_FEATURES), dtype=jnp.float32)
    return {
        "img_features": img_features,
        "slide_label": 0,
        "W_fc": _glorot(ks[1], (DIM_FEATURES, DIM_COMPRESS)),
        "b_fc": jnp.zeros((DIM_COMPRESS,), jnp.float32),
        "W_a1": _glorot(ks[2], (DIM_FEATURES, N_HIDDEN)),
        "b_a1": jnp.zeros((N_HIDDEN,), jnp.float32),
        "W_a2": _glorot(ks[3], (DIM_FEATURES, N_HIDDEN)),
        "b_a2": jnp.zeros((N_HIDDEN,), jnp.float32),
        "W_a3": _glorot(ks[4], (N_HIDDEN, 1)),
        "b_a3": jnp.zeros((1,), jnp.float32),
        "W_ins": _glorot(ks[5], (DIM_COMPRESS, N_CLASS)),
        "b_ins": jnp.zeros((N_CLASS,), jnp.float32),
        "W_bag": _glorot(ks[6], (DIM_COMPRESS, N_CLASS)),
        "b_bag": jnp.zeros((N_CLASS,), jnp.float32),
    }


def reference(img_features, slide_label, W_fc, b_fc, W_a1, b_a1, W_a2, b_a2, W_a3, b_a3, W_ins, b_ins, W_bag, b_bag):
    # Gated attention network (G_Att_Net with n_classes=1 attention branch)
    x = img_features.reshape(-1, DIM_FEATURES)            # [N, 1024]
    h = jax.nn.relu(x @ W_fc + b_fc)                      # compressed features [N, 512]
    a1 = jnp.tanh(x @ W_a1 + b_a1)                        # [N, 256]
    a2 = jax.nn.sigmoid(x @ W_a2 + b_a2)                  # [N, 256]
    att_score = (a1 * a2) @ W_a3 + b_a3                   # raw attention scores [N, 1]
    A = jax.nn.softmax(att_score, axis=0)                 # softmax over instances [N, 1]

    # Instance branch (Ins.in_call for the bag-label class): top-k masking + gather
    A_I = A[:, 0]
    _, top_pos_ids = jax.lax.top_k(A_I, N_INS)
    _, top_neg_ids = jax.lax.top_k(-A_I, N_INS)
    top_pos = jnp.take(h, top_pos_ids, axis=0)            # [n_ins, 512]
    top_neg = jnp.take(h, top_neg_ids, axis=0)            # [n_ins, 512]
    ins_in = jnp.concatenate([top_pos, top_neg], axis=0)  # [2*n_ins, 512]
    ins_logits_unnorm = ins_in @ W_ins + b_ins            # [2*n_ins, n_class]
    ins_logits = jax.nn.softmax(ins_logits_unnorm, axis=-1)
    ins_labels = jnp.concatenate([jnp.ones((N_INS,), jnp.int32), jnp.zeros((N_INS,), jnp.int32)], axis=0)

    # Bag branch (S_Bag): attention-weighted aggregation + slide classifier
    M = A.T @ h                                           # [1, 512]
    slide_score_unnorm = M @ W_bag + b_bag                # [1, n_class]
    Y_prob = jax.nn.softmax(slide_score_unnorm, axis=-1)
    Y_hat = jnp.argmax(slide_score_unnorm, axis=-1)
    Y_true = jax.nn.one_hot(jnp.asarray(slide_label), N_CLASS)
    predict_slide_label = jnp.argmax(Y_prob, axis=-1)

    return (att_score, A, h, ins_labels, ins_logits_unnorm, ins_logits,
            slide_score_unnorm, Y_prob, Y_hat, Y_true, predict_slide_label)

if __name__ == "__main__":
    import jax
    _d = setup_inputs()
    print(jax.jit(kernel)(*tuple(_d.values())))

</pallas_src>

<mosaic_0001>
#map = affine_map<(d0, d1) -> (0)>
module attributes {stable_mosaic.version = 14 : i64} {
  func.func @_sc_body(%arg0: i32, %arg1: i32, %arg2: memref<4096xf32, #tpu.memory_space<hbm>>, %arg3: memref<4096xf32, #tpu.memory_space<hbm>>, %arg4: memref<4096xf32, #tpu.memory_space<hbm>>, %arg5: memref<256xf32, #tpu.memory_space<hbm>>, %arg6: memref<256xi32, #tpu.memory_space<hbm>>, %arg7: memref<16xf32, #tpu.memory_space<hbm>>, %arg8: memref<16xf32, #tpu.memory_space<hbm>>, %arg9: memref<16xf32, #tpu.memory_space<hbm>>, %arg10: memref<16xf32, #tpu.memory_space<hbm>>, %arg11: memref<256xf32, #tpu.memory_space<vmem>>, %arg12: memref<256xf32, #tpu.memory_space<vmem>>, %arg13: memref<16xf32, #tpu.memory_space<vmem>>, %arg14: memref<16xi32, #tpu.memory_space<vmem>>, %arg15: memref<256xf32, #tpu.memory_space<vmem>>, %arg16: memref<256xi32, #tpu.memory_space<vmem>>, %arg17: memref<256xf32, #tpu.memory_space<vmem>>, %arg18: memref<256xi32, #tpu.memory_space<vmem>>, %arg19: memref<4096xf32, #tpu.memory_space<vmem>>, %arg20: memref<4096xf32, #tpu.memory_space<vmem>>) attributes {dimension_semantics = [#tpu.dimension_semantics<core_parallel>, #tpu.dimension_semantics<subcore_parallel>], iteration_bounds = array<i64: 2, 16>, scalar_prefetch = 0 : i64, scratch_operands = 10 : i64, tpu.core_type = #tpu.core_type<sc_vector_subcore>, window_params = [{transform_indices = #map}, {transform_indices = #map}, {transform_indices = #map}, {transform_indices = #map}, {transform_indices = #map}, {transform_indices = #map}, {transform_indices = #map}, {transform_indices = #map}, {transform_indices = #map}]} {
    %iota3A = tpu.iota {dimensions = array<i32: 0>} : vector<16xi32>
    %broadcast_in_dim3A = arith.constant 0.000000e+00 : f32
    %broadcast_in_dim3A_0 = vector.broadcast %broadcast_in_dim3A : f32 to vector<16xf32>
    %broadcast_in_dim3A_1 = arith.constant 0 : i32
    %broadcast_in_dim3A_2 = vector.broadcast %broadcast_in_dim3A_1 : i32 to vector<16xi32>
    %eq3A = arith.constant 0 : i32
    %eq3A_3 = arith.cmpi eq, %arg0, %eq3A : i32
    %convert_element_type3A = arith.extui %eq3A_3 : i1 to i32
    %cond3A = arith.constant 0 : i32
    %cond3A_4 = arith.cmpi ne, %convert_element_type3A, %cond3A : i32
    scf.if %cond3A_4 {
      %mul3A = arith.constant 256 : i32
      %mul3A_12 = arith.muli %arg1, %mul3A : i32
      "tpu.region"() ({
        %run_scoped3A = tpu.sem_alloc : memref<!tpu.dma_semaphore, #tpu.memory_space<semaphore_mem>>
        %dma_start3A = tpu.memref_slice %arg2[%mul3A_12] : memref<4096xf32, #tpu.memory_space<hbm>> -> memref<256xf32, #tpu.memory_space<hbm>>
        %dma_start3A_96 = tpu.memref_slice %arg2[%mul3A_12] : memref<4096xf32, #tpu.memory_space<hbm>> -> memref<256xf32, #tpu.memory_space<hbm>>
        tpu.enqueue_dma source(%dma_start3A_96 : memref<256xf32, #tpu.memory_space<hbm>>) target(%arg11 : memref<256xf32, #tpu.memory_space<vmem>>) target_semaphore(%run_scoped3A : memref<!tpu.dma_semaphore, #tpu.memory_space<semaphore_mem>>)
        %dma_wait3A = tpu.memref_slice %arg2[%mul3A_12] : memref<4096xf32, #tpu.memory_space<hbm>> -> memref<256xf32, #tpu.memory_space<hbm>>
        %dma_wait3A_97 = tpu.memref_slice %arg2[%mul3A_12] : memref<4096xf32, #tpu.memory_space<hbm>> -> memref<256xf32, #tpu.memory_space<hbm>>
        tpu.wait_dma2 semaphore(%run_scoped3A : memref<!tpu.dma_semaphore, #tpu.memory_space<semaphore_mem>>) src(%dma_wait3A_97 : memref<256xf32, #tpu.memory_space<hbm>>) dst(%arg11 : memref<256xf32, #tpu.memory_space<vmem>>)
        tpu.yield
      }) : () -> ()
      %get3A = arith.constant 0 : index
      %get3A_13 = tpu.vector_load %arg11[%get3A] {strides = array<i32>} : memref<256xf32, #tpu.memory_space<vmem>>, vector<16xf32>,
      %swap3A = arith.constant 0 : index
      %swap3A_14 = tpu.vector_load %arg12[%swap3A] {strides = array<i32>} : memref<256xf32, #tpu.memory_space<vmem>>, vector<16xf32>,
      tpu.vector_store %arg12[%swap3A], %get3A_13 {strides = array<i32>} : memref<256xf32, #tpu.memory_space<vmem>>, vector<16xf32>,
      %get3A_15 = arith.constant 16 : index
      %get3A_16 = tpu.vector_load %arg11[%get3A_15] {strides = array<i32>} : memref<256xf32, #tpu.memory_space<vmem>>, vector<16xf32>,
      %swap3A_17 = arith.constant 16 : index
      %swap3A_18 = tpu.vector_load %arg12[%swap3A_17] {strides = array<i32>} : memref<256xf32, #tpu.memory_space<vmem>>, vector<16xf32>,
      tpu.vector_store %arg12[%swap3A_17], %get3A_16 {strides = array<i32>} : memref<256xf32, #tpu.memory_space<vmem>>, vector<16xf32>,
      %get3A_19 = arith.constant 32 : index
      %get3A_20 = tpu.vector_load %arg11[%get3A_19] {strides = array<i32>} : memref<256xf32, #tpu.memory_space<vmem>>, vector<16xf32>,
      %swap3A_21 = arith.constant 32 : index
      %swap3A_22 = tpu.vector_load %arg12[%swap3A_21] {strides = array<i32>} : memref<256xf32, #tpu.memory_space<vmem>>, vector<16xf32>,
      tpu.vector_store %arg12[%swap3A_21], %get3A_20 {strides = array<i32>} : memref<256xf32, #tpu.memory_space<vmem>>, vector<16xf32>,
      %get3A_23 = arith.constant 48 : index
      %get3A_24 = tpu.vector_load %arg11[%get3A_23] {strides = array<i32>} : memref<256xf32, #tpu.memory_space<vmem>>, vector<16xf32>,
      %swap3A_25 = arith.constant 48 : index
      %swap3A_26 = tpu.vector_load %arg12[%swap3A_25] {strides = array<i32>} : memref<256xf32, #tpu.memory_space<vmem>>, vector<16xf32>,
      tpu.vector_store %arg12[%swap3A_25], %get3A_24 {strides = array<i32>} : memref<256xf32, #tpu.memory_space<vmem>>, vector<16xf32>,
      %get3A_27 = arith.constant 64 : index
      %get3A_28 = tpu.vector_load %arg11[%get3A_27] {strides = array<i32>} : memref<256xf32, #tpu.memory_space<vmem>>, vector<16xf32>,
      %swap3A_29 = arith.constant 64 : index
      %swap3A_30 = tpu.vector_load %arg12[%swap3A_29] {strides = array<i32>} : memref<256xf32, #tpu.memory_space<vmem>>, vector<16xf32>,
      tpu.vector_store %arg12[%swap3A_29], %get3A_28 {strides = array<i32>} : memref<256xf32, #tpu.memory_space<vmem>>, vector<16xf32>,
      %get3A_31 = arith.constant 80 : index
      %get3A_32 = tpu.vector_load %arg11[%get3A_31] {strides = array<i32>} : memref<256xf32, #tpu.memory_space<vmem>>, vector<16xf32>,
      %swap3A_33 = arith.constant 80 : index
      %swap3A_34 = tpu.vector_load %arg12[%swap3A_33] {strides = array<i32>} : memref<256xf32, #tpu.memory_space<vmem>>, vector<16xf32>,
      tpu.vector_store %arg12[%swap3A_33], %get3A_32 {strides = array<i32>} : memref<256xf32, #tpu.memory_space<vmem>>, vector<16xf32>,
      %get3A_35 = arith.constant 96 : index
      %get3A_36 = tpu.vector_load %arg11[%get3A_35] {strides = array<i32>} : memref<256xf32, #tpu.memory_space<vmem>>, vector<16xf32>,
      %swap3A_37 = arith.constant 96 : index
      %swap3A_38 = tpu.vector_load %arg12[%swap3A_37] {strides = array<i32>} : memref<256xf32, #tpu.memory_space<vmem>>, vector<16xf32>,
      tpu.vector_store %arg12[%swap3A_37], %get3A_36 {strides = array<i32>} : memref<256xf32, #tpu.memory_space<vmem>>, vector<16xf32>,
      %get3A_39 = arith.constant 112 : index
      %get3A_40 = tpu.vector_load %arg11[%get3A_39] {strides = array<i32>} : memref<256xf32, #tpu.memory_space<vmem>>, vector<16xf32>,
      %swap3A_41 = arith.constant 112 : index
      %swap3A_42 = tpu.vector_load %arg12[%swap3A_41] {strides = array<i32>} : memref<256xf32, #tpu.memory_space<vmem>>, vector<16xf32>,
      tpu.vector_store %arg12[%swap3A_41], %get3A_40 {strides = array<i32>} : memref<256xf32, #tpu.memory_space<vmem>>, vector<16xf32>,
      %get3A_43 = arith.constant 128 : index
      %get3A_44 = tpu.vector_load %arg11[%get3A_43] {strides = array<i32>} : memref<256xf32, #tpu.memory_space<vmem>>, vector<16xf32>,
      %swap3A_45 = arith.constant 128 : index
      %swap3A_46 = tpu.vector_load %arg12[%swap3A_45] {strides = array<i32>} : memref<256xf32, #tpu.memory_space<vmem>>, vector<16xf32>,
      tpu.vector_store %arg12[%swap3A_45], %get3A_44 {strides = array<i32>} : memref<256xf32, #tpu.memory_space<vmem>>, vector<16xf32>,
      %get3A_47 = arith.constant 144 : index
      %get3A_48 = tpu.vector_load %arg11[%get3A_47] {strides = array<i32>} : memref<256xf32, #tpu.memory_space<vmem>>, vector<16xf32>,
      %swap3A_49 = arith.constant 144 : index
      %swap3A_50 = tpu.vector_load %arg12[%swap3A_49] {strides = array<i32>} : memref<256xf32, #tpu.memory_space<vmem>>, vector<16xf32>,
      tpu.vector_store %arg12[%swap3A_49], %get3A_48 {strides = array<i32>} : memref<256xf32, #tpu.memory_space<vmem>>, vector<16xf32>,
      %get3A_51 = arith.constant 160 : index
      %get3A_52 = tpu.vector_load %arg11[%get3A_51] {strides = array<i32>} : memref<256xf32, #tpu.memory_space<vmem>>, vector<16xf32>,
      %swap3A_53 = arith.constant 160 : index
      %swap3A_54 = tpu.vector_load %arg12[%swap3A_53] {strides = array<i32>} : memref<256xf32, #tpu.memory_space<vmem>>, vector<16xf32>,
      tpu.vector_store %arg12[%swap3A_53], %get3A_52 {strides = array<i32>} : memref<256xf32, #tpu.memory_space<vmem>>, vector<16xf32>,
      %get3A_55 = arith.constant 176 : index
      %get3A_56 = tpu.vector_load %arg11[%get3A_55] {strides = array<i32>} : memref<256xf32, #tpu.memory_space<vmem>>, vector<16xf32>,
      %swap3A_57 = arith.constant 176 : index
      %swap3A_58 = tpu.vector_load %arg12[%swap3A_57] {strides = array<i32>} : memref<256xf32, #tpu.memory_space<vmem>>, vector<16xf32>,
      tpu.vector_store %arg12[%swap3A_57], %get3A_56 {strides = array<i32>} : memref<256xf32, #tpu.memory_space<vmem>>, vector<16xf32>,
      %get3A_59 = arith.constant 192 : index
      %get3A_60 = tpu.vector_load %arg11[%get3A_59] {strides = array<i32>} : memref<256xf32, #tpu.memory_space<vmem>>, vector<16xf32>,
      %swap3A_61 = arith.constant 192 : index
      %swap3A_62 = tpu.vector_load %arg12[%swap3A_61] {strides = array<i32>} : memref<256xf32, #tpu.memory_space<vmem>>, vector<16xf32>,
      tpu.vector_store %arg12[%swap3A_61], %get3A_60 {strides = array<i32>} : memref<256xf32, #tpu.memory_space<vmem>>, vector<16xf32>,
      %get3A_63 = arith.constant 208 : index
      %get3A_64 = tpu.vector_load %arg11[%get3A_63] {strides = array<i32>} : memref<256xf32, #tpu.memory_space<vmem>>, vector<16xf32>,
      %swap3A_65 = arith.constant 208 : index
      %swap3A_66 = tpu.vector_load %arg12[%swap3A_65] {strides = array<i32>} : memref<256xf32, #tpu.memory_space<vmem>>, vector<16xf32>,
      tpu.vector_store %arg12[%swap3A_65], %get3A_64 {strides = array<i32>} : memref<256xf32, #tpu.memory_space<vmem>>, vector<16xf32>,
      %get3A_67 = arith.constant 224 : index
      %get3A_68 = tpu.vector_load %arg11[%get3A_67] {strides = array<i32>} : memref<256xf32, #tpu.memory_space<vmem>>, vector<16xf32>,
      %swap3A_69 = arith.constant 224 : index
      %swap3A_70 = tpu.vector_load %arg12[%swap3A_69] {strides = array<i32>} : memref<256xf32, #tpu.memory_space<vmem>>, vector<16xf32>,
      tpu.vector_store %arg12[%swap3A_69], %get3A_68 {strides = array<i32>} : memref<256xf32, #tpu.memory_space<vmem>>, vector<16xf32>,
      %get3A_71 = arith.constant 240 : index
      %get3A_72 = tpu.vector_load %arg11[%get3A_71] {strides = array<i32>} : memref<256xf32, #tpu.memory_space<vmem>>, vector<16xf32>,
      %swap3A_73 = arith.constant 240 : index
      %swap3A_74 = tpu.vector_load %arg12[%swap3A_73] {strides = array<i32>} : memref<256xf32, #tpu.memory_space<vmem>>, vector<16xf32>,
      tpu.vector_store %arg12[%swap3A_73], %get3A_72 {strides = array<i32>} : memref<256xf32, #tpu.memory_space<vmem>>, vector<16xf32>,
      %iota3A_75 = tpu.iota {dimensions = array<i32: 0>} : vector<16xi32>
      %scan3A = arith.constant 0 : i32
      %scan3A_76 = arith.constant 8 : i32
      %scan3A_77 = arith.addi %scan3A, %scan3A_76 : i32
      %scan3A_78 = arith.constant 1 : i32
      %scan3A_79:2 = scf.for %scan3A_96 = %scan3A to %scan3A_77 step %scan3A_78 iter_args(%scan3A_97 = %broadcast_in_dim3A_0, %scan3A_98 = %broadcast_in_dim3A_2) -> (vector<16xf32>, vector<16xi32>)  : i32 {
        %get3A_99 = arith.constant 0 : index
        %get3A_100 = tpu.vector_load %arg11[%get3A_99] {strides = array<i32>} : memref<256xf32, #tpu.memory_space<vmem>>, vector<16xf32>,
        %get3A_101 = arith.constant 16 : index
        %get3A_102 = tpu.vector_load %arg11[%get3A_101] {strides = array<i32>} : memref<256xf32, #tpu.memory_space<vmem>>, vector<16xf32>,
        %get3A_103 = arith.constant 32 : index
        %get3A_104 = tpu.vector_load %arg11[%get3A_103] {strides = array<i32>} : memref<256xf32, #tpu.memory_space<vmem>>, vector<16xf32>,
        %get3A_105 = arith.constant 48 : index
        %get3A_106 = tpu.vector_load %arg11[%get3A_105] {strides = array<i32>} : memref<256xf32, #tpu.memory_space<vmem>>, vector<16xf32>,
        %get3A_107 = arith.constant 64 : index
        %get3A_108 = tpu.vector_load %arg11[%get3A_107] {strides = array<i32>} : memref<256xf32, #tpu.memory_space<vmem>>, vector<16xf32>,
        %get3A_109 = arith.constant 80 : index
        %get3A_110 = tpu.vector_load %arg11[%get3A_109] {strides = array<i32>} : memref<256xf32, #tpu.memory_space<vmem>>, vector<16xf32>,
        %get3A_111 = arith.constant 96 : index
        %get3A_112 = tpu.vector_load %arg11[%get3A_111] {strides = array<i32>} : memref<256xf32, #tpu.memory_space<vmem>>, vector<16xf32>,
        %get3A_113 = arith.constant 112 : index
        %get3A_114 = tpu.vector_load %arg11[%get3A_113] {strides = array<i32>} : memref<256xf32, #tpu.memory_space<vmem>>, vector<16xf32>,
        %get3A_115 = arith.constant 128 : index
        %get3A_116 = tpu.vector_load %arg11[%get3A_115] {strides = array<i32>} : memref<256xf32, #tpu.memory_space<vmem>>, vector<16xf32>,
        %get3A_117 = arith.constant 144 : index
        %get3A_118 = tpu.vector_load %arg11[%get3A_117] {strides = array<i32>} : memref<256xf32, #tpu.memory_space<vmem>>, vector<16xf32>,
        %get3A_119 = arith.constant 160 : index
        %get3A_120 = tpu.vector_load %arg11[%get3A_119] {strides = array<i32>} : memref<256xf32, #tpu.memory_space<vmem>>, vector<16xf32>,
        %get3A_121 = arith.constant 176 : index
        %get3A_122 = tpu.vector_load %arg11[%get3A_121] {strides = array<i32>} : memref<256xf32, #tpu.memory_space<vmem>>, vector<16xf32>,
        %get3A_123 = arith.constant 192 : index
        %get3A_124 = tpu.vector_load %arg11[%get3A_123] {strides = array<i32>} : memref<256xf32, #tpu.memory_space<vmem>>, vector<16xf32>,
        %get3A_125 = arith.constant 208 : index
        %get3A_126 = tpu.vector_load %arg11[%get3A_125] {strides = array<i32>} : memref<256xf32, #tpu.memory_space<vmem>>, vector<16xf32>,
        %get3A_127 = arith.constant 224 : index
        %get3A_128 = tpu.vector_load %arg11[%get3A_127] {strides = array<i32>} : memref<256xf32, #tpu.memory_space<vmem>>, vector<16xf32>,
        %get3A_129 = arith.constant 240 : index
        %get3A_130 = tpu.vector_load %arg11[%get3A_129] {strides = array<i32>} : memref<256xf32, #tpu.memory_space<vmem>>, vector<16xf32>,
        %max3A = arith.maximumf %get3A_100, %get3A_102 : vector<16xf32>
        %max3A_131 = arith.maximumf %max3A, %get3A_104 : vector<16xf32>
        %max3A_132 = arith.maximumf %max3A_131, %get3A_106 : vector<16xf32>
        %max3A_133 = arith.maximumf %max3A_132, %get3A_108 : vector<16xf32>
        %max3A_134 = arith.maximumf %max3A_133, %get3A_110 : vector<16xf32>
        %max3A_135 = arith.maximumf %max3A_134, %get3A_112 : vector<16xf32>
        %max3A_136 = arith.maximumf %max3A_135, %get3A_114 : vector<16xf32>
        %max3A_137 = arith.maximumf %max3A_136, %get3A_116 : vector<16xf32>
        %max3A_138 = arith.maximumf %max3A_137, %get3A_118 : vector<16xf32>
        %max3A_139 = arith.maximumf %max3A_138, %get3A_120 : vector<16xf32>
        %max3A_140 = arith.maximumf %max3A_139, %get3A_122 : vector<16xf32>
        %max3A_141 = arith.maximumf %max3A_140, %get3A_124 : vector<16xf32>
        %max3A_142 = arith.maximumf %max3A_141, %get3A_126 : vector<16xf32>
        %max3A_143 = arith.maximumf %max3A_142, %get3A_128 : vector<16xf32>
        %max3A_144 = arith.maximumf %max3A_143, %get3A_130 : vector<16xf32>
        %reduce_max3A = arith.constant true
        %reduce_max3A_145 = vector.broadcast %reduce_max3A : i1 to vector<16xi1>
        %reduce_max3A_146 = tpu.scan <max>, %max3A_144 masked %reduce_max3A_145 : vector<16xf32>, vector<16xi1> -> vector<16xf32>
        %reduce_max3A_147 = vector.extract %reduce_max3A_146[15] : f32 from vector<16xf32>
        %broadcast_in_dim3A_148 = arith.constant 2147483647 : i32
        %broadcast_in_dim3A_149 = vector.broadcast %broadcast_in_dim3A_148 : i32 to vector<16xi32>
        %add3A = vector.broadcast %mul3A_12 : i32 to vector<16xi32>
        %add3A_150 = arith.addi %iota3A_75, %add3A : vector<16xi32>
        %add3A_151 = arith.constant 0 : i32
        %add3A_152 = vector.broadcast %add3A_151 : i32 to vector<16xi32>
        %add3A_153 = arith.addi %add3A_150, %add3A_152 : vector<16xi32>
        %eq3A_154 = vector.broadcast %reduce_max3A_147 : f32 to vector<16xf32>
        %eq3A_155 = arith.cmpf oeq, %get3A_100, %eq3A_154 : vector<16xf32>
        %jit3A = arith.constant 2147483647 : i32
        %broadcast_in_dim3A_156 = vector.broadcast %jit3A : i32 to vector<16xi32>
        %select_n3A = arith.select %eq3A_155, %add3A_153, %broadcast_in_dim3A_156 : vector<16xi1>, vector<16xi32>
        %min3A = arith.minsi %broadcast_in_dim3A_149, %select_n3A : vector<16xi32>
        %add3A_157 = vector.broadcast %mul3A_12 : i32 to vector<16xi32>
        %add3A_158 = arith.addi %iota3A_75, %add3A_157 : vector<16xi32>
        %add3A_159 = arith.constant 16 : i32
        %add3A_160 = vector.broadcast %add3A_159 : i32 to vector<16xi32>
        %add3A_161 = arith.addi %add3A_158, %add3A_160 : vector<16xi32>
        %eq3A_162 = vector.broadcast %reduce_max3A_147 : f32 to vector<16xf32>
        %eq3A_163 = arith.cmpf oeq, %get3A_102, %eq3A_162 : vector<16xf32>
        %jit3A_164 = arith.constant 2147483647 : i32
        %broadcast_in_dim3A_165 = vector.broadcast %jit3A_164 : i32 to vector<16xi32>
        %select_n3A_166 = arith.select %eq3A_163, %add3A_161, %broadcast_in_dim3A_165 : vector<16xi1>, vector<16xi32>
        %min3A_167 = arith.minsi %min3A, %select_n3A_166 : vector<16xi32>
        %add3A_168 = vector.broadcast %mul3A_12 : i32 to vector<16xi32>
        %add3A_169 = arith.addi %iota3A_75, %add3A_168 : vector<16xi32>
        %add3A_170 = arith.constant 32 : i32
        %add3A_171 = vector.broadcast %add3A_170 : i32 to vector<16xi32>
        %add3A_172 = arith.addi %add3A_169, %add3A_171 : vector<16xi32>
        %eq3A_173 = vector.broadcast %reduce_max3A_147 : f32 to vector<16xf32>
        %eq3A_174 = arith.cmpf oeq, %get3A_104, %eq3A_173 : vector<16xf32>
        %jit3A_175 = arith.constant 2147483647 : i32
        %broadcast_in_dim3A_176 = vector.broadcast %jit3A_175 : i32 to vector<16xi32>
        %select_n3A_177 = arith.select %eq3A_174, %add3A_172, %broadcast_in_dim3A_176 : vector<16xi1>, vector<16xi32>
        %min3A_178 = arith.minsi %min3A_167, %select_n3A_177 : vector<16xi32>
        %add3A_179 = vector.broadcast %mul3A_12 : i32 to vector<16xi32>
        %add3A_180 = arith.addi %iota3A_75, %add3A_179 : vector<16xi32>
        %add3A_181 = arith.constant 48 : i32
        %add3A_182 = vector.broadcast %add3A_181 : i32 to vector<16xi32>
        %add3A_183 = arith.addi %add3A_180, %add3A_182 : vector<16xi32>
        %eq3A_184 = vector.broadcast %reduce_max3A_147 : f32 to vector<16xf32>
        %eq3A_185 = arith.cmpf oeq, %get3A_106, %eq3A_184 : vector<16xf32>
        %jit3A_186 = arith.constant 2147483647 : i32
        %broadcast_in_dim3A_187 = vector.broadcast %jit3A_186 : i32 to vector<16xi32>
        %select_n3A_188 = arith.select %eq3A_185, %add3A_183, %broadcast_in_dim3A_187 : vector<16xi1>, vector<16xi32>
        %min3A_189 = arith.minsi %min3A_178, %select_n3A_188 : vector<16xi32>
        %add3A_190 = vector.broadcast %mul3A_12 : i32 to vector<16xi32>
        %add3A_191 = arith.addi %iota3A_75, %add3A_190 : vector<16xi32>
        %add3A_192 = arith.constant 64 : i32
        %add3A_193 = vector.broadcast %add3A_192 : i32 to vector<16xi32>
        %add3A_194 = arith.addi %add3A_191, %add3A_193 : vector<16xi32>
        %eq3A_195 = vector.broadcast %reduce_max3A_147 : f32 to vector<16xf32>
        %eq3A_196 = arith.cmpf oeq, %get3A_108, %eq3A_195 : vector<16xf32>
        %jit3A_197 = arith.constant 2147483647 : i32
        %broadcast_in_dim3A_198 = vector.broadcast %jit3A_197 : i32 to vector<16xi32>
        %select_n3A_199 = arith.select %eq3A_196, %add3A_194, %broadcast_in_dim3A_198 : vector<16xi1>, vector<16xi32>
        %min3A_200 = arith.minsi %min3A_189, %select_n3A_199 : vector<16xi32>
        %add3A_201 = vector.broadcast %mul3A_12 : i32 to vector<16xi32>
        %add3A_202 = arith.addi %iota3A_75, %add3A_201 : vector<16xi32>
        %add3A_203 = arith.constant 80 : i32
        %add3A_204 = vector.broadcast %add3A_203 : i32 to vector<16xi32>
        %add3A_205 = arith.addi %add3A_202, %add3A_204 : vector<16xi32>
        %eq3A_206 = vector.broadcast %reduce_max3A_147 : f32 to vector<16xf32>
        %eq3A_207 = arith.cmpf oeq, %get3A_110, %eq3A_206 : vector<16xf32>
        %jit3A_208 = arith.constant 2147483647 : i32
        %broadcast_in_dim3A_209 = vector.broadcast %jit3A_208 : i32 to vector<16xi32>
        %select_n3A_210 = arith.select %eq3A_207, %add3A_205, %broadcast_in_dim3A_209 : vector<16xi1>, vector<16xi32>
        %min3A_211 = arith.minsi %min3A_200, %select_n3A_210 : vector<16xi32>
        %add3A_212 = vector.broadcast %mul3A_12 : i32 to vector<16xi32>
        %add3A_213 = arith.addi %iota3A_75, %add3A_212 : vector<16xi32>
        %add3A_214 = arith.constant 96 : i32
        %add3A_215 = vector.broadcast %add3A_214 : i32 to vector<16xi32>
        %add3A_216 = arith.addi %add3A_213, %add3A_215 : vector<16xi32>
        %eq3A_217 = vector.broadcast %reduce_max3A_147 : f32 to vector<16xf32>
        %eq3A_218 = arith.cmpf oeq, %get3A_112, %eq3A_217 : vector<16xf32>
        %jit3A_219 = arith.constant 2147483647 : i32
        %broadcast_in_dim3A_220 = vector.broadcast %jit3A_219 : i32 to vector<16xi32>
        %select_n3A_221 = arith.select %eq3A_218, %add3A_216, %broadcast_in_dim3A_220 : vector<16xi1>, vector<16xi32>
        %min3A_222 = arith.minsi %min3A_211, %select_n3A_221 : vector<16xi32>
        %add3A_223 = vector.broadcast %mul3A_12 : i32 to vector<16xi32>
        %add3A_224 = arith.addi %iota3A_75, %add3A_223 : vector<16xi32>
        %add3A_225 = arith.constant 112 : i32
        %add3A_226 = vector.broadcast %add3A_225 : i32 to vector<16xi32>
        %add3A_227 = arith.addi %add3A_224, %add3A_226 : vector<16xi32>
        %eq3A_228 = vector.broadcast %reduce_max3A_147 : f32 to vector<16xf32>
        %eq3A_229 = arith.cmpf oeq, %get3A_114, %eq3A_228 : vector<16xf32>
        %jit3A_230 = arith.constant 2147483647 : i32
        %broadcast_in_dim3A_231 = vector.broadcast %jit3A_230 : i32 to vector<16xi32>
        %select_n3A_232 = arith.select %eq3A_229, %add3A_227, %broadcast_in_dim3A_231 : vector<16xi1>, vector<16xi32>
        %min3A_233 = arith.minsi %min3A_222, %select_n3A_232 : vector<16xi32>
        %add3A_234 = vector.broadcast %mul3A_12 : i32 to vector<16xi32>
        %add3A_235 = arith.addi %iota3A_75, %add3A_234 : vector<16xi32>
        %add3A_236 = arith.constant 128 : i32
        %add3A_237 = vector.broadcast %add3A_236 : i32 to vector<16xi32>
        %add3A_238 = arith.addi %add3A_235, %add3A_237 : vector<16xi32>
        %eq3A_239 = vector.broadcast %reduce_max3A_147 : f32 to vector<16xf32>
        %eq3A_240 = arith.cmpf oeq, %get3A_116, %eq3A_239 : vector<16xf32>
        %jit3A_241 = arith.constant 2147483647 : i32
        %broadcast_in_dim3A_242 = vector.broadcast %jit3A_241 : i32 to vector<16xi32>
        %select_n3A_243 = arith.select %eq3A_240, %add3A_238, %broadcast_in_dim3A_242 : vector<16xi1>, vector<16xi32>
        %min3A_244 = arith.minsi %min3A_233, %select_n3A_243 : vector<16xi32>
        %add3A_245 = vector.broadcast %mul3A_12 : i32 to vector<16xi32>
        %add3A_246 = arith.addi %iota3A_75, %add3A_245 : vector<16xi32>
        %add3A_247 = arith.constant 144 : i32
        %add3A_248 = vector.broadcast %add3A_247 : i32 to vector<16xi32>
        %add3A_249 = arith.addi %add3A_246, %add3A_248 : vector<16xi32>
        %eq3A_250 = vector.broadcast %reduce_max3A_147 : f32 to vector<16xf32>
        %eq3A_251 = arith.cmpf oeq, %get3A_118, %eq3A_250 : vector<16xf32>
        %jit3A_252 = arith.constant 2147483647 : i32
        %broadcast_in_dim3A_253 = vector.broadcast %jit3A_252 : i32 to vector<16xi32>
        %select_n3A_254 = arith.select %eq3A_251, %add3A_249, %broadcast_in_dim3A_253 : vector<16xi1>, vector<16xi32>
        %min3A_255 = arith.minsi %min3A_244, %select_n3A_254 : vector<16xi32>
        %add3A_256 = vector.broadcast %mul3A_12 : i32 to vector<16xi32>
        %add3A_257 = arith.addi %iota3A_75, %add3A_256 : vector<16xi32>
        %add3A_258 = arith.constant 160 : i32
        %add3A_259 = vector.broadcast %add3A_258 : i32 to vector<16xi32>
        %add3A_260 = arith.addi %add3A_257, %add3A_259 : vector<16xi32>
        %eq3A_261 = vector.broadcast %reduce_max3A_147 : f32 to vector<16xf32>
        %eq3A_262 = arith.cmpf oeq, %get3A_120, %eq3A_261 : vector<16xf32>
        %jit3A_263 = arith.constant 2147483647 : i32
        %broadcast_in_dim3A_264 = vector.broadcast %jit3A_263 : i32 to vector<16xi32>
        %select_n3A_265 = arith.select %eq3A_262, %add3A_260, %broadcast_in_dim3A_264 : vector<16xi1>, vector<16xi32>
        %min3A_266 = arith.minsi %min3A_255, %select_n3A_265 : vector<16xi32>
        %add3A_267 = vector.broadcast %mul3A_12 : i32 to vector<16xi32>
        %add3A_268 = arith.addi %iota3A_75, %add3A_267 : vector<16xi32>
        %add3A_269 = arith.constant 176 : i32
        %add3A_270 = vector.broadcast %add3A_269 : i32 to vector<16xi32>
        %add3A_271 = arith.addi %add3A_268, %add3A_270 : vector<16xi32>
        %eq3A_272 = vector.broadcast %reduce_max3A_147 : f32 to vector<16xf32>
        %eq3A_273 = arith.cmpf oeq, %get3A_122, %eq3A_272 : vector<16xf32>
        %jit3A_274 = arith.constant 2147483647 : i32
        %broadcast_in_dim3A_275 = vector.broadcast %jit3A_274 : i32 to vector<16xi32>
        %select_n3A_276 = arith.select %eq3A_273, %add3A_271, %broadcast_in_dim3A_275 : vector<16xi1>, vector<16xi32>
        %min3A_277 = arith.minsi %min3A_266, %select_n3A_276 : vector<16xi32>
        %add3A_278 = vector.broadcast %mul3A_12 : i32 to vector<16xi32>
        %add3A_279 = arith.addi %iota3A_75, %add3A_278 : vector<16xi32>
        %add3A_280 = arith.constant 192 : i32
        %add3A_281 = vector.broadcast %add3A_280 : i32 to vector<16xi32>
        %add3A_282 = arith.addi %add3A_279, %add3A_281 : vector<16xi32>
        %eq3A_283 = vector.broadcast %reduce_max3A_147 : f32 to vector<16xf32>
        %eq3A_284 = arith.cmpf oeq, %get3A_124, %eq3A_283 : vector<16xf32>
        %jit3A_285 = arith.constant 2147483647 : i32
        %broadcast_in_dim3A_286 = vector.broadcast %jit3A_285 : i32 to vector<16xi32>
        %select_n3A_287 = arith.select %eq3A_284, %add3A_282, %broadcast_in_dim3A_286 : vector<16xi1>, vector<16xi32>
        %min3A_288 = arith.minsi %min3A_277, %select_n3A_287 : vector<16xi32>
        %add3A_289 = vector.broadcast %mul3A_12 : i32 to vector<16xi32>
        %add3A_290 = arith.addi %iota3A_75, %add3A_289 : vector<16xi32>
        %add3A_291 = arith.constant 208 : i32
        %add3A_292 = vector.broadcast %add3A_291 : i32 to vector<16xi32>
        %add3A_293 = arith.addi %add3A_290, %add3A_292 : vector<16xi32>
        %eq3A_294 = vector.broadcast %reduce_max3A_147 : f32 to vector<16xf32>
        %eq3A_295 = arith.cmpf oeq, %get3A_126, %eq3A_294 : vector<16xf32>
        %jit3A_296 = arith.constant 2147483647 : i32
        %broadcast_in_dim3A_297 = vector.broadcast %jit3A_296 : i32 to vector<16xi32>
        %select_n3A_298 = arith.select %eq3A_295, %add3A_293, %broadcast_in_dim3A_297 : vector<16xi1>, vector<16xi32>
        %min3A_299 = arith.minsi %min3A_288, %select_n3A_298 : vector<16xi32>
        %add3A_300 = vector.broadcast %mul3A_12 : i32 to vector<16xi32>
        %add3A_301 = arith.addi %iota3A_75, %add3A_300 : vector<16xi32>
        %add3A_302 = arith.constant 224 : i32
        %add3A_303 = vector.broadcast %add3A_302 : i32 to vector<16xi32>
        %add3A_304 = arith.addi %add3A_301, %add3A_303 : vector<16xi32>
        %eq3A_305 = vector.broadcast %reduce_max3A_147 : f32 to vector<16xf32>
        %eq3A_306 = arith.cmpf oeq, %get3A_128, %eq3A_305 : vector<16xf32>
        %jit3A_307 = arith.constant 2147483647 : i32
        %broadcast_in_dim3A_308 = vector.broadcast %jit3A_307 : i32 to vector<16xi32>
        %select_n3A_309 = arith.select %eq3A_306, %add3A_304, %broadcast_in_dim3A_308 : vector<16xi1>, vector<16xi32>
        %min3A_310 = arith.minsi %min3A_299, %select_n3A_309 : vector<16xi32>
        %add3A_311 = vector.broadcast %mul3A_12 : i32 to vector<16xi32>
        %add3A_312 = arith.addi %iota3A_75, %add3A_311 : vector<16xi32>
        %add3A_313 = arith.constant 240 : i32
        %add3A_314 = vector.broadcast %add3A_313 : i32 to vector<16xi32>
        %add3A_315 = arith.addi %add3A_312, %add3A_314 : vector<16xi32>
        %eq3A_316 = vector.broadcast %reduce_max3A_147 : f32 to vector<16xf32>
        %eq3A_317 = arith.cmpf oeq, %get3A_130, %eq3A_316 : vector<16xf32>
        %jit3A_318 = arith.constant 2147483647 : i32
        %broadcast_in_dim3A_319 = vector.broadcast %jit3A_318 : i32 to vector<16xi32>
        %select_n3A_320 = arith.select %eq3A_317, %add3A_315, %broadcast_in_dim3A_319 : vector<16xi1>, vector<16xi32>
        %min3A_321 = arith.minsi %min3A_310, %select_n3A_320 : vector<16xi32>
        %reduce_min3A = arith.constant true
        %reduce_min3A_322 = vector.broadcast %reduce_min3A : i1 to vector<16xi1>
        %reduce_min3A_323 = arith.constant -2147483648 : i32
        %reduce_min3A_324 = vector.broadcast %reduce_min3A_323 : i32 to vector<16xi32>
        %reduce_min3A_325 = arith.xori %min3A_321, %reduce_min3A_324 : vector<16xi32>
        %reduce_min3A_326 = tpu.scan <min>, %reduce_min3A_325 masked %reduce_min3A_322 : vector<16xi32>, vector<16xi1> -> vector<16xi32>
        %reduce_min3A_327 = arith.xori %reduce_min3A_326, %reduce_min3A_324 : vector<16xi32>
        %reduce_min3A_328 = vector.extract %reduce_min3A_327[15] : i32 from vector<16xi32>
        %add3A_329 = arith.constant 0 : i32
        %add3A_330 = arith.addi %scan3A_96, %add3A_329 : i32
        %eq3A_331 = vector.broadcast %add3A_330 : i32 to vector<16xi32>
        %eq3A_332 = arith.cmpi eq, %iota3A_75, %eq3A_331 : vector<16xi32>
        %broadcast_in_dim3A_333 = vector.broadcast %reduce_max3A_147 : f32 to vector<16xf32>
        %select_n3A_334 = arith.select %eq3A_332, %broadcast_in_dim3A_333, %scan3A_97 : vector<16xi1>, vector<16xf32>
        %add3A_335 = arith.constant 0 : i32
        %add3A_336 = arith.addi %scan3A_96, %add3A_335 : i32
        %eq3A_337 = vector.broadcast %add3A_336 : i32 to vector<16xi32>
        %eq3A_338 = arith.cmpi eq, %iota3A_75, %eq3A_337 : vector<16xi32>
        %broadcast_in_dim3A_339 = vector.broadcast %reduce_min3A_328 : i32 to vector<16xi32>
        %select_n3A_340 = arith.select %eq3A_338, %broadcast_in_dim3A_339, %scan3A_98 : vector<16xi1>, vector<16xi32>
        %add3A_341 = vector.broadcast %mul3A_12 : i32 to vector<16xi32>
        %add3A_342 = arith.addi %iota3A_75, %add3A_341 : vector<16xi32>
        %add3A_343 = arith.constant 0 : i32
        %add3A_344 = vector.broadcast %add3A_343 : i32 to vector<16xi32>
        %add3A_345 = arith.addi %add3A_342, %add3A_344 : vector<16xi32>
        %eq3A_346 = vector.broadcast %reduce_min3A_328 : i32 to vector<16xi32>
        %eq3A_347 = arith.cmpi eq, %add3A_345, %eq3A_346 : vector<16xi32>
        %jit3A_348 = arith.constant -3.000000e+38 : f32
        %broadcast_in_dim3A_349 = vector.broadcast %jit3A_348 : f32 to vector<16xf32>
        %select_n3A_350 = arith.select %eq3A_347, %broadcast_in_dim3A_349, %get3A_100 : vector<16xi1>, vector<16xf32>
        %swap3A_351 = arith.constant 0 : index
        %swap3A_352 = tpu.vector_load %arg11[%swap3A_351] {strides = array<i32>} : memref<256xf32, #tpu.memory_space<vmem>>, vector<16xf32>,
        tpu.vector_store %arg11[%swap3A_351], %select_n3A_350 {strides = array<i32>} : memref<256xf32, #tpu.memory_space<vmem>>, vector<16xf32>,
        %add3A_353 = vector.broadcast %mul3A_12 : i32 to vector<16xi32>
        %add3A_354 = arith.addi %iota3A_75, %add3A_353 : vector<16xi32>
        %add3A_355 = arith.constant 16 : i32
        %add3A_356 = vector.broadcast %add3A_355 : i32 to vector<16xi32>
        %add3A_357 = arith.addi %add3A_354, %add3A_356 : vector<16xi32>
        %eq3A_358 = vector.broadcast %reduce_min3A_328 : i32 to vector<16xi32>
        %eq3A_359 = arith.cmpi eq, %add3A_357, %eq3A_358 : vector<16xi32>
        %jit3A_360 = arith.constant -3.000000e+38 : f32
        %broadcast_in_dim3A_361 = vector.broadcast %jit3A_360 : f32 to vector<16xf32>
        %select_n3A_362 = arith.select %eq3A_359, %broadcast_in_dim3A_361, %get3A_102 : vector<16xi1>, vector<16xf32>
        %swap3A_363 = arith.constant 16 : index
        %swap3A_364 = tpu.vector_load %arg11[%swap3A_363] {strides = array<i32>} : memref<256xf32, #tpu.memory_space<vmem>>, vector<16xf32>,
        tpu.vector_store %arg11[%swap3A_363], %select_n3A_362 {strides = array<i32>} : memref<256xf32, #tpu.memory_space<vmem>>, vector<16xf32>,
        %add3A_365 = vector.broadcast %mul3A_12 : i32 to vector<16xi32>
        %add3A_366 = arith.addi %iota3A_75, %add3A_365 : vector<16xi32>
        %add3A_367 = arith.constant 32 : i32
        %add3A_368 = vector.broadcast %add3A_367 : i32 to vector<16xi32>
        %add3A_369 = arith.addi %add3A_366, %add3A_368 : vector<16xi32>
        %eq3A_370 = vector.broadcast %reduce_min3A_328 : i32 to vector<16xi32>
        %eq3A_371 = arith.cmpi eq, %add3A_369, %eq3A_370 : vector<16xi32>
        %jit3A_372 = arith.constant -3.000000e+38 : f32
        %broadcast_in_dim3A_373 = vector.broadcast %jit3A_372 : f32 to vector<16xf32>
        %select_n3A_374 = arith.select %eq3A_371, %broadcast_in_dim3A_373, %get3A_104 : vector<16xi1>, vector<16xf32>
        %swap3A_375 = arith.constant 32 : index
        %swap3A_376 = tpu.vector_load %arg11[%swap3A_375] {strides = array<i32>} : memref<256xf32, #tpu.memory_space<vmem>>, vector<16xf32>,
        tpu.vector_store %arg11[%swap3A_375], %select_n3A_374 {strides = array<i32>} : memref<256xf32, #tpu.memory_space<vmem>>, vector<16xf32>,
        %add3A_377 = vector.broadcast %mul3A_12 : i32 to vector<16xi32>
        %add3A_378 = arith.addi %iota3A_75, %add3A_377 : vector<16xi32>
        %add3A_379 = arith.constant 48 : i32
        %add3A_380 = vector.broadcast %add3A_379 : i32 to vector<16xi32>
        %add3A_381 = arith.addi %add3A_378, %add3A_380 : vector<16xi32>
        %eq3A_382 = vector.broadcast %reduce_min3A_328 : i32 to vector<16xi32>
        %eq3A_383 = arith.cmpi eq, %add3A_381, %eq3A_382 : vector<16xi32>
        %jit3A_384 = arith.constant -3.000000e+38 : f32
        %broadcast_in_dim3A_385 = vector.broadcast %jit3A_384 : f32 to vector<16xf32>
        %select_n3A_386 = arith.select %eq3A_383, %broadcast_in_dim3A_385, %get3A_106 : vector<16xi1>, vector<16xf32>
        %swap3A_387 = arith.constant 48 : index
        %swap3A_388 = tpu.vector_load %arg11[%swap3A_387] {strides = array<i32>} : memref<256xf32, #tpu.memory_space<vmem>>, vector<16xf32>,
        tpu.vector_store %arg11[%swap3A_387], %select_n3A_386 {strides = array<i32>} : memref<256xf32, #tpu.memory_space<vmem>>, vector<16xf32>,
        %add3A_389 = vector.broadcast %mul3A_12 : i32 to vector<16xi32>
        %add3A_390 = arith.addi %iota3A_75, %add3A_389 : vector<16xi32>
        %add3A_391 = arith.constant 64 : i32
        %add3A_392 = vector.broadcast %add3A_391 : i32 to vector<16xi32>
        %add3A_393 = arith.addi %add3A_390, %add3A_392 : vector<16xi32>
        %eq3A_394 = vector.broadcast %reduce_min3A_328 : i32 to vector<16xi32>
        %eq3A_395 = arith.cmpi eq, %add3A_393, %eq3A_394 : vector<16xi32>
        %jit3A_396 = arith.constant -3.000000e+38 : f32
        %broadcast_in_dim3A_397 = vector.broadcast %jit3A_396 : f32 to vector<16xf32>
        %select_n3A_398 = arith.select %eq3A_395, %broadcast_in_dim3A_397, %get3A_108 : vector<16xi1>, vector<16xf32>
        %swap3A_399 = arith.constant 64 : index
        %swap3A_400 = tpu.vector_load %arg11[%swap3A_399] {strides = array<i32>} : memref<256xf32, #tpu.memory_space<vmem>>, vector<16xf32>,
        tpu.vector_store %arg11[%swap3A_399], %select_n3A_398 {strides = array<i32>} : memref<256xf32, #tpu.memory_space<vmem>>, vector<16xf32>,
        %add3A_401 = vector.broadcast %mul3A_12 : i32 to vector<16xi32>
        %add3A_402 = arith.addi %iota3A_75, %add3A_401 : vector<16xi32>
        %add3A_403 = arith.constant 80 : i32
        %add3A_404 = vector.broadcast %add3A_403 : i32 to vector<16xi32>
        %add3A_405 = arith.addi %add3A_402, %add3A_404 : vector<16xi32>
        %eq3A_406 = vector.broadcast %reduce_min3A_328 : i32 to vector<16xi32>
        %eq3A_407 = arith.cmpi eq, %add3A_405, %eq3A_406 : vector<16xi32>
        %jit3A_408 = arith.constant -3.000000e+38 : f32
        %broadcast_in_dim3A_409 = vector.broadcast %jit3A_408 : f32 to vector<16xf32>
        %select_n3A_410 = arith.select %eq3A_407, %broadcast_in_dim3A_409, %get3A_110 : vector<16xi1>, vector<16xf32>
        %swap3A_411 = arith.constant 80 : index
        %swap3A_412 = tpu.vector_load %arg11[%swap3A_411] {strides = array<i32>} : memref<256xf32, #tpu.memory_space<vmem>>, vector<16xf32>,
        tpu.vector_store %arg11[%swap3A_411], %select_n3A_410 {strides = array<i32>} : memref<256xf32, #tpu.memory_space<vmem>>, vector<16xf32>,
        %add3A_413 = vector.broadcast %mul3A_12 : i32 to vector<16xi32>
        %add3A_414 = arith.addi %iota3A_75, %add3A_413 : vector<16xi32>
        %add3A_415 = arith.constant 96 : i32
        %add3A_416 = vector.broadcast %add3A_415 : i32 to vector<16xi32>
        %add3A_417 = arith.addi %add3A_414, %add3A_416 : vector<16xi32>
        %eq3A_418 = vector.broadcast %reduce_min3A_328 : i32 to vector<16xi32>
        %eq3A_419 = arith.cmpi eq, %add3A_417, %eq3A_418 : vector<16xi32>
        %jit3A_420 = arith.constant -3.000000e+38 : f32
        %broadcast_in_dim3A_421 = vector.broadcast %jit3A_420 : f32 to vector<16xf32>
        %select_n3A_422 = arith.select %eq3A_419, %broadcast_in_dim3A_421, %get3A_112 : vector<16xi1>, vector<16xf32>
        %swap3A_423 = arith.constant 96 : index
        %swap3A_424 = tpu.vector_load %arg11[%swap3A_423] {strides = array<i32>} : memref<256xf32, #tpu.memory_space<vmem>>, vector<16xf32>,
        tpu.vector_store %arg11[%swap3A_423], %select_n3A_422 {strides = array<i32>} : memref<256xf32, #tpu.memory_space<vmem>>, vector<16xf32>,
        %add3A_425 = vector.broadcast %mul3A_12 : i32 to vector<16xi32>
        %add3A_426 = arith.addi %iota3A_75, %add3A_425 : vector<16xi32>
        %add3A_427 = arith.constant 112 : i32
        %add3A_428 = vector.broadcast %add3A_427 : i32 to vector<16xi32>
        %add3A_429 = arith.addi %add3A_426, %add3A_428 : vector<16xi32>
        %eq3A_430 = vector.broadcast %reduce_min3A_328 : i32 to vector<16xi32>
        %eq3A_431 = arith.cmpi eq, %add3A_429, %eq3A_430 : vector<16xi32>
        %jit3A_432 = arith.constant -3.000000e+38 : f32
        %broadcast_in_dim3A_433 = vector.broadcast %jit3A_432 : f32 to vector<16xf32>
        %select_n3A_434 = arith.select %eq3A_431, %broadcast_in_dim3A_433, %get3A_114 : vector<16xi1>, vector<16xf32>
        %swap3A_435 = arith.constant 112 : index
        %swap3A_436 = tpu.vector_load %arg11[%swap3A_435] {strides = array<i32>} : memref<256xf32, #tpu.memory_space<vmem>>, vector<16xf32>,
        tpu.vector_store %arg11[%swap3A_435], %select_n3A_434 {strides = array<i32>} : memref<256xf32, #tpu.memory_space<vmem>>, vector<16xf32>,
        %add3A_437 = vector.broadcast %mul3A_12 : i32 to vector<16xi32>
        %add3A_438 = arith.addi %iota3A_75, %add3A_437 : vector<16xi32>
        %add3A_439 = arith.constant 128 : i32
        %add3A_440 = vector.broadcast %add3A_439 : i32 to vector<16xi32>
        %add3A_441 = arith.addi %add3A_438, %add3A_440 : vector<16xi32>
        %eq3A_442 = vector.broadcast %reduce_min3A_328 : i32 to vector<16xi32>
        %eq3A_443 = arith.cmpi eq, %add3A_441, %eq3A_442 : vector<16xi32>
        %jit3A_444 = arith.constant -3.000000e+38 : f32
        %broadcast_in_dim3A_445 = vector.broadcast %jit3A_444 : f32 to vector<16xf32>
        %select_n3A_446 = arith.select %eq3A_443, %broadcast_in_dim3A_445, %get3A_116 : vector<16xi1>, vector<16xf32>
        %swap3A_447 = arith.constant 128 : index
        %swap3A_448 = tpu.vector_load %arg11[%swap3A_447] {strides = array<i32>} : memref<256xf32, #tpu.memory_space<vmem>>, vector<16xf32>,
        tpu.vector_store %arg11[%swap3A_447], %select_n3A_446 {strides = array<i32>} : memref<256xf32, #tpu.memory_space<vmem>>, vector<16xf32>,
        %add3A_449 = vector.broadcast %mul3A_12 : i32 to vector<16xi32>
        %add3A_450 = arith.addi %iota3A_75, %add3A_449 : vector<16xi32>
        %add3A_451 = arith.constant 144 : i32
        %add3A_452 = vector.broadcast %add3A_451 : i32 to vector<16xi32>
        %add3A_453 = arith.addi %add3A_450, %add3A_452 : vector<16xi32>
        %eq3A_454 = vector.broadcast %reduce_min3A_328 : i32 to vector<16xi32>
        %eq3A_455 = arith.cmpi eq, %add3A_453, %eq3A_454 : vector<16xi32>
        %jit3A_456 = arith.constant -3.000000e+38 : f32
        %broadcast_in_dim3A_457 = vector.broadcast %jit3A_456 : f32 to vector<16xf32>
        %select_n3A_458 = arith.select %eq3A_455, %broadcast_in_dim3A_457, %get3A_118 : vector<16xi1>, vector<16xf32>
        %swap3A_459 = arith.constant 144 : index
        %swap3A_460 = tpu.vector_load %arg11[%swap3A_459] {strides = array<i32>} : memref<256xf32, #tpu.memory_space<vmem>>, vector<16xf32>,
        tpu.vector_store %arg11[%swap3A_459], %select_n3A_458 {strides = array<i32>} : memref<256xf32, #tpu.memory_space<vmem>>, vector<16xf32>,
        %add3A_461 = vector.broadcast %mul3A_12 : i32 to vector<16xi32>
        %add3A_462 = arith.addi %iota3A_75, %add3A_461 : vector<16xi32>
        %add3A_463 = arith.constant 160 : i32
        %add3A_464 = vector.broadcast %add3A_463 : i32 to vector<16xi32>
        %add3A_465 = arith.addi %add3A_462, %add3A_464 : vector<16xi32>
        %eq3A_466 = vector.broadcast %reduce_min3A_328 : i32 to vector<16xi32>
        %eq3A_467 = arith.cmpi eq, %add3A_465, %eq3A_466 : vector<16xi32>
        %jit3A_468 = arith.constant -3.000000e+38 : f32
        %broadcast_in_dim3A_469 = vector.broadcast %jit3A_468 : f32 to vector<16xf32>
        %select_n3A_470 = arith.select %eq3A_467, %broadcast_in_dim3A_469, %get3A_120 : vector<16xi1>, vector<16xf32>
        %swap3A_471 = arith.constant 160 : index
        %swap3A_472 = tpu.vector_load %arg11[%swap3A_471] {strides = array<i32>} : memref<256xf32, #tpu.memory_space<vmem>>, vector<16xf32>,
        tpu.vector_store %arg11[%swap3A_471], %select_n3A_470 {strides = array<i32>} : memref<256xf32, #tpu.memory_space<vmem>>, vector<16xf32>,
        %add3A_473 = vector.broadcast %mul3A_12 : i32 to vector<16xi32>
        %add3A_474 = arith.addi %iota3A_75, %add3A_473 : vector<16xi32>
        %add3A_475 = arith.constant 176 : i32
        %add3A_476 = vector.broadcast %add3A_475 : i32 to vector<16xi32>
        %add3A_477 = arith.addi %add3A_474, %add3A_476 : vector<16xi32>
        %eq3A_478 = vector.broadcast %reduce_min3A_328 : i32 to vector<16xi32>
        %eq3A_479 = arith.cmpi eq, %add3A_477, %eq3A_478 : vector<16xi32>
        %jit3A_480 = arith.constant -3.000000e+38 : f32
        %broadcast_in_dim3A_481 = vector.broadcast %jit3A_480 : f32 to vector<16xf32>
        %select_n3A_482 = arith.select %eq3A_479, %broadcast_in_dim3A_481, %get3A_122 : vector<16xi1>, vector<16xf32>
        %swap3A_483 = arith.constant 176 : index
        %swap3A_484 = tpu.vector_load %arg11[%swap3A_483] {strides = array<i32>} : memref<256xf32, #tpu.memory_space<vmem>>, vector<16xf32>,
        tpu.vector_store %arg11[%swap3A_483], %select_n3A_482 {strides = array<i32>} : memref<256xf32, #tpu.memory_space<vmem>>, vector<16xf32>,
        %add3A_485 = vector.broadcast %mul3A_12 : i32 to vector<16xi32>
        %add3A_486 = arith.addi %iota3A_75, %add3A_485 : vector<16xi32>
        %add3A_487 = arith.constant 192 : i32
        %add3A_488 = vector.broadcast %add3A_487 : i32 to vector<16xi32>
        %add3A_489 = arith.addi %add3A_486, %add3A_488 : vector<16xi32>
        %eq3A_490 = vector.broadcast %reduce_min3A_328 : i32 to vector<16xi32>
        %eq3A_491 = arith.cmpi eq, %add3A_489, %eq3A_490 : vector<16xi32>
        %jit3A_492 = arith.constant -3.000000e+38 : f32
        %broadcast_in_dim3A_493 = vector.broadcast %jit3A_492 : f32 to vector<16xf32>
        %select_n3A_494 = arith.select %eq3A_491, %broadcast_in_dim3A_493, %get3A_124 : vector<16xi1>, vector<16xf32>
        %swap3A_495 = arith.constant 192 : index
        %swap3A_496 = tpu.vector_load %arg11[%swap3A_495] {strides = array<i32>} : memref<256xf32, #tpu.memory_space<vmem>>, vector<16xf32>,
        tpu.vector_store %arg11[%swap3A_495], %select_n3A_494 {strides = array<i32>} : memref<256xf32, #tpu.memory_space<vmem>>, vector<16xf32>,
        %add3A_497 = vector.broadcast %mul3A_12 : i32 to vector<16xi32>
        %add3A_498 = arith.addi %iota3A_75, %add3A_497 : vector<16xi32>
        %add3A_499 = arith.constant 208 : i32
        %add3A_500 = vector.broadcast %add3A_499 : i32 to vector<16xi32>
        %add3A_501 = arith.addi %add3A_498, %add3A_500 : vector<16xi32>
        %eq3A_502 = vector.broadcast %reduce_min3A_328 : i32 to vector<16xi32>
        %eq3A_503 = arith.cmpi eq, %add3A_501, %eq3A_502 : vector<16xi32>
        %jit3A_504 = arith.constant -3.000000e+38 : f32
        %broadcast_in_dim3A_505 = vector.broadcast %jit3A_504 : f32 to vector<16xf32>
        %select_n3A_506 = arith.select %eq3A_503, %broadcast_in_dim3A_505, %get3A_126 : vector<16xi1>, vector<16xf32>
        %swap3A_507 = arith.constant 208 : index
        %swap3A_508 = tpu.vector_load %arg11[%swap3A_507] {strides = array<i32>} : memref<256xf32, #tpu.memory_space<vmem>>, vector<16xf32>,
        tpu.vector_store %arg11[%swap3A_507], %select_n3A_506 {strides = array<i32>} : memref<256xf32, #tpu.memory_space<vmem>>, vector<16xf32>,
        %add3A_509 = vector.broadcast %mul3A_12 : i32 to vector<16xi32>
        %add3A_510 = arith.addi %iota3A_75, %add3A_509 : vector<16xi32>
        %add3A_511 = arith.constant 224 : i32
        %add3A_512 = vector.broadcast %add3A_511 : i32 to vector<16xi32>
        %add3A_513 = arith.addi %add3A_510, %add3A_512 : vector<16xi32>
        %eq3A_514 = vector.broadcast %reduce_min3A_328 : i32 to vector<16xi32>
        %eq3A_515 = arith.cmpi eq, %add3A_513, %eq3A_514 : vector<16xi32>
        %jit3A_516 = arith.constant -3.000000e+38 : f32
        %broadcast_in_dim3A_517 = vector.broadcast %jit3A_516 : f32 to vector<16xf32>
        %select_n3A_518 = arith.select %eq3A_515, %broadcast_in_dim3A_517, %get3A_128 : vector<16xi1>, vector<16xf32>
        %swap3A_519 = arith.constant 224 : index
        %swap3A_520 = tpu.vector_load %arg11[%swap3A_519] {strides = array<i32>} : memref<256xf32, #tpu.memory_space<vmem>>, vector<16xf32>,
        tpu.vector_store %arg11[%swap3A_519], %select_n3A_518 {strides = array<i32>} : memref<256xf32, #tpu.memory_space<vmem>>, vector<16xf32>,
        %add3A_521 = vector.broadcast %mul3A_12 : i32 to vector<16xi32>
        %add3A_522 = arith.addi %iota3A_75, %add3A_521 : vector<16xi32>
        %add3A_523 = arith.constant 240 : i32
        %add3A_524 = vector.broadcast %add3A_523 : i32 to vector<16xi32>
        %add3A_525 = arith.addi %add3A_522, %add3A_524 : vector<16xi32>
        %eq3A_526 = vector.broadcast %reduce_min3A_328 : i32 to vector<16xi32>
        %eq3A_527 = arith.cmpi eq, %add3A_525, %eq3A_526 : vector<16xi32>
        %jit3A_528 = arith.constant -3.000000e+38 : f32
        %broadcast_in_dim3A_529 = vector.broadcast %jit3A_528 : f32 to vector<16xf32>
        %select_n3A_530 = arith.select %eq3A_527, %broadcast_in_dim3A_529, %get3A_130 : vector<16xi1>, vector<16xf32>
        %swap3A_531 = arith.constant 240 : index
        %swap3A_532 = tpu.vector_load %arg11[%swap3A_531] {strides = array<i32>} : memref<256xf32, #tpu.memory_space<vmem>>, vector<16xf32>,
        tpu.vector_store %arg11[%swap3A_531], %select_n3A_530 {strides = array<i32>} : memref<256xf32, #tpu.memory_space<vmem>>, vector<16xf32>,
        scf.yield %select_n3A_334, %select_n3A_340 : vector<16xf32>, vector<16xi32>
      }
      %scan3A_80 = arith.constant 8 : i32
      %iota3A_81 = tpu.iota {dimensions = array<i32: 0>} : vector<16xi32>
      %scan3A_82 = arith.constant 0 : i32
      %scan3A_83 = arith.constant 8 : i32
      %scan3A_84 = arith.addi %scan3A_82, %scan3A_83 : i32
      %scan3A_85 = arith.constant 1 : i32
      %scan3A_86:2 = scf.for %scan3A_96 = %scan3A_82 to %scan3A_84 step %scan3A_85 iter_args(%scan3A_97 = %scan3A_79#0, %scan3A_98 = %scan3A_79#1) -> (vector<16xf32>, vector<16xi32>)  : i32 {
        %get3A_99 = arith.constant 0 : index
        %get3A_100 = tpu.vector_load %arg12[%get3A_99] {strides = array<i32>} : memref<256xf32, #tpu.memory_space<vmem>>, vector<16xf32>,
        %get3A_101 = arith.constant 16 : index
        %get3A_102 = tpu.vector_load %arg12[%get3A_101] {strides = array<i32>} : memref<256xf32, #tpu.memory_space<vmem>>, vector<16xf32>,
        %get3A_103 = arith.constant 32 : index
        %get3A_104 = tpu.vector_load %arg12[%get3A_103] {strides = array<i32>} : memref<256xf32, #tpu.memory_space<vmem>>, vector<16xf32>,
        %get3A_105 = arith.constant 48 : index
        %get3A_106 = tpu.vector_load %arg12[%get3A_105] {strides = array<i32>} : memref<256xf32, #tpu.memory_space<vmem>>, vector<16xf32>,
        %get3A_107 = arith.constant 64 : index
        %get3A_108 = tpu.vector_load %arg12[%get3A_107] {strides = array<i32>} : memref<256xf32, #tpu.memory_space<vmem>>, vector<16xf32>,
        %get3A_109 = arith.constant 80 : index
        %get3A_110 = tpu.vector_load %arg12[%get3A_109] {strides = array<i32>} : memref<256xf32, #tpu.memory_space<vmem>>, vector<16xf32>,
        %get3A_111 = arith.constant 96 : index
        %get3A_112 = tpu.vector_load %arg12[%get3A_111] {strides = array<i32>} : memref<256xf32, #tpu.memory_space<vmem>>, vector<16xf32>,
        %get3A_113 = arith.constant 112 : index
        %get3A_114 = tpu.vector_load %arg12[%get3A_113] {strides = array<i32>} : memref<256xf32, #tpu.memory_space<vmem>>, vector<16xf32>,
        %get3A_115 = arith.constant 128 : index
        %get3A_116 = tpu.vector_load %arg12[%get3A_115] {strides = array<i32>} : memref<256xf32, #tpu.memory_space<vmem>>, vector<16xf32>,
        %get3A_117 = arith.constant 144 : index
        %get3A_118 = tpu.vector_load %arg12[%get3A_117] {strides = array<i32>} : memref<256xf32, #tpu.memory_space<vmem>>, vector<16xf32>,
        %get3A_119 = arith.constant 160 : index
        %get3A_120 = tpu.vector_load %arg12[%get3A_119] {strides = array<i32>} : memref<256xf32, #tpu.memory_space<vmem>>, vector<16xf32>,
        %get3A_121 = arith.constant 176 : index
        %get3A_122 = tpu.vector_load %arg12[%get3A_121] {strides = array<i32>} : memref<256xf32, #tpu.memory_space<vmem>>, vector<16xf32>,
        %get3A_123 = arith.constant 192 : index
        %get3A_124 = tpu.vector_load %arg12[%get3A_123] {strides = array<i32>} : memref<256xf32, #tpu.memory_space<vmem>>, vector<16xf32>,
        %get3A_125 = arith.constant 208 : index
        %get3A_126 = tpu.vector_load %arg12[%get3A_125] {strides = array<i32>} : memref<256xf32, #tpu.memory_space<vmem>>, vector<16xf32>,
        %get3A_127 = arith.constant 224 : index
        %get3A_128 = tpu.vector_load %arg12[%get3A_127] {strides = array<i32>} : memref<256xf32, #tpu.memory_space<vmem>>, vector<16xf32>,
        %get3A_129 = arith.constant 240 : index
        %get3A_130 = tpu.vector_load %arg12[%get3A_129] {strides = array<i32>} : memref<256xf32, #tpu.memory_space<vmem>>, vector<16xf32>,
        %min3A = arith.minimumf %get3A_100, %get3A_102 : vector<16xf32>
        %min3A_131 = arith.minimumf %min3A, %get3A_104 : vector<16xf32>
        %min3A_132 = arith.minimumf %min3A_131, %get3A_106 : vector<16xf32>
        %min3A_133 = arith.minimumf %min3A_132, %get3A_108 : vector<16xf32>
        %min3A_134 = arith.minimumf %min3A_133, %get3A_110 : vector<16xf32>
        %min3A_135 = arith.minimumf %min3A_134, %get3A_112 : vector<16xf32>
        %min3A_136 = arith.minimumf %min3A_135, %get3A_114 : vector<16xf32>
        %min3A_137 = arith.minimumf %min3A_136, %get3A_116 : vector<16xf32>
        %min3A_138 = arith.minimumf %min3A_137, %get3A_118 : vector<16xf32>
        %min3A_139 = arith.minimumf %min3A_138, %get3A_120 : vector<16xf32>
        %min3A_140 = arith.minimumf %min3A_139, %get3A_122 : vector<16xf32>
        %min3A_141 = arith.minimumf %min3A_140, %get3A_124 : vector<16xf32>
        %min3A_142 = arith.minimumf %min3A_141, %get3A_126 : vector<16xf32>
        %min3A_143 = arith.minimumf %min3A_142, %get3A_128 : vector<16xf32>
        %min3A_144 = arith.minimumf %min3A_143, %get3A_130 : vector<16xf32>
        %reduce_min3A = arith.constant true
        %reduce_min3A_145 = vector.broadcast %reduce_min3A : i1 to vector<16xi1>
        %reduce_min3A_146 = tpu.scan <min>, %min3A_144 masked %reduce_min3A_145 : vector<16xf32>, vector<16xi1> -> vector<16xf32>
        %reduce_min3A_147 = vector.extract %reduce_min3A_146[15] : f32 from vector<16xf32>
        %broadcast_in_dim3A_148 = arith.constant 2147483647 : i32
        %broadcast_in_dim3A_149 = vector.broadcast %broadcast_in_dim3A_148 : i32 to vector<16xi32>
        %add3A = vector.broadcast %mul3A_12 : i32 to vector<16xi32>
        %add3A_150 = arith.addi %iota3A_81, %add3A : vector<16xi32>
        %add3A_151 = arith.constant 0 : i32
        %add3A_152 = vector.broadcast %add3A_151 : i32 to vector<16xi32>
        %add3A_153 = arith.addi %add3A_150, %add3A_152 : vector<16xi32>
        %eq3A_154 = vector.broadcast %reduce_min3A_147 : f32 to vector<16xf32>
        %eq3A_155 = arith.cmpf oeq, %get3A_100, %eq3A_154 : vector<16xf32>
        %jit3A = arith.constant 2147483647 : i32
        %broadcast_in_dim3A_156 = vector.broadcast %jit3A : i32 to vector<16xi32>
        %select_n3A = arith.select %eq3A_155, %add3A_153, %broadcast_in_dim3A_156 : vector<16xi1>, vector<16xi32>
        %min3A_157 = arith.minsi %broadcast_in_dim3A_149, %select_n3A : vector<16xi32>
        %add3A_158 = vector.broadcast %mul3A_12 : i32 to vector<16xi32>
        %add3A_159 = arith.addi %iota3A_81, %add3A_158 : vector<16xi32>
        %add3A_160 = arith.constant 16 : i32
        %add3A_161 = vector.broadcast %add3A_160 : i32 to vector<16xi32>
        %add3A_162 = arith.addi %add3A_159, %add3A_161 : vector<16xi32>
        %eq3A_163 = vector.broadcast %reduce_min3A_147 : f32 to vector<16xf32>
        %eq3A_164 = arith.cmpf oeq, %get3A_102, %eq3A_163 : vector<16xf32>
        %jit3A_165 = arith.constant 2147483647 : i32
        %broadcast_in_dim3A_166 = vector.broadcast %jit3A_165 : i32 to vector<16xi32>
        %select_n3A_167 = arith.select %eq3A_164, %add3A_162, %broadcast_in_dim3A_166 : vector<16xi1>, vector<16xi32>
        %min3A_168 = arith.minsi %min3A_157, %select_n3A_167 : vector<16xi32>
        %add3A_169 = vector.broadcast %mul3A_12 : i32 to vector<16xi32>
        %add3A_170 = arith.addi %iota3A_81, %add3A_169 : vector<16xi32>
        %add3A_171 = arith.constant 32 : i32
        %add3A_172 = vector.broadcast %add3A_171 : i32 to vector<16xi32>
        %add3A_173 = arith.addi %add3A_170, %add3A_172 : vector<16xi32>
        %eq3A_174 = vector.broadcast %reduce_min3A_147 : f32 to vector<16xf32>
        %eq3A_175 = arith.cmpf oeq, %get3A_104, %eq3A_174 : vector<16xf32>
        %jit3A_176 = arith.constant 2147483647 : i32
        %broadcast_in_dim3A_177 = vector.broadcast %jit3A_176 : i32 to vector<16xi32>
        %select_n3A_178 = arith.select %eq3A_175, %add3A_173, %broadcast_in_dim3A_177 : vector<16xi1>, vector<16xi32>
        %min3A_179 = arith.minsi %min3A_168, %select_n3A_178 : vector<16xi32>
        %add3A_180 = vector.broadcast %mul3A_12 : i32 to vector<16xi32>
        %add3A_181 = arith.addi %iota3A_81, %add3A_180 : vector<16xi32>
        %add3A_182 = arith.constant 48 : i32
        %add3A_183 = vector.broadcast %add3A_182 : i32 to vector<16xi32>
        %add3A_184 = arith.addi %add3A_181, %add3A_183 : vector<16xi32>
        %eq3A_185 = vector.broadcast %reduce_min3A_147 : f32 to vector<16xf32>
        %eq3A_186 = arith.cmpf oeq, %get3A_106, %eq3A_185 : vector<16xf32>
        %jit3A_187 = arith.constant 2147483647 : i32
        %broadcast_in_dim3A_188 = vector.broadcast %jit3A_187 : i32 to vector<16xi32>
        %select_n3A_189 = arith.select %eq3A_186, %add3A_184, %broadcast_in_dim3A_188 : vector<16xi1>, vector<16xi32>
        %min3A_190 = arith.minsi %min3A_179, %select_n3A_189 : vector<16xi32>
        %add3A_191 = vector.broadcast %mul3A_12 : i32 to vector<16xi32>
        %add3A_192 = arith.addi %iota3A_81, %add3A_191 : vector<16xi32>
        %add3A_193 = arith.constant 64 : i32
        %add3A_194 = vector.broadcast %add3A_193 : i32 to vector<16xi32>
        %add3A_195 = arith.addi %add3A_192, %add3A_194 : vector<16xi32>
        %eq3A_196 = vector.broadcast %reduce_min3A_147 : f32 to vector<16xf32>
        %eq3A_197 = arith.cmpf oeq, %get3A_108, %eq3A_196 : vector<16xf32>
        %jit3A_198 = arith.constant 2147483647 : i32
        %broadcast_in_dim3A_199 = vector.broadcast %jit3A_198 : i32 to vector<16xi32>
        %select_n3A_200 = arith.select %eq3A_197, %add3A_195, %broadcast_in_dim3A_199 : vector<16xi1>, vector<16xi32>
        %min3A_201 = arith.minsi %min3A_190, %select_n3A_200 : vector<16xi32>
        %add3A_202 = vector.broadcast %mul3A_12 : i32 to vector<16xi32>
        %add3A_203 = arith.addi %iota3A_81, %add3A_202 : vector<16xi32>
        %add3A_204 = arith.constant 80 : i32
        %add3A_205 = vector.broadcast %add3A_204 : i32 to vector<16xi32>
        %add3A_206 = arith.addi %add3A_203, %add3A_205 : vector<16xi32>
        %eq3A_207 = vector.broadcast %reduce_min3A_147 : f32 to vector<16xf32>
        %eq3A_208 = arith.cmpf oeq, %get3A_110, %eq3A_207 : vector<16xf32>
        %jit3A_209 = arith.constant 2147483647 : i32
        %broadcast_in_dim3A_210 = vector.broadcast %jit3A_209 : i32 to vector<16xi32>
        %select_n3A_211 = arith.select %eq3A_208, %add3A_206, %broadcast_in_dim3A_210 : vector<16xi1>, vector<16xi32>
        %min3A_212 = arith.minsi %min3A_201, %select_n3A_211 : vector<16xi32>
        %add3A_213 = vector.broadcast %mul3A_12 : i32 to vector<16xi32>
        %add3A_214 = arith.addi %iota3A_81, %add3A_213 : vector<16xi32>
        %add3A_215 = arith.constant 96 : i32
        %add3A_216 = vector.broadcast %add3A_215 : i32 to vector<16xi32>
        %add3A_217 = arith.addi %add3A_214, %add3A_216 : vector<16xi32>
        %eq3A_218 = vector.broadcast %reduce_min3A_147 : f32 to vector<16xf32>
        %eq3A_219 = arith.cmpf oeq, %get3A_112, %eq3A_218 : vector<16xf32>
        %jit3A_220 = arith.constant 2147483647 : i32
        %broadcast_in_dim3A_221 = vector.broadcast %jit3A_220 : i32 to vector<16xi32>
        %select_n3A_222 = arith.select %eq3A_219, %add3A_217, %broadcast_in_dim3A_221 : vector<16xi1>, vector<16xi32>
        %min3A_223 = arith.minsi %min3A_212, %select_n3A_222 : vector<16xi32>
        %add3A_224 = vector.broadcast %mul3A_12 : i32 to vector<16xi32>
        %add3A_225 = arith.addi %iota3A_81, %add3A_224 : vector<16xi32>
        %add3A_226 = arith.constant 112 : i32
        %add3A_227 = vector.broadcast %add3A_226 : i32 to vector<16xi32>
        %add3A_228 = arith.addi %add3A_225, %add3A_227 : vector<16xi32>
        %eq3A_229 = vector.broadcast %reduce_min3A_147 : f32 to vector<16xf32>
        %eq3A_230 = arith.cmpf oeq, %get3A_114, %eq3A_229 : vector<16xf32>
        %jit3A_231 = arith.constant 2147483647 : i32
        %broadcast_in_dim3A_232 = vector.broadcast %jit3A_231 : i32 to vector<16xi32>
        %select_n3A_233 = arith.select %eq3A_230, %add3A_228, %broadcast_in_dim3A_232 : vector<16xi1>, vector<16xi32>
        %min3A_234 = arith.minsi %min3A_223, %select_n3A_233 : vector<16xi32>
        %add3A_235 = vector.broadcast %mul3A_12 : i32 to vector<16xi32>
        %add3A_236 = arith.addi %iota3A_81, %add3A_235 : vector<16xi32>
        %add3A_237 = arith.constant 128 : i32
        %add3A_238 = vector.broadcast %add3A_237 : i32 to vector<16xi32>
        %add3A_239 = arith.addi %add3A_236, %add3A_238 : vector<16xi32>
        %eq3A_240 = vector.broadcast %reduce_min3A_147 : f32 to vector<16xf32>
        %eq3A_241 = arith.cmpf oeq, %get3A_116, %eq3A_240 : vector<16xf32>
        %jit3A_242 = arith.constant 2147483647 : i32
        %broadcast_in_dim3A_243 = vector.broadcast %jit3A_242 : i32 to vector<16xi32>
        %select_n3A_244 = arith.select %eq3A_241, %add3A_239, %broadcast_in_dim3A_243 : vector<16xi1>, vector<16xi32>
        %min3A_245 = arith.minsi %min3A_234, %select_n3A_244 : vector<16xi32>
        %add3A_246 = vector.broadcast %mul3A_12 : i32 to vector<16xi32>
        %add3A_247 = arith.addi %iota3A_81, %add3A_246 : vector<16xi32>
        %add3A_248 = arith.constant 144 : i32
        %add3A_249 = vector.broadcast %add3A_248 : i32 to vector<16xi32>
        %add3A_250 = arith.addi %add3A_247, %add3A_249 : vector<16xi32>
        %eq3A_251 = vector.broadcast %reduce_min3A_147 : f32 to vector<16xf32>
        %eq3A_252 = arith.cmpf oeq, %get3A_118, %eq3A_251 : vector<16xf32>
        %jit3A_253 = arith.constant 2147483647 : i32
        %broadcast_in_dim3A_254 = vector.broadcast %jit3A_253 : i32 to vector<16xi32>
        %select_n3A_255 = arith.select %eq3A_252, %add3A_250, %broadcast_in_dim3A_254 : vector<16xi1>, vector<16xi32>
        %min3A_256 = arith.minsi %min3A_245, %select_n3A_255 : vector<16xi32>
        %add3A_257 = vector.broadcast %mul3A_12 : i32 to vector<16xi32>
        %add3A_258 = arith.addi %iota3A_81, %add3A_257 : vector<16xi32>
        %add3A_259 = arith.constant 160 : i32
        %add3A_260 = vector.broadcast %add3A_259 : i32 to vector<16xi32>
        %add3A_261 = arith.addi %add3A_258, %add3A_260 : vector<16xi32>
        %eq3A_262 = vector.broadcast %reduce_min3A_147 : f32 to vector<16xf32>
        %eq3A_263 = arith.cmpf oeq, %get3A_120, %eq3A_262 : vector<16xf32>
        %jit3A_264 = arith.constant 2147483647 : i32
        %broadcast_in_dim3A_265 = vector.broadcast %jit3A_264 : i32 to vector<16xi32>
        %select_n3A_266 = arith.select %eq3A_263, %add3A_261, %broadcast_in_dim3A_265 : vector<16xi1>, vector<16xi32>
        %min3A_267 = arith.minsi %min3A_256, %select_n3A_266 : vector<16xi32>
        %add3A_268 = vector.broadcast %mul3A_12 : i32 to vector<16xi32>
        %add3A_269 = arith.addi %iota3A_81, %add3A_268 : vector<16xi32>
        %add3A_270 = arith.constant 176 : i32
        %add3A_271 = vector.broadcast %add3A_270 : i32 to vector<16xi32>
        %add3A_272 = arith.addi %add3A_269, %add3A_271 : vector<16xi32>
        %eq3A_273 = vector.broadcast %reduce_min3A_147 : f32 to vector<16xf32>
        %eq3A_274 = arith.cmpf oeq, %get3A_122, %eq3A_273 : vector<16xf32>
        %jit3A_275 = arith.constant 2147483647 : i32
        %broadcast_in_dim3A_276 = vector.broadcast %jit3A_275 : i32 to vector<16xi32>
        %select_n3A_277 = arith.select %eq3A_274, %add3A_272, %broadcast_in_dim3A_276 : vector<16xi1>, vector<16xi32>
        %min3A_278 = arith.minsi %min3A_267, %select_n3A_277 : vector<16xi32>
        %add3A_279 = vector.broadcast %mul3A_12 : i32 to vector<16xi32>
        %add3A_280 = arith.addi %iota3A_81, %add3A_279 : vector<16xi32>
        %add3A_281 = arith.constant 192 : i32
        %add3A_282 = vector.broadcast %add3A_281 : i32 to vector<16xi32>
        %add3A_283 = arith.addi %add3A_280, %add3A_282 : vector<16xi32>
        %eq3A_284 = vector.broadcast %reduce_min3A_147 : f32 to vector<16xf32>
        %eq3A_285 = arith.cmpf oeq, %get3A_124, %eq3A_284 : vector<16xf32>
        %jit3A_286 = arith.constant 2147483647 : i32
        %broadcast_in_dim3A_287 = vector.broadcast %jit3A_286 : i32 to vector<16xi32>
        %select_n3A_288 = arith.select %eq3A_285, %add3A_283, %broadcast_in_dim3A_287 : vector<16xi1>, vector<16xi32>
        %min3A_289 = arith.minsi %min3A_278, %select_n3A_288 : vector<16xi32>
        %add3A_290 = vector.broadcast %mul3A_12 : i32 to vector<16xi32>
        %add3A_291 = arith.addi %iota3A_81, %add3A_290 : vector<16xi32>
        %add3A_292 = arith.constant 208 : i32
        %add3A_293 = vector.broadcast %add3A_292 : i32 to vector<16xi32>
        %add3A_294 = arith.addi %add3A_291, %add3A_293 : vector<16xi32>
        %eq3A_295 = vector.broadcast %reduce_min3A_147 : f32 to vector<16xf32>
        %eq3A_296 = arith.cmpf oeq, %get3A_126, %eq3A_295 : vector<16xf32>
        %jit3A_297 = arith.constant 2147483647 : i32
        %broadcast_in_dim3A_298 = vector.broadcast %jit3A_297 : i32 to vector<16xi32>
        %select_n3A_299 = arith.select %eq3A_296, %add3A_294, %broadcast_in_dim3A_298 : vector<16xi1>, vector<16xi32>
        %min3A_300 = arith.minsi %min3A_289, %select_n3A_299 : vector<16xi32>
        %add3A_301 = vector.broadcast %mul3A_12 : i32 to vector<16xi32>
        %add3A_302 = arith.addi %iota3A_81, %add3A_301 : vector<16xi32>
        %add3A_303 = arith.constant 224 : i32
        %add3A_304 = vector.broadcast %add3A_303 : i32 to vector<16xi32>
        %add3A_305 = arith.addi %add3A_302, %add3A_304 : vector<16xi32>
        %eq3A_306 = vector.broadcast %reduce_min3A_147 : f32 to vector<16xf32>
        %eq3A_307 = arith.cmpf oeq, %get3A_128, %eq3A_306 : vector<16xf32>
        %jit3A_308 = arith.constant 2147483647 : i32
        %broadcast_in_dim3A_309 = vector.broadcast %jit3A_308 : i32 to vector<16xi32>
        %select_n3A_310 = arith.select %eq3A_307, %add3A_305, %broadcast_in_dim3A_309 : vector<16xi1>, vector<16xi32>
        %min3A_311 = arith.minsi %min3A_300, %select_n3A_310 : vector<16xi32>
        %add3A_312 = vector.broadcast %mul3A_12 : i32 to vector<16xi32>
        %add3A_313 = arith.addi %iota3A_81, %add3A_312 : vector<16xi32>
        %add3A_314 = arith.constant 240 : i32
        %add3A_315 = vector.broadcast %add3A_314 : i32 to vector<16xi32>
        %add3A_316 = arith.addi %add3A_313, %add3A_315 : vector<16xi32>
        %eq3A_317 = vector.broadcast %reduce_min3A_147 : f32 to vector<16xf32>
        %eq3A_318 = arith.cmpf oeq, %get3A_130, %eq3A_317 : vector<16xf32>
        %jit3A_319 = arith.constant 2147483647 : i32
        %broadcast_in_dim3A_320 = vector.broadcast %jit3A_319 : i32 to vector<16xi32>
        %select_n3A_321 = arith.select %eq3A_318, %add3A_316, %broadcast_in_dim3A_320 : vector<16xi1>, vector<16xi32>
        %min3A_322 = arith.minsi %min3A_311, %select_n3A_321 : vector<16xi32>
        %reduce_min3A_323 = arith.constant true
        %reduce_min3A_324 = vector.broadcast %reduce_min3A_323 : i1 to vector<16xi1>
        %reduce_min3A_325 = arith.constant -2147483648 : i32
        %reduce_min3A_326 = vector.broadcast %reduce_min3A_325 : i32 to vector<16xi32>
        %reduce_min3A_327 = arith.xori %min3A_322, %reduce_min3A_326 : vector<16xi32>
        %reduce_min3A_328 = tpu.scan <min>, %reduce_min3A_327 masked %reduce_min3A_324 : vector<16xi32>, vector<16xi1> -> vector<16xi32>
        %reduce_min3A_329 = arith.xori %reduce_min3A_328, %reduce_min3A_326 : vector<16xi32>
        %reduce_min3A_330 = vector.extract %reduce_min3A_329[15] : i32 from vector<16xi32>
        %add3A_331 = arith.constant 8 : i32
        %add3A_332 = arith.addi %scan3A_96, %add3A_331 : i32
        %eq3A_333 = vector.broadcast %add3A_332 : i32 to vector<16xi32>
        %eq3A_334 = arith.cmpi eq, %iota3A_81, %eq3A_333 : vector<16xi32>
        %broadcast_in_dim3A_335 = vector.broadcast %reduce_min3A_147 : f32 to vector<16xf32>
        %select_n3A_336 = arith.select %eq3A_334, %broadcast_in_dim3A_335, %scan3A_97 : vector<16xi1>, vector<16xf32>
        %add3A_337 = arith.constant 8 : i32
        %add3A_338 = arith.addi %scan3A_96, %add3A_337 : i32
        %eq3A_339 = vector.broadcast %add3A_338 : i32 to vector<16xi32>
        %eq3A_340 = arith.cmpi eq, %iota3A_81, %eq3A_339 : vector<16xi32>
        %broadcast_in_dim3A_341 = vector.broadcast %reduce_min3A_330 : i32 to vector<16xi32>
        %select_n3A_342 = arith.select %eq3A_340, %broadcast_in_dim3A_341, %scan3A_98 : vector<16xi1>, vector<16xi32>
        %add3A_343 = vector.broadcast %mul3A_12 : i32 to vector<16xi32>
        %add3A_344 = arith.addi %iota3A_81, %add3A_343 : vector<16xi32>
        %add3A_345 = arith.constant 0 : i32
        %add3A_346 = vector.broadcast %add3A_345 : i32 to vector<16xi32>
        %add3A_347 = arith.addi %add3A_344, %add3A_346 : vector<16xi32>
        %eq3A_348 = vector.broadcast %reduce_min3A_330 : i32 to vector<16xi32>
        %eq3A_349 = arith.cmpi eq, %add3A_347, %eq3A_348 : vector<16xi32>
        %jit3A_350 = arith.constant 3.000000e+38 : f32
        %broadcast_in_dim3A_351 = vector.broadcast %jit3A_350 : f32 to vector<16xf32>
        %select_n3A_352 = arith.select %eq3A_349, %broadcast_in_dim3A_351, %get3A_100 : vector<16xi1>, vector<16xf32>
        %swap3A_353 = arith.constant 0 : index
        %swap3A_354 = tpu.vector_load %arg12[%swap3A_353] {strides = array<i32>} : memref<256xf32, #tpu.memory_space<vmem>>, vector<16xf32>,
        tpu.vector_store %arg12[%swap3A_353], %select_n3A_352 {strides = array<i32>} : memref<256xf32, #tpu.memory_space<vmem>>, vector<16xf32>,
        %add3A_355 = vector.broadcast %mul3A_12 : i32 to vector<16xi32>
        %add3A_356 = arith.addi %iota3A_81, %add3A_355 : vector<16xi32>
        %add3A_357 = arith.constant 16 : i32
        %add3A_358 = vector.broadcast %add3A_357 : i32 to vector<16xi32>
        %add3A_359 = arith.addi %add3A_356, %add3A_358 : vector<16xi32>
        %eq3A_360 = vector.broadcast %reduce_min3A_330 : i32 to vector<16xi32>
        %eq3A_361 = arith.cmpi eq, %add3A_359, %eq3A_360 : vector<16xi32>
        %jit3A_362 = arith.constant 3.000000e+38 : f32
        %broadcast_in_dim3A_363 = vector.broadcast %jit3A_362 : f32 to vector<16xf32>
        %select_n3A_364 = arith.select %eq3A_361, %broadcast_in_dim3A_363, %get3A_102 : vector<16xi1>, vector<16xf32>
        %swap3A_365 = arith.constant 16 : index
        %swap3A_366 = tpu.vector_load %arg12[%swap3A_365] {strides = array<i32>} : memref<256xf32, #tpu.memory_space<vmem>>, vector<16xf32>,
        tpu.vector_store %arg12[%swap3A_365], %select_n3A_364 {strides = array<i32>} : memref<256xf32, #tpu.memory_space<vmem>>, vector<16xf32>,
        %add3A_367 = vector.broadcast %mul3A_12 : i32 to vector<16xi32>
        %add3A_368 = arith.addi %iota3A_81, %add3A_367 : vector<16xi32>
        %add3A_369 = arith.constant 32 : i32
        %add3A_370 = vector.broadcast %add3A_369 : i32 to vector<16xi32>
        %add3A_371 = arith.addi %add3A_368, %add3A_370 : vector<16xi32>
        %eq3A_372 = vector.broadcast %reduce_min3A_330 : i32 to vector<16xi32>
        %eq3A_373 = arith.cmpi eq, %add3A_371, %eq3A_372 : vector<16xi32>
        %jit3A_374 = arith.constant 3.000000e+38 : f32
        %broadcast_in_dim3A_375 = vector.broadcast %jit3A_374 : f32 to vector<16xf32>
        %select_n3A_376 = arith.select %eq3A_373, %broadcast_in_dim3A_375, %get3A_104 : vector<16xi1>, vector<16xf32>
        %swap3A_377 = arith.constant 32 : index
        %swap3A_378 = tpu.vector_load %arg12[%swap3A_377] {strides = array<i32>} : memref<256xf32, #tpu.memory_space<vmem>>, vector<16xf32>,
        tpu.vector_store %arg12[%swap3A_377], %select_n3A_376 {strides = array<i32>} : memref<256xf32, #tpu.memory_space<vmem>>, vector<16xf32>,
        %add3A_379 = vector.broadcast %mul3A_12 : i32 to vector<16xi32>
        %add3A_380 = arith.addi %iota3A_81, %add3A_379 : vector<16xi32>
        %add3A_381 = arith.constant 48 : i32
        %add3A_382 = vector.broadcast %add3A_381 : i32 to vector<16xi32>
        %add3A_383 = arith.addi %add3A_380, %add3A_382 : vector<16xi32>
        %eq3A_384 = vector.broadcast %reduce_min3A_330 : i32 to vector<16xi32>
        %eq3A_385 = arith.cmpi eq, %add3A_383, %eq3A_384 : vector<16xi32>
        %jit3A_386 = arith.constant 3.000000e+38 : f32
        %broadcast_in_dim3A_387 = vector.broadcast %jit3A_386 : f32 to vector<16xf32>
        %select_n3A_388 = arith.select %eq3A_385, %broadcast_in_dim3A_387, %get3A_106 : vector<16xi1>, vector<16xf32>
        %swap3A_389 = arith.constant 48 : index
        %swap3A_390 = tpu.vector_load %arg12[%swap3A_389] {strides = array<i32>} : memref<256xf32, #tpu.memory_space<vmem>>, vector<16xf32>,
        tpu.vector_store %arg12[%swap3A_389], %select_n3A_388 {strides = array<i32>} : memref<256xf32, #tpu.memory_space<vmem>>, vector<16xf32>,
        %add3A_391 = vector.broadcast %mul3A_12 : i32 to vector<16xi32>
        %add3A_392 = arith.addi %iota3A_81, %add3A_391 : vector<16xi32>
        %add3A_393 = arith.constant 64 : i32
        %add3A_394 = vector.broadcast %add3A_393 : i32 to vector<16xi32>
        %add3A_395 = arith.addi %add3A_392, %add3A_394 : vector<16xi32>
        %eq3A_396 = vector.broadcast %reduce_min3A_330 : i32 to vector<16xi32>
        %eq3A_397 = arith.cmpi eq, %add3A_395, %eq3A_396 : vector<16xi32>
        %jit3A_398 = arith.constant 3.000000e+38 : f32
        %broadcast_in_dim3A_399 = vector.broadcast %jit3A_398 : f32 to vector<16xf32>
        %select_n3A_400 = arith.select %eq3A_397, %broadcast_in_dim3A_399, %get3A_108 : vector<16xi1>, vector<16xf32>
        %swap3A_401 = arith.constant 64 : index
        %swap3A_402 = tpu.vector_load %arg12[%swap3A_401] {strides = array<i32>} : memref<256xf32, #tpu.memory_space<vmem>>, vector<16xf32>,
        tpu.vector_store %arg12[%swap3A_401], %select_n3A_400 {strides = array<i32>} : memref<256xf32, #tpu.memory_space<vmem>>, vector<16xf32>,
        %add3A_403 = vector.broadcast %mul3A_12 : i32 to vector<16xi32>
        %add3A_404 = arith.addi %iota3A_81, %add3A_403 : vector<16xi32>
        %add3A_405 = arith.constant 80 : i32
        %add3A_406 = vector.broadcast %add3A_405 : i32 to vector<16xi32>
        %add3A_407 = arith.addi %add3A_404, %add3A_406 : vector<16xi32>
        %eq3A_408 = vector.broadcast %reduce_min3A_330 : i32 to vector<16xi32>
        %eq3A_409 = arith.cmpi eq, %add3A_407, %eq3A_408 : vector<16xi32>
        %jit3A_410 = arith.constant 3.000000e+38 : f32
        %broadcast_in_dim3A_411 = vector.broadcast %jit3A_410 : f32 to vector<16xf32>
        %select_n3A_412 = arith.select %eq3A_409, %broadcast_in_dim3A_411, %get3A_110 : vector<16xi1>, vector<16xf32>
        %swap3A_413 = arith.constant 80 : index
        %swap3A_414 = tpu.vector_load %arg12[%swap3A_413] {strides = array<i32>} : memref<256xf32, #tpu.memory_space<vmem>>, vector<16xf32>,
        tpu.vector_store %arg12[%swap3A_413], %select_n3A_412 {strides = array<i32>} : memref<256xf32, #tpu.memory_space<vmem>>, vector<16xf32>,
        %add3A_415 = vector.broadcast %mul3A_12 : i32 to vector<16xi32>
        %add3A_416 = arith.addi %iota3A_81, %add3A_415 : vector<16xi32>
        %add3A_417 = arith.constant 96 : i32
        %add3A_418 = vector.broadcast %add3A_417 : i32 to vector<16xi32>
        %add3A_419 = arith.addi %add3A_416, %add3A_418 : vector<16xi32>
        %eq3A_420 = vector.broadcast %reduce_min3A_330 : i32 to vector<16xi32>
        %eq3A_421 = arith.cmpi eq, %add3A_419, %eq3A_420 : vector<16xi32>
        %jit3A_422 = arith.constant 3.000000e+38 : f32
        %broadcast_in_dim3A_423 = vector.broadcast %jit3A_422 : f32 to vector<16xf32>
        %select_n3A_424 = arith.select %eq3A_421, %broadcast_in_dim3A_423, %get3A_112 : vector<16xi1>, vector<16xf32>
        %swap3A_425 = arith.constant 96 : index
        %swap3A_426 = tpu.vector_load %arg12[%swap3A_425] {strides = array<i32>} : memref<256xf32, #tpu.memory_space<vmem>>, vector<16xf32>,
        tpu.vector_store %arg12[%swap3A_425], %select_n3A_424 {strides = array<i32>} : memref<256xf32, #tpu.memory_space<vmem>>, vector<16xf32>,
        %add3A_427 = vector.broadcast %mul3A_12 : i32 to vector<16xi32>
        %add3A_428 = arith.addi %iota3A_81, %add3A_427 : vector<16xi32>
        %add3A_429 = arith.constant 112 : i32
        %add3A_430 = vector.broadcast %add3A_429 : i32 to vector<16xi32>
        %add3A_431 = arith.addi %add3A_428, %add3A_430 : vector<16xi32>
        %eq3A_432 = vector.broadcast %reduce_min3A_330 : i32 to vector<16xi32>
        %eq3A_433 = arith.cmpi eq, %add3A_431, %eq3A_432 : vector<16xi32>
        %jit3A_434 = arith.constant 3.000000e+38 : f32
        %broadcast_in_dim3A_435 = vector.broadcast %jit3A_434 : f32 to vector<16xf32>
        %select_n3A_436 = arith.select %eq3A_433, %broadcast_in_dim3A_435, %get3A_114 : vector<16xi1>, vector<16xf32>
        %swap3A_437 = arith.constant 112 : index
        %swap3A_438 = tpu.vector_load %arg12[%swap3A_437] {strides = array<i32>} : memref<256xf32, #tpu.memory_space<vmem>>, vector<16xf32>,
        tpu.vector_store %arg12[%swap3A_437], %select_n3A_436 {strides = array<i32>} : memref<256xf32, #tpu.memory_space<vmem>>, vector<16xf32>,
        %add3A_439 = vector.broadcast %mul3A_12 : i32 to vector<16xi32>
        %add3A_440 = arith.addi %iota3A_81, %add3A_439 : vector<16xi32>
        %add3A_441 = arith.constant 128 : i32
        %add3A_442 = vector.broadcast %add3A_441 : i32 to vector<16xi32>
        %add3A_443 = arith.addi %add3A_440, %add3A_442 : vector<16xi32>
        %eq3A_444 = vector.broadcast %reduce_min3A_330 : i32 to vector<16xi32>
        %eq3A_445 = arith.cmpi eq, %add3A_443, %eq3A_444 : vector<16xi32>
        %jit3A_446 = arith.constant 3.000000e+38 : f32
        %broadcast_in_dim3A_447 = vector.broadcast %jit3A_446 : f32 to vector<16xf32>
        %select_n3A_448 = arith.select %eq3A_445, %broadcast_in_dim3A_447, %get3A_116 : vector<16xi1>, vector<16xf32>
        %swap3A_449 = arith.constant 128 : index
        %swap3A_450 = tpu.vector_load %arg12[%swap3A_449] {strides = array<i32>} : memref<256xf32, #tpu.memory_space<vmem>>, vector<16xf32>,
        tpu.vector_store %arg12[%swap3A_449], %select_n3A_448 {strides = array<i32>} : memref<256xf32, #tpu.memory_space<vmem>>, vector<16xf32>,
        %add3A_451 = vector.broadcast %mul3A_12 : i32 to vector<16xi32>
        %add3A_452 = arith.addi %iota3A_81, %add3A_451 : vector<16xi32>
        %add3A_453 = arith.constant 144 : i32
        %add3A_454 = vector.broadcast %add3A_453 : i32 to vector<16xi32>
        %add3A_455 = arith.addi %add3A_452, %add3A_454 : vector<16xi32>
        %eq3A_456 = vector.broadcast %reduce_min3A_330 : i32 to vector<16xi32>
        %eq3A_457 = arith.cmpi eq, %add3A_455, %eq3A_456 : vector<16xi32>
        %jit3A_458 = arith.constant 3.000000e+38 : f32
        %broadcast_in_dim3A_459 = vector.broadcast %jit3A_458 : f32 to vector<16xf32>
        %select_n3A_460 = arith.select %eq3A_457, %broadcast_in_dim3A_459, %get3A_118 : vector<16xi1>, vector<16xf32>
        %swap3A_461 = arith.constant 144 : index
        %swap3A_462 = tpu.vector_load %arg12[%swap3A_461] {strides = array<i32>} : memref<256xf32, #tpu.memory_space<vmem>>, vector<16xf32>,
        tpu.vector_store %arg12[%swap3A_461], %select_n3A_460 {strides = array<i32>} : memref<256xf32, #tpu.memory_space<vmem>>, vector<16xf32>,
        %add3A_463 = vector.broadcast %mul3A_12 : i32 to vector<16xi32>
        %add3A_464 = arith.addi %iota3A_81, %add3A_463 : vector<16xi32>
        %add3A_465 = arith.constant 160 : i32
        %add3A_466 = vector.broadcast %add3A_465 : i32 to vector<16xi32>
        %add3A_467 = arith.addi %add3A_464, %add3A_466 : vector<16xi32>
        %eq3A_468 = vector.broadcast %reduce_min3A_330 : i32 to vector<16xi32>
        %eq3A_469 = arith.cmpi eq, %add3A_467, %eq3A_468 : vector<16xi32>
        %jit3A_470 = arith.constant 3.000000e+38 : f32
        %broadcast_in_dim3A_471 = vector.broadcast %jit3A_470 : f32 to vector<16xf32>
        %select_n3A_472 = arith.select %eq3A_469, %broadcast_in_dim3A_471, %get3A_120 : vector<16xi1>, vector<16xf32>
        %swap3A_473 = arith.constant 160 : index
        %swap3A_474 = tpu.vector_load %arg12[%swap3A_473] {strides = array<i32>} : memref<256xf32, #tpu.memory_space<vmem>>, vector<16xf32>,
        tpu.vector_store %arg12[%swap3A_473], %select_n3A_472 {strides = array<i32>} : memref<256xf32, #tpu.memory_space<vmem>>, vector<16xf32>,
        %add3A_475 = vector.broadcast %mul3A_12 : i32 to vector<16xi32>
        %add3A_476 = arith.addi %iota3A_81, %add3A_475 : vector<16xi32>
        %add3A_477 = arith.constant 176 : i32
        %add3A_478 = vector.broadcast %add3A_477 : i32 to vector<16xi32>
        %add3A_479 = arith.addi %add3A_476, %add3A_478 : vector<16xi32>
        %eq3A_480 = vector.broadcast %reduce_min3A_330 : i32 to vector<16xi32>
        %eq3A_481 = arith.cmpi eq, %add3A_479, %eq3A_480 : vector<16xi32>
        %jit3A_482 = arith.constant 3.000000e+38 : f32
        %broadcast_in_dim3A_483 = vector.broadcast %jit3A_482 : f32 to vector<16xf32>
        %select_n3A_484 = arith.select %eq3A_481, %broadcast_in_dim3A_483, %get3A_122 : vector<16xi1>, vector<16xf32>
        %swap3A_485 = arith.constant 176 : index
        %swap3A_486 = tpu.vector_load %arg12[%swap3A_485] {strides = array<i32>} : memref<256xf32, #tpu.memory_space<vmem>>, vector<16xf32>,
        tpu.vector_store %arg12[%swap3A_485], %select_n3A_484 {strides = array<i32>} : memref<256xf32, #tpu.memory_space<vmem>>, vector<16xf32>,
        %add3A_487 = vector.broadcast %mul3A_12 : i32 to vector<16xi32>
        %add3A_488 = arith.addi %iota3A_81, %add3A_487 : vector<16xi32>
        %add3A_489 = arith.constant 192 : i32
        %add3A_490 = vector.broadcast %add3A_489 : i32 to vector<16xi32>
        %add3A_491 = arith.addi %add3A_488, %add3A_490 : vector<16xi32>
        %eq3A_492 = vector.broadcast %reduce_min3A_330 : i32 to vector<16xi32>
        %eq3A_493 = arith.cmpi eq, %add3A_491, %eq3A_492 : vector<16xi32>
        %jit3A_494 = arith.constant 3.000000e+38 : f32
        %broadcast_in_dim3A_495 = vector.broadcast %jit3A_494 : f32 to vector<16xf32>
        %select_n3A_496 = arith.select %eq3A_493, %broadcast_in_dim3A_495, %get3A_124 : vector<16xi1>, vector<16xf32>
        %swap3A_497 = arith.constant 192 : index
        %swap3A_498 = tpu.vector_load %arg12[%swap3A_497] {strides = array<i32>} : memref<256xf32, #tpu.memory_space<vmem>>, vector<16xf32>,
        tpu.vector_store %arg12[%swap3A_497], %select_n3A_496 {strides = array<i32>} : memref<256xf32, #tpu.memory_space<vmem>>, vector<16xf32>,
        %add3A_499 = vector.broadcast %mul3A_12 : i32 to vector<16xi32>
        %add3A_500 = arith.addi %iota3A_81, %add3A_499 : vector<16xi32>
        %add3A_501 = arith.constant 208 : i32
        %add3A_502 = vector.broadcast %add3A_501 : i32 to vector<16xi32>
        %add3A_503 = arith.addi %add3A_500, %add3A_502 : vector<16xi32>
        %eq3A_504 = vector.broadcast %reduce_min3A_330 : i32 to vector<16xi32>
        %eq3A_505 = arith.cmpi eq, %add3A_503, %eq3A_504 : vector<16xi32>
        %jit3A_506 = arith.constant 3.000000e+38 : f32
        %broadcast_in_dim3A_507 = vector.broadcast %jit3A_506 : f32 to vector<16xf32>
        %select_n3A_508 = arith.select %eq3A_505, %broadcast_in_dim3A_507, %get3A_126 : vector<16xi1>, vector<16xf32>
        %swap3A_509 = arith.constant 208 : index
        %swap3A_510 = tpu.vector_load %arg12[%swap3A_509] {strides = array<i32>} : memref<256xf32, #tpu.memory_space<vmem>>, vector<16xf32>,
        tpu.vector_store %arg12[%swap3A_509], %select_n3A_508 {strides = array<i32>} : memref<256xf32, #tpu.memory_space<vmem>>, vector<16xf32>,
        %add3A_511 = vector.broadcast %mul3A_12 : i32 to vector<16xi32>
        %add3A_512 = arith.addi %iota3A_81, %add3A_511 : vector<16xi32>
        %add3A_513 = arith.constant 224 : i32
        %add3A_514 = vector.broadcast %add3A_513 : i32 to vector<16xi32>
        %add3A_515 = arith.addi %add3A_512, %add3A_514 : vector<16xi32>
        %eq3A_516 = vector.broadcast %reduce_min3A_330 : i32 to vector<16xi32>
        %eq3A_517 = arith.cmpi eq, %add3A_515, %eq3A_516 : vector<16xi32>
        %jit3A_518 = arith.constant 3.000000e+38 : f32
        %broadcast_in_dim3A_519 = vector.broadcast %jit3A_518 : f32 to vector<16xf32>
        %select_n3A_520 = arith.select %eq3A_517, %broadcast_in_dim3A_519, %get3A_128 : vector<16xi1>, vector<16xf32>
        %swap3A_521 = arith.constant 224 : index
        %swap3A_522 = tpu.vector_load %arg12[%swap3A_521] {strides = array<i32>} : memref<256xf32, #tpu.memory_space<vmem>>, vector<16xf32>,
        tpu.vector_store %arg12[%swap3A_521], %select_n3A_520 {strides = array<i32>} : memref<256xf32, #tpu.memory_space<vmem>>, vector<16xf32>,
        %add3A_523 = vector.broadcast %mul3A_12 : i32 to vector<16xi32>
        %add3A_524 = arith.addi %iota3A_81, %add3A_523 : vector<16xi32>
        %add3A_525 = arith.constant 240 : i32
        %add3A_526 = vector.broadcast %add3A_525 : i32 to vector<16xi32>
        %add3A_527 = arith.addi %add3A_524, %add3A_526 : vector<16xi32>
        %eq3A_528 = vector.broadcast %reduce_min3A_330 : i32 to vector<16xi32>
        %eq3A_529 = arith.cmpi eq, %add3A_527, %eq3A_528 : vector<16xi32>
        %jit3A_530 = arith.constant 3.000000e+38 : f32
        %broadcast_in_dim3A_531 = vector.broadcast %jit3A_530 : f32 to vector<16xf32>
        %select_n3A_532 = arith.select %eq3A_529, %broadcast_in_dim3A_531, %get3A_130 : vector<16xi1>, vector<16xf32>
        %swap3A_533 = arith.constant 240 : index
        %swap3A_534 = tpu.vector_load %arg12[%swap3A_533] {strides = array<i32>} : memref<256xf32, #tpu.memory_space<vmem>>, vector<16xf32>,
        tpu.vector_store %arg12[%swap3A_533], %select_n3A_532 {strides = array<i32>} : memref<256xf32, #tpu.memory_space<vmem>>, vector<16xf32>,
        scf.yield %select_n3A_336, %select_n3A_342 : vector<16xf32>, vector<16xi32>
      }
      %scan3A_87 = arith.constant 8 : i32
      %swap3A_88 = arith.constant 0 : index
      %swap3A_89 = tpu.vector_load %arg13[%swap3A_88] {strides = array<i32>} : memref<16xf32, #tpu.memory_space<vmem>>, vector<16xf32>,
      tpu.vector_store %arg13[%swap3A_88], %scan3A_86#0 {strides = array<i32>} : memref<16xf32, #tpu.memory_space<vmem>>, vector<16xf32>,
      %swap3A_90 = arith.constant 0 : index
      %swap3A_91 = tpu.vector_load %arg14[%swap3A_90] {strides = array<i32>} : memref<16xi32, #tpu.memory_space<vmem>>, vector<16xi32>,
      tpu.vector_store %arg14[%swap3A_90], %scan3A_86#1 {strides = array<i32>} : memref<16xi32, #tpu.memory_space<vmem>>, vector<16xi32>,
      %mul3A_92 = arith.constant 16 : i32
      %mul3A_93 = arith.muli %arg1, %mul3A_92 : i32
      "tpu.region"() ({
        %run_scoped3A = tpu.sem_alloc : memref<!tpu.dma_semaphore, #tpu.memory_space<semaphore_mem>>
        %dma_start3A = tpu.memref_slice %arg5[%mul3A_93] : memref<256xf32, #tpu.memory_space<hbm>> -> memref<16xf32, #tpu.memory_space<hbm>>
        %dma_start3A_96 = tpu.memref_slice %arg5[%mul3A_93] : memref<256xf32, #tpu.memory_space<hbm>> -> memref<16xf32, #tpu.memory_space<hbm>>
        tpu.enqueue_dma source(%arg13 : memref<16xf32, #tpu.memory_space<vmem>>) target(%dma_start3A_96 : memref<16xf32, #tpu.memory_space<hbm>>) target_semaphore(%run_scoped3A : memref<!tpu.dma_semaphore, #tpu.memory_space<semaphore_mem>>)
        %dma_wait3A = tpu.memref_slice %arg5[%mul3A_93] : memref<256xf32, #tpu.memory_space<hbm>> -> memref<16xf32, #tpu.memory_space<hbm>>
        %dma_wait3A_97 = tpu.memref_slice %arg5[%mul3A_93] : memref<256xf32, #tpu.memory_space<hbm>> -> memref<16xf32, #tpu.memory_space<hbm>>
        tpu.wait_dma2 semaphore(%run_scoped3A : memref<!tpu.dma_semaphore, #tpu.memory_space<semaphore_mem>>) src(%arg13 : memref<16xf32, #tpu.memory_space<vmem>>) dst(%dma_wait3A_97 : memref<16xf32, #tpu.memory_space<hbm>>)
        tpu.yield
      }) : () -> ()
      %mul3A_94 = arith.constant 16 : i32
      %mul3A_95 = arith.muli %arg1, %mul3A_94 : i32
      "tpu.region"() ({
        %run_scoped3A = tpu.sem_alloc : memref<!tpu.dma_semaphore, #tpu.memory_space<semaphore_mem>>
        %dma_start3A = tpu.memref_slice %arg6[%mul3A_95] : memref<256xi32, #tpu.memory_space<hbm>> -> memref<16xi32, #tpu.memory_space<hbm>>
        %dma_start3A_96 = tpu.memref_slice %arg6[%mul3A_95] : memref<256xi32, #tpu.memory_space<hbm>> -> memref<16xi32, #tpu.memory_space<hbm>>
        tpu.enqueue_dma source(%arg14 : memref<16xi32, #tpu.memory_space<vmem>>) target(%dma_start3A_96 : memref<16xi32, #tpu.memory_space<hbm>>) target_semaphore(%run_scoped3A : memref<!tpu.dma_semaphore, #tpu.memory_space<semaphore_mem>>)
        %dma_wait3A = tpu.memref_slice %arg6[%mul3A_95] : memref<256xi32, #tpu.memory_space<hbm>> -> memref<16xi32, #tpu.memory_space<hbm>>
        %dma_wait3A_97 = tpu.memref_slice %arg6[%mul3A_95] : memref<256xi32, #tpu.memory_space<hbm>> -> memref<16xi32, #tpu.memory_space<hbm>>
        tpu.wait_dma2 semaphore(%run_scoped3A : memref<!tpu.dma_semaphore, #tpu.memory_space<semaphore_mem>>) src(%arg14 : memref<16xi32, #tpu.memory_space<vmem>>) dst(%dma_wait3A_97 : memref<16xi32, #tpu.memory_space<hbm>>)
        tpu.yield
      }) : () -> ()
    } else {
    }
    %barrier3A = arith.constant 0 : index
    tpu.barrier barrier_id(%barrier3A)
    %eq3A_5 = arith.constant 0 : i32
    %eq3A_6 = arith.cmpi eq, %arg0, %eq3A_5 : i32
    %eq3A_7 = arith.constant 0 : i32
    %eq3A_8 = arith.cmpi eq, %arg1, %eq3A_7 : i32
    %and3A = arith.andi %eq3A_6, %eq3A_8 : i1
    %convert_element_type3A_9 = arith.extui %and3A : i1 to i32
    %cond3A_10 = arith.constant 0 : i32
    %cond3A_11 = arith.cmpi ne, %convert_element_type3A_9, %cond3A_10 : i32
    scf.if %cond3A_11 {
      "tpu.region"() ({
        %run_scoped3A = tpu.sem_alloc : memref<!tpu.dma_semaphore, #tpu.memory_space<semaphore_mem>>
        tpu.enqueue_dma source(%arg5 : memref<256xf32, #tpu.memory_space<hbm>>) target(%arg15 : memref<256xf32, #tpu.memory_space<vmem>>) target_semaphore(%run_scoped3A : memref<!tpu.dma_semaphore, #tpu.memory_space<semaphore_mem>>)
        tpu.wait_dma2 semaphore(%run_scoped3A : memref<!tpu.dma_semaphore, #tpu.memory_space<semaphore_mem>>) src(%arg5 : memref<256xf32, #tpu.memory_space<hbm>>) dst(%arg15 : memref<256xf32, #tpu.memory_space<vmem>>)
        tpu.yield
      }) : () -> ()
      "tpu.region"() ({
        %run_scoped3A = tpu.sem_alloc : memref<!tpu.dma_semaphore, #tpu.memory_space<semaphore_mem>>
        tpu.enqueue_dma source(%arg6 : memref<256xi32, #tpu.memory_space<hbm>>) target(%arg16 : memref<256xi32, #tpu.memory_space<vmem>>) target_semaphore(%run_scoped3A : memref<!tpu.dma_semaphore, #tpu.memory_space<semaphore_mem>>)
        tpu.wait_dma2 semaphore(%run_scoped3A : memref<!tpu.dma_semaphore, #tpu.memory_space<semaphore_mem>>) src(%arg6 : memref<256xi32, #tpu.memory_space<hbm>>) dst(%arg16 : memref<256xi32, #tpu.memory_space<vmem>>)
        tpu.yield
      }) : () -> ()
      %get3A = arith.constant 0 : index
      %get3A_12 = tpu.vector_load %arg15[%get3A] {strides = array<i32>} : memref<256xf32, #tpu.memory_space<vmem>>, vector<16xf32>,
      %get3A_13 = arith.constant 0 : index
      %get3A_14 = tpu.vector_load %arg16[%get3A_13] {strides = array<i32>} : memref<256xi32, #tpu.memory_space<vmem>>, vector<16xi32>,
      %lt3A = arith.constant 8 : i32
      %lt3A_15 = vector.broadcast %lt3A : i32 to vector<16xi32>
      %lt3A_16 = arith.cmpi slt, %iota3A, %lt3A_15 : vector<16xi32>
      %jit3A = arith.constant -3.000000e+38 : f32
      %broadcast_in_dim3A_17 = vector.broadcast %jit3A : f32 to vector<16xf32>
      %select_n3A = arith.select %lt3A_16, %get3A_12, %broadcast_in_dim3A_17 : vector<16xi1>, vector<16xf32>
      %swap3A = arith.constant 0 : index
      %swap3A_18 = tpu.vector_load %arg17[%swap3A] {strides = array<i32>} : memref<256xf32, #tpu.memory_space<vmem>>, vector<16xf32>,
      tpu.vector_store %arg17[%swap3A], %select_n3A {strides = array<i32>} : memref<256xf32, #tpu.memory_space<vmem>>, vector<16xf32>,
      %lt3A_19 = arith.constant 8 : i32
      %lt3A_20 = vector.broadcast %lt3A_19 : i32 to vector<16xi32>
      %lt3A_21 = arith.cmpi slt, %iota3A, %lt3A_20 : vector<16xi32>
      %jit3A_22 = arith.constant 2147483647 : i32
      %broadcast_in_dim3A_23 = vector.broadcast %jit3A_22 : i32 to vector<16xi32>
      %select_n3A_24 = arith.select %lt3A_21, %get3A_14, %broadcast_in_dim3A_23 : vector<16xi1>, vector<16xi32>
      %swap3A_25 = arith.constant 0 : index
      %swap3A_26 = tpu.vector_load %arg18[%swap3A_25] {strides = array<i32>} : memref<256xi32, #tpu.memory_space<vmem>>, vector<16xi32>,
      tpu.vector_store %arg18[%swap3A_25], %select_n3A_24 {strides = array<i32>} : memref<256xi32, #tpu.memory_space<vmem>>, vector<16xi32>,
      %get3A_27 = arith.constant 16 : index
      %get3A_28 = tpu.vector_load %arg15[%get3A_27] {strides = array<i32>} : memref<256xf32, #tpu.memory_space<vmem>>, vector<16xf32>,
      %get3A_29 = arith.constant 16 : index
      %get3A_30 = tpu.vector_load %arg16[%get3A_29] {strides = array<i32>} : memref<256xi32, #tpu.memory_space<vmem>>, vector<16xi32>,
      %lt3A_31 = arith.constant 8 : i32
      %lt3A_32 = vector.broadcast %lt3A_31 : i32 to vector<16xi32>
      %lt3A_33 = arith.cmpi slt, %iota3A, %lt3A_32 : vector<16xi32>
      %jit3A_34 = arith.constant -3.000000e+38 : f32
      %broadcast_in_dim3A_35 = vector.broadcast %jit3A_34 : f32 to vector<16xf32>
      %select_n3A_36 = arith.select %lt3A_33, %get3A_28, %broadcast_in_dim3A_35 : vector<16xi1>, vector<16xf32>
      %swap3A_37 = arith.constant 16 : index
      %swap3A_38 = tpu.vector_load %arg17[%swap3A_37] {strides = array<i32>} : memref<256xf32, #tpu.memory_space<vmem>>, vector<16xf32>,
      tpu.vector_store %arg17[%swap3A_37], %select_n3A_36 {strides = array<i32>} : memref<256xf32, #tpu.memory_space<vmem>>, vector<16xf32>,
      %lt3A_39 = arith.constant 8 : i32
      %lt3A_40 = vector.broadcast %lt3A_39 : i32 to vector<16xi32>
      %lt3A_41 = arith.cmpi slt, %iota3A, %lt3A_40 : vector<16xi32>
      %jit3A_42 = arith.constant 2147483647 : i32
      %broadcast_in_dim3A_43 = vector.broadcast %jit3A_42 : i32 to vector<16xi32>
      %select_n3A_44 = arith.select %lt3A_41, %get3A_30, %broadcast_in_dim3A_43 : vector<16xi1>, vector<16xi32>
      %swap3A_45 = arith.constant 16 : index
      %swap3A_46 = tpu.vector_load %arg18[%swap3A_45] {strides = array<i32>} : memref<256xi32, #tpu.memory_space<vmem>>, vector<16xi32>,
      tpu.vector_store %arg18[%swap3A_45], %select_n3A_44 {strides = array<i32>} : memref<256xi32, #tpu.memory_space<vmem>>, vector<16xi32>,
      %get3A_47 = arith.constant 32 : index
      %get3A_48 = tpu.vector_load %arg15[%get3A_47] {strides = array<i32>} : memref<256xf32, #tpu.memory_space<vmem>>, vector<16xf32>,
      %get3A_49 = arith.constant 32 : index
      %get3A_50 = tpu.vector_load %arg16[%get3A_49] {strides = array<i32>} : memref<256xi32, #tpu.memory_space<vmem>>, vector<16xi32>,
      %lt3A_51 = arith.constant 8 : i32
      %lt3A_52 = vector.broadcast %lt3A_51 : i32 to vector<16xi32>
      %lt3A_53 = arith.cmpi slt, %iota3A, %lt3A_52 : vector<16xi32>
      %jit3A_54 = arith.constant -3.000000e+38 : f32
      %broadcast_in_dim3A_55 = vector.broadcast %jit3A_54 : f32 to vector<16xf32>
      %select_n3A_56 = arith.select %lt3A_53, %get3A_48, %broadcast_in_dim3A_55 : vector<16xi1>, vector<16xf32>
      %swap3A_57 = arith.constant 32 : index
      %swap3A_58 = tpu.vector_load %arg17[%swap3A_57] {strides = array<i32>} : memref<256xf32, #tpu.memory_space<vmem>>, vector<16xf32>,
      tpu.vector_store %arg17[%swap3A_57], %select_n3A_56 {strides = array<i32>} : memref<256xf32, #tpu.memory_space<vmem>>, vector<16xf32>,
      %lt3A_59 = arith.constant 8 : i32
      %lt3A_60 = vector.broadcast %lt3A_59 : i32 to vector<16xi32>
      %lt3A_61 = arith.cmpi slt, %iota3A, %lt3A_60 : vector<16xi32>
      %jit3A_62 = arith.constant 2147483647 : i32
      %broadcast_in_dim3A_63 = vector.broadcast %jit3A_62 : i32 to vector<16xi32>
      %select_n3A_64 = arith.select %lt3A_61, %get3A_50, %broadcast_in_dim3A_63 : vector<16xi1>, vector<16xi32>
      %swap3A_65 = arith.constant 32 : index
      %swap3A_66 = tpu.vector_load %arg18[%swap3A_65] {strides = array<i32>} : memref<256xi32, #tpu.memory_space<vmem>>, vector<16xi32>,
      tpu.vector_store %arg18[%swap3A_65], %select_n3A_64 {strides = array<i32>} : memref<256xi32, #tpu.memory_space<vmem>>, vector<16xi32>,
      %get3A_67 = arith.constant 48 : index
      %get3A_68 = tpu.vector_load %arg15[%get3A_67] {strides = array<i32>} : memref<256xf32, #tpu.memory_space<vmem>>, vector<16xf32>,
      %get3A_69 = arith.constant 48 : index
      %get3A_70 = tpu.vector_load %arg16[%get3A_69] {strides = array<i32>} : memref<256xi32, #tpu.memory_space<vmem>>, vector<16xi32>,
      %lt3A_71 = arith.constant 8 : i32
      %lt3A_72 = vector.broadcast %lt3A_71 : i32 to vector<16xi32>
      %lt3A_73 = arith.cmpi slt, %iota3A, %lt3A_72 : vector<16xi32>
      %jit3A_74 = arith.constant -3.000000e+38 : f32
      %broadcast_in_dim3A_75 = vector.broadcast %jit3A_74 : f32 to vector<16xf32>
      %select_n3A_76 = arith.select %lt3A_73, %get3A_68, %broadcast_in_dim3A_75 : vector<16xi1>, vector<16xf32>
      %swap3A_77 = arith.constant 48 : index
      %swap3A_78 = tpu.vector_load %arg17[%swap3A_77] {strides = array<i32>} : memref<256xf32, #tpu.memory_space<vmem>>, vector<16xf32>,
      tpu.vector_store %arg17[%swap3A_77], %select_n3A_76 {strides = array<i32>} : memref<256xf32, #tpu.memory_space<vmem>>, vector<16xf32>,
      %lt3A_79 = arith.constant 8 : i32
      %lt3A_80 = vector.broadcast %lt3A_79 : i32 to vector<16xi32>
      %lt3A_81 = arith.cmpi slt, %iota3A, %lt3A_80 : vector<16xi32>
      %jit3A_82 = arith.constant 2147483647 : i32
      %broadcast_in_dim3A_83 = vector.broadcast %jit3A_82 : i32 to vector<16xi32>
      %select_n3A_84 = arith.select %lt3A_81, %get3A_70, %broadcast_in_dim3A_83 : vector<16xi1>, vector<16xi32>
      %swap3A_85 = arith.constant 48 : index
      %swap3A_86 = tpu.vector_load %arg18[%swap3A_85] {strides = array<i32>} : memref<256xi32, #tpu.memory_space<vmem>>, vector<16xi32>,
      tpu.vector_store %arg18[%swap3A_85], %select_n3A_84 {strides = array<i32>} : memref<256xi32, #tpu.memory_space<vmem>>, vector<16xi32>,
      %get3A_87 = arith.constant 64 : index
      %get3A_88 = tpu.vector_load %arg15[%get3A_87] {strides = array<i32>} : memref<256xf32, #tpu.memory_space<vmem>>, vector<16xf32>,
      %get3A_89 = arith.constant 64 : index
      %get3A_90 = tpu.vector_load %arg16[%get3A_89] {strides = array<i32>} : memref<256xi32, #tpu.memory_space<vmem>>, vector<16xi32>,
      %lt3A_91 = arith.constant 8 : i32
      %lt3A_92 = vector.broadcast %lt3A_91 : i32 to vector<16xi32>
      %lt3A_93 = arith.cmpi slt, %iota3A, %lt3A_92 : vector<16xi32>
      %jit3A_94 = arith.constant -3.000000e+38 : f32
      %broadcast_in_dim3A_95 = vector.broadcast %jit3A_94 : f32 to vector<16xf32>
      %select_n3A_96 = arith.select %lt3A_93, %get3A_88, %broadcast_in_dim3A_95 : vector<16xi1>, vector<16xf32>
      %swap3A_97 = arith.constant 64 : index
      %swap3A_98 = tpu.vector_load %arg17[%swap3A_97] {strides = array<i32>} : memref<256xf32, #tpu.memory_space<vmem>>, vector<16xf32>,
      tpu.vector_store %arg17[%swap3A_97], %select_n3A_96 {strides = array<i32>} : memref<256xf32, #tpu.memory_space<vmem>>, vector<16xf32>,
      %lt3A_99 = arith.constant 8 : i32
      %lt3A_100 = vector.broadcast %lt3A_99 : i32 to vector<16xi32>
      %lt3A_101 = arith.cmpi slt, %iota3A, %lt3A_100 : vector<16xi32>
      %jit3A_102 = arith.constant 2147483647 : i32
      %broadcast_in_dim3A_103 = vector.broadcast %jit3A_102 : i32 to vector<16xi32>
      %select_n3A_104 = arith.select %lt3A_101, %get3A_90, %broadcast_in_dim3A_103 : vector<16xi1>, vector<16xi32>
      %swap3A_105 = arith.constant 64 : index
      %swap3A_106 = tpu.vector_load %arg18[%swap3A_105] {strides = array<i32>} : memref<256xi32, #tpu.memory_space<vmem>>, vector<16xi32>,
      tpu.vector_store %arg18[%swap3A_105], %select_n3A_104 {strides = array<i32>} : memref<256xi32, #tpu.memory_space<vmem>>, vector<16xi32>,
      %get3A_107 = arith.constant 80 : index
      %get3A_108 = tpu.vector_load %arg15[%get3A_107] {strides = array<i32>} : memref<256xf32, #tpu.memory_space<vmem>>, vector<16xf32>,
      %get3A_109 = arith.constant 80 : index
      %get3A_110 = tpu.vector_load %arg16[%get3A_109] {strides = array<i32>} : memref<256xi32, #tpu.memory_space<vmem>>, vector<16xi32>,
      %lt3A_111 = arith.constant 8 : i32
      %lt3A_112 = vector.broadcast %lt3A_111 : i32 to vector<16xi32>
      %lt3A_113 = arith.cmpi slt, %iota3A, %lt3A_112 : vector<16xi32>
      %jit3A_114 = arith.constant -3.000000e+38 : f32
      %broadcast_in_dim3A_115 = vector.broadcast %jit3A_114 : f32 to vector<16xf32>
      %select_n3A_116 = arith.select %lt3A_113, %get3A_108, %broadcast_in_dim3A_115 : vector<16xi1>, vector<16xf32>
      %swap3A_117 = arith.constant 80 : index
      %swap3A_118 = tpu.vector_load %arg17[%swap3A_117] {strides = array<i32>} : memref<256xf32, #tpu.memory_space<vmem>>, vector<16xf32>,
      tpu.vector_store %arg17[%swap3A_117], %select_n3A_116 {strides = array<i32>} : memref<256xf32, #tpu.memory_space<vmem>>, vector<16xf32>,
      %lt3A_119 = arith.constant 8 : i32
      %lt3A_120 = vector.broadcast %lt3A_119 : i32 to vector<16xi32>
      %lt3A_121 = arith.cmpi slt, %iota3A, %lt3A_120 : vector<16xi32>
      %jit3A_122 = arith.constant 2147483647 : i32
      %broadcast_in_dim3A_123 = vector.broadcast %jit3A_122 : i32 to vector<16xi32>
      %select_n3A_124 = arith.select %lt3A_121, %get3A_110, %broadcast_in_dim3A_123 : vector<16xi1>, vector<16xi32>
      %swap3A_125 = arith.constant 80 : index
      %swap3A_126 = tpu.vector_load %arg18[%swap3A_125] {strides = array<i32>} : memref<256xi32, #tpu.memory_space<vmem>>, vector<16xi32>,
      tpu.vector_store %arg18[%swap3A_125], %select_n3A_124 {strides = array<i32>} : memref<256xi32, #tpu.memory_space<vmem>>, vector<16xi32>,
      %get3A_127 = arith.constant 96 : index
      %get3A_128 = tpu.vector_load %arg15[%get3A_127] {strides = array<i32>} : memref<256xf32, #tpu.memory_space<vmem>>, vector<16xf32>,
      %get3A_129 = arith.constant 96 : index
      %get3A_130 = tpu.vector_load %arg16[%get3A_129] {strides = array<i32>} : memref<256xi32, #tpu.memory_space<vmem>>, vector<16xi32>,
      %lt3A_131 = arith.constant 8 : i32
      %lt3A_132 = vector.broadcast %lt3A_131 : i32 to vector<16xi32>
      %lt3A_133 = arith.cmpi slt, %iota3A, %lt3A_132 : vector<16xi32>
      %jit3A_134 = arith.constant -3.000000e+38 : f32
      %broadcast_in_dim3A_135 = vector.broadcast %jit3A_134 : f32 to vector<16xf32>
      %select_n3A_136 = arith.select %lt3A_133, %get3A_128, %broadcast_in_dim3A_135 : vector<16xi1>, vector<16xf32>
      %swap3A_137 = arith.constant 96 : index
      %swap3A_138 = tpu.vector_load %arg17[%swap3A_137] {strides = array<i32>} : memref<256xf32, #tpu.memory_space<vmem>>, vector<16xf32>,
      tpu.vector_store %arg17[%swap3A_137], %select_n3A_136 {strides = array<i32>} : memref<256xf32, #tpu.memory_space<vmem>>, vector<16xf32>,
      %lt3A_139 = arith.constant 8 : i32
      %lt3A_140 = vector.broadcast %lt3A_139 : i32 to vector<16xi32>
      %lt3A_141 = arith.cmpi slt, %iota3A, %lt3A_140 : vector<16xi32>
      %jit3A_142 = arith.constant 2147483647 : i32
      %broadcast_in_dim3A_143 = vector.broadcast %jit3A_142 : i32 to vector<16xi32>
      %select_n3A_144 = arith.select %lt3A_141, %get3A_130, %broadcast_in_dim3A_143 : vector<16xi1>, vector<16xi32>
      %swap3A_145 = arith.constant 96 : index
      %swap3A_146 = tpu.vector_load %arg18[%swap3A_145] {strides = array<i32>} : memref<256xi32, #tpu.memory_space<vmem>>, vector<16xi32>,
      tpu.vector_store %arg18[%swap3A_145], %select_n3A_144 {strides = array<i32>} : memref<256xi32, #tpu.memory_space<vmem>>, vector<16xi32>,
      %get3A_147 = arith.constant 112 : index
      %get3A_148 = tpu.vector_load %arg15[%get3A_147] {strides = array<i32>} : memref<256xf32, #tpu.memory_space<vmem>>, vector<16xf32>,
      %get3A_149 = arith.constant 112 : index
      %get3A_150 = tpu.vector_load %arg16[%get3A_149] {strides = array<i32>} : memref<256xi32, #tpu.memory_space<vmem>>, vector<16xi32>,
      %lt3A_151 = arith.constant 8 : i32
      %lt3A_152 = vector.broadcast %lt3A_151 : i32 to vector<16xi32>
      %lt3A_153 = arith.cmpi slt, %iota3A, %lt3A_152 : vector<16xi32>
      %jit3A_154 = arith.constant -3.000000e+38 : f32
      %broadcast_in_dim3A_155 = vector.broadcast %jit3A_154 : f32 to vector<16xf32>
      %select_n3A_156 = arith.select %lt3A_153, %get3A_148, %broadcast_in_dim3A_155 : vector<16xi1>, vector<16xf32>
      %swap3A_157 = arith.constant 112 : index
      %swap3A_158 = tpu.vector_load %arg17[%swap3A_157] {strides = array<i32>} : memref<256xf32, #tpu.memory_space<vmem>>, vector<16xf32>,
      tpu.vector_store %arg17[%swap3A_157], %select_n3A_156 {strides = array<i32>} : memref<256xf32, #tpu.memory_space<vmem>>, vector<16xf32>,
      %lt3A_159 = arith.constant 8 : i32
      %lt3A_160 = vector.broadcast %lt3A_159 : i32 to vector<16xi32>
      %lt3A_161 = arith.cmpi slt, %iota3A, %lt3A_160 : vector<16xi32>
      %jit3A_162 = arith.constant 2147483647 : i32
      %broadcast_in_dim3A_163 = vector.broadcast %jit3A_162 : i32 to vector<16xi32>
      %select_n3A_164 = arith.select %lt3A_161, %get3A_150, %broadcast_in_dim3A_163 : vector<16xi1>, vector<16xi32>
      %swap3A_165 = arith.constant 112 : index
      %swap3A_166 = tpu.vector_load %arg18[%swap3A_165] {strides = array<i32>} : memref<256xi32, #tpu.memory_space<vmem>>, vector<16xi32>,
      tpu.vector_store %arg18[%swap3A_165], %select_n3A_164 {strides = array<i32>} : memref<256xi32, #tpu.memory_space<vmem>>, vector<16xi32>,
      %get3A_167 = arith.constant 128 : index
      %get3A_168 = tpu.vector_load %arg15[%get3A_167] {strides = array<i32>} : memref<256xf32, #tpu.memory_space<vmem>>, vector<16xf32>,
      %get3A_169 = arith.constant 128 : index
      %get3A_170 = tpu.vector_load %arg16[%get3A_169] {strides = array<i32>} : memref<256xi32, #tpu.memory_space<vmem>>, vector<16xi32>,
      %lt3A_171 = arith.constant 8 : i32
      %lt3A_172 = vector.broadcast %lt3A_171 : i32 to vector<16xi32>
      %lt3A_173 = arith.cmpi slt, %iota3A, %lt3A_172 : vector<16xi32>
      %jit3A_174 = arith.constant -3.000000e+38 : f32
      %broadcast_in_dim3A_175 = vector.broadcast %jit3A_174 : f32 to vector<16xf32>
      %select_n3A_176 = arith.select %lt3A_173, %get3A_168, %broadcast_in_dim3A_175 : vector<16xi1>, vector<16xf32>
      %swap3A_177 = arith.constant 128 : index
      %swap3A_178 = tpu.vector_load %arg17[%swap3A_177] {strides = array<i32>} : memref<256xf32, #tpu.memory_space<vmem>>, vector<16xf32>,
      tpu.vector_store %arg17[%swap3A_177], %select_n3A_176 {strides = array<i32>} : memref<256xf32, #tpu.memory_space<vmem>>, vector<16xf32>,
      %lt3A_179 = arith.constant 8 : i32
      %lt3A_180 = vector.broadcast %lt3A_179 : i32 to vector<16xi32>
      %lt3A_181 = arith.cmpi slt, %iota3A, %lt3A_180 : vector<16xi32>
      %jit3A_182 = arith.constant 2147483647 : i32
      %broadcast_in_dim3A_183 = vector.broadcast %jit3A_182 : i32 to vector<16xi32>
      %select_n3A_184 = arith.select %lt3A_181, %get3A_170, %broadcast_in_dim3A_183 : vector<16xi1>, vector<16xi32>
      %swap3A_185 = arith.constant 128 : index
      %swap3A_186 = tpu.vector_load %arg18[%swap3A_185] {strides = array<i32>} : memref<256xi32, #tpu.memory_space<vmem>>, vector<16xi32>,
      tpu.vector_store %arg18[%swap3A_185], %select_n3A_184 {strides = array<i32>} : memref<256xi32, #tpu.memory_space<vmem>>, vector<16xi32>,
      %get3A_187 = arith.constant 144 : index
      %get3A_188 = tpu.vector_load %arg15[%get3A_187] {strides = array<i32>} : memref<256xf32, #tpu.memory_space<vmem>>, vector<16xf32>,
      %get3A_189 = arith.constant 144 : index
      %get3A_190 = tpu.vector_load %arg16[%get3A_189] {strides = array<i32>} : memref<256xi32, #tpu.memory_space<vmem>>, vector<16xi32>,
      %lt3A_191 = arith.constant 8 : i32
      %lt3A_192 = vector.broadcast %lt3A_191 : i32 to vector<16xi32>
      %lt3A_193 = arith.cmpi slt, %iota3A, %lt3A_192 : vector<16xi32>
      %jit3A_194 = arith.constant -3.000000e+38 : f32
      %broadcast_in_dim3A_195 = vector.broadcast %jit3A_194 : f32 to vector<16xf32>
      %select_n3A_196 = arith.select %lt3A_193, %get3A_188, %broadcast_in_dim3A_195 : vector<16xi1>, vector<16xf32>
      %swap3A_197 = arith.constant 144 : index
      %swap3A_198 = tpu.vector_load %arg17[%swap3A_197] {strides = array<i32>} : memref<256xf32, #tpu.memory_space<vmem>>, vector<16xf32>,
      tpu.vector_store %arg17[%swap3A_197], %select_n3A_196 {strides = array<i32>} : memref<256xf32, #tpu.memory_space<vmem>>, vector<16xf32>,
      %lt3A_199 = arith.constant 8 : i32
      %lt3A_200 = vector.broadcast %lt3A_199 : i32 to vector<16xi32>
      %lt3A_201 = arith.cmpi slt, %iota3A, %lt3A_200 : vector<16xi32>
      %jit3A_202 = arith.constant 2147483647 : i32
      %broadcast_in_dim3A_203 = vector.broadcast %jit3A_202 : i32 to vector<16xi32>
      %select_n3A_204 = arith.select %lt3A_201, %get3A_190, %broadcast_in_dim3A_203 : vector<16xi1>, vector<16xi32>
      %swap3A_205 = arith.constant 144 : index
      %swap3A_206 = tpu.vector_load %arg18[%swap3A_205] {strides = array<i32>} : memref<256xi32, #tpu.memory_space<vmem>>, vector<16xi32>,
      tpu.vector_store %arg18[%swap3A_205], %select_n3A_204 {strides = array<i32>} : memref<256xi32, #tpu.memory_space<vmem>>, vector<16xi32>,
      %get3A_207 = arith.constant 160 : index
      %get3A_208 = tpu.vector_load %arg15[%get3A_207] {strides = array<i32>} : memref<256xf32, #tpu.memory_space<vmem>>, vector<16xf32>,
      %get3A_209 = arith.constant 160 : index
      %get3A_210 = tpu.vector_load %arg16[%get3A_209] {strides = array<i32>} : memref<256xi32, #tpu.memory_space<vmem>>, vector<16xi32>,
      %lt3A_211 = arith.constant 8 : i32
      %lt3A_212 = vector.broadcast %lt3A_211 : i32 to vector<16xi32>
      %lt3A_213 = arith.cmpi slt, %iota3A, %lt3A_212 : vector<16xi32>
      %jit3A_214 = arith.constant -3.000000e+38 : f32
      %broadcast_in_dim3A_215 = vector.broadcast %jit3A_214 : f32 to vector<16xf32>
      %select_n3A_216 = arith.select %lt3A_213, %get3A_208, %broadcast_in_dim3A_215 : vector<16xi1>, vector<16xf32>
      %swap3A_217 = arith.constant 160 : index
      %swap3A_218 = tpu.vector_load %arg17[%swap3A_217] {strides = array<i32>} : memref<256xf32, #tpu.memory_space<vmem>>, vector<16xf32>,
      tpu.vector_store %arg17[%swap3A_217], %select_n3A_216 {strides = array<i32>} : memref<256xf32, #tpu.memory_space<vmem>>, vector<16xf32>,
      %lt3A_219 = arith.constant 8 : i32
      %lt3A_220 = vector.broadcast %lt3A_219 : i32 to vector<16xi32>
      %lt3A_221 = arith.cmpi slt, %iota3A, %lt3A_220 : vector<16xi32>
      %jit3A_222 = arith.constant 2147483647 : i32
      %broadcast_in_dim3A_223 = vector.broadcast %jit3A_222 : i32 to vector<16xi32>
      %select_n3A_224 = arith.select %lt3A_221, %get3A_210, %broadcast_in_dim3A_223 : vector<16xi1>, vector<16xi32>
      %swap3A_225 = arith.constant 160 : index
      %swap3A_226 = tpu.vector_load %arg18[%swap3A_225] {strides = array<i32>} : memref<256xi32, #tpu.memory_space<vmem>>, vector<16xi32>,
      tpu.vector_store %arg18[%swap3A_225], %select_n3A_224 {strides = array<i32>} : memref<256xi32, #tpu.memory_space<vmem>>, vector<16xi32>,
      %get3A_227 = arith.constant 176 : index
      %get3A_228 = tpu.vector_load %arg15[%get3A_227] {strides = array<i32>} : memref<256xf32, #tpu.memory_space<vmem>>, vector<16xf32>,
      %get3A_229 = arith.constant 176 : index
      %get3A_230 = tpu.vector_load %arg16[%get3A_229] {strides = array<i32>} : memref<256xi32, #tpu.memory_space<vmem>>, vector<16xi32>,
      %lt3A_231 = arith.constant 8 : i32
      %lt3A_232 = vector.broadcast %lt3A_231 : i32 to vector<16xi32>
      %lt3A_233 = arith.cmpi slt, %iota3A, %lt3A_232 : vector<16xi32>
      %jit3A_234 = arith.constant -3.000000e+38 : f32
      %broadcast_in_dim3A_235 = vector.broadcast %jit3A_234 : f32 to vector<16xf32>
      %select_n3A_236 = arith.select %lt3A_233, %get3A_228, %broadcast_in_dim3A_235 : vector<16xi1>, vector<16xf32>
      %swap3A_237 = arith.constant 176 : index
      %swap3A_238 = tpu.vector_load %arg17[%swap3A_237] {strides = array<i32>} : memref<256xf32, #tpu.memory_space<vmem>>, vector<16xf32>,
      tpu.vector_store %arg17[%swap3A_237], %select_n3A_236 {strides = array<i32>} : memref<256xf32, #tpu.memory_space<vmem>>, vector<16xf32>,
      %lt3A_239 = arith.constant 8 : i32
      %lt3A_240 = vector.broadcast %lt3A_239 : i32 to vector<16xi32>
      %lt3A_241 = arith.cmpi slt, %iota3A, %lt3A_240 : vector<16xi32>
      %jit3A_242 = arith.constant 2147483647 : i32
      %broadcast_in_dim3A_243 = vector.broadcast %jit3A_242 : i32 to vector<16xi32>
      %select_n3A_244 = arith.select %lt3A_241, %get3A_230, %broadcast_in_dim3A_243 : vector<16xi1>, vector<16xi32>
      %swap3A_245 = arith.constant 176 : index
      %swap3A_246 = tpu.vector_load %arg18[%swap3A_245] {strides = array<i32>} : memref<256xi32, #tpu.memory_space<vmem>>, vector<16xi32>,
      tpu.vector_store %arg18[%swap3A_245], %select_n3A_244 {strides = array<i32>} : memref<256xi32, #tpu.memory_space<vmem>>, vector<16xi32>,
      %get3A_247 = arith.constant 192 : index
      %get3A_248 = tpu.vector_load %arg15[%get3A_247] {strides = array<i32>} : memref<256xf32, #tpu.memory_space<vmem>>, vector<16xf32>,
      %get3A_249 = arith.constant 192 : index
      %get3A_250 = tpu.vector_load %arg16[%get3A_249] {strides = array<i32>} : memref<256xi32, #tpu.memory_space<vmem>>, vector<16xi32>,
      %lt3A_251 = arith.constant 8 : i32
      %lt3A_252 = vector.broadcast %lt3A_251 : i32 to vector<16xi32>
      %lt3A_253 = arith.cmpi slt, %iota3A, %lt3A_252 : vector<16xi32>
      %jit3A_254 = arith.constant -3.000000e+38 : f32
      %broadcast_in_dim3A_255 = vector.broadcast %jit3A_254 : f32 to vector<16xf32>
      %select_n3A_256 = arith.select %lt3A_253, %get3A_248, %broadcast_in_dim3A_255 : vector<16xi1>, vector<16xf32>
      %swap3A_257 = arith.constant 192 : index
      %swap3A_258 = tpu.vector_load %arg17[%swap3A_257] {strides = array<i32>} : memref<256xf32, #tpu.memory_space<vmem>>, vector<16xf32>,
      tpu.vector_store %arg17[%swap3A_257], %select_n3A_256 {strides = array<i32>} : memref<256xf32, #tpu.memory_space<vmem>>, vector<16xf32>,
      %lt3A_259 = arith.constant 8 : i32
      %lt3A_260 = vector.broadcast %lt3A_259 : i32 to vector<16xi32>
      %lt3A_261 = arith.cmpi slt, %iota3A, %lt3A_260 : vector<16xi32>
      %jit3A_262 = arith.constant 2147483647 : i32
      %broadcast_in_dim3A_263 = vector.broadcast %jit3A_262 : i32 to vector<16xi32>
      %select_n3A_264 = arith.select %lt3A_261, %get3A_250, %broadcast_in_dim3A_263 : vector<16xi1>, vector<16xi32>
      %swap3A_265 = arith.constant 192 : index
      %swap3A_266 = tpu.vector_load %arg18[%swap3A_265] {strides = array<i32>} : memref<256xi32, #tpu.memory_space<vmem>>, vector<16xi32>,
      tpu.vector_store %arg18[%swap3A_265], %select_n3A_264 {strides = array<i32>} : memref<256xi32, #tpu.memory_space<vmem>>, vector<16xi32>,
      %get3A_267 = arith.constant 208 : index
      %get3A_268 = tpu.vector_load %arg15[%get3A_267] {strides = array<i32>} : memref<256xf32, #tpu.memory_space<vmem>>, vector<16xf32>,
      %get3A_269 = arith.constant 208 : index
      %get3A_270 = tpu.vector_load %arg16[%get3A_269] {strides = array<i32>} : memref<256xi32, #tpu.memory_space<vmem>>, vector<16xi32>,
      %lt3A_271 = arith.constant 8 : i32
      %lt3A_272 = vector.broadcast %lt3A_271 : i32 to vector<16xi32>
      %lt3A_273 = arith.cmpi slt, %iota3A, %lt3A_272 : vector<16xi32>
      %jit3A_274 = arith.constant -3.000000e+38 : f32
      %broadcast_in_dim3A_275 = vector.broadcast %jit3A_274 : f32 to vector<16xf32>
      %select_n3A_276 = arith.select %lt3A_273, %get3A_268, %broadcast_in_dim3A_275 : vector<16xi1>, vector<16xf32>
      %swap3A_277 = arith.constant 208 : index
      %swap3A_278 = tpu.vector_load %arg17[%swap3A_277] {strides = array<i32>} : memref<256xf32, #tpu.memory_space<vmem>>, vector<16xf32>,
      tpu.vector_store %arg17[%swap3A_277], %select_n3A_276 {strides = array<i32>} : memref<256xf32, #tpu.memory_space<vmem>>, vector<16xf32>,
      %lt3A_279 = arith.constant 8 : i32
      %lt3A_280 = vector.broadcast %lt3A_279 : i32 to vector<16xi32>
      %lt3A_281 = arith.cmpi slt, %iota3A, %lt3A_280 : vector<16xi32>
      %jit3A_282 = arith.constant 2147483647 : i32
      %broadcast_in_dim3A_283 = vector.broadcast %jit3A_282 : i32 to vector<16xi32>
      %select_n3A_284 = arith.select %lt3A_281, %get3A_270, %broadcast_in_dim3A_283 : vector<16xi1>, vector<16xi32>
      %swap3A_285 = arith.constant 208 : index
      %swap3A_286 = tpu.vector_load %arg18[%swap3A_285] {strides = array<i32>} : memref<256xi32, #tpu.memory_space<vmem>>, vector<16xi32>,
      tpu.vector_store %arg18[%swap3A_285], %select_n3A_284 {strides = array<i32>} : memref<256xi32, #tpu.memory_space<vmem>>, vector<16xi32>,
      %get3A_287 = arith.constant 224 : index
      %get3A_288 = tpu.vector_load %arg15[%get3A_287] {strides = array<i32>} : memref<256xf32, #tpu.memory_space<vmem>>, vector<16xf32>,
      %get3A_289 = arith.constant 224 : index
      %get3A_290 = tpu.vector_load %arg16[%get3A_289] {strides = array<i32>} : memref<256xi32, #tpu.memory_space<vmem>>, vector<16xi32>,
      %lt3A_291 = arith.constant 8 : i32
      %lt3A_292 = vector.broadcast %lt3A_291 : i32 to vector<16xi32>
      %lt3A_293 = arith.cmpi slt, %iota3A, %lt3A_292 : vector<16xi32>
      %jit3A_294 = arith.constant -3.000000e+38 : f32
      %broadcast_in_dim3A_295 = vector.broadcast %jit3A_294 : f32 to vector<16xf32>
      %select_n3A_296 = arith.select %lt3A_293, %get3A_288, %broadcast_in_dim3A_295 : vector<16xi1>, vector<16xf32>
      %swap3A_297 = arith.constant 224 : index
      %swap3A_298 = tpu.vector_load %arg17[%swap3A_297] {strides = array<i32>} : memref<256xf32, #tpu.memory_space<vmem>>, vector<16xf32>,
      tpu.vector_store %arg17[%swap3A_297], %select_n3A_296 {strides = array<i32>} : memref<256xf32, #tpu.memory_space<vmem>>, vector<16xf32>,
      %lt3A_299 = arith.constant 8 : i32
      %lt3A_300 = vector.broadcast %lt3A_299 : i32 to vector<16xi32>
      %lt3A_301 = arith.cmpi slt, %iota3A, %lt3A_300 : vector<16xi32>
      %jit3A_302 = arith.constant 2147483647 : i32
      %broadcast_in_dim3A_303 = vector.broadcast %jit3A_302 : i32 to vector<16xi32>
      %select_n3A_304 = arith.select %lt3A_301, %get3A_290, %broadcast_in_dim3A_303 : vector<16xi1>, vector<16xi32>
      %swap3A_305 = arith.constant 224 : index
      %swap3A_306 = tpu.vector_load %arg18[%swap3A_305] {strides = array<i32>} : memref<256xi32, #tpu.memory_space<vmem>>, vector<16xi32>,
      tpu.vector_store %arg18[%swap3A_305], %select_n3A_304 {strides = array<i32>} : memref<256xi32, #tpu.memory_space<vmem>>, vector<16xi32>,
      %get3A_307 = arith.constant 240 : index
      %get3A_308 = tpu.vector_load %arg15[%get3A_307] {strides = array<i32>} : memref<256xf32, #tpu.memory_space<vmem>>, vector<16xf32>,
      %get3A_309 = arith.constant 240 : index
      %get3A_310 = tpu.vector_load %arg16[%get3A_309] {strides = array<i32>} : memref<256xi32, #tpu.memory_space<vmem>>, vector<16xi32>,
      %lt3A_311 = arith.constant 8 : i32
      %lt3A_312 = vector.broadcast %lt3A_311 : i32 to vector<16xi32>
      %lt3A_313 = arith.cmpi slt, %iota3A, %lt3A_312 : vector<16xi32>
      %jit3A_314 = arith.constant -3.000000e+38 : f32
      %broadcast_in_dim3A_315 = vector.broadcast %jit3A_314 : f32 to vector<16xf32>
      %select_n3A_316 = arith.select %lt3A_313, %get3A_308, %broadcast_in_dim3A_315 : vector<16xi1>, vector<16xf32>
      %swap3A_317 = arith.constant 240 : index
      %swap3A_318 = tpu.vector_load %arg17[%swap3A_317] {strides = array<i32>} : memref<256xf32, #tpu.memory_space<vmem>>, vector<16xf32>,
      tpu.vector_store %arg17[%swap3A_317], %select_n3A_316 {strides = array<i32>} : memref<256xf32, #tpu.memory_space<vmem>>, vector<16xf32>,
      %lt3A_319 = arith.constant 8 : i32
      %lt3A_320 = vector.broadcast %lt3A_319 : i32 to vector<16xi32>
      %lt3A_321 = arith.cmpi slt, %iota3A, %lt3A_320 : vector<16xi32>
      %jit3A_322 = arith.constant 2147483647 : i32
      %broadcast_in_dim3A_323 = vector.broadcast %jit3A_322 : i32 to vector<16xi32>
      %select_n3A_324 = arith.select %lt3A_321, %get3A_310, %broadcast_in_dim3A_323 : vector<16xi1>, vector<16xi32>
      %swap3A_325 = arith.constant 240 : index
      %swap3A_326 = tpu.vector_load %arg18[%swap3A_325] {strides = array<i32>} : memref<256xi32, #tpu.memory_space<vmem>>, vector<16xi32>,
      tpu.vector_store %arg18[%swap3A_325], %select_n3A_324 {strides = array<i32>} : memref<256xi32, #tpu.memory_space<vmem>>, vector<16xi32>,
      %iota3A_327 = tpu.iota {dimensions = array<i32: 0>} : vector<16xi32>
      %scan3A = arith.constant 0 : i32
      %scan3A_328 = arith.constant 8 : i32
      %scan3A_329 = arith.addi %scan3A, %scan3A_328 : i32
      %scan3A_330 = arith.constant 1 : i32
      %scan3A_331:2 = scf.for %scan3A_676 = %scan3A to %scan3A_329 step %scan3A_330 iter_args(%scan3A_677 = %broadcast_in_dim3A_0, %scan3A_678 = %broadcast_in_dim3A_2) -> (vector<16xf32>, vector<16xi32>)  : i32 {
        %get3A_679 = arith.constant 0 : index
        %get3A_680 = tpu.vector_load %arg17[%get3A_679] {strides = array<i32>} : memref<256xf32, #tpu.memory_space<vmem>>, vector<16xf32>,
        %get3A_681 = arith.constant 16 : index
        %get3A_682 = tpu.vector_load %arg17[%get3A_681] {strides = array<i32>} : memref<256xf32, #tpu.memory_space<vmem>>, vector<16xf32>,
        %get3A_683 = arith.constant 32 : index
        %get3A_684 = tpu.vector_load %arg17[%get3A_683] {strides = array<i32>} : memref<256xf32, #tpu.memory_space<vmem>>, vector<16xf32>,
        %get3A_685 = arith.constant 48 : index
        %get3A_686 = tpu.vector_load %arg17[%get3A_685] {strides = array<i32>} : memref<256xf32, #tpu.memory_space<vmem>>, vector<16xf32>,
        %get3A_687 = arith.constant 64 : index
        %get3A_688 = tpu.vector_load %arg17[%get3A_687] {strides = array<i32>} : memref<256xf32, #tpu.memory_space<vmem>>, vector<16xf32>,
        %get3A_689 = arith.constant 80 : index
        %get3A_690 = tpu.vector_load %arg17[%get3A_689] {strides = array<i32>} : memref<256xf32, #tpu.memory_space<vmem>>, vector<16xf32>,
        %get3A_691 = arith.constant 96 : index
        %get3A_692 = tpu.vector_load %arg17[%get3A_691] {strides = array<i32>} : memref<256xf32, #tpu.memory_space<vmem>>, vector<16xf32>,
        %get3A_693 = arith.constant 112 : index
        %get3A_694 = tpu.vector_load %arg17[%get3A_693] {strides = array<i32>} : memref<256xf32, #tpu.memory_space<vmem>>, vector<16xf32>,
        %get3A_695 = arith.constant 128 : index
        %get3A_696 = tpu.vector_load %arg17[%get3A_695] {strides = array<i32>} : memref<256xf32, #tpu.memory_space<vmem>>, vector<16xf32>,
        %get3A_697 = arith.constant 144 : index
        %get3A_698 = tpu.vector_load %arg17[%get3A_697] {strides = array<i32>} : memref<256xf32, #tpu.memory_space<vmem>>, vector<16xf32>,
        %get3A_699 = arith.constant 160 : index
        %get3A_700 = tpu.vector_load %arg17[%get3A_699] {strides = array<i32>} : memref<256xf32, #tpu.memory_space<vmem>>, vector<16xf32>,
        %get3A_701 = arith.constant 176 : index
        %get3A_702 = tpu.vector_load %arg17[%get3A_701] {strides = array<i32>} : memref<256xf32, #tpu.memory_space<vmem>>, vector<16xf32>,
        %get3A_703 = arith.constant 192 : index
        %get3A_704 = tpu.vector_load %arg17[%get3A_703] {strides = array<i32>} : memref<256xf32, #tpu.memory_space<vmem>>, vector<16xf32>,
        %get3A_705 = arith.constant 208 : index
        %get3A_706 = tpu.vector_load %arg17[%get3A_705] {strides = array<i32>} : memref<256xf32, #tpu.memory_space<vmem>>, vector<16xf32>,
        %get3A_707 = arith.constant 224 : index
        %get3A_708 = tpu.vector_load %arg17[%get3A_707] {strides = array<i32>} : memref<256xf32, #tpu.memory_space<vmem>>, vector<16xf32>,
        %get3A_709 = arith.constant 240 : index
        %get3A_710 = tpu.vector_load %arg17[%get3A_709] {strides = array<i32>} : memref<256xf32, #tpu.memory_space<vmem>>, vector<16xf32>,
        %get3A_711 = arith.constant 0 : index
        %get3A_712 = tpu.vector_load %arg18[%get3A_711] {strides = array<i32>} : memref<256xi32, #tpu.memory_space<vmem>>, vector<16xi32>,
        %get3A_713 = arith.constant 16 : index
        %get3A_714 = tpu.vector_load %arg18[%get3A_713] {strides = array<i32>} : memref<256xi32, #tpu.memory_space<vmem>>, vector<16xi32>,
        %get3A_715 = arith.constant 32 : index
        %get3A_716 = tpu.vector_load %arg18[%get3A_715] {strides = array<i32>} : memref<256xi32, #tpu.memory_space<vmem>>, vector<16xi32>,
        %get3A_717 = arith.constant 48 : index
        %get3A_718 = tpu.vector_load %arg18[%get3A_717] {strides = array<i32>} : memref<256xi32, #tpu.memory_space<vmem>>, vector<16xi32>,
        %get3A_719 = arith.constant 64 : index
        %get3A_720 = tpu.vector_load %arg18[%get3A_719] {strides = array<i32>} : memref<256xi32, #tpu.memory_space<vmem>>, vector<16xi32>,
        %get3A_721 = arith.constant 80 : index
        %get3A_722 = tpu.vector_load %arg18[%get3A_721] {strides = array<i32>} : memref<256xi32, #tpu.memory_space<vmem>>, vector<16xi32>,
        %get3A_723 = arith.constant 96 : index
        %get3A_724 = tpu.vector_load %arg18[%get3A_723] {strides = array<i32>} : memref<256xi32, #tpu.memory_space<vmem>>, vector<16xi32>,
        %get3A_725 = arith.constant 112 : index
        %get3A_726 = tpu.vector_load %arg18[%get3A_725] {strides = array<i32>} : memref<256xi32, #tpu.memory_space<vmem>>, vector<16xi32>,
        %get3A_727 = arith.constant 128 : index
        %get3A_728 = tpu.vector_load %arg18[%get3A_727] {strides = array<i32>} : memref<256xi32, #tpu.memory_space<vmem>>, vector<16xi32>,
        %get3A_729 = arith.constant 144 : index
        %get3A_730 = tpu.vector_load %arg18[%get3A_729] {strides = array<i32>} : memref<256xi32, #tpu.memory_space<vmem>>, vector<16xi32>,
        %get3A_731 = arith.constant 160 : index
        %get3A_732 = tpu.vector_load %arg18[%get3A_731] {strides = array<i32>} : memref<256xi32, #tpu.memory_space<vmem>>, vector<16xi32>,
        %get3A_733 = arith.constant 176 : index
        %get3A_734 = tpu.vector_load %arg18[%get3A_733] {strides = array<i32>} : memref<256xi32, #tpu.memory_space<vmem>>, vector<16xi32>,
        %get3A_735 = arith.constant 192 : index
        %get3A_736 = tpu.vector_load %arg18[%get3A_735] {strides = array<i32>} : memref<256xi32, #tpu.memory_space<vmem>>, vector<16xi32>,
        %get3A_737 = arith.constant 208 : index
        %get3A_738 = tpu.vector_load %arg18[%get3A_737] {strides = array<i32>} : memref<256xi32, #tpu.memory_space<vmem>>, vector<16xi32>,
        %get3A_739 = arith.constant 224 : index
        %get3A_740 = tpu.vector_load %arg18[%get3A_739] {strides = array<i32>} : memref<256xi32, #tpu.memory_space<vmem>>, vector<16xi32>,
        %get3A_741 = arith.constant 240 : index
        %get3A_742 = tpu.vector_load %arg18[%get3A_741] {strides = array<i32>} : memref<256xi32, #tpu.memory_space<vmem>>, vector<16xi32>,
        %max3A_743 = arith.maximumf %get3A_680, %get3A_682 : vector<16xf32>
        %max3A_744 = arith.maximumf %max3A_743, %get3A_684 : vector<16xf32>
        %max3A_745 = arith.maximumf %max3A_744, %get3A_686 : vector<16xf32>
        %max3A_746 = arith.maximumf %max3A_745, %get3A_688 : vector<16xf32>
        %max3A_747 = arith.maximumf %max3A_746, %get3A_690 : vector<16xf32>
        %max3A_748 = arith.maximumf %max3A_747, %get3A_692 : vector<16xf32>
        %max3A_749 = arith.maximumf %max3A_748, %get3A_694 : vector<16xf32>
        %max3A_750 = arith.maximumf %max3A_749, %get3A_696 : vector<16xf32>
        %max3A_751 = arith.maximumf %max3A_750, %get3A_698 : vector<16xf32>
        %max3A_752 = arith.maximumf %max3A_751, %get3A_700 : vector<16xf32>
        %max3A_753 = arith.maximumf %max3A_752, %get3A_702 : vector<16xf32>
        %max3A_754 = arith.maximumf %max3A_753, %get3A_704 : vector<16xf32>
        %max3A_755 = arith.maximumf %max3A_754, %get3A_706 : vector<16xf32>
        %max3A_756 = arith.maximumf %max3A_755, %get3A_708 : vector<16xf32>
        %max3A_757 = arith.maximumf %max3A_756, %get3A_710 : vector<16xf32>
        %reduce_max3A = arith.constant true
        %reduce_max3A_758 = vector.broadcast %reduce_max3A : i1 to vector<16xi1>
        %reduce_max3A_759 = tpu.scan <max>, %max3A_757 masked %reduce_max3A_758 : vector<16xf32>, vector<16xi1> -> vector<16xf32>
        %reduce_max3A_760 = vector.extract %reduce_max3A_759[15] : f32 from vector<16xf32>
        %broadcast_in_dim3A_761 = arith.constant 2147483647 : i32
        %broadcast_in_dim3A_762 = vector.broadcast %broadcast_in_dim3A_761 : i32 to vector<16xi32>
        %eq3A_763 = vector.broadcast %reduce_max3A_760 : f32 to vector<16xf32>
        %eq3A_764 = arith.cmpf oeq, %get3A_680, %eq3A_763 : vector<16xf32>
        %jit3A_765 = arith.constant 2147483647 : i32
        %broadcast_in_dim3A_766 = vector.broadcast %jit3A_765 : i32 to vector<16xi32>
        %select_n3A_767 = arith.select %eq3A_764, %get3A_712, %broadcast_in_dim3A_766 : vector<16xi1>, vector<16xi32>
        %min3A_768 = arith.minsi %broadcast_in_dim3A_762, %select_n3A_767 : vector<16xi32>
        %eq3A_769 = vector.broadcast %reduce_max3A_760 : f32 to vector<16xf32>
        %eq3A_770 = arith.cmpf oeq, %get3A_682, %eq3A_769 : vector<16xf32>
        %jit3A_771 = arith.constant 2147483647 : i32
        %broadcast_in_dim3A_772 = vector.broadcast %jit3A_771 : i32 to vector<16xi32>
        %select_n3A_773 = arith.select %eq3A_770, %get3A_714, %broadcast_in_dim3A_772 : vector<16xi1>, vector<16xi32>
        %min3A_774 = arith.minsi %min3A_768, %select_n3A_773 : vector<16xi32>
        %eq3A_775 = vector.broadcast %reduce_max3A_760 : f32 to vector<16xf32>
        %eq3A_776 = arith.cmpf oeq, %get3A_684, %eq3A_775 : vector<16xf32>
        %jit3A_777 = arith.constant 2147483647 : i32
        %broadcast_in_dim3A_778 = vector.broadcast %jit3A_777 : i32 to vector<16xi32>
        %select_n3A_779 = arith.select %eq3A_776, %get3A_716, %broadcast_in_dim3A_778 : vector<16xi1>, vector<16xi32>
        %min3A_780 = arith.minsi %min3A_774, %select_n3A_779 : vector<16xi32>
        %eq3A_781 = vector.broadcast %reduce_max3A_760 : f32 to vector<16xf32>
        %eq3A_782 = arith.cmpf oeq, %get3A_686, %eq3A_781 : vector<16xf32>
        %jit3A_783 = arith.constant 2147483647 : i32
        %broadcast_in_dim3A_784 = vector.broadcast %jit3A_783 : i32 to vector<16xi32>
        %select_n3A_785 = arith.select %eq3A_782, %get3A_718, %broadcast_in_dim3A_784 : vector<16xi1>, vector<16xi32>
        %min3A_786 = arith.minsi %min3A_780, %select_n3A_785 : vector<16xi32>
        %eq3A_787 = vector.broadcast %reduce_max3A_760 : f32 to vector<16xf32>
        %eq3A_788 = arith.cmpf oeq, %get3A_688, %eq3A_787 : vector<16xf32>
        %jit3A_789 = arith.constant 2147483647 : i32
        %broadcast_in_dim3A_790 = vector.broadcast %jit3A_789 : i32 to vector<16xi32>
        %select_n3A_791 = arith.select %eq3A_788, %get3A_720, %broadcast_in_dim3A_790 : vector<16xi1>, vector<16xi32>
        %min3A_792 = arith.minsi %min3A_786, %select_n3A_791 : vector<16xi32>
        %eq3A_793 = vector.broadcast %reduce_max3A_760 : f32 to vector<16xf32>
        %eq3A_794 = arith.cmpf oeq, %get3A_690, %eq3A_793 : vector<16xf32>
        %jit3A_795 = arith.constant 2147483647 : i32
        %broadcast_in_dim3A_796 = vector.broadcast %jit3A_795 : i32 to vector<16xi32>
        %select_n3A_797 = arith.select %eq3A_794, %get3A_722, %broadcast_in_dim3A_796 : vector<16xi1>, vector<16xi32>
        %min3A_798 = arith.minsi %min3A_792, %select_n3A_797 : vector<16xi32>
        %eq3A_799 = vector.broadcast %reduce_max3A_760 : f32 to vector<16xf32>
        %eq3A_800 = arith.cmpf oeq, %get3A_692, %eq3A_799 : vector<16xf32>
        %jit3A_801 = arith.constant 2147483647 : i32
        %broadcast_in_dim3A_802 = vector.broadcast %jit3A_801 : i32 to vector<16xi32>
        %select_n3A_803 = arith.select %eq3A_800, %get3A_724, %broadcast_in_dim3A_802 : vector<16xi1>, vector<16xi32>
        %min3A_804 = arith.minsi %min3A_798, %select_n3A_803 : vector<16xi32>
        %eq3A_805 = vector.broadcast %reduce_max3A_760 : f32 to vector<16xf32>
        %eq3A_806 = arith.cmpf oeq, %get3A_694, %eq3A_805 : vector<16xf32>
        %jit3A_807 = arith.constant 2147483647 : i32
        %broadcast_in_dim3A_808 = vector.broadcast %jit3A_807 : i32 to vector<16xi32>
        %select_n3A_809 = arith.select %eq3A_806, %get3A_726, %broadcast_in_dim3A_808 : vector<16xi1>, vector<16xi32>
        %min3A_810 = arith.minsi %min3A_804, %select_n3A_809 : vector<16xi32>
        %eq3A_811 = vector.broadcast %reduce_max3A_760 : f32 to vector<16xf32>
        %eq3A_812 = arith.cmpf oeq, %get3A_696, %eq3A_811 : vector<16xf32>
        %jit3A_813 = arith.constant 2147483647 : i32
        %broadcast_in_dim3A_814 = vector.broadcast %jit3A_813 : i32 to vector<16xi32>
        %select_n3A_815 = arith.select %eq3A_812, %get3A_728, %broadcast_in_dim3A_814 : vector<16xi1>, vector<16xi32>
        %min3A_816 = arith.minsi %min3A_810, %select_n3A_815 : vector<16xi32>
        %eq3A_817 = vector.broadcast %reduce_max3A_760 : f32 to vector<16xf32>
        %eq3A_818 = arith.cmpf oeq, %get3A_698, %eq3A_817 : vector<16xf32>
        %jit3A_819 = arith.constant 2147483647 : i32
        %broadcast_in_dim3A_820 = vector.broadcast %jit3A_819 : i32 to vector<16xi32>
        %select_n3A_821 = arith.select %eq3A_818, %get3A_730, %broadcast_in_dim3A_820 : vector<16xi1>, vector<16xi32>
        %min3A_822 = arith.minsi %min3A_816, %select_n3A_821 : vector<16xi32>
        %eq3A_823 = vector.broadcast %reduce_max3A_760 : f32 to vector<16xf32>
        %eq3A_824 = arith.cmpf oeq, %get3A_700, %eq3A_823 : vector<16xf32>
        %jit3A_825 = arith.constant 2147483647 : i32
        %broadcast_in_dim3A_826 = vector.broadcast %jit3A_825 : i32 to vector<16xi32>
        %select_n3A_827 = arith.select %eq3A_824, %get3A_732, %broadcast_in_dim3A_826 : vector<16xi1>, vector<16xi32>
        %min3A_828 = arith.minsi %min3A_822, %select_n3A_827 : vector<16xi32>
        %eq3A_829 = vector.broadcast %reduce_max3A_760 : f32 to vector<16xf32>
        %eq3A_830 = arith.cmpf oeq, %get3A_702, %eq3A_829 : vector<16xf32>
        %jit3A_831 = arith.constant 2147483647 : i32
        %broadcast_in_dim3A_832 = vector.broadcast %jit3A_831 : i32 to vector<16xi32>
        %select_n3A_833 = arith.select %eq3A_830, %get3A_734, %broadcast_in_dim3A_832 : vector<16xi1>, vector<16xi32>
        %min3A_834 = arith.minsi %min3A_828, %select_n3A_833 : vector<16xi32>
        %eq3A_835 = vector.broadcast %reduce_max3A_760 : f32 to vector<16xf32>
        %eq3A_836 = arith.cmpf oeq, %get3A_704, %eq3A_835 : vector<16xf32>
        %jit3A_837 = arith.constant 2147483647 : i32
        %broadcast_in_dim3A_838 = vector.broadcast %jit3A_837 : i32 to vector<16xi32>
        %select_n3A_839 = arith.select %eq3A_836, %get3A_736, %broadcast_in_dim3A_838 : vector<16xi1>, vector<16xi32>
        %min3A_840 = arith.minsi %min3A_834, %select_n3A_839 : vector<16xi32>
        %eq3A_841 = vector.broadcast %reduce_max3A_760 : f32 to vector<16xf32>
        %eq3A_842 = arith.cmpf oeq, %get3A_706, %eq3A_841 : vector<16xf32>
        %jit3A_843 = arith.constant 2147483647 : i32
        %broadcast_in_dim3A_844 = vector.broadcast %jit3A_843 : i32 to vector<16xi32>
        %select_n3A_845 = arith.select %eq3A_842, %get3A_738, %broadcast_in_dim3A_844 : vector<16xi1>, vector<16xi32>
        %min3A_846 = arith.minsi %min3A_840, %select_n3A_845 : vector<16xi32>
        %eq3A_847 = vector.broadcast %reduce_max3A_760 : f32 to vector<16xf32>
        %eq3A_848 = arith.cmpf oeq, %get3A_708, %eq3A_847 : vector<16xf32>
        %jit3A_849 = arith.constant 2147483647 : i32
        %broadcast_in_dim3A_850 = vector.broadcast %jit3A_849 : i32 to vector<16xi32>
        %select_n3A_851 = arith.select %eq3A_848, %get3A_740, %broadcast_in_dim3A_850 : vector<16xi1>, vector<16xi32>
        %min3A_852 = arith.minsi %min3A_846, %select_n3A_851 : vector<16xi32>
        %eq3A_853 = vector.broadcast %reduce_max3A_760 : f32 to vector<16xf32>
        %eq3A_854 = arith.cmpf oeq, %get3A_710, %eq3A_853 : vector<16xf32>
        %jit3A_855 = arith.constant 2147483647 : i32
        %broadcast_in_dim3A_856 = vector.broadcast %jit3A_855 : i32 to vector<16xi32>
        %select_n3A_857 = arith.select %eq3A_854, %get3A_742, %broadcast_in_dim3A_856 : vector<16xi1>, vector<16xi32>
        %min3A_858 = arith.minsi %min3A_852, %select_n3A_857 : vector<16xi32>
        %reduce_min3A = arith.constant true
        %reduce_min3A_859 = vector.broadcast %reduce_min3A : i1 to vector<16xi1>
        %reduce_min3A_860 = arith.constant -2147483648 : i32
        %reduce_min3A_861 = vector.broadcast %reduce_min3A_860 : i32 to vector<16xi32>
        %reduce_min3A_862 = arith.xori %min3A_858, %reduce_min3A_861 : vector<16xi32>
        %reduce_min3A_863 = tpu.scan <min>, %reduce_min3A_862 masked %reduce_min3A_859 : vector<16xi32>, vector<16xi1> -> vector<16xi32>
        %reduce_min3A_864 = arith.xori %reduce_min3A_863, %reduce_min3A_861 : vector<16xi32>
        %reduce_min3A_865 = vector.extract %reduce_min3A_864[15] : i32 from vector<16xi32>
        %add3A_866 = arith.constant 0 : i32
        %add3A_867 = arith.addi %scan3A_676, %add3A_866 : i32
        %eq3A_868 = vector.broadcast %add3A_867 : i32 to vector<16xi32>
        %eq3A_869 = arith.cmpi eq, %iota3A_327, %eq3A_868 : vector<16xi32>
        %broadcast_in_dim3A_870 = vector.broadcast %reduce_max3A_760 : f32 to vector<16xf32>
        %select_n3A_871 = arith.select %eq3A_869, %broadcast_in_dim3A_870, %scan3A_677 : vector<16xi1>, vector<16xf32>
        %add3A_872 = arith.constant 0 : i32
        %add3A_873 = arith.addi %scan3A_676, %add3A_872 : i32
        %eq3A_874 = vector.broadcast %add3A_873 : i32 to vector<16xi32>
        %eq3A_875 = arith.cmpi eq, %iota3A_327, %eq3A_874 : vector<16xi32>
        %broadcast_in_dim3A_876 = vector.broadcast %reduce_min3A_865 : i32 to vector<16xi32>
        %select_n3A_877 = arith.select %eq3A_875, %broadcast_in_dim3A_876, %scan3A_678 : vector<16xi1>, vector<16xi32>
        %eq3A_878 = vector.broadcast %reduce_min3A_865 : i32 to vector<16xi32>
        %eq3A_879 = arith.cmpi eq, %get3A_712, %eq3A_878 : vector<16xi32>
        %jit3A_880 = arith.constant -3.000000e+38 : f32
        %broadcast_in_dim3A_881 = vector.broadcast %jit3A_880 : f32 to vector<16xf32>
        %select_n3A_882 = arith.select %eq3A_879, %broadcast_in_dim3A_881, %get3A_680 : vector<16xi1>, vector<16xf32>
        %swap3A_883 = arith.constant 0 : index
        %swap3A_884 = tpu.vector_load %arg17[%swap3A_883] {strides = array<i32>} : memref<256xf32, #tpu.memory_space<vmem>>, vector<16xf32>,
        tpu.vector_store %arg17[%swap3A_883], %select_n3A_882 {strides = array<i32>} : memref<256xf32, #tpu.memory_space<vmem>>, vector<16xf32>,
        %eq3A_885 = vector.broadcast %reduce_min3A_865 : i32 to vector<16xi32>
        %eq3A_886 = arith.cmpi eq, %get3A_714, %eq3A_885 : vector<16xi32>
        %jit3A_887 = arith.constant -3.000000e+38 : f32
        %broadcast_in_dim3A_888 = vector.broadcast %jit3A_887 : f32 to vector<16xf32>
        %select_n3A_889 = arith.select %eq3A_886, %broadcast_in_dim3A_888, %get3A_682 : vector<16xi1>, vector<16xf32>
        %swap3A_890 = arith.constant 16 : index
        %swap3A_891 = tpu.vector_load %arg17[%swap3A_890] {strides = array<i32>} : memref<256xf32, #tpu.memory_space<vmem>>, vector<16xf32>,
        tpu.vector_store %arg17[%swap3A_890], %select_n3A_889 {strides = array<i32>} : memref<256xf32, #tpu.memory_space<vmem>>, vector<16xf32>,
        %eq3A_892 = vector.broadcast %reduce_min3A_865 : i32 to vector<16xi32>
        %eq3A_893 = arith.cmpi eq, %get3A_716, %eq3A_892 : vector<16xi32>
        %jit3A_894 = arith.constant -3.000000e+38 : f32
        %broadcast_in_dim3A_895 = vector.broadcast %jit3A_894 : f32 to vector<16xf32>
        %select_n3A_896 = arith.select %eq3A_893, %broadcast_in_dim3A_895, %get3A_684 : vector<16xi1>, vector<16xf32>
        %swap3A_897 = arith.constant 32 : index
        %swap3A_898 = tpu.vector_load %arg17[%swap3A_897] {strides = array<i32>} : memref<256xf32, #tpu.memory_space<vmem>>, vector<16xf32>,
        tpu.vector_store %arg17[%swap3A_897], %select_n3A_896 {strides = array<i32>} : memref<256xf32, #tpu.memory_space<vmem>>, vector<16xf32>,
        %eq3A_899 = vector.broadcast %reduce_min3A_865 : i32 to vector<16xi32>
        %eq3A_900 = arith.cmpi eq, %get3A_718, %eq3A_899 : vector<16xi32>
        %jit3A_901 = arith.constant -3.000000e+38 : f32
        %broadcast_in_dim3A_902 = vector.broadcast %jit3A_901 : f32 to vector<16xf32>
        %select_n3A_903 = arith.select %eq3A_900, %broadcast_in_dim3A_902, %get3A_686 : vector<16xi1>, vector<16xf32>
        %swap3A_904 = arith.constant 48 : index
        %swap3A_905 = tpu.vector_load %arg17[%swap3A_904] {strides = array<i32>} : memref<256xf32, #tpu.memory_space<vmem>>, vector<16xf32>,
        tpu.vector_store %arg17[%swap3A_904], %select_n3A_903 {strides = array<i32>} : memref<256xf32, #tpu.memory_space<vmem>>, vector<16xf32>,
        %eq3A_906 = vector.broadcast %reduce_min3A_865 : i32 to vector<16xi32>
        %eq3A_907 = arith.cmpi eq, %get3A_720, %eq3A_906 : vector<16xi32>
        %jit3A_908 = arith.constant -3.000000e+38 : f32
        %broadcast_in_dim3A_909 = vector.broadcast %jit3A_908 : f32 to vector<16xf32>
        %select_n3A_910 = arith.select %eq3A_907, %broadcast_in_dim3A_909, %get3A_688 : vector<16xi1>, vector<16xf32>
        %swap3A_911 = arith.constant 64 : index
        %swap3A_912 = tpu.vector_load %arg17[%swap3A_911] {strides = array<i32>} : memref<256xf32, #tpu.memory_space<vmem>>, vector<16xf32>,
        tpu.vector_store %arg17[%swap3A_911], %select_n3A_910 {strides = array<i32>} : memref<256xf32, #tpu.memory_space<vmem>>, vector<16xf32>,
        %eq3A_913 = vector.broadcast %reduce_min3A_865 : i32 to vector<16xi32>
        %eq3A_914 = arith.cmpi eq, %get3A_722, %eq3A_913 : vector<16xi32>
        %jit3A_915 = arith.constant -3.000000e+38 : f32
        %broadcast_in_dim3A_916 = vector.broadcast %jit3A_915 : f32 to vector<16xf32>
        %select_n3A_917 = arith.select %eq3A_914, %broadcast_in_dim3A_916, %get3A_690 : vector<16xi1>, vector<16xf32>
        %swap3A_918 = arith.constant 80 : index
        %swap3A_919 = tpu.vector_load %arg17[%swap3A_918] {strides = array<i32>} : memref<256xf32, #tpu.memory_space<vmem>>, vector<16xf32>,
        tpu.vector_store %arg17[%swap3A_918], %select_n3A_917 {strides = array<i32>} : memref<256xf32, #tpu.memory_space<vmem>>, vector<16xf32>,
        %eq3A_920 = vector.broadcast %reduce_min3A_865 : i32 to vector<16xi32>
        %eq3A_921 = arith.cmpi eq, %get3A_724, %eq3A_920 : vector<16xi32>
        %jit3A_922 = arith.constant -3.000000e+38 : f32
        %broadcast_in_dim3A_923 = vector.broadcast %jit3A_922 : f32 to vector<16xf32>
        %select_n3A_924 = arith.select %eq3A_921, %broadcast_in_dim3A_923, %get3A_692 : vector<16xi1>, vector<16xf32>
        %swap3A_925 = arith.constant 96 : index
        %swap3A_926 = tpu.vector_load %arg17[%swap3A_925] {strides = array<i32>} : memref<256xf32, #tpu.memory_space<vmem>>, vector<16xf32>,
        tpu.vector_store %arg17[%swap3A_925], %select_n3A_924 {strides = array<i32>} : memref<256xf32, #tpu.memory_space<vmem>>, vector<16xf32>,
        %eq3A_927 = vector.broadcast %reduce_min3A_865 : i32 to vector<16xi32>
        %eq3A_928 = arith.cmpi eq, %get3A_726, %eq3A_927 : vector<16xi32>
        %jit3A_929 = arith.constant -3.000000e+38 : f32
        %broadcast_in_dim3A_930 = vector.broadcast %jit3A_929 : f32 to vector<16xf32>
        %select_n3A_931 = arith.select %eq3A_928, %broadcast_in_dim3A_930, %get3A_694 : vector<16xi1>, vector<16xf32>
        %swap3A_932 = arith.constant 112 : index
        %swap3A_933 = tpu.vector_load %arg17[%swap3A_932] {strides = array<i32>} : memref<256xf32, #tpu.memory_space<vmem>>, vector<16xf32>,
        tpu.vector_store %arg17[%swap3A_932], %select_n3A_931 {strides = array<i32>} : memref<256xf32, #tpu.memory_space<vmem>>, vector<16xf32>,
        %eq3A_934 = vector.broadcast %reduce_min3A_865 : i32 to vector<16xi32>
        %eq3A_935 = arith.cmpi eq, %get3A_728, %eq3A_934 : vector<16xi32>
        %jit3A_936 = arith.constant -3.000000e+38 : f32
        %broadcast_in_dim3A_937 = vector.broadcast %jit3A_936 : f32 to vector<16xf32>
        %select_n3A_938 = arith.select %eq3A_935, %broadcast_in_dim3A_937, %get3A_696 : vector<16xi1>, vector<16xf32>
        %swap3A_939 = arith.constant 128 : index
        %swap3A_940 = tpu.vector_load %arg17[%swap3A_939] {strides = array<i32>} : memref<256xf32, #tpu.memory_space<vmem>>, vector<16xf32>,
        tpu.vector_store %arg17[%swap3A_939], %select_n3A_938 {strides = array<i32>} : memref<256xf32, #tpu.memory_space<vmem>>, vector<16xf32>,
        %eq3A_941 = vector.broadcast %reduce_min3A_865 : i32 to vector<16xi32>
        %eq3A_942 = arith.cmpi eq, %get3A_730, %eq3A_941 : vector<16xi32>
        %jit3A_943 = arith.constant -3.000000e+38 : f32
        %broadcast_in_dim3A_944 = vector.broadcast %jit3A_943 : f32 to vector<16xf32>
        %select_n3A_945 = arith.select %eq3A_942, %broadcast_in_dim3A_944, %get3A_698 : vector<16xi1>, vector<16xf32>
        %swap3A_946 = arith.constant 144 : index
        %swap3A_947 = tpu.vector_load %arg17[%swap3A_946] {strides = array<i32>} : memref<256xf32, #tpu.memory_space<vmem>>, vector<16xf32>,
        tpu.vector_store %arg17[%swap3A_946], %select_n3A_945 {strides = array<i32>} : memref<256xf32, #tpu.memory_space<vmem>>, vector<16xf32>,
        %eq3A_948 = vector.broadcast %reduce_min3A_865 : i32 to vector<16xi32>
        %eq3A_949 = arith.cmpi eq, %get3A_732, %eq3A_948 : vector<16xi32>
        %jit3A_950 = arith.constant -3.000000e+38 : f32
        %broadcast_in_dim3A_951 = vector.broadcast %jit3A_950 : f32 to vector<16xf32>
        %select_n3A_952 = arith.select %eq3A_949, %broadcast_in_dim3A_951, %get3A_700 : vector<16xi1>, vector<16xf32>
        %swap3A_953 = arith.constant 160 : index
        %swap3A_954 = tpu.vector_load %arg17[%swap3A_953] {strides = array<i32>} : memref<256xf32, #tpu.memory_space<vmem>>, vector<16xf32>,
        tpu.vector_store %arg17[%swap3A_953], %select_n3A_952 {strides = array<i32>} : memref<256xf32, #tpu.memory_space<vmem>>, vector<16xf32>,
        %eq3A_955 = vector.broadcast %reduce_min3A_865 : i32 to vector<16xi32>
        %eq3A_956 = arith.cmpi eq, %get3A_734, %eq3A_955 : vector<16xi32>
        %jit3A_957 = arith.constant -3.000000e+38 : f32
        %broadcast_in_dim3A_958 = vector.broadcast %jit3A_957 : f32 to vector<16xf32>
        %select_n3A_959 = arith.select %eq3A_956, %broadcast_in_dim3A_958, %get3A_702 : vector<16xi1>, vector<16xf32>
        %swap3A_960 = arith.constant 176 : index
        %swap3A_961 = tpu.vector_load %arg17[%swap3A_960] {strides = array<i32>} : memref<256xf32, #tpu.memory_space<vmem>>, vector<16xf32>,
        tpu.vector_store %arg17[%swap3A_960], %select_n3A_959 {strides = array<i32>} : memref<256xf32, #tpu.memory_space<vmem>>, vector<16xf32>,
        %eq3A_962 = vector.broadcast %reduce_min3A_865 : i32 to vector<16xi32>
        %eq3A_963 = arith.cmpi eq, %get3A_736, %eq3A_962 : vector<16xi32>
        %jit3A_964 = arith.constant -3.000000e+38 : f32
        %broadcast_in_dim3A_965 = vector.broadcast %jit3A_964 : f32 to vector<16xf32>
        %select_n3A_966 = arith.select %eq3A_963, %broadcast_in_dim3A_965, %get3A_704 : vector<16xi1>, vector<16xf32>
        %swap3A_967 = arith.constant 192 : index
        %swap3A_968 = tpu.vector_load %arg17[%swap3A_967] {strides = array<i32>} : memref<256xf32, #tpu.memory_space<vmem>>, vector<16xf32>,
        tpu.vector_store %arg17[%swap3A_967], %select_n3A_966 {strides = array<i32>} : memref<256xf32, #tpu.memory_space<vmem>>, vector<16xf32>,
        %eq3A_969 = vector.broadcast %reduce_min3A_865 : i32 to vector<16xi32>
        %eq3A_970 = arith.cmpi eq, %get3A_738, %eq3A_969 : vector<16xi32>
        %jit3A_971 = arith.constant -3.000000e+38 : f32
        %broadcast_in_dim3A_972 = vector.broadcast %jit3A_971 : f32 to vector<16xf32>
        %select_n3A_973 = arith.select %eq3A_970, %broadcast_in_dim3A_972, %get3A_706 : vector<16xi1>, vector<16xf32>
        %swap3A_974 = arith.constant 208 : index
        %swap3A_975 = tpu.vector_load %arg17[%swap3A_974] {strides = array<i32>} : memref<256xf32, #tpu.memory_space<vmem>>, vector<16xf32>,
        tpu.vector_store %arg17[%swap3A_974], %select_n3A_973 {strides = array<i32>} : memref<256xf32, #tpu.memory_space<vmem>>, vector<16xf32>,
        %eq3A_976 = vector.broadcast %reduce_min3A_865 : i32 to vector<16xi32>
        %eq3A_977 = arith.cmpi eq, %get3A_740, %eq3A_976 : vector<16xi32>
        %jit3A_978 = arith.constant -3.000000e+38 : f32
        %broadcast_in_dim3A_979 = vector.broadcast %jit3A_978 : f32 to vector<16xf32>
        %select_n3A_980 = arith.select %eq3A_977, %broadcast_in_dim3A_979, %get3A_708 : vector<16xi1>, vector<16xf32>
        %swap3A_981 = arith.constant 224 : index
        %swap3A_982 = tpu.vector_load %arg17[%swap3A_981] {strides = array<i32>} : memref<256xf32, #tpu.memory_space<vmem>>, vector<16xf32>,
        tpu.vector_store %arg17[%swap3A_981], %select_n3A_980 {strides = array<i32>} : memref<256xf32, #tpu.memory_space<vmem>>, vector<16xf32>,
        %eq3A_983 = vector.broadcast %reduce_min3A_865 : i32 to vector<16xi32>
        %eq3A_984 = arith.cmpi eq, %get3A_742, %eq3A_983 : vector<16xi32>
        %jit3A_985 = arith.constant -3.000000e+38 : f32
        %broadcast_in_dim3A_986 = vector.broadcast %jit3A_985 : f32 to vector<16xf32>
        %select_n3A_987 = arith.select %eq3A_984, %broadcast_in_dim3A_986, %get3A_710 : vector<16xi1>, vector<16xf32>
        %swap3A_988 = arith.constant 240 : index
        %swap3A_989 = tpu.vector_load %arg17[%swap3A_988] {strides = array<i32>} : memref<256xf32, #tpu.memory_space<vmem>>, vector<16xf32>,
        tpu.vector_store %arg17[%swap3A_988], %select_n3A_987 {strides = array<i32>} : memref<256xf32, #tpu.memory_space<vmem>>, vector<16xf32>,
        scf.yield %select_n3A_871, %select_n3A_877 : vector<16xf32>, vector<16xi32>
      }
      %scan3A_332 = arith.constant 8 : i32
      %get3A_333 = arith.constant 0 : index
      %get3A_334 = tpu.vector_load %arg15[%get3A_333] {strides = array<i32>} : memref<256xf32, #tpu.memory_space<vmem>>, vector<16xf32>,
      %get3A_335 = arith.constant 0 : index
      %get3A_336 = tpu.vector_load %arg16[%get3A_335] {strides = array<i32>} : memref<256xi32, #tpu.memory_space<vmem>>, vector<16xi32>,
      %ge3A = arith.constant 8 : i32
      %ge3A_337 = vector.broadcast %ge3A : i32 to vector<16xi32>
      %ge3A_338 = arith.cmpi sge, %iota3A, %ge3A_337 : vector<16xi32>
      %jit3A_339 = arith.constant 3.000000e+38 : f32
      %broadcast_in_dim3A_340 = vector.broadcast %jit3A_339 : f32 to vector<16xf32>
      %select_n3A_341 = arith.select %ge3A_338, %get3A_334, %broadcast_in_dim3A_340 : vector<16xi1>, vector<16xf32>
      %swap3A_342 = arith.constant 0 : index
      %swap3A_343 = tpu.vector_load %arg17[%swap3A_342] {strides = array<i32>} : memref<256xf32, #tpu.memory_space<vmem>>, vector<16xf32>,
      tpu.vector_store %arg17[%swap3A_342], %select_n3A_341 {strides = array<i32>} : memref<256xf32, #tpu.memory_space<vmem>>, vector<16xf32>,
      %ge3A_344 = arith.constant 8 : i32
      %ge3A_345 = vector.broadcast %ge3A_344 : i32 to vector<16xi32>
      %ge3A_346 = arith.cmpi sge, %iota3A, %ge3A_345 : vector<16xi32>
      %jit3A_347 = arith.constant 2147483647 : i32
      %broadcast_in_dim3A_348 = vector.broadcast %jit3A_347 : i32 to vector<16xi32>
      %select_n3A_349 = arith.select %ge3A_346, %get3A_336, %broadcast_in_dim3A_348 : vector<16xi1>, vector<16xi32>
      %swap3A_350 = arith.constant 0 : index
      %swap3A_351 = tpu.vector_load %arg18[%swap3A_350] {strides = array<i32>} : memref<256xi32, #tpu.memory_space<vmem>>, vector<16xi32>,
      tpu.vector_store %arg18[%swap3A_350], %select_n3A_349 {strides = array<i32>} : memref<256xi32, #tpu.memory_space<vmem>>, vector<16xi32>,
      %get3A_352 = arith.constant 16 : index
      %get3A_353 = tpu.vector_load %arg15[%get3A_352] {strides = array<i32>} : memref<256xf32, #tpu.memory_space<vmem>>, vector<16xf32>,
      %get3A_354 = arith.constant 16 : index
      %get3A_355 = tpu.vector_load %arg16[%get3A_354] {strides = array<i32>} : memref<256xi32, #tpu.memory_space<vmem>>, vector<16xi32>,
      %ge3A_356 = arith.constant 8 : i32
      %ge3A_357 = vector.broadcast %ge3A_356 : i32 to vector<16xi32>
      %ge3A_358 = arith.cmpi sge, %iota3A, %ge3A_357 : vector<16xi32>
      %jit3A_359 = arith.constant 3.000000e+38 : f32
      %broadcast_in_dim3A_360 = vector.broadcast %jit3A_359 : f32 to vector<16xf32>
      %select_n3A_361 = arith.select %ge3A_358, %get3A_353, %broadcast_in_dim3A_360 : vector<16xi1>, vector<16xf32>
      %swap3A_362 = arith.constant 16 : index
      %swap3A_363 = tpu.vector_load %arg17[%swap3A_362] {strides = array<i32>} : memref<256xf32, #tpu.memory_space<vmem>>, vector<16xf32>,
      tpu.vector_store %arg17[%swap3A_362], %select_n3A_361 {strides = array<i32>} : memref<256xf32, #tpu.memory_space<vmem>>, vector<16xf32>,
      %ge3A_364 = arith.constant 8 : i32
      %ge3A_365 = vector.broadcast %ge3A_364 : i32 to vector<16xi32>
      %ge3A_366 = arith.cmpi sge, %iota3A, %ge3A_365 : vector<16xi32>
      %jit3A_367 = arith.constant 2147483647 : i32
      %broadcast_in_dim3A_368 = vector.broadcast %jit3A_367 : i32 to vector<16xi32>
      %select_n3A_369 = arith.select %ge3A_366, %get3A_355, %broadcast_in_dim3A_368 : vector<16xi1>, vector<16xi32>
      %swap3A_370 = arith.constant 16 : index
      %swap3A_371 = tpu.vector_load %arg18[%swap3A_370] {strides = array<i32>} : memref<256xi32, #tpu.memory_space<vmem>>, vector<16xi32>,
      tpu.vector_store %arg18[%swap3A_370], %select_n3A_369 {strides = array<i32>} : memref<256xi32, #tpu.memory_space<vmem>>, vector<16xi32>,
      %get3A_372 = arith.constant 32 : index
      %get3A_373 = tpu.vector_load %arg15[%get3A_372] {strides = array<i32>} : memref<256xf32, #tpu.memory_space<vmem>>, vector<16xf32>,
      %get3A_374 = arith.constant 32 : index
      %get3A_375 = tpu.vector_load %arg16[%get3A_374] {strides = array<i32>} : memref<256xi32, #tpu.memory_space<vmem>>, vector<16xi32>,
      %ge3A_376 = arith.constant 8 : i32
      %ge3A_377 = vector.broadcast %ge3A_376 : i32 to vector<16xi32>
      %ge3A_378 = arith.cmpi sge, %iota3A, %ge3A_377 : vector<16xi32>
      %jit3A_379 = arith.constant 3.000000e+38 : f32
      %broadcast_in_dim3A_380 = vector.broadcast %jit3A_379 : f32 to vector<16xf32>
      %select_n3A_381 = arith.select %ge3A_378, %get3A_373, %broadcast_in_dim3A_380 : vector<16xi1>, vector<16xf32>
      %swap3A_382 = arith.constant 32 : index
      %swap3A_383 = tpu.vector_load %arg17[%swap3A_382] {strides = array<i32>} : memref<256xf32, #tpu.memory_space<vmem>>, vector<16xf32>,
      tpu.vector_store %arg17[%swap3A_382], %select_n3A_381 {strides = array<i32>} : memref<256xf32, #tpu.memory_space<vmem>>, vector<16xf32>,
      %ge3A_384 = arith.constant 8 : i32
      %ge3A_385 = vector.broadcast %ge3A_384 : i32 to vector<16xi32>
      %ge3A_386 = arith.cmpi sge, %iota3A, %ge3A_385 : vector<16xi32>
      %jit3A_387 = arith.constant 2147483647 : i32
      %broadcast_in_dim3A_388 = vector.broadcast %jit3A_387 : i32 to vector<16xi32>
      %select_n3A_389 = arith.select %ge3A_386, %get3A_375, %broadcast_in_dim3A_388 : vector<16xi1>, vector<16xi32>
      %swap3A_390 = arith.constant 32 : index
      %swap3A_391 = tpu.vector_load %arg18[%swap3A_390] {strides = array<i32>} : memref<256xi32, #tpu.memory_space<vmem>>, vector<16xi32>,
      tpu.vector_store %arg18[%swap3A_390], %select_n3A_389 {strides = array<i32>} : memref<256xi32, #tpu.memory_space<vmem>>, vector<16xi32>,
      %get3A_392 = arith.constant 48 : index
      %get3A_393 = tpu.vector_load %arg15[%get3A_392] {strides = array<i32>} : memref<256xf32, #tpu.memory_space<vmem>>, vector<16xf32>,
      %get3A_394 = arith.constant 48 : index
      %get3A_395 = tpu.vector_load %arg16[%get3A_394] {strides = array<i32>} : memref<256xi32, #tpu.memory_space<vmem>>, vector<16xi32>,
      %ge3A_396 = arith.constant 8 : i32
      %ge3A_397 = vector.broadcast %ge3A_396 : i32 to vector<16xi32>
      %ge3A_398 = arith.cmpi sge, %iota3A, %ge3A_397 : vector<16xi32>
      %jit3A_399 = arith.constant 3.000000e+38 : f32
      %broadcast_in_dim3A_400 = vector.broadcast %jit3A_399 : f32 to vector<16xf32>
      %select_n3A_401 = arith.select %ge3A_398, %get3A_393, %broadcast_in_dim3A_400 : vector<16xi1>, vector<16xf32>
      %swap3A_402 = arith.constant 48 : index
      %swap3A_403 = tpu.vector_load %arg17[%swap3A_402] {strides = array<i32>} : memref<256xf32, #tpu.memory_space<vmem>>, vector<16xf32>,
      tpu.vector_store %arg17[%swap3A_402], %select_n3A_401 {strides = array<i32>} : memref<256xf32, #tpu.memory_space<vmem>>, vector<16xf32>,
      %ge3A_404 = arith.constant 8 : i32
      %ge3A_405 = vector.broadcast %ge3A_404 : i32 to vector<16xi32>
      %ge3A_406 = arith.cmpi sge, %iota3A, %ge3A_405 : vector<16xi32>
      %jit3A_407 = arith.constant 2147483647 : i32
      %broadcast_in_dim3A_408 = vector.broadcast %jit3A_407 : i32 to vector<16xi32>
      %select_n3A_409 = arith.select %ge3A_406, %get3A_395, %broadcast_in_dim3A_408 : vector<16xi1>, vector<16xi32>
      %swap3A_410 = arith.constant 48 : index
      %swap3A_411 = tpu.vector_load %arg18[%swap3A_410] {strides = array<i32>} : memref<256xi32, #tpu.memory_space<vmem>>, vector<16xi32>,
      tpu.vector_store %arg18[%swap3A_410], %select_n3A_409 {strides = array<i32>} : memref<256xi32, #tpu.memory_space<vmem>>, vector<16xi32>,
      %get3A_412 = arith.constant 64 : index
      %get3A_413 = tpu.vector_load %arg15[%get3A_412] {strides = array<i32>} : memref<256xf32, #tpu.memory_space<vmem>>, vector<16xf32>,
      %get3A_414 = arith.constant 64 : index
      %get3A_415 = tpu.vector_load %arg16[%get3A_414] {strides = array<i32>} : memref<256xi32, #tpu.memory_space<vmem>>, vector<16xi32>,
      %ge3A_416 = arith.constant 8 : i32
      %ge3A_417 = vector.broadcast %ge3A_416 : i32 to vector<16xi32>
      %ge3A_418 = arith.cmpi sge, %iota3A, %ge3A_417 : vector<16xi32>
      %jit3A_419 = arith.constant 3.000000e+38 : f32
      %broadcast_in_dim3A_420 = vector.broadcast %jit3A_419 : f32 to vector<16xf32>
      %select_n3A_421 = arith.select %ge3A_418, %get3A_413, %broadcast_in_dim3A_420 : vector<16xi1>, vector<16xf32>
      %swap3A_422 = arith.constant 64 : index
      %swap3A_423 = tpu.vector_load %arg17[%swap3A_422] {strides = array<i32>} : memref<256xf32, #tpu.memory_space<vmem>>, vector<16xf32>,
      tpu.vector_store %arg17[%swap3A_422], %select_n3A_421 {strides = array<i32>} : memref<256xf32, #tpu.memory_space<vmem>>, vector<16xf32>,
      %ge3A_424 = arith.constant 8 : i32
      %ge3A_425 = vector.broadcast %ge3A_424 : i32 to vector<16xi32>
      %ge3A_426 = arith.cmpi sge, %iota3A, %ge3A_425 : vector<16xi32>
      %jit3A_427 = arith.constant 2147483647 : i32
      %broadcast_in_dim3A_428 = vector.broadcast %jit3A_427 : i32 to vector<16xi32>
      %select_n3A_429 = arith.select %ge3A_426, %get3A_415, %broadcast_in_dim3A_428 : vector<16xi1>, vector<16xi32>
      %swap3A_430 = arith.constant 64 : index
      %swap3A_431 = tpu.vector_load %arg18[%swap3A_430] {strides = array<i32>} : memref<256xi32, #tpu.memory_space<vmem>>, vector<16xi32>,
      tpu.vector_store %arg18[%swap3A_430], %select_n3A_429 {strides = array<i32>} : memref<256xi32, #tpu.memory_space<vmem>>, vector<16xi32>,
      %get3A_432 = arith.constant 80 : index
      %get3A_433 = tpu.vector_load %arg15[%get3A_432] {strides = array<i32>} : memref<256xf32, #tpu.memory_space<vmem>>, vector<16xf32>,
      %get3A_434 = arith.constant 80 : index
      %get3A_435 = tpu.vector_load %arg16[%get3A_434] {strides = array<i32>} : memref<256xi32, #tpu.memory_space<vmem>>, vector<16xi32>,
      %ge3A_436 = arith.constant 8 : i32
      %ge3A_437 = vector.broadcast %ge3A_436 : i32 to vector<16xi32>
      %ge3A_438 = arith.cmpi sge, %iota3A, %ge3A_437 : vector<16xi32>
      %jit3A_439 = arith.constant 3.000000e+38 : f32
      %broadcast_in_dim3A_440 = vector.broadcast %jit3A_439 : f32 to vector<16xf32>
      %select_n3A_441 = arith.select %ge3A_438, %get3A_433, %broadcast_in_dim3A_440 : vector<16xi1>, vector<16xf32>
      %swap3A_442 = arith.constant 80 : index
      %swap3A_443 = tpu.vector_load %arg17[%swap3A_442] {strides = array<i32>} : memref<256xf32, #tpu.memory_space<vmem>>, vector<16xf32>,
      tpu.vector_store %arg17[%swap3A_442], %select_n3A_441 {strides = array<i32>} : memref<256xf32, #tpu.memory_space<vmem>>, vector<16xf32>,
      %ge3A_444 = arith.constant 8 : i32
      %ge3A_445 = vector.broadcast %ge3A_444 : i32 to vector<16xi32>
      %ge3A_446 = arith.cmpi sge, %iota3A, %ge3A_445 : vector<16xi32>
      %jit3A_447 = arith.constant 2147483647 : i32
      %broadcast_in_dim3A_448 = vector.broadcast %jit3A_447 : i32 to vector<16xi32>
      %select_n3A_449 = arith.select %ge3A_446, %get3A_435, %broadcast_in_dim3A_448 : vector<16xi1>, vector<16xi32>
      %swap3A_450 = arith.constant 80 : index
      %swap3A_451 = tpu.vector_load %arg18[%swap3A_450] {strides = array<i32>} : memref<256xi32, #tpu.memory_space<vmem>>, vector<16xi32>,
      tpu.vector_store %arg18[%swap3A_450], %select_n3A_449 {strides = array<i32>} : memref<256xi32, #tpu.memory_space<vmem>>, vector<16xi32>,
      %get3A_452 = arith.constant 96 : index
      %get3A_453 = tpu.vector_load %arg15[%get3A_452] {strides = array<i32>} : memref<256xf32, #tpu.memory_space<vmem>>, vector<16xf32>,
      %get3A_454 = arith.constant 96 : index
      %get3A_455 = tpu.vector_load %arg16[%get3A_454] {strides = array<i32>} : memref<256xi32, #tpu.memory_space<vmem>>, vector<16xi32>,
      %ge3A_456 = arith.constant 8 : i32
      %ge3A_457 = vector.broadcast %ge3A_456 : i32 to vector<16xi32>
      %ge3A_458 = arith.cmpi sge, %iota3A, %ge3A_457 : vector<16xi32>
      %jit3A_459 = arith.constant 3.000000e+38 : f32
      %broadcast_in_dim3A_460 = vector.broadcast %jit3A_459 : f32 to vector<16xf32>
      %select_n3A_461 = arith.select %ge3A_458, %get3A_453, %broadcast_in_dim3A_460 : vector<16xi1>, vector<16xf32>
      %swap3A_462 = arith.constant 96 : index
      %swap3A_463 = tpu.vector_load %arg17[%swap3A_462] {strides = array<i32>} : memref<256xf32, #tpu.memory_space<vmem>>, vector<16xf32>,
      tpu.vector_store %arg17[%swap3A_462], %select_n3A_461 {strides = array<i32>} : memref<256xf32, #tpu.memory_space<vmem>>, vector<16xf32>,
      %ge3A_464 = arith.constant 8 : i32
      %ge3A_465 = vector.broadcast %ge3A_464 : i32 to vector<16xi32>
      %ge3A_466 = arith.cmpi sge, %iota3A, %ge3A_465 : vector<16xi32>
      %jit3A_467 = arith.constant 2147483647 : i32
      %broadcast_in_dim3A_468 = vector.broadcast %jit3A_467 : i32 to vector<16xi32>
      %select_n3A_469 = arith.select %ge3A_466, %get3A_455, %broadcast_in_dim3A_468 : vector<16xi1>, vector<16xi32>
      %swap3A_470 = arith.constant 96 : index
      %swap3A_471 = tpu.vector_load %arg18[%swap3A_470] {strides = array<i32>} : memref<256xi32, #tpu.memory_space<vmem>>, vector<16xi32>,
      tpu.vector_store %arg18[%swap3A_470], %select_n3A_469 {strides = array<i32>} : memref<256xi32, #tpu.memory_space<vmem>>, vector<16xi32>,
      %get3A_472 = arith.constant 112 : index
      %get3A_473 = tpu.vector_load %arg15[%get3A_472] {strides = array<i32>} : memref<256xf32, #tpu.memory_space<vmem>>, vector<16xf32>,
      %get3A_474 = arith.constant 112 : index
      %get3A_475 = tpu.vector_load %arg16[%get3A_474] {strides = array<i32>} : memref<256xi32, #tpu.memory_space<vmem>>, vector<16xi32>,
      %ge3A_476 = arith.constant 8 : i32
      %ge3A_477 = vector.broadcast %ge3A_476 : i32 to vector<16xi32>
      %ge3A_478 = arith.cmpi sge, %iota3A, %ge3A_477 : vector<16xi32>
      %jit3A_479 = arith.constant 3.000000e+38 : f32
      %broadcast_in_dim3A_480 = vector.broadcast %jit3A_479 : f32 to vector<16xf32>
      %select_n3A_481 = arith.select %ge3A_478, %get3A_473, %broadcast_in_dim3A_480 : vector<16xi1>, vector<16xf32>
      %swap3A_482 = arith.constant 112 : index
      %swap3A_483 = tpu.vector_load %arg17[%swap3A_482] {strides = array<i32>} : memref<256xf32, #tpu.memory_space<vmem>>, vector<16xf32>,
      tpu.vector_store %arg17[%swap3A_482], %select_n3A_481 {strides = array<i32>} : memref<256xf32, #tpu.memory_space<vmem>>, vector<16xf32>,
      %ge3A_484 = arith.constant 8 : i32
      %ge3A_485 = vector.broadcast %ge3A_484 : i32 to vector<16xi32>
      %ge3A_486 = arith.cmpi sge, %iota3A, %ge3A_485 : vector<16xi32>
      %jit3A_487 = arith.constant 2147483647 : i32
      %broadcast_in_dim3A_488 = vector.broadcast %jit3A_487 : i32 to vector<16xi32>
      %select_n3A_489 = arith.select %ge3A_486, %get3A_475, %broadcast_in_dim3A_488 : vector<16xi1>, vector<16xi32>
      %swap3A_490 = arith.constant 112 : index
      %swap3A_491 = tpu.vector_load %arg18[%swap3A_490] {strides = array<i32>} : memref<256xi32, #tpu.memory_space<vmem>>, vector<16xi32>,
      tpu.vector_store %arg18[%swap3A_490], %select_n3A_489 {strides = array<i32>} : memref<256xi32, #tpu.memory_space<vmem>>, vector<16xi32>,
      %get3A_492 = arith.constant 128 : index
      %get3A_493 = tpu.vector_load %arg15[%get3A_492] {strides = array<i32>} : memref<256xf32, #tpu.memory_space<vmem>>, vector<16xf32>,
      %get3A_494 = arith.constant 128 : index
      %get3A_495 = tpu.vector_load %arg16[%get3A_494] {strides = array<i32>} : memref<256xi32, #tpu.memory_space<vmem>>, vector<16xi32>,
      %ge3A_496 = arith.constant 8 : i32
      %ge3A_497 = vector.broadcast %ge3A_496 : i32 to vector<16xi32>
      %ge3A_498 = arith.cmpi sge, %iota3A, %ge3A_497 : vector<16xi32>
      %jit3A_499 = arith.constant 3.000000e+38 : f32
      %broadcast_in_dim3A_500 = vector.broadcast %jit3A_499 : f32 to vector<16xf32>
      %select_n3A_501 = arith.select %ge3A_498, %get3A_493, %broadcast_in_dim3A_500 : vector<16xi1>, vector<16xf32>
      %swap3A_502 = arith.constant 128 : index
      %swap3A_503 = tpu.vector_load %arg17[%swap3A_502] {strides = array<i32>} : memref<256xf32, #tpu.memory_space<vmem>>, vector<16xf32>,
      tpu.vector_store %arg17[%swap3A_502], %select_n3A_501 {strides = array<i32>} : memref<256xf32, #tpu.memory_space<vmem>>, vector<16xf32>,
      %ge3A_504 = arith.constant 8 : i32
      %ge3A_505 = vector.broadcast %ge3A_504 : i32 to vector<16xi32>
      %ge3A_506 = arith.cmpi sge, %iota3A, %ge3A_505 : vector<16xi32>
      %jit3A_507 = arith.constant 2147483647 : i32
      %broadcast_in_dim3A_508 = vector.broadcast %jit3A_507 : i32 to vector<16xi32>
      %select_n3A_509 = arith.select %ge3A_506, %get3A_495, %broadcast_in_dim3A_508 : vector<16xi1>, vector<16xi32>
      %swap3A_510 = arith.constant 128 : index
      %swap3A_511 = tpu.vector_load %arg18[%swap3A_510] {strides = array<i32>} : memref<256xi32, #tpu.memory_space<vmem>>, vector<16xi32>,
      tpu.vector_store %arg18[%swap3A_510], %select_n3A_509 {strides = array<i32>} : memref<256xi32, #tpu.memory_space<vmem>>, vector<16xi32>,
      %get3A_512 = arith.constant 144 : index
      %get3A_513 = tpu.vector_load %arg15[%get3A_512] {strides = array<i32>} : memref<256xf32, #tpu.memory_space<vmem>>, vector<16xf32>,
      %get3A_514 = arith.constant 144 : index
      %get3A_515 = tpu.vector_load %arg16[%get3A_514] {strides = array<i32>} : memref<256xi32, #tpu.memory_space<vmem>>, vector<16xi32>,
      %ge3A_516 = arith.constant 8 : i32
      %ge3A_517 = vector.broadcast %ge3A_516 : i32 to vector<16xi32>
      %ge3A_518 = arith.cmpi sge, %iota3A, %ge3A_517 : vector<16xi32>
      %jit3A_519 = arith.constant 3.000000e+38 : f32
      %broadcast_in_dim3A_520 = vector.broadcast %jit3A_519 : f32 to vector<16xf32>
      %select_n3A_521 = arith.select %ge3A_518, %get3A_513, %broadcast_in_dim3A_520 : vector<16xi1>, vector<16xf32>
      %swap3A_522 = arith.constant 144 : index
      %swap3A_523 = tpu.vector_load %arg17[%swap3A_522] {strides = array<i32>} : memref<256xf32, #tpu.memory_space<vmem>>, vector<16xf32>,
      tpu.vector_store %arg17[%swap3A_522], %select_n3A_521 {strides = array<i32>} : memref<256xf32, #tpu.memory_space<vmem>>, vector<16xf32>,
      %ge3A_524 = arith.constant 8 : i32
      %ge3A_525 = vector.broadcast %ge3A_524 : i32 to vector<16xi32>
      %ge3A_526 = arith.cmpi sge, %iota3A, %ge3A_525 : vector<16xi32>
      %jit3A_527 = arith.constant 2147483647 : i32
      %broadcast_in_dim3A_528 = vector.broadcast %jit3A_527 : i32 to vector<16xi32>
      %select_n3A_529 = arith.select %ge3A_526, %get3A_515, %broadcast_in_dim3A_528 : vector<16xi1>, vector<16xi32>
      %swap3A_530 = arith.constant 144 : index
      %swap3A_531 = tpu.vector_load %arg18[%swap3A_530] {strides = array<i32>} : memref<256xi32, #tpu.memory_space<vmem>>, vector<16xi32>,
      tpu.vector_store %arg18[%swap3A_530], %select_n3A_529 {strides = array<i32>} : memref<256xi32, #tpu.memory_space<vmem>>, vector<16xi32>,
      %get3A_532 = arith.constant 160 : index
      %get3A_533 = tpu.vector_load %arg15[%get3A_532] {strides = array<i32>} : memref<256xf32, #tpu.memory_space<vmem>>, vector<16xf32>,
      %get3A_534 = arith.constant 160 : index
      %get3A_535 = tpu.vector_load %arg16[%get3A_534] {strides = array<i32>} : memref<256xi32, #tpu.memory_space<vmem>>, vector<16xi32>,
      %ge3A_536 = arith.constant 8 : i32
      %ge3A_537 = vector.broadcast %ge3A_536 : i32 to vector<16xi32>
      %ge3A_538 = arith.cmpi sge, %iota3A, %ge3A_537 : vector<16xi32>
      %jit3A_539 = arith.constant 3.000000e+38 : f32
      %broadcast_in_dim3A_540 = vector.broadcast %jit3A_539 : f32 to vector<16xf32>
      %select_n3A_541 = arith.select %ge3A_538, %get3A_533, %broadcast_in_dim3A_540 : vector<16xi1>, vector<16xf32>
      %swap3A_542 = arith.constant 160 : index
      %swap3A_543 = tpu.vector_load %arg17[%swap3A_542] {strides = array<i32>} : memref<256xf32, #tpu.memory_space<vmem>>, vector<16xf32>,
      tpu.vector_store %arg17[%swap3A_542], %select_n3A_541 {strides = array<i32>} : memref<256xf32, #tpu.memory_space<vmem>>, vector<16xf32>,
      %ge3A_544 = arith.constant 8 : i32
      %ge3A_545 = vector.broadcast %ge3A_544 : i32 to vector<16xi32>
      %ge3A_546 = arith.cmpi sge, %iota3A, %ge3A_545 : vector<16xi32>
      %jit3A_547 = arith.constant 2147483647 : i32
      %broadcast_in_dim3A_548 = vector.broadcast %jit3A_547 : i32 to vector<16xi32>
      %select_n3A_549 = arith.select %ge3A_546, %get3A_535, %broadcast_in_dim3A_548 : vector<16xi1>, vector<16xi32>
      %swap3A_550 = arith.constant 160 : index
      %swap3A_551 = tpu.vector_load %arg18[%swap3A_550] {strides = array<i32>} : memref<256xi32, #tpu.memory_space<vmem>>, vector<16xi32>,
      tpu.vector_store %arg18[%swap3A_550], %select_n3A_549 {strides = array<i32>} : memref<256xi32, #tpu.memory_space<vmem>>, vector<16xi32>,
      %get3A_552 = arith.constant 176 : index
      %get3A_553 = tpu.vector_load %arg15[%get3A_552] {strides = array<i32>} : memref<256xf32, #tpu.memory_space<vmem>>, vector<16xf32>,
      %get3A_554 = arith.constant 176 : index
      %get3A_555 = tpu.vector_load %arg16[%get3A_554] {strides = array<i32>} : memref<256xi32, #tpu.memory_space<vmem>>, vector<16xi32>,
      %ge3A_556 = arith.constant 8 : i32
      %ge3A_557 = vector.broadcast %ge3A_556 : i32 to vector<16xi32>
      %ge3A_558 = arith.cmpi sge, %iota3A, %ge3A_557 : vector<16xi32>
      %jit3A_559 = arith.constant 3.000000e+38 : f32
      %broadcast_in_dim3A_560 = vector.broadcast %jit3A_559 : f32 to vector<16xf32>
      %select_n3A_561 = arith.select %ge3A_558, %get3A_553, %broadcast_in_dim3A_560 : vector<16xi1>, vector<16xf32>
      %swap3A_562 = arith.constant 176 : index
      %swap3A_563 = tpu.vector_load %arg17[%swap3A_562] {strides = array<i32>} : memref<256xf32, #tpu.memory_space<vmem>>, vector<16xf32>,
      tpu.vector_store %arg17[%swap3A_562], %select_n3A_561 {strides = array<i32>} : memref<256xf32, #tpu.memory_space<vmem>>, vector<16xf32>,
      %ge3A_564 = arith.constant 8 : i32
      %ge3A_565 = vector.broadcast %ge3A_564 : i32 to vector<16xi32>
      %ge3A_566 = arith.cmpi sge, %iota3A, %ge3A_565 : vector<16xi32>
      %jit3A_567 = arith.constant 2147483647 : i32
      %broadcast_in_dim3A_568 = vector.broadcast %jit3A_567 : i32 to vector<16xi32>
      %select_n3A_569 = arith.select %ge3A_566, %get3A_555, %broadcast_in_dim3A_568 : vector<16xi1>, vector<16xi32>
      %swap3A_570 = arith.constant 176 : index
      %swap3A_571 = tpu.vector_load %arg18[%swap3A_570] {strides = array<i32>} : memref<256xi32, #tpu.memory_space<vmem>>, vector<16xi32>,
      tpu.vector_store %arg18[%swap3A_570], %select_n3A_569 {strides = array<i32>} : memref<256xi32, #tpu.memory_space<vmem>>, vector<16xi32>,
      %get3A_572 = arith.constant 192 : index
      %get3A_573 = tpu.vector_load %arg15[%get3A_572] {strides = array<i32>} : memref<256xf32, #tpu.memory_space<vmem>>, vector<16xf32>,
      %get3A_574 = arith.constant 192 : index
      %get3A_575 = tpu.vector_load %arg16[%get3A_574] {strides = array<i32>} : memref<256xi32, #tpu.memory_space<vmem>>, vector<16xi32>,
      %ge3A_576 = arith.constant 8 : i32
      %ge3A_577 = vector.broadcast %ge3A_576 : i32 to vector<16xi32>
      %ge3A_578 = arith.cmpi sge, %iota3A, %ge3A_577 : vector<16xi32>
      %jit3A_579 = arith.constant 3.000000e+38 : f32
      %broadcast_in_dim3A_580 = vector.broadcast %jit3A_579 : f32 to vector<16xf32>
      %select_n3A_581 = arith.select %ge3A_578, %get3A_573, %broadcast_in_dim3A_580 : vector<16xi1>, vector<16xf32>
      %swap3A_582 = arith.constant 192 : index
      %swap3A_583 = tpu.vector_load %arg17[%swap3A_582] {strides = array<i32>} : memref<256xf32, #tpu.memory_space<vmem>>, vector<16xf32>,
      tpu.vector_store %arg17[%swap3A_582], %select_n3A_581 {strides = array<i32>} : memref<256xf32, #tpu.memory_space<vmem>>, vector<16xf32>,
      %ge3A_584 = arith.constant 8 : i32
      %ge3A_585 = vector.broadcast %ge3A_584 : i32 to vector<16xi32>
      %ge3A_586 = arith.cmpi sge, %iota3A, %ge3A_585 : vector<16xi32>
      %jit3A_587 = arith.constant 2147483647 : i32
      %broadcast_in_dim3A_588 = vector.broadcast %jit3A_587 : i32 to vector<16xi32>
      %select_n3A_589 = arith.select %ge3A_586, %get3A_575, %broadcast_in_dim3A_588 : vector<16xi1>, vector<16xi32>
      %swap3A_590 = arith.constant 192 : index
      %swap3A_591 = tpu.vector_load %arg18[%swap3A_590] {strides = array<i32>} : memref<256xi32, #tpu.memory_space<vmem>>, vector<16xi32>,
      tpu.vector_store %arg18[%swap3A_590], %select_n3A_589 {strides = array<i32>} : memref<256xi32, #tpu.memory_space<vmem>>, vector<16xi32>,
      %get3A_592 = arith.constant 208 : index
      %get3A_593 = tpu.vector_load %arg15[%get3A_592] {strides = array<i32>} : memref<256xf32, #tpu.memory_space<vmem>>, vector<16xf32>,
      %get3A_594 = arith.constant 208 : index
      %get3A_595 = tpu.vector_load %arg16[%get3A_594] {strides = array<i32>} : memref<256xi32, #tpu.memory_space<vmem>>, vector<16xi32>,
      %ge3A_596 = arith.constant 8 : i32
      %ge3A_597 = vector.broadcast %ge3A_596 : i32 to vector<16xi32>
      %ge3A_598 = arith.cmpi sge, %iota3A, %ge3A_597 : vector<16xi32>
      %jit3A_599 = arith.constant 3.000000e+38 : f32
      %broadcast_in_dim3A_600 = vector.broadcast %jit3A_599 : f32 to vector<16xf32>
      %select_n3A_601 = arith.select %ge3A_598, %get3A_593, %broadcast_in_dim3A_600 : vector<16xi1>, vector<16xf32>
      %swap3A_602 = arith.constant 208 : index
      %swap3A_603 = tpu.vector_load %arg17[%swap3A_602] {strides = array<i32>} : memref<256xf32, #tpu.memory_space<vmem>>, vector<16xf32>,
      tpu.vector_store %arg17[%swap3A_602], %select_n3A_601 {strides = array<i32>} : memref<256xf32, #tpu.memory_space<vmem>>, vector<16xf32>,
      %ge3A_604 = arith.constant 8 : i32
      %ge3A_605 = vector.broadcast %ge3A_604 : i32 to vector<16xi32>
      %ge3A_606 = arith.cmpi sge, %iota3A, %ge3A_605 : vector<16xi32>
      %jit3A_607 = arith.constant 2147483647 : i32
      %broadcast_in_dim3A_608 = vector.broadcast %jit3A_607 : i32 to vector<16xi32>
      %select_n3A_609 = arith.select %ge3A_606, %get3A_595, %broadcast_in_dim3A_608 : vector<16xi1>, vector<16xi32>
      %swap3A_610 = arith.constant 208 : index
      %swap3A_611 = tpu.vector_load %arg18[%swap3A_610] {strides = array<i32>} : memref<256xi32, #tpu.memory_space<vmem>>, vector<16xi32>,
      tpu.vector_store %arg18[%swap3A_610], %select_n3A_609 {strides = array<i32>} : memref<256xi32, #tpu.memory_space<vmem>>, vector<16xi32>,
      %get3A_612 = arith.constant 224 : index
      %get3A_613 = tpu.vector_load %arg15[%get3A_612] {strides = array<i32>} : memref<256xf32, #tpu.memory_space<vmem>>, vector<16xf32>,
      %get3A_614 = arith.constant 224 : index
      %get3A_615 = tpu.vector_load %arg16[%get3A_614] {strides = array<i32>} : memref<256xi32, #tpu.memory_space<vmem>>, vector<16xi32>,
      %ge3A_616 = arith.constant 8 : i32
      %ge3A_617 = vector.broadcast %ge3A_616 : i32 to vector<16xi32>
      %ge3A_618 = arith.cmpi sge, %iota3A, %ge3A_617 : vector<16xi32>
      %jit3A_619 = arith.constant 3.000000e+38 : f32
      %broadcast_in_dim3A_620 = vector.broadcast %jit3A_619 : f32 to vector<16xf32>
      %select_n3A_621 = arith.select %ge3A_618, %get3A_613, %broadcast_in_dim3A_620 : vector<16xi1>, vector<16xf32>
      %swap3A_622 = arith.constant 224 : index
      %swap3A_623 = tpu.vector_load %arg17[%swap3A_622] {strides = array<i32>} : memref<256xf32, #tpu.memory_space<vmem>>, vector<16xf32>,
      tpu.vector_store %arg17[%swap3A_622], %select_n3A_621 {strides = array<i32>} : memref<256xf32, #tpu.memory_space<vmem>>, vector<16xf32>,
      %ge3A_624 = arith.constant 8 : i32
      %ge3A_625 = vector.broadcast %ge3A_624 : i32 to vector<16xi32>
      %ge3A_626 = arith.cmpi sge, %iota3A, %ge3A_625 : vector<16xi32>
      %jit3A_627 = arith.constant 2147483647 : i32
      %broadcast_in_dim3A_628 = vector.broadcast %jit3A_627 : i32 to vector<16xi32>
      %select_n3A_629 = arith.select %ge3A_626, %get3A_615, %broadcast_in_dim3A_628 : vector<16xi1>, vector<16xi32>
      %swap3A_630 = arith.constant 224 : index
      %swap3A_631 = tpu.vector_load %arg18[%swap3A_630] {strides = array<i32>} : memref<256xi32, #tpu.memory_space<vmem>>, vector<16xi32>,
      tpu.vector_store %arg18[%swap3A_630], %select_n3A_629 {strides = array<i32>} : memref<256xi32, #tpu.memory_space<vmem>>, vector<16xi32>,
      %get3A_632 = arith.constant 240 : index
      %get3A_633 = tpu.vector_load %arg15[%get3A_632] {strides = array<i32>} : memref<256xf32, #tpu.memory_space<vmem>>, vector<16xf32>,
      %get3A_634 = arith.constant 240 : index
      %get3A_635 = tpu.vector_load %arg16[%get3A_634] {strides = array<i32>} : memref<256xi32, #tpu.memory_space<vmem>>, vector<16xi32>,
      %ge3A_636 = arith.constant 8 : i32
      %ge3A_637 = vector.broadcast %ge3A_636 : i32 to vector<16xi32>
      %ge3A_638 = arith.cmpi sge, %iota3A, %ge3A_637 : vector<16xi32>
      %jit3A_639 = arith.constant 3.000000e+38 : f32
      %broadcast_in_dim3A_640 = vector.broadcast %jit3A_639 : f32 to vector<16xf32>
      %select_n3A_641 = arith.select %ge3A_638, %get3A_633, %broadcast_in_dim3A_640 : vector<16xi1>, vector<16xf32>
      %swap3A_642 = arith.constant 240 : index
      %swap3A_643 = tpu.vector_load %arg17[%swap3A_642] {strides = array<i32>} : memref<256xf32, #tpu.memory_space<vmem>>, vector<16xf32>,
      tpu.vector_store %arg17[%swap3A_642], %select_n3A_641 {strides = array<i32>} : memref<256xf32, #tpu.memory_space<vmem>>, vector<16xf32>,
      %ge3A_644 = arith.constant 8 : i32
      %ge3A_645 = vector.broadcast %ge3A_644 : i32 to vector<16xi32>
      %ge3A_646 = arith.cmpi sge, %iota3A, %ge3A_645 : vector<16xi32>
      %jit3A_647 = arith.constant 2147483647 : i32
      %broadcast_in_dim3A_648 = vector.broadcast %jit3A_647 : i32 to vector<16xi32>
      %select_n3A_649 = arith.select %ge3A_646, %get3A_635, %broadcast_in_dim3A_648 : vector<16xi1>, vector<16xi32>
      %swap3A_650 = arith.constant 240 : index
      %swap3A_651 = tpu.vector_load %arg18[%swap3A_650] {strides = array<i32>} : memref<256xi32, #tpu.memory_space<vmem>>, vector<16xi32>,
      tpu.vector_store %arg18[%swap3A_650], %select_n3A_649 {strides = array<i32>} : memref<256xi32, #tpu.memory_space<vmem>>, vector<16xi32>,
      %iota3A_652 = tpu.iota {dimensions = array<i32: 0>} : vector<16xi32>
      %scan3A_653 = arith.constant 0 : i32
      %scan3A_654 = arith.constant 8 : i32
      %scan3A_655 = arith.addi %scan3A_653, %scan3A_654 : i32
      %scan3A_656 = arith.constant 1 : i32
      %scan3A_657:2 = scf.for %scan3A_676 = %scan3A_653 to %scan3A_655 step %scan3A_656 iter_args(%scan3A_677 = %scan3A_331#0, %scan3A_678 = %scan3A_331#1) -> (vector<16xf32>, vector<16xi32>)  : i32 {
        %get3A_679 = arith.constant 0 : index
        %get3A_680 = tpu.vector_load %arg17[%get3A_679] {strides = array<i32>} : memref<256xf32, #tpu.memory_space<vmem>>, vector<16xf32>,
        %get3A_681 = arith.constant 16 : index
        %get3A_682 = tpu.vector_load %arg17[%get3A_681] {strides = array<i32>} : memref<256xf32, #tpu.memory_space<vmem>>, vector<16xf32>,
        %get3A_683 = arith.constant 32 : index
        %get3A_684 = tpu.vector_load %arg17[%get3A_683] {strides = array<i32>} : memref<256xf32, #tpu.memory_space<vmem>>, vector<16xf32>,
        %get3A_685 = arith.constant 48 : index
        %get3A_686 = tpu.vector_load %arg17[%get3A_685] {strides = array<i32>} : memref<256xf32, #tpu.memory_space<vmem>>, vector<16xf32>,
        %get3A_687 = arith.constant 64 : index
        %get3A_688 = tpu.vector_load %arg17[%get3A_687] {strides = array<i32>} : memref<256xf32, #tpu.memory_space<vmem>>, vector<16xf32>,
        %get3A_689 = arith.constant 80 : index
        %get3A_690 = tpu.vector_load %arg17[%get3A_689] {strides = array<i32>} : memref<256xf32, #tpu.memory_space<vmem>>, vector<16xf32>,
        %get3A_691 = arith.constant 96 : index
        %get3A_692 = tpu.vector_load %arg17[%get3A_691] {strides = array<i32>} : memref<256xf32, #tpu.memory_space<vmem>>, vector<16xf32>,
        %get3A_693 = arith.constant 112 : index
        %get3A_694 = tpu.vector_load %arg17[%get3A_693] {strides = array<i32>} : memref<256xf32, #tpu.memory_space<vmem>>, vector<16xf32>,
        %get3A_695 = arith.constant 128 : index
        %get3A_696 = tpu.vector_load %arg17[%get3A_695] {strides = array<i32>} : memref<256xf32, #tpu.memory_space<vmem>>, vector<16xf32>,
        %get3A_697 = arith.constant 144 : index
        %get3A_698 = tpu.vector_load %arg17[%get3A_697] {strides = array<i32>} : memref<256xf32, #tpu.memory_space<vmem>>, vector<16xf32>,
        %get3A_699 = arith.constant 160 : index
        %get3A_700 = tpu.vector_load %arg17[%get3A_699] {strides = array<i32>} : memref<256xf32, #tpu.memory_space<vmem>>, vector<16xf32>,
        %get3A_701 = arith.constant 176 : index
        %get3A_702 = tpu.vector_load %arg17[%get3A_701] {strides = array<i32>} : memref<256xf32, #tpu.memory_space<vmem>>, vector<16xf32>,
        %get3A_703 = arith.constant 192 : index
        %get3A_704 = tpu.vector_load %arg17[%get3A_703] {strides = array<i32>} : memref<256xf32, #tpu.memory_space<vmem>>, vector<16xf32>,
        %get3A_705 = arith.constant 208 : index
        %get3A_706 = tpu.vector_load %arg17[%get3A_705] {strides = array<i32>} : memref<256xf32, #tpu.memory_space<vmem>>, vector<16xf32>,
        %get3A_707 = arith.constant 224 : index
        %get3A_708 = tpu.vector_load %arg17[%get3A_707] {strides = array<i32>} : memref<256xf32, #tpu.memory_space<vmem>>, vector<16xf32>,
        %get3A_709 = arith.constant 240 : index
        %get3A_710 = tpu.vector_load %arg17[%get3A_709] {strides = array<i32>} : memref<256xf32, #tpu.memory_space<vmem>>, vector<16xf32>,
        %get3A_711 = arith.constant 0 : index
        %get3A_712 = tpu.vector_load %arg18[%get3A_711] {strides = array<i32>} : memref<256xi32, #tpu.memory_space<vmem>>, vector<16xi32>,
        %get3A_713 = arith.constant 16 : index
        %get3A_714 = tpu.vector_load %arg18[%get3A_713] {strides = array<i32>} : memref<256xi32, #tpu.memory_space<vmem>>, vector<16xi32>,
        %get3A_715 = arith.constant 32 : index
        %get3A_716 = tpu.vector_load %arg18[%get3A_715] {strides = array<i32>} : memref<256xi32, #tpu.memory_space<vmem>>, vector<16xi32>,
        %get3A_717 = arith.constant 48 : index
        %get3A_718 = tpu.vector_load %arg18[%get3A_717] {strides = array<i32>} : memref<256xi32, #tpu.memory_space<vmem>>, vector<16xi32>,
        %get3A_719 = arith.constant 64 : index
        %get3A_720 = tpu.vector_load %arg18[%get3A_719] {strides = array<i32>} : memref<256xi32, #tpu.memory_space<vmem>>, vector<16xi32>,
        %get3A_721 = arith.constant 80 : index
        %get3A_722 = tpu.vector_load %arg18[%get3A_721] {strides = array<i32>} : memref<256xi32, #tpu.memory_space<vmem>>, vector<16xi32>,
        %get3A_723 = arith.constant 96 : index
        %get3A_724 = tpu.vector_load %arg18[%get3A_723] {strides = array<i32>} : memref<256xi32, #tpu.memory_space<vmem>>, vector<16xi32>,
        %get3A_725 = arith.constant 112 : index
        %get3A_726 = tpu.vector_load %arg18[%get3A_725] {strides = array<i32>} : memref<256xi32, #tpu.memory_space<vmem>>, vector<16xi32>,
        %get3A_727 = arith.constant 128 : index
        %get3A_728 = tpu.vector_load %arg18[%get3A_727] {strides = array<i32>} : memref<256xi32, #tpu.memory_space<vmem>>, vector<16xi32>,
        %get3A_729 = arith.constant 144 : index
        %get3A_730 = tpu.vector_load %arg18[%get3A_729] {strides = array<i32>} : memref<256xi32, #tpu.memory_space<vmem>>, vector<16xi32>,
        %get3A_731 = arith.constant 160 : index
        %get3A_732 = tpu.vector_load %arg18[%get3A_731] {strides = array<i32>} : memref<256xi32, #tpu.memory_space<vmem>>, vector<16xi32>,
        %get3A_733 = arith.constant 176 : index
        %get3A_734 = tpu.vector_load %arg18[%get3A_733] {strides = array<i32>} : memref<256xi32, #tpu.memory_space<vmem>>, vector<16xi32>,
        %get3A_735 = arith.constant 192 : index
        %get3A_736 = tpu.vector_load %arg18[%get3A_735] {strides = array<i32>} : memref<256xi32, #tpu.memory_space<vmem>>, vector<16xi32>,
        %get3A_737 = arith.constant 208 : index
        %get3A_738 = tpu.vector_load %arg18[%get3A_737] {strides = array<i32>} : memref<256xi32, #tpu.memory_space<vmem>>, vector<16xi32>,
        %get3A_739 = arith.constant 224 : index
        %get3A_740 = tpu.vector_load %arg18[%get3A_739] {strides = array<i32>} : memref<256xi32, #tpu.memory_space<vmem>>, vector<16xi32>,
        %get3A_741 = arith.constant 240 : index
        %get3A_742 = tpu.vector_load %arg18[%get3A_741] {strides = array<i32>} : memref<256xi32, #tpu.memory_space<vmem>>, vector<16xi32>,
        %min3A_743 = arith.minimumf %get3A_680, %get3A_682 : vector<16xf32>
        %min3A_744 = arith.minimumf %min3A_743, %get3A_684 : vector<16xf32>
        %min3A_745 = arith.minimumf %min3A_744, %get3A_686 : vector<16xf32>
        %min3A_746 = arith.minimumf %min3A_745, %get3A_688 : vector<16xf32>
        %min3A_747 = arith.minimumf %min3A_746, %get3A_690 : vector<16xf32>
        %min3A_748 = arith.minimumf %min3A_747, %get3A_692 : vector<16xf32>
        %min3A_749 = arith.minimumf %min3A_748, %get3A_694 : vector<16xf32>
        %min3A_750 = arith.minimumf %min3A_749, %get3A_696 : vector<16xf32>
        %min3A_751 = arith.minimumf %min3A_750, %get3A_698 : vector<16xf32>
        %min3A_752 = arith.minimumf %min3A_751, %get3A_700 : vector<16xf32>
        %min3A_753 = arith.minimumf %min3A_752, %get3A_702 : vector<16xf32>
        %min3A_754 = arith.minimumf %min3A_753, %get3A_704 : vector<16xf32>
        %min3A_755 = arith.minimumf %min3A_754, %get3A_706 : vector<16xf32>
        %min3A_756 = arith.minimumf %min3A_755, %get3A_708 : vector<16xf32>
        %min3A_757 = arith.minimumf %min3A_756, %get3A_710 : vector<16xf32>
        %reduce_min3A = arith.constant true
        %reduce_min3A_758 = vector.broadcast %reduce_min3A : i1 to vector<16xi1>
        %reduce_min3A_759 = tpu.scan <min>, %min3A_757 masked %reduce_min3A_758 : vector<16xf32>, vector<16xi1> -> vector<16xf32>
        %reduce_min3A_760 = vector.extract %reduce_min3A_759[15] : f32 from vector<16xf32>
        %broadcast_in_dim3A_761 = arith.constant 2147483647 : i32
        %broadcast_in_dim3A_762 = vector.broadcast %broadcast_in_dim3A_761 : i32 to vector<16xi32>
        %eq3A_763 = vector.broadcast %reduce_min3A_760 : f32 to vector<16xf32>
        %eq3A_764 = arith.cmpf oeq, %get3A_680, %eq3A_763 : vector<16xf32>
        %jit3A_765 = arith.constant 2147483647 : i32
        %broadcast_in_dim3A_766 = vector.broadcast %jit3A_765 : i32 to vector<16xi32>
        %select_n3A_767 = arith.select %eq3A_764, %get3A_712, %broadcast_in_dim3A_766 : vector<16xi1>, vector<16xi32>
        %min3A_768 = arith.minsi %broadcast_in_dim3A_762, %select_n3A_767 : vector<16xi32>
        %eq3A_769 = vector.broadcast %reduce_min3A_760 : f32 to vector<16xf32>
        %eq3A_770 = arith.cmpf oeq, %get3A_682, %eq3A_769 : vector<16xf32>
        %jit3A_771 = arith.constant 2147483647 : i32
        %broadcast_in_dim3A_772 = vector.broadcast %jit3A_771 : i32 to vector<16xi32>
        %select_n3A_773 = arith.select %eq3A_770, %get3A_714, %broadcast_in_dim3A_772 : vector<16xi1>, vector<16xi32>
        %min3A_774 = arith.minsi %min3A_768, %select_n3A_773 : vector<16xi32>
        %eq3A_775 = vector.broadcast %reduce_min3A_760 : f32 to vector<16xf32>
        %eq3A_776 = arith.cmpf oeq, %get3A_684, %eq3A_775 : vector<16xf32>
        %jit3A_777 = arith.constant 2147483647 : i32
        %broadcast_in_dim3A_778 = vector.broadcast %jit3A_777 : i32 to vector<16xi32>
        %select_n3A_779 = arith.select %eq3A_776, %get3A_716, %broadcast_in_dim3A_778 : vector<16xi1>, vector<16xi32>
        %min3A_780 = arith.minsi %min3A_774, %select_n3A_779 : vector<16xi32>
        %eq3A_781 = vector.broadcast %reduce_min3A_760 : f32 to vector<16xf32>
        %eq3A_782 = arith.cmpf oeq, %get3A_686, %eq3A_781 : vector<16xf32>
        %jit3A_783 = arith.constant 2147483647 : i32
        %broadcast_in_dim3A_784 = vector.broadcast %jit3A_783 : i32 to vector<16xi32>
        %select_n3A_785 = arith.select %eq3A_782, %get3A_718, %broadcast_in_dim3A_784 : vector<16xi1>, vector<16xi32>
        %min3A_786 = arith.minsi %min3A_780, %select_n3A_785 : vector<16xi32>
        %eq3A_787 = vector.broadcast %reduce_min3A_760 : f32 to vector<16xf32>
        %eq3A_788 = arith.cmpf oeq, %get3A_688, %eq3A_787 : vector<16xf32>
        %jit3A_789 = arith.constant 2147483647 : i32
        %broadcast_in_dim3A_790 = vector.broadcast %jit3A_789 : i32 to vector<16xi32>
        %select_n3A_791 = arith.select %eq3A_788, %get3A_720, %broadcast_in_dim3A_790 : vector<16xi1>, vector<16xi32>
        %min3A_792 = arith.minsi %min3A_786, %select_n3A_791 : vector<16xi32>
        %eq3A_793 = vector.broadcast %reduce_min3A_760 : f32 to vector<16xf32>
        %eq3A_794 = arith.cmpf oeq, %get3A_690, %eq3A_793 : vector<16xf32>
        %jit3A_795 = arith.constant 2147483647 : i32
        %broadcast_in_dim3A_796 = vector.broadcast %jit3A_795 : i32 to vector<16xi32>
        %select_n3A_797 = arith.select %eq3A_794, %get3A_722, %broadcast_in_dim3A_796 : vector<16xi1>, vector<16xi32>
        %min3A_798 = arith.minsi %min3A_792, %select_n3A_797 : vector<16xi32>
        %eq3A_799 = vector.broadcast %reduce_min3A_760 : f32 to vector<16xf32>
        %eq3A_800 = arith.cmpf oeq, %get3A_692, %eq3A_799 : vector<16xf32>
        %jit3A_801 = arith.constant 2147483647 : i32
        %broadcast_in_dim3A_802 = vector.broadcast %jit3A_801 : i32 to vector<16xi32>
        %select_n3A_803 = arith.select %eq3A_800, %get3A_724, %broadcast_in_dim3A_802 : vector<16xi1>, vector<16xi32>
        %min3A_804 = arith.minsi %min3A_798, %select_n3A_803 : vector<16xi32>
        %eq3A_805 = vector.broadcast %reduce_min3A_760 : f32 to vector<16xf32>
        %eq3A_806 = arith.cmpf oeq, %get3A_694, %eq3A_805 : vector<16xf32>
        %jit3A_807 = arith.constant 2147483647 : i32
        %broadcast_in_dim3A_808 = vector.broadcast %jit3A_807 : i32 to vector<16xi32>
        %select_n3A_809 = arith.select %eq3A_806, %get3A_726, %broadcast_in_dim3A_808 : vector<16xi1>, vector<16xi32>
        %min3A_810 = arith.minsi %min3A_804, %select_n3A_809 : vector<16xi32>
        %eq3A_811 = vector.broadcast %reduce_min3A_760 : f32 to vector<16xf32>
        %eq3A_812 = arith.cmpf oeq, %get3A_696, %eq3A_811 : vector<16xf32>
        %jit3A_813 = arith.constant 2147483647 : i32
        %broadcast_in_dim3A_814 = vector.broadcast %jit3A_813 : i32 to vector<16xi32>
        %select_n3A_815 = arith.select %eq3A_812, %get3A_728, %broadcast_in_dim3A_814 : vector<16xi1>, vector<16xi32>
        %min3A_816 = arith.minsi %min3A_810, %select_n3A_815 : vector<16xi32>
        %eq3A_817 = vector.broadcast %reduce_min3A_760 : f32 to vector<16xf32>
        %eq3A_818 = arith.cmpf oeq, %get3A_698, %eq3A_817 : vector<16xf32>
        %jit3A_819 = arith.constant 2147483647 : i32
        %broadcast_in_dim3A_820 = vector.broadcast %jit3A_819 : i32 to vector<16xi32>
        %select_n3A_821 = arith.select %eq3A_818, %get3A_730, %broadcast_in_dim3A_820 : vector<16xi1>, vector<16xi32>
        %min3A_822 = arith.minsi %min3A_816, %select_n3A_821 : vector<16xi32>
        %eq3A_823 = vector.broadcast %reduce_min3A_760 : f32 to vector<16xf32>
        %eq3A_824 = arith.cmpf oeq, %get3A_700, %eq3A_823 : vector<16xf32>
        %jit3A_825 = arith.constant 2147483647 : i32
        %broadcast_in_dim3A_826 = vector.broadcast %jit3A_825 : i32 to vector<16xi32>
        %select_n3A_827 = arith.select %eq3A_824, %get3A_732, %broadcast_in_dim3A_826 : vector<16xi1>, vector<16xi32>
        %min3A_828 = arith.minsi %min3A_822, %select_n3A_827 : vector<16xi32>
        %eq3A_829 = vector.broadcast %reduce_min3A_760 : f32 to vector<16xf32>
        %eq3A_830 = arith.cmpf oeq, %get3A_702, %eq3A_829 : vector<16xf32>
        %jit3A_831 = arith.constant 2147483647 : i32
        %broadcast_in_dim3A_832 = vector.broadcast %jit3A_831 : i32 to vector<16xi32>
        %select_n3A_833 = arith.select %eq3A_830, %get3A_734, %broadcast_in_dim3A_832 : vector<16xi1>, vector<16xi32>
        %min3A_834 = arith.minsi %min3A_828, %select_n3A_833 : vector<16xi32>
        %eq3A_835 = vector.broadcast %reduce_min3A_760 : f32 to vector<16xf32>
        %eq3A_836 = arith.cmpf oeq, %get3A_704, %eq3A_835 : vector<16xf32>
        %jit3A_837 = arith.constant 2147483647 : i32
        %broadcast_in_dim3A_838 = vector.broadcast %jit3A_837 : i32 to vector<16xi32>
        %select_n3A_839 = arith.select %eq3A_836, %get3A_736, %broadcast_in_dim3A_838 : vector<16xi1>, vector<16xi32>
        %min3A_840 = arith.minsi %min3A_834, %select_n3A_839 : vector<16xi32>
        %eq3A_841 = vector.broadcast %reduce_min3A_760 : f32 to vector<16xf32>
        %eq3A_842 = arith.cmpf oeq, %get3A_706, %eq3A_841 : vector<16xf32>
        %jit3A_843 = arith.constant 2147483647 : i32
        %broadcast_in_dim3A_844 = vector.broadcast %jit3A_843 : i32 to vector<16xi32>
        %select_n3A_845 = arith.select %eq3A_842, %get3A_738, %broadcast_in_dim3A_844 : vector<16xi1>, vector<16xi32>
        %min3A_846 = arith.minsi %min3A_840, %select_n3A_845 : vector<16xi32>
        %eq3A_847 = vector.broadcast %reduce_min3A_760 : f32 to vector<16xf32>
        %eq3A_848 = arith.cmpf oeq, %get3A_708, %eq3A_847 : vector<16xf32>
        %jit3A_849 = arith.constant 2147483647 : i32
        %broadcast_in_dim3A_850 = vector.broadcast %jit3A_849 : i32 to vector<16xi32>
        %select_n3A_851 = arith.select %eq3A_848, %get3A_740, %broadcast_in_dim3A_850 : vector<16xi1>, vector<16xi32>
        %min3A_852 = arith.minsi %min3A_846, %select_n3A_851 : vector<16xi32>
        %eq3A_853 = vector.broadcast %reduce_min3A_760 : f32 to vector<16xf32>
        %eq3A_854 = arith.cmpf oeq, %get3A_710, %eq3A_853 : vector<16xf32>
        %jit3A_855 = arith.constant 2147483647 : i32
        %broadcast_in_dim3A_856 = vector.broadcast %jit3A_855 : i32 to vector<16xi32>
        %select_n3A_857 = arith.select %eq3A_854, %get3A_742, %broadcast_in_dim3A_856 : vector<16xi1>, vector<16xi32>
        %min3A_858 = arith.minsi %min3A_852, %select_n3A_857 : vector<16xi32>
        %reduce_min3A_859 = arith.constant true
        %reduce_min3A_860 = vector.broadcast %reduce_min3A_859 : i1 to vector<16xi1>
        %reduce_min3A_861 = arith.constant -2147483648 : i32
        %reduce_min3A_862 = vector.broadcast %reduce_min3A_861 : i32 to vector<16xi32>
        %reduce_min3A_863 = arith.xori %min3A_858, %reduce_min3A_862 : vector<16xi32>
        %reduce_min3A_864 = tpu.scan <min>, %reduce_min3A_863 masked %reduce_min3A_860 : vector<16xi32>, vector<16xi1> -> vector<16xi32>
        %reduce_min3A_865 = arith.xori %reduce_min3A_864, %reduce_min3A_862 : vector<16xi32>
        %reduce_min3A_866 = vector.extract %reduce_min3A_865[15] : i32 from vector<16xi32>
        %add3A_867 = arith.constant 8 : i32
        %add3A_868 = arith.addi %scan3A_676, %add3A_867 : i32
        %eq3A_869 = vector.broadcast %add3A_868 : i32 to vector<16xi32>
        %eq3A_870 = arith.cmpi eq, %iota3A_652, %eq3A_869 : vector<16xi32>
        %broadcast_in_dim3A_871 = vector.broadcast %reduce_min3A_760 : f32 to vector<16xf32>
        %select_n3A_872 = arith.select %eq3A_870, %broadcast_in_dim3A_871, %scan3A_677 : vector<16xi1>, vector<16xf32>
        %add3A_873 = arith.constant 8 : i32
        %add3A_874 = arith.addi %scan3A_676, %add3A_873 : i32
        %eq3A_875 = vector.broadcast %add3A_874 : i32 to vector<16xi32>
        %eq3A_876 = arith.cmpi eq, %iota3A_652, %eq3A_875 : vector<16xi32>
        %broadcast_in_dim3A_877 = vector.broadcast %reduce_min3A_866 : i32 to vector<16xi32>
        %select_n3A_878 = arith.select %eq3A_876, %broadcast_in_dim3A_877, %scan3A_678 : vector<16xi1>, vector<16xi32>
        %eq3A_879 = vector.broadcast %reduce_min3A_866 : i32 to vector<16xi32>
        %eq3A_880 = arith.cmpi eq, %get3A_712, %eq3A_879 : vector<16xi32>
        %jit3A_881 = arith.constant 3.000000e+38 : f32
        %broadcast_in_dim3A_882 = vector.broadcast %jit3A_881 : f32 to vector<16xf32>
        %select_n3A_883 = arith.select %eq3A_880, %broadcast_in_dim3A_882, %get3A_680 : vector<16xi1>, vector<16xf32>
        %swap3A_884 = arith.constant 0 : index
        %swap3A_885 = tpu.vector_load %arg17[%swap3A_884] {strides = array<i32>} : memref<256xf32, #tpu.memory_space<vmem>>, vector<16xf32>,
        tpu.vector_store %arg17[%swap3A_884], %select_n3A_883 {strides = array<i32>} : memref<256xf32, #tpu.memory_space<vmem>>, vector<16xf32>,
        %eq3A_886 = vector.broadcast %reduce_min3A_866 : i32 to vector<16xi32>
        %eq3A_887 = arith.cmpi eq, %get3A_714, %eq3A_886 : vector<16xi32>
        %jit3A_888 = arith.constant 3.000000e+38 : f32
        %broadcast_in_dim3A_889 = vector.broadcast %jit3A_888 : f32 to vector<16xf32>
        %select_n3A_890 = arith.select %eq3A_887, %broadcast_in_dim3A_889, %get3A_682 : vector<16xi1>, vector<16xf32>
        %swap3A_891 = arith.constant 16 : index
        %swap3A_892 = tpu.vector_load %arg17[%swap3A_891] {strides = array<i32>} : memref<256xf32, #tpu.memory_space<vmem>>, vector<16xf32>,
        tpu.vector_store %arg17[%swap3A_891], %select_n3A_890 {strides = array<i32>} : memref<256xf32, #tpu.memory_space<vmem>>, vector<16xf32>,
        %eq3A_893 = vector.broadcast %reduce_min3A_866 : i32 to vector<16xi32>
        %eq3A_894 = arith.cmpi eq, %get3A_716, %eq3A_893 : vector<16xi32>
        %jit3A_895 = arith.constant 3.000000e+38 : f32
        %broadcast_in_dim3A_896 = vector.broadcast %jit3A_895 : f32 to vector<16xf32>
        %select_n3A_897 = arith.select %eq3A_894, %broadcast_in_dim3A_896, %get3A_684 : vector<16xi1>, vector<16xf32>
        %swap3A_898 = arith.constant 32 : index
        %swap3A_899 = tpu.vector_load %arg17[%swap3A_898] {strides = array<i32>} : memref<256xf32, #tpu.memory_space<vmem>>, vector<16xf32>,
        tpu.vector_store %arg17[%swap3A_898], %select_n3A_897 {strides = array<i32>} : memref<256xf32, #tpu.memory_space<vmem>>, vector<16xf32>,
        %eq3A_900 = vector.broadcast %reduce_min3A_866 : i32 to vector<16xi32>
        %eq3A_901 = arith.cmpi eq, %get3A_718, %eq3A_900 : vector<16xi32>
        %jit3A_902 = arith.constant 3.000000e+38 : f32
        %broadcast_in_dim3A_903 = vector.broadcast %jit3A_902 : f32 to vector<16xf32>
        %select_n3A_904 = arith.select %eq3A_901, %broadcast_in_dim3A_903, %get3A_686 : vector<16xi1>, vector<16xf32>
        %swap3A_905 = arith.constant 48 : index
        %swap3A_906 = tpu.vector_load %arg17[%swap3A_905] {strides = array<i32>} : memref<256xf32, #tpu.memory_space<vmem>>, vector<16xf32>,
        tpu.vector_store %arg17[%swap3A_905], %select_n3A_904 {strides = array<i32>} : memref<256xf32, #tpu.memory_space<vmem>>, vector<16xf32>,
        %eq3A_907 = vector.broadcast %reduce_min3A_866 : i32 to vector<16xi32>
        %eq3A_908 = arith.cmpi eq, %get3A_720, %eq3A_907 : vector<16xi32>
        %jit3A_909 = arith.constant 3.000000e+38 : f32
        %broadcast_in_dim3A_910 = vector.broadcast %jit3A_909 : f32 to vector<16xf32>
        %select_n3A_911 = arith.select %eq3A_908, %broadcast_in_dim3A_910, %get3A_688 : vector<16xi1>, vector<16xf32>
        %swap3A_912 = arith.constant 64 : index
        %swap3A_913 = tpu.vector_load %arg17[%swap3A_912] {strides = array<i32>} : memref<256xf32, #tpu.memory_space<vmem>>, vector<16xf32>,
        tpu.vector_store %arg17[%swap3A_912], %select_n3A_911 {strides = array<i32>} : memref<256xf32, #tpu.memory_space<vmem>>, vector<16xf32>,
        %eq3A_914 = vector.broadcast %reduce_min3A_866 : i32 to vector<16xi32>
        %eq3A_915 = arith.cmpi eq, %get3A_722, %eq3A_914 : vector<16xi32>
        %jit3A_916 = arith.constant 3.000000e+38 : f32
        %broadcast_in_dim3A_917 = vector.broadcast %jit3A_916 : f32 to vector<16xf32>
        %select_n3A_918 = arith.select %eq3A_915, %broadcast_in_dim3A_917, %get3A_690 : vector<16xi1>, vector<16xf32>
        %swap3A_919 = arith.constant 80 : index
        %swap3A_920 = tpu.vector_load %arg17[%swap3A_919] {strides = array<i32>} : memref<256xf32, #tpu.memory_space<vmem>>, vector<16xf32>,
        tpu.vector_store %arg17[%swap3A_919], %select_n3A_918 {strides = array<i32>} : memref<256xf32, #tpu.memory_space<vmem>>, vector<16xf32>,
        %eq3A_921 = vector.broadcast %reduce_min3A_866 : i32 to vector<16xi32>
        %eq3A_922 = arith.cmpi eq, %get3A_724, %eq3A_921 : vector<16xi32>
        %jit3A_923 = arith.constant 3.000000e+38 : f32
        %broadcast_in_dim3A_924 = vector.broadcast %jit3A_923 : f32 to vector<16xf32>
        %select_n3A_925 = arith.select %eq3A_922, %broadcast_in_dim3A_924, %get3A_692 : vector<16xi1>, vector<16xf32>
        %swap3A_926 = arith.constant 96 : index
        %swap3A_927 = tpu.vector_load %arg17[%swap3A_926] {strides = array<i32>} : memref<256xf32, #tpu.memory_space<vmem>>, vector<16xf32>,
        tpu.vector_store %arg17[%swap3A_926], %select_n3A_925 {strides = array<i32>} : memref<256xf32, #tpu.memory_space<vmem>>, vector<16xf32>,
        %eq3A_928 = vector.broadcast %reduce_min3A_866 : i32 to vector<16xi32>
        %eq3A_929 = arith.cmpi eq, %get3A_726, %eq3A_928 : vector<16xi32>
        %jit3A_930 = arith.constant 3.000000e+38 : f32
        %broadcast_in_dim3A_931 = vector.broadcast %jit3A_930 : f32 to vector<16xf32>
        %select_n3A_932 = arith.select %eq3A_929, %broadcast_in_dim3A_931, %get3A_694 : vector<16xi1>, vector<16xf32>
        %swap3A_933 = arith.constant 112 : index
        %swap3A_934 = tpu.vector_load %arg17[%swap3A_933] {strides = array<i32>} : memref<256xf32, #tpu.memory_space<vmem>>, vector<16xf32>,
        tpu.vector_store %arg17[%swap3A_933], %select_n3A_932 {strides = array<i32>} : memref<256xf32, #tpu.memory_space<vmem>>, vector<16xf32>,
        %eq3A_935 = vector.broadcast %reduce_min3A_866 : i32 to vector<16xi32>
        %eq3A_936 = arith.cmpi eq, %get3A_728, %eq3A_935 : vector<16xi32>
        %jit3A_937 = arith.constant 3.000000e+38 : f32
        %broadcast_in_dim3A_938 = vector.broadcast %jit3A_937 : f32 to vector<16xf32>
        %select_n3A_939 = arith.select %eq3A_936, %broadcast_in_dim3A_938, %get3A_696 : vector<16xi1>, vector<16xf32>
        %swap3A_940 = arith.constant 128 : index
        %swap3A_941 = tpu.vector_load %arg17[%swap3A_940] {strides = array<i32>} : memref<256xf32, #tpu.memory_space<vmem>>, vector<16xf32>,
        tpu.vector_store %arg17[%swap3A_940], %select_n3A_939 {strides = array<i32>} : memref<256xf32, #tpu.memory_space<vmem>>, vector<16xf32>,
        %eq3A_942 = vector.broadcast %reduce_min3A_866 : i32 to vector<16xi32>
        %eq3A_943 = arith.cmpi eq, %get3A_730, %eq3A_942 : vector<16xi32>
        %jit3A_944 = arith.constant 3.000000e+38 : f32
        %broadcast_in_dim3A_945 = vector.broadcast %jit3A_944 : f32 to vector<16xf32>
        %select_n3A_946 = arith.select %eq3A_943, %broadcast_in_dim3A_945, %get3A_698 : vector<16xi1>, vector<16xf32>
        %swap3A_947 = arith.constant 144 : index
        %swap3A_948 = tpu.vector_load %arg17[%swap3A_947] {strides = array<i32>} : memref<256xf32, #tpu.memory_space<vmem>>, vector<16xf32>,
        tpu.vector_store %arg17[%swap3A_947], %select_n3A_946 {strides = array<i32>} : memref<256xf32, #tpu.memory_space<vmem>>, vector<16xf32>,
        %eq3A_949 = vector.broadcast %reduce_min3A_866 : i32 to vector<16xi32>
        %eq3A_950 = arith.cmpi eq, %get3A_732, %eq3A_949 : vector<16xi32>
        %jit3A_951 = arith.constant 3.000000e+38 : f32
        %broadcast_in_dim3A_952 = vector.broadcast %jit3A_951 : f32 to vector<16xf32>
        %select_n3A_953 = arith.select %eq3A_950, %broadcast_in_dim3A_952, %get3A_700 : vector<16xi1>, vector<16xf32>
        %swap3A_954 = arith.constant 160 : index
        %swap3A_955 = tpu.vector_load %arg17[%swap3A_954] {strides = array<i32>} : memref<256xf32, #tpu.memory_space<vmem>>, vector<16xf32>,
        tpu.vector_store %arg17[%swap3A_954], %select_n3A_953 {strides = array<i32>} : memref<256xf32, #tpu.memory_space<vmem>>, vector<16xf32>,
        %eq3A_956 = vector.broadcast %reduce_min3A_866 : i32 to vector<16xi32>
        %eq3A_957 = arith.cmpi eq, %get3A_734, %eq3A_956 : vector<16xi32>
        %jit3A_958 = arith.constant 3.000000e+38 : f32
        %broadcast_in_dim3A_959 = vector.broadcast %jit3A_958 : f32 to vector<16xf32>
        %select_n3A_960 = arith.select %eq3A_957, %broadcast_in_dim3A_959, %get3A_702 : vector<16xi1>, vector<16xf32>
        %swap3A_961 = arith.constant 176 : index
        %swap3A_962 = tpu.vector_load %arg17[%swap3A_961] {strides = array<i32>} : memref<256xf32, #tpu.memory_space<vmem>>, vector<16xf32>,
        tpu.vector_store %arg17[%swap3A_961], %select_n3A_960 {strides = array<i32>} : memref<256xf32, #tpu.memory_space<vmem>>, vector<16xf32>,
        %eq3A_963 = vector.broadcast %reduce_min3A_866 : i32 to vector<16xi32>
        %eq3A_964 = arith.cmpi eq, %get3A_736, %eq3A_963 : vector<16xi32>
        %jit3A_965 = arith.constant 3.000000e+38 : f32
        %broadcast_in_dim3A_966 = vector.broadcast %jit3A_965 : f32 to vector<16xf32>
        %select_n3A_967 = arith.select %eq3A_964, %broadcast_in_dim3A_966, %get3A_704 : vector<16xi1>, vector<16xf32>
        %swap3A_968 = arith.constant 192 : index
        %swap3A_969 = tpu.vector_load %arg17[%swap3A_968] {strides = array<i32>} : memref<256xf32, #tpu.memory_space<vmem>>, vector<16xf32>,
        tpu.vector_store %arg17[%swap3A_968], %select_n3A_967 {strides = array<i32>} : memref<256xf32, #tpu.memory_space<vmem>>, vector<16xf32>,
        %eq3A_970 = vector.broadcast %reduce_min3A_866 : i32 to vector<16xi32>
        %eq3A_971 = arith.cmpi eq, %get3A_738, %eq3A_970 : vector<16xi32>
        %jit3A_972 = arith.constant 3.000000e+38 : f32
        %broadcast_in_dim3A_973 = vector.broadcast %jit3A_972 : f32 to vector<16xf32>
        %select_n3A_974 = arith.select %eq3A_971, %broadcast_in_dim3A_973, %get3A_706 : vector<16xi1>, vector<16xf32>
        %swap3A_975 = arith.constant 208 : index
        %swap3A_976 = tpu.vector_load %arg17[%swap3A_975] {strides = array<i32>} : memref<256xf32, #tpu.memory_space<vmem>>, vector<16xf32>,
        tpu.vector_store %arg17[%swap3A_975], %select_n3A_974 {strides = array<i32>} : memref<256xf32, #tpu.memory_space<vmem>>, vector<16xf32>,
        %eq3A_977 = vector.broadcast %reduce_min3A_866 : i32 to vector<16xi32>
        %eq3A_978 = arith.cmpi eq, %get3A_740, %eq3A_977 : vector<16xi32>
        %jit3A_979 = arith.constant 3.000000e+38 : f32
        %broadcast_in_dim3A_980 = vector.broadcast %jit3A_979 : f32 to vector<16xf32>
        %select_n3A_981 = arith.select %eq3A_978, %broadcast_in_dim3A_980, %get3A_708 : vector<16xi1>, vector<16xf32>
        %swap3A_982 = arith.constant 224 : index
        %swap3A_983 = tpu.vector_load %arg17[%swap3A_982] {strides = array<i32>} : memref<256xf32, #tpu.memory_space<vmem>>, vector<16xf32>,
        tpu.vector_store %arg17[%swap3A_982], %select_n3A_981 {strides = array<i32>} : memref<256xf32, #tpu.memory_space<vmem>>, vector<16xf32>,
        %eq3A_984 = vector.broadcast %reduce_min3A_866 : i32 to vector<16xi32>
        %eq3A_985 = arith.cmpi eq, %get3A_742, %eq3A_984 : vector<16xi32>
        %jit3A_986 = arith.constant 3.000000e+38 : f32
        %broadcast_in_dim3A_987 = vector.broadcast %jit3A_986 : f32 to vector<16xf32>
        %select_n3A_988 = arith.select %eq3A_985, %broadcast_in_dim3A_987, %get3A_710 : vector<16xi1>, vector<16xf32>
        %swap3A_989 = arith.constant 240 : index
        %swap3A_990 = tpu.vector_load %arg17[%swap3A_989] {strides = array<i32>} : memref<256xf32, #tpu.memory_space<vmem>>, vector<16xf32>,
        tpu.vector_store %arg17[%swap3A_989], %select_n3A_988 {strides = array<i32>} : memref<256xf32, #tpu.memory_space<vmem>>, vector<16xf32>,
        scf.yield %select_n3A_872, %select_n3A_878 : vector<16xf32>, vector<16xi32>
      }
      %scan3A_658 = arith.constant 8 : i32
      %jit3A_659 = arith.constant 0 : i32
      %jit3A_660 = arith.constant 4095 : i32
      %max3A = vector.broadcast %jit3A_659 : i32 to vector<16xi32>
      %max3A_661 = arith.maxsi %max3A, %scan3A_657#1 : vector<16xi32>
      %min3A = vector.broadcast %jit3A_660 : i32 to vector<16xi32>
      %min3A_662 = arith.minsi %min3A, %max3A_661 : vector<16xi32>
      "tpu.region"() ({
        %run_scoped3A = tpu.sem_alloc : memref<!tpu.dma_semaphore, #tpu.memory_space<semaphore_mem>>
        tpu.enqueue_dma source(%arg3 : memref<4096xf32, #tpu.memory_space<hbm>>) target(%arg19 : memref<4096xf32, #tpu.memory_space<vmem>>) target_semaphore(%run_scoped3A : memref<!tpu.dma_semaphore, #tpu.memory_space<semaphore_mem>>)
        tpu.wait_dma2 semaphore(%run_scoped3A : memref<!tpu.dma_semaphore, #tpu.memory_space<semaphore_mem>>) src(%arg3 : memref<4096xf32, #tpu.memory_space<hbm>>) dst(%arg19 : memref<4096xf32, #tpu.memory_space<vmem>>)
        tpu.yield
      }) : () -> ()
      "tpu.region"() ({
        %run_scoped3A = tpu.sem_alloc : memref<!tpu.dma_semaphore, #tpu.memory_space<semaphore_mem>>
        tpu.enqueue_dma source(%arg4 : memref<4096xf32, #tpu.memory_space<hbm>>) target(%arg20 : memref<4096xf32, #tpu.memory_space<vmem>>) target_semaphore(%run_scoped3A : memref<!tpu.dma_semaphore, #tpu.memory_space<semaphore_mem>>)
        tpu.wait_dma2 semaphore(%run_scoped3A : memref<!tpu.dma_semaphore, #tpu.memory_space<semaphore_mem>>) src(%arg4 : memref<4096xf32, #tpu.memory_space<hbm>>) dst(%arg20 : memref<4096xf32, #tpu.memory_space<vmem>>)
        tpu.yield
      }) : () -> ()
      %gather3A = tpu.vector_load_idx %arg19[%min3A_662] : memref<4096xf32, #tpu.memory_space<vmem>>[vector<16xi32>], vector<16xf32>,
      %gather3A_663 = tpu.vector_load_idx %arg20[%min3A_662] : memref<4096xf32, #tpu.memory_space<vmem>>[vector<16xi32>], vector<16xf32>,
      %max3A_664 = arith.maximumf %gather3A, %gather3A_663 : vector<16xf32>
      %sub3A = arith.subf %gather3A, %max3A_664 : vector<16xf32>
      %exp3A = math.exp %sub3A : vector<16xf32>
      %sub3A_665 = arith.subf %gather3A_663, %max3A_664 : vector<16xf32>
      %exp3A_666 = math.exp %sub3A_665 : vector<16xf32>
      %add3A = arith.addf %exp3A, %exp3A_666 : vector<16xf32>
      %swap3A_667 = arith.constant 0 : index
      %swap3A_668 = tpu.vector_load %arg13[%swap3A_667] {strides = array<i32>} : memref<16xf32, #tpu.memory_space<vmem>>, vector<16xf32>,
      tpu.vector_store %arg13[%swap3A_667], %gather3A {strides = array<i32>} : memref<16xf32, #tpu.memory_space<vmem>>, vector<16xf32>,
      "tpu.region"() ({
        %run_scoped3A = tpu.sem_alloc : memref<!tpu.dma_semaphore, #tpu.memory_space<semaphore_mem>>
        tpu.enqueue_dma source(%arg13 : memref<16xf32, #tpu.memory_space<vmem>>) target(%arg7 : memref<16xf32, #tpu.memory_space<hbm>>) target_semaphore(%run_scoped3A : memref<!tpu.dma_semaphore, #tpu.memory_space<semaphore_mem>>)
        tpu.wait_dma2 semaphore(%run_scoped3A : memref<!tpu.dma_semaphore, #tpu.memory_space<semaphore_mem>>) src(%arg13 : memref<16xf32, #tpu.memory_space<vmem>>) dst(%arg7 : memref<16xf32, #tpu.memory_space<hbm>>)
        tpu.yield
      }) : () -> ()
      %swap3A_669 = arith.constant 0 : index
      %swap3A_670 = tpu.vector_load %arg13[%swap3A_669] {strides = array<i32>} : memref<16xf32, #tpu.memory_space<vmem>>, vector<16xf32>,
      tpu.vector_store %arg13[%swap3A_669], %gather3A_663 {strides = array<i32>} : memref<16xf32, #tpu.memory_space<vmem>>, vector<16xf32>,
      "tpu.region"() ({
        %run_scoped3A = tpu.sem_alloc : memref<!tpu.dma_semaphore, #tpu.memory_space<semaphore_mem>>
        tpu.enqueue_dma source(%arg13 : memref<16xf32, #tpu.memory_space<vmem>>) target(%arg8 : memref<16xf32, #tpu.memory_space<hbm>>) target_semaphore(%run_scoped3A : memref<!tpu.dma_semaphore, #tpu.memory_space<semaphore_mem>>)
        tpu.wait_dma2 semaphore(%run_scoped3A : memref<!tpu.dma_semaphore, #tpu.memory_space<semaphore_mem>>) src(%arg13 : memref<16xf32, #tpu.memory_space<vmem>>) dst(%arg8 : memref<16xf32, #tpu.memory_space<hbm>>)
        tpu.yield
      }) : () -> ()
      %div3A = arith.divf %exp3A, %add3A : vector<16xf32>
      %swap3A_671 = arith.constant 0 : index
      %swap3A_672 = tpu.vector_load %arg13[%swap3A_671] {strides = array<i32>} : memref<16xf32, #tpu.memory_space<vmem>>, vector<16xf32>,
      tpu.vector_store %arg13[%swap3A_671], %div3A {strides = array<i32>} : memref<16xf32, #tpu.memory_space<vmem>>, vector<16xf32>,
      "tpu.region"() ({
        %run_scoped3A = tpu.sem_alloc : memref<!tpu.dma_semaphore, #tpu.memory_space<semaphore_mem>>
        tpu.enqueue_dma source(%arg13 : memref<16xf32, #tpu.memory_space<vmem>>) target(%arg9 : memref<16xf32, #tpu.memory_space<hbm>>) target_semaphore(%run_scoped3A : memref<!tpu.dma_semaphore, #tpu.memory_space<semaphore_mem>>)
        tpu.wait_dma2 semaphore(%run_scoped3A : memref<!tpu.dma_semaphore, #tpu.memory_space<semaphore_mem>>) src(%arg13 : memref<16xf32, #tpu.memory_space<vmem>>) dst(%arg9 : memref<16xf32, #tpu.memory_space<hbm>>)
        tpu.yield
      }) : () -> ()
      %div3A_673 = arith.divf %exp3A_666, %add3A : vector<16xf32>
      %swap3A_674 = arith.constant 0 : index
      %swap3A_675 = tpu.vector_load %arg13[%swap3A_674] {strides = array<i32>} : memref<16xf32, #tpu.memory_space<vmem>>, vector<16xf32>,
      tpu.vector_store %arg13[%swap3A_674], %div3A_673 {strides = array<i32>} : memref<16xf32, #tpu.memory_space<vmem>>, vector<16xf32>,
      "tpu.region"() ({
        %run_scoped3A = tpu.sem_alloc : memref<!tpu.dma_semaphore, #tpu.memory_space<semaphore_mem>>
        tpu.enqueue_dma source(%arg13 : memref<16xf32, #tpu.memory_space<vmem>>) target(%arg10 : memref<16xf32, #tpu.memory_space<hbm>>) target_semaphore(%run_scoped3A : memref<!tpu.dma_semaphore, #tpu.memory_space<semaphore_mem>>)
        tpu.wait_dma2 semaphore(%run_scoped3A : memref<!tpu.dma_semaphore, #tpu.memory_space<semaphore_mem>>) src(%arg13 : memref<16xf32, #tpu.memory_space<vmem>>) dst(%arg10 : memref<16xf32, #tpu.memory_space<hbm>>)
        tpu.yield
      }) : () -> ()
    } else {
    }
    return
  }
}

module attributes {stable_mosaic.version = 14 : i64} {
  func.func @_tc_body(%arg0: i32, %arg1: memref<512x8x128xf32, #tpu.memory_space<vmem>>, %arg2: memref<1024x512xf32, #tpu.memory_space<vmem>>, %arg3: memref<1x512xf32, #tpu.memory_space<vmem>>, %arg4: memref<1024x256xf32, #tpu.memory_space<vmem>>, %arg5: memref<1x256xf32, #tpu.memory_space<vmem>>, %arg6: memref<1024x256xf32, #tpu.memory_space<vmem>>, %arg7: memref<1x256xf32, #tpu.memory_space<vmem>>, %arg8: memref<256x1xf32, #tpu.memory_space<vmem>>, %arg9: memref<1x1xf32, #tpu.memory_space<vmem>>, %arg10: memref<512x2xf32, #tpu.memory_space<vmem>>, %arg11: memref<1x2xf32, #tpu.memory_space<vmem>>, %arg12: memref<512x2xf32, #tpu.memory_space<vmem>>, %arg13: memref<1x2xf32, #tpu.memory_space<vmem>>, %arg14: memref<512x512xf32, #tpu.memory_space<vmem>>, %arg15: memref<32x128xf32, #tpu.memory_space<vmem>>, %arg16: memref<32x128xf32, #tpu.memory_space<vmem>>, %arg17: memref<32x128xf32, #tpu.memory_space<vmem>>, %arg18: memref<32x128xf32, #tpu.memory_space<vmem>>, %arg19: memref<1x2xf32, #tpu.memory_space<vmem>>, %arg20: memref<1x2xf32, #tpu.memory_space<vmem>>, %arg21: memref<1x1xi32, #tpu.memory_space<vmem>>, %arg22: memref<1x1xi32, #tpu.memory_space<vmem>>, %arg23: memref<4096x1xf32, #tpu.memory_space<vmem>>, %arg24: memref<1x512xf32, #tpu.memory_space<vmem>>, %arg25: memref<4096x2xf32, #tpu.memory_space<vmem>>, %arg26: memref<1x1xf32, #tpu.memory_space<smem>>, %arg27: memref<1x1xf32, #tpu.memory_space<smem>>) attributes {dimension_semantics = [#tpu.dimension_semantics<arbitrary>], iteration_bounds = array<i64: 8>, scalar_prefetch = 0 : i64, scratch_operands = 5 : i64, tpu.core_type = #tpu.core_type<tc>, window_params = [{transform_indices = @transform_0, window_bounds = array<i64: 512, 8, 128>}, {pipeline_mode = #tpu.pipeline_mode<synchronous>, transform_indices = @transform_1, window_bounds = array<i64: 1024, 512>}, {pipeline_mode = #tpu.pipeline_mode<synchronous>, transform_indices = @transform_2, window_bounds = array<i64: 1, 512>}, {pipeline_mode = #tpu.pipeline_mode<synchronous>, transform_indices = @transform_3, window_bounds = array<i64: 1024, 256>}, {pipeline_mode = #tpu.pipeline_mode<synchronous>, transform_indices = @transform_4, window_bounds = array<i64: 1, 256>}, {pipeline_mode = #tpu.pipeline_mode<synchronous>, transform_indices = @transform_5, window_bounds = array<i64: 1024, 256>}, {pipeline_mode = #tpu.pipeline_mode<synchronous>, transform_indices = @transform_6, window_bounds = array<i64: 1, 256>}, {pipeline_mode = #tpu.pipeline_mode<synchronous>, transform_indices = @transform_7, window_bounds = array<i64: 256, 1>}, {pipeline_mode = #tpu.pipeline_mode<synchronous>, transform_indices = @transform_8, window_bounds = array<i64: 1, 1>}, {pipeline_mode = #tpu.pipeline_mode<synchronous>, transform_indices = @transform_9, window_bounds = array<i64: 512, 2>}, {pipeline_mode = #tpu.pipeline_mode<synchronous>, transform_indices = @transform_10, window_bounds = array<i64: 1, 2>}, {pipeline_mode = #tpu.pipeline_mode<synchronous>, transform_indices = @transform_11, window_bounds = array<i64: 512, 2>}, {pipeline_mode = #tpu.pipeline_mode<synchronous>, transform_indices = @transform_12, window_bounds = array<i64: 1, 2>}, {transform_indices = @transform_13, window_bounds = array<i64: 512, 512>}, {pipeline_mode = #tpu.pipeline_mode<synchronous>, transform_indices = @transform_14, window_bounds = array<i64: 32, 128>}, {pipeline_mode = #tpu.pipeline_mode<synchronous>, transform_indices = @transform_15, window_bounds = array<i64: 32, 128>}, {pipeline_mode = #tpu.pipeline_mode<synchronous>, transform_indices = @transform_16, window_bounds = array<i64: 32, 128>}, {pipeline_mode = #tpu.pipeline_mode<synchronous>, transform_indices = @transform_17, window_bounds = array<i64: 32, 128>}, {pipeline_mode = #tpu.pipeline_mode<synchronous>, transform_indices = @transform_18, window_bounds = array<i64: 1, 2>}, {pipeline_mode = #tpu.pipeline_mode<synchronous>, transform_indices = @transform_19, window_bounds = array<i64: 1, 2>}, {pipeline_mode = #tpu.pipeline_mode<synchronous>, transform_indices = @transform_20, window_bounds = array<i64: 1, 1>}, {pipeline_mode = #tpu.pipeline_mode<synchronous>, transform_indices = @transform_21, window_bounds = array<i64: 1, 1>}]} {
    %eq3A = arith.constant 0 : i32
    %eq3A_0 = arith.cmpi eq, %arg0, %eq3A : i32
    %convert_element_type3A = arith.extui %eq3A_0 : i1 to i32
    %cond3A = arith.constant 0 : i32
    %cond3A_1 = arith.cmpi ne, %convert_element_type3A, %cond3A : i32
    scf.if %cond3A_1 {
      %swap3A_115 = arith.constant 0xFF800000 : f32
      %swap3A_116 = arith.constant 0 : index
      %swap3A_117 = arith.constant 0 : index
      %swap3A_118 = memref.load %arg26[%swap3A_116, %swap3A_117] : memref<1x1xf32, #tpu.memory_space<smem>>
      memref.store %swap3A_115, %arg26[%swap3A_116, %swap3A_117] : memref<1x1xf32, #tpu.memory_space<smem>>
      %swap3A_119 = arith.constant 0.000000e+00 : f32
      %swap3A_120 = arith.constant 0 : index
      %swap3A_121 = arith.constant 0 : index
      %swap3A_122 = memref.load %arg27[%swap3A_120, %swap3A_121] : memref<1x1xf32, #tpu.memory_space<smem>>
      memref.store %swap3A_119, %arg27[%swap3A_120, %swap3A_121] : memref<1x1xf32, #tpu.memory_space<smem>>
      %broadcast_in_dim3A = arith.constant 0.000000e+00 : f32
      %broadcast_in_dim3A_123 = vector.broadcast %broadcast_in_dim3A : f32 to vector<1x512xf32>
      %swap3A_124 = arith.constant 0 : index
      %swap3A_125 = arith.constant 0 : index
      %swap3A_126 = vector.load %arg24[%swap3A_124, %swap3A_125] : memref<1x512xf32, #tpu.memory_space<vmem>>, vector<1x512xf32>
      tpu.vector_store %arg24[%swap3A_124, %swap3A_125], %broadcast_in_dim3A_123 {strides = array<i32>} : memref<1x512xf32, #tpu.memory_space<vmem>>, vector<1x512xf32>,
    } else {
    }
    %get3A = arith.constant 0 : index
    %get3A_2 = arith.constant 0 : index
    %get3A_3 = arith.constant 0 : index
    %get3A_4 = vector.load %arg1[%get3A, %get3A_2, %get3A_3] : memref<512x8x128xf32, #tpu.memory_space<vmem>>, vector<512x8x128xf32>
    %reshape3A = vector.shape_cast %get3A_4 : vector<512x8x128xf32> to vector<512x1024xf32>
    %get3A_5 = arith.constant 0 : index
    %get3A_6 = arith.constant 0 : index
    %get3A_7 = vector.load %arg2[%get3A_5, %get3A_6] : memref<1024x512xf32, #tpu.memory_space<vmem>>, vector<1024x512xf32>
    %dot_general3A = arith.constant dense<0.000000e+00> : vector<512x512xf32>
    %dot_general3A_8 = tpu.matmul %reshape3A, %get3A_7, %dot_general3A {dimension_numbers = #tpu.dot_dimension_numbers<[1], [0], [0], [1], [0, 0, 1, 1], [], []>, transpose_lhs_hint = false} : vector<512x1024xf32>, vector<1024x512xf32>, vector<512x512xf32> -> vector<512x512xf32>
    %get3A_9 = arith.constant 0 : index
    %get3A_10 = arith.constant 0 : index
    %get3A_11 = vector.load %arg4[%get3A_9, %get3A_10] : memref<1024x256xf32, #tpu.memory_space<vmem>>, vector<1024x256xf32>
    %dot_general3A_12 = arith.constant dense<0.000000e+00> : vector<512x256xf32>
    %dot_general3A_13 = tpu.matmul %reshape3A, %get3A_11, %dot_general3A_12 {dimension_numbers = #tpu.dot_dimension_numbers<[1], [0], [0], [1], [0, 0, 1, 1], [], []>, transpose_lhs_hint = false} : vector<512x1024xf32>, vector<1024x256xf32>, vector<512x256xf32> -> vector<512x256xf32>
    %get3A_14 = arith.constant 0 : index
    %get3A_15 = arith.constant 0 : index
    %get3A_16 = vector.load %arg6[%get3A_14, %get3A_15] : memref<1024x256xf32, #tpu.memory_space<vmem>>, vector<1024x256xf32>
    %dot_general3A_17 = arith.constant dense<0.000000e+00> : vector<512x256xf32>
    %dot_general3A_18 = tpu.matmul %reshape3A, %get3A_16, %dot_general3A_17 {dimension_numbers = #tpu.dot_dimension_numbers<[1], [0], [0], [1], [0, 0, 1, 1], [], []>, transpose_lhs_hint = false} : vector<512x1024xf32>, vector<1024x256xf32>, vector<512x256xf32> -> vector<512x256xf32>
    %get3A_19 = arith.constant 0 : index
    %get3A_20 = arith.constant 0 : index
    %get3A_21 = vector.load %arg3[%get3A_19, %get3A_20] : memref<1x512xf32, #tpu.memory_space<vmem>>, vector<1x512xf32>
    %add3A = vector.broadcast %get3A_21 : vector<1x512xf32> to vector<512x512xf32>
    %add3A_22 = arith.addf %dot_general3A_8, %add3A : vector<512x512xf32>
    %max3A = arith.constant 0.000000e+00 : f32
    %max3A_23 = vector.broadcast %max3A : f32 to vector<512x512xf32>
    %max3A_24 = arith.maximumf %add3A_22, %max3A_23 : vector<512x512xf32>
    %swap3A = arith.constant 0 : index
    %swap3A_25 = arith.constant 0 : index
    %swap3A_26 = vector.load %arg14[%swap3A, %swap3A_25] : memref<512x512xf32, #tpu.memory_space<vmem>>, vector<512x512xf32>
    tpu.vector_store %arg14[%swap3A, %swap3A_25], %max3A_24 {strides = array<i32>} : memref<512x512xf32, #tpu.memory_space<vmem>>, vector<512x512xf32>,
    %get3A_27 = arith.constant 0 : index
    %get3A_28 = arith.constant 0 : index
    %get3A_29 = vector.load %arg5[%get3A_27, %get3A_28] : memref<1x256xf32, #tpu.memory_space<vmem>>, vector<1x256xf32>
    %add3A_30 = vector.broadcast %get3A_29 : vector<1x256xf32> to vector<512x256xf32>
    %add3A_31 = arith.addf %dot_general3A_13, %add3A_30 : vector<512x256xf32>
    %tanh3A = math.tanh %add3A_31 : vector<512x256xf32>
    %get3A_32 = arith.constant 0 : index
    %get3A_33 = arith.constant 0 : index
    %get3A_34 = vector.load %arg7[%get3A_32, %get3A_33] : memref<1x256xf32, #tpu.memory_space<vmem>>, vector<1x256xf32>
    %add3A_35 = vector.broadcast %get3A_34 : vector<1x256xf32> to vector<512x256xf32>
    %add3A_36 = arith.addf %dot_general3A_18, %add3A_35 : vector<512x256xf32>
    %logistic3A = arith.negf %add3A_36 : vector<512x256xf32>
    %logistic3A_37 = math.exp %logistic3A : vector<512x256xf32>
    %logistic3A_38 = arith.constant 1.000000e+00 : f32
    %logistic3A_39 = vector.broadcast %logistic3A_38 : f32 to vector<512x256xf32>
    %logistic3A_40 = arith.addf %logistic3A_39, %logistic3A_37 : vector<512x256xf32>
    %logistic3A_41 = arith.divf %logistic3A_39, %logistic3A_40 : vector<512x256xf32>
    %mul3A = arith.mulf %tanh3A, %logistic3A_41 : vector<512x256xf32>
    %get3A_42 = arith.constant 0 : index
    %get3A_43 = arith.constant 0 : index
    %get3A_44 = vector.load %arg8[%get3A_42, %get3A_43] : memref<256x1xf32, #tpu.memory_space<vmem>>, vector<256x1xf32>
    %dot_general3A_45 = arith.constant dense<0.000000e+00> : vector<512x1xf32>
    %dot_general3A_46 = tpu.matmul %mul3A, %get3A_44, %dot_general3A_45 {dimension_numbers = #tpu.dot_dimension_numbers<[1], [0], [0], [1], [0, 0, 1, 1], [], []>, transpose_lhs_hint = false} : vector<512x256xf32>, vector<256x1xf32>, vector<512x1xf32> -> vector<512x1xf32>
    %get3A_47 = arith.constant 0 : index
    %get3A_48 = arith.constant 0 : index
    %get3A_49 = vector.load %arg9[%get3A_47, %get3A_48] : memref<1x1xf32, #tpu.memory_space<vmem>>, vector<1x1xf32>
    %get3A_50 = vector.extract %get3A_49[0, 0] : f32 from vector<1x1xf32>
    %add3A_51 = vector.broadcast %get3A_50 : f32 to vector<512x1xf32>
    %add3A_52 = arith.addf %dot_general3A_46, %add3A_51 : vector<512x1xf32>
    %mul3A_53 = arith.constant 512 : i32
    %mul3A_54 = arith.muli %arg0, %mul3A_53 : i32
    %swap3A_55 = arith.index_cast %mul3A_54 : i32 to index
    %swap3A_56 = arith.constant 0 : index
    %swap3A_57 = vector.load %arg23[%swap3A_55, %swap3A_56] : memref<4096x1xf32, #tpu.memory_space<vmem>>, vector<512x1xf32>
    tpu.vector_store %arg23[%swap3A_55, %swap3A_56], %add3A_52 {strides = array<i32>} : memref<4096x1xf32, #tpu.memory_space<vmem>>, vector<512x1xf32>,
    %get3A_58 = arith.constant 0 : index
    %get3A_59 = arith.constant 0 : index
    %get3A_60 = vector.load %arg12[%get3A_58, %get3A_59] : memref<512x2xf32, #tpu.memory_space<vmem>>, vector<512x2xf32>
    %dot_general3A_61 = arith.constant dense<0.000000e+00> : vector<512x2xf32>
    %dot_general3A_62 = tpu.matmul %max3A_24, %get3A_60, %dot_general3A_61 {dimension_numbers = #tpu.dot_dimension_numbers<[1], [0], [0], [1], [0, 0, 1, 1], [], []>, transpose_lhs_hint = false} : vector<512x512xf32>, vector<512x2xf32>, vector<512x2xf32> -> vector<512x2xf32>
    %get3A_63 = arith.constant 0 : index
    %get3A_64 = arith.constant 0 : index
    %get3A_65 = vector.load %arg13[%get3A_63, %get3A_64] : memref<1x2xf32, #tpu.memory_space<vmem>>, vector<1x2xf32>
    %add3A_66 = vector.broadcast %get3A_65 : vector<1x2xf32> to vector<512x2xf32>
    %add3A_67 = arith.addf %dot_general3A_62, %add3A_66 : vector<512x2xf32>
    %mul3A_68 = arith.constant 512 : i32
    %mul3A_69 = arith.muli %arg0, %mul3A_68 : i32
    %swap3A_70 = arith.index_cast %mul3A_69 : i32 to index
    %swap3A_71 = arith.constant 0 : index
    %swap3A_72 = vector.load %arg25[%swap3A_70, %swap3A_71] : memref<4096x2xf32, #tpu.memory_space<vmem>>, vector<512x2xf32>
    tpu.vector_store %arg25[%swap3A_70, %swap3A_71], %add3A_67 {strides = array<i32>} : memref<4096x2xf32, #tpu.memory_space<vmem>>, vector<512x2xf32>,
    %get3A_73 = arith.constant 0 : index
    %get3A_74 = arith.constant 0 : index
    %get3A_75 = memref.load %arg26[%get3A_73, %get3A_74] : memref<1x1xf32, #tpu.memory_space<smem>>
    %reduce_max3A = vector.shape_cast %add3A_52 : vector<512x1xf32> to vector<1x512x1xf32>
    %reduce_max3A_76 = arith.constant dense<0xFF800000> : vector<1xf32>
    %reduce_max3A_77 = vector.multi_reduction <maximumf>, %reduce_max3A, %reduce_max3A_76 [1, 2] : vector<1x512x1xf32> to vector<1xf32>
    %reduce_max3A_78 = vector.shape_cast %reduce_max3A_77 : vector<1xf32> to vector<1x1x1xf32>
    %reduce_max3A_79 = vector.extract %reduce_max3A_78[0, 0, 0] : f32 from vector<1x1x1xf32>
    %max3A_80 = arith.maximumf %get3A_75, %reduce_max3A_79 : f32
    %sub3A = arith.subf %get3A_75, %max3A_80 : f32
    %exp3A = math.exp %sub3A : f32
    %sub3A_81 = vector.broadcast %max3A_80 : f32 to vector<512x1xf32>
    %sub3A_82 = arith.subf %add3A_52, %sub3A_81 : vector<512x1xf32>
    %exp3A_83 = math.exp %sub3A_82 : vector<512x1xf32>
    %get3A_84 = arith.constant 0 : index
    %get3A_85 = arith.constant 0 : index
    %get3A_86 = memref.load %arg27[%get3A_84, %get3A_85] : memref<1x1xf32, #tpu.memory_space<smem>>
    %mul3A_87 = arith.mulf %get3A_86, %exp3A : f32
    %reduce_sum3A = vector.shape_cast %exp3A_83 : vector<512x1xf32> to vector<1x512x1xf32>
    %reduce_sum3A_88 = arith.constant dense<0.000000e+00> : vector<1xf32>
    %reduce_sum3A_89 = vector.multi_reduction <add>, %reduce_sum3A, %reduce_sum3A_88 [1, 2] : vector<1x512x1xf32> to vector<1xf32>
    %reduce_sum3A_90 = vector.shape_cast %reduce_sum3A_89 : vector<1xf32> to vector<1x1x1xf32>
    %reduce_sum3A_91 = vector.extract %reduce_sum3A_90[0, 0, 0] : f32 from vector<1x1x1xf32>
    %add3A_92 = arith.addf %mul3A_87, %reduce_sum3A_91 : f32
    %swap3A_93 = arith.constant 0 : index
    %swap3A_94 = arith.constant 0 : index
    %swap3A_95 = memref.load %arg27[%swap3A_93, %swap3A_94] : memref<1x1xf32, #tpu.memory_space<smem>>
    memref.store %add3A_92, %arg27[%swap3A_93, %swap3A_94] : memref<1x1xf32, #tpu.memory_space<smem>>
    %dot_general3A_96 = arith.constant dense<0.000000e+00> : vector<1x512xf32>
    %dot_general3A_97 = tpu.matmul %exp3A_83, %max3A_24, %dot_general3A_96 {dimension_numbers = #tpu.dot_dimension_numbers<[0], [0], [1], [1], [0, 1, 1, 1], [], []>, transpose_lhs_hint = false} : vector<512x1xf32>, vector<512x512xf32>, vector<1x512xf32> -> vector<1x512xf32>
    %get3A_98 = arith.constant 0 : index
    %get3A_99 = arith.constant 0 : index
    %get3A_100 = vector.load %arg24[%get3A_98, %get3A_99] : memref<1x512xf32, #tpu.memory_space<vmem>>, vector<1x512xf32>
    %mul3A_101 = vector.broadcast %exp3A : f32 to vector<1x512xf32>
    %mul3A_102 = arith.mulf %get3A_100, %mul3A_101 : vector<1x512xf32>
    %add3A_103 = arith.addf %mul3A_102, %dot_general3A_97 : vector<1x512xf32>
    %swap3A_104 = arith.constant 0 : index
    %swap3A_105 = arith.constant 0 : index
    %swap3A_106 = vector.load %arg24[%swap3A_104, %swap3A_105] : memref<1x512xf32, #tpu.memory_space<vmem>>, vector<1x512xf32>
    tpu.vector_store %arg24[%swap3A_104, %swap3A_105], %add3A_103 {strides = array<i32>} : memref<1x512xf32, #tpu.memory_space<vmem>>, vector<1x512xf32>,
    %swap3A_107 = arith.constant 0 : index
    %swap3A_108 = arith.constant 0 : index
    %swap3A_109 = memref.load %arg26[%swap3A_107, %swap3A_108] : memref<1x1xf32, #tpu.memory_space<smem>>
    memref.store %max3A_80, %arg26[%swap3A_107, %swap3A_108] : memref<1x1xf32, #tpu.memory_space<smem>>
    %eq3A_110 = arith.constant 7 : i32
    %eq3A_111 = arith.cmpi eq, %arg0, %eq3A_110 : i32
    %convert_element_type3A_112 = arith.extui %eq3A_111 : i1 to i32
    %cond3A_113 = arith.constant 0 : i32
    %cond3A_114 = arith.cmpi ne, %convert_element_type3A_112, %cond3A_113 : i32
    scf.if %cond3A_114 {
      %get3A_115 = arith.constant 0 : index
      %get3A_116 = arith.constant 0 : index
      %get3A_117 = memref.load %arg26[%get3A_115, %get3A_116] : memref<1x1xf32, #tpu.memory_space<smem>>
      %get3A_118 = arith.constant 0 : index
      %get3A_119 = arith.constant 0 : index
      %get3A_120 = memref.load %arg27[%get3A_118, %get3A_119] : memref<1x1xf32, #tpu.memory_space<smem>>
      %get3A_121 = arith.constant 0 : index
      %get3A_122 = arith.constant 0 : index
      %get3A_123 = vector.load %arg23[%get3A_121, %get3A_122] : memref<4096x1xf32, #tpu.memory_space<vmem>>, vector<4096x1xf32>
      %reshape3A_124 = vector.shape_cast %get3A_123 : vector<4096x1xf32> to vector<32x128xf32>
      %swap3A_125 = arith.constant 0 : index
      %swap3A_126 = arith.constant 0 : index
      %swap3A_127 = vector.load %arg15[%swap3A_125, %swap3A_126] : memref<32x128xf32, #tpu.memory_space<vmem>>, vector<32x128xf32>
      tpu.vector_store %arg15[%swap3A_125, %swap3A_126], %reshape3A_124 {strides = array<i32>} : memref<32x128xf32, #tpu.memory_space<vmem>>, vector<32x128xf32>,
      %sub3A_128 = vector.broadcast %get3A_117 : f32 to vector<32x128xf32>
      %sub3A_129 = arith.subf %reshape3A_124, %sub3A_128 : vector<32x128xf32>
      %exp3A_130 = math.exp %sub3A_129 : vector<32x128xf32>
      %div3A = vector.broadcast %get3A_120 : f32 to vector<32x128xf32>
      %div3A_131 = arith.divf %exp3A_130, %div3A : vector<32x128xf32>
      %swap3A_132 = arith.constant 0 : index
      %swap3A_133 = arith.constant 0 : index
      %swap3A_134 = vector.load %arg16[%swap3A_132, %swap3A_133] : memref<32x128xf32, #tpu.memory_space<vmem>>, vector<32x128xf32>
      tpu.vector_store %arg16[%swap3A_132, %swap3A_133], %div3A_131 {strides = array<i32>} : memref<32x128xf32, #tpu.memory_space<vmem>>, vector<32x128xf32>,
      %get3A_135 = arith.constant 0 : index
      %get3A_136 = arith.constant 0 : index
      %get3A_137 = vector.load %arg25[%get3A_135, %get3A_136] : memref<4096x2xf32, #tpu.memory_space<vmem>>, vector<4096x1xf32>
      %reshape3A_138 = vector.shape_cast %get3A_137 : vector<4096x1xf32> to vector<32x128xf32>
      %swap3A_139 = arith.constant 0 : index
      %swap3A_140 = arith.constant 0 : index
      %swap3A_141 = vector.load %arg17[%swap3A_139, %swap3A_140] : memref<32x128xf32, #tpu.memory_space<vmem>>, vector<32x128xf32>
      tpu.vector_store %arg17[%swap3A_139, %swap3A_140], %reshape3A_138 {strides = array<i32>} : memref<32x128xf32, #tpu.memory_space<vmem>>, vector<32x128xf32>,
      %get3A_142 = arith.constant 0 : index
      %get3A_143 = arith.constant 1 : index
      %get3A_144 = vector.load %arg25[%get3A_142, %get3A_143] : memref<4096x2xf32, #tpu.memory_space<vmem>>, vector<4096x1xf32>
      %reshape3A_145 = vector.shape_cast %get3A_144 : vector<4096x1xf32> to vector<32x128xf32>
      %swap3A_146 = arith.constant 0 : index
      %swap3A_147 = arith.constant 0 : index
      %swap3A_148 = vector.load %arg18[%swap3A_146, %swap3A_147] : memref<32x128xf32, #tpu.memory_space<vmem>>, vector<32x128xf32>
      tpu.vector_store %arg18[%swap3A_146, %swap3A_147], %reshape3A_145 {strides = array<i32>} : memref<32x128xf32, #tpu.memory_space<vmem>>, vector<32x128xf32>,
      %get3A_149 = arith.constant 0 : index
      %get3A_150 = arith.constant 0 : index
      %get3A_151 = vector.load %arg24[%get3A_149, %get3A_150] : memref<1x512xf32, #tpu.memory_space<vmem>>, vector<1x512xf32>
      %div3A_152 = vector.broadcast %get3A_120 : f32 to vector<1x512xf32>
      %div3A_153 = arith.divf %get3A_151, %div3A_152 : vector<1x512xf32>
      %get3A_154 = arith.constant 0 : index
      %get3A_155 = arith.constant 0 : index
      %get3A_156 = vector.load %arg10[%get3A_154, %get3A_155] : memref<512x2xf32, #tpu.memory_space<vmem>>, vector<512x2xf32>
      %dot_general3A_157 = arith.constant dense<0.000000e+00> : vector<1x2xf32>
      %dot_general3A_158 = tpu.matmul %div3A_153, %get3A_156, %dot_general3A_157 {dimension_numbers = #tpu.dot_dimension_numbers<[1], [0], [0], [1], [0, 0, 1, 1], [], []>, transpose_lhs_hint = false} : vector<1x512xf32>, vector<512x2xf32>, vector<1x2xf32> -> vector<1x2xf32>
      %get3A_159 = arith.constant 0 : index
      %get3A_160 = arith.constant 0 : index
      %get3A_161 = vector.load %arg11[%get3A_159, %get3A_160] : memref<1x2xf32, #tpu.memory_space<vmem>>, vector<1x2xf32>
      %add3A_162 = arith.addf %dot_general3A_158, %get3A_161 : vector<1x2xf32>
      %swap3A_163 = arith.constant 0 : index
      %swap3A_164 = arith.constant 0 : index
      %swap3A_165 = vector.load %arg19[%swap3A_163, %swap3A_164] : memref<1x2xf32, #tpu.memory_space<vmem>>, vector<1x2xf32>
      tpu.vector_store %arg19[%swap3A_163, %swap3A_164], %add3A_162 {strides = array<i32>} : memref<1x2xf32, #tpu.memory_space<vmem>>, vector<1x2xf32>,
      %reduce_max3A_166 = vector.shape_cast %add3A_162 : vector<1x2xf32> to vector<1x1x2xf32>
      %reduce_max3A_167 = arith.constant dense<0xFF800000> : vector<1xf32>
      %reduce_max3A_168 = vector.multi_reduction <maximumf>, %reduce_max3A_166, %reduce_max3A_167 [1, 2] : vector<1x1x2xf32> to vector<1xf32>
      %reduce_max3A_169 = vector.shape_cast %reduce_max3A_168 : vector<1xf32> to vector<1x1x1xf32>
      %reduce_max3A_170 = vector.extract %reduce_max3A_169[0, 0, 0] : f32 from vector<1x1x1xf32>
      %sub3A_171 = vector.broadcast %reduce_max3A_170 : f32 to vector<1x2xf32>
      %sub3A_172 = arith.subf %add3A_162, %sub3A_171 : vector<1x2xf32>
      %exp3A_173 = math.exp %sub3A_172 : vector<1x2xf32>
      %reduce_sum3A_174 = vector.shape_cast %exp3A_173 : vector<1x2xf32> to vector<1x1x2xf32>
      %reduce_sum3A_175 = arith.constant dense<0.000000e+00> : vector<1xf32>
      %reduce_sum3A_176 = vector.multi_reduction <add>, %reduce_sum3A_174, %reduce_sum3A_175 [1, 2] : vector<1x1x2xf32> to vector<1xf32>
      %reduce_sum3A_177 = vector.shape_cast %reduce_sum3A_176 : vector<1xf32> to vector<1x1x1xf32>
      %reduce_sum3A_178 = vector.extract %reduce_sum3A_177[0, 0, 0] : f32 from vector<1x1x1xf32>
      %div3A_179 = vector.broadcast %reduce_sum3A_178 : f32 to vector<1x2xf32>
      %div3A_180 = arith.divf %exp3A_173, %div3A_179 : vector<1x2xf32>
      %swap3A_181 = arith.constant 0 : index
      %swap3A_182 = arith.constant 0 : index
      %swap3A_183 = vector.load %arg20[%swap3A_181, %swap3A_182] : memref<1x2xf32, #tpu.memory_space<vmem>>, vector<1x2xf32>
      tpu.vector_store %arg20[%swap3A_181, %swap3A_182], %div3A_180 {strides = array<i32>} : memref<1x2xf32, #tpu.memory_space<vmem>>, vector<1x2xf32>,
      %slice3A = vector.extract_strided_slice %add3A_162 {offsets = [0, 1], sizes = [1, 1], strides = [1, 1]} : vector<1x2xf32> to vector<1x1xf32>
      %squeeze3A = vector.extract %slice3A[0, 0] : f32 from vector<1x1xf32>
      %slice3A_184 = vector.extract_strided_slice %add3A_162 {offsets = [0, 0], sizes = [1, 1], strides = [1, 1]} : vector<1x2xf32> to vector<1x1xf32>
      %squeeze3A_185 = vector.extract %slice3A_184[0, 0] : f32 from vector<1x1xf32>
      %gt3A = arith.cmpf ogt, %squeeze3A, %squeeze3A_185 : f32
      %jit3A = arith.constant 1 : i32
      %jit3A_186 = arith.constant 0 : i32
      %select_n3A = arith.select %gt3A, %jit3A, %jit3A_186 : i32
      %reshape3A_187 = vector.broadcast %select_n3A : i32 to vector<1x1xi32>
      %swap3A_188 = arith.constant 0 : index
      %swap3A_189 = arith.constant 0 : index
      %swap3A_190 = vector.load %arg21[%swap3A_188, %swap3A_189] : memref<1x1xi32, #tpu.memory_space<vmem>>, vector<1x1xi32>
      tpu.vector_store %arg21[%swap3A_188, %swap3A_189], %reshape3A_187 {strides = array<i32>} : memref<1x1xi32, #tpu.memory_space<vmem>>, vector<1x1xi32>,
      %slice3A_191 = vector.extract_strided_slice %div3A_180 {offsets = [0, 1], sizes = [1, 1], strides = [1, 1]} : vector<1x2xf32> to vector<1x1xf32>
      %squeeze3A_192 = vector.extract %slice3A_191[0, 0] : f32 from vector<1x1xf32>
      %slice3A_193 = vector.extract_strided_slice %div3A_180 {offsets = [0, 0], sizes = [1, 1], strides = [1, 1]} : vector<1x2xf32> to vector<1x1xf32>
      %squeeze3A_194 = vector.extract %slice3A_193[0, 0] : f32 from vector<1x1xf32>
      %gt3A_195 = arith.cmpf ogt, %squeeze3A_192, %squeeze3A_194 : f32
      %jit3A_196 = arith.constant 1 : i32
      %jit3A_197 = arith.constant 0 : i32
      %select_n3A_198 = arith.select %gt3A_195, %jit3A_196, %jit3A_197 : i32
      %reshape3A_199 = vector.broadcast %select_n3A_198 : i32 to vector<1x1xi32>
      %swap3A_200 = arith.constant 0 : index
      %swap3A_201 = arith.constant 0 : index
      %swap3A_202 = vector.load %arg22[%swap3A_200, %swap3A_201] : memref<1x1xi32, #tpu.memory_space<vmem>>, vector<1x1xi32>
      tpu.vector_store %arg22[%swap3A_200, %swap3A_201], %reshape3A_199 {strides = array<i32>} : memref<1x1xi32, #tpu.memory_space<vmem>>, vector<1x1xi32>,
    } else {
    }
    return
  }
  func.func @transform_0(%arg0: i32) -> (i32, i32, i32) {
    %c0_i32 = arith.constant 0 : i32
    %c0_i32_0 = arith.constant 0 : i32
    %c0_i32_1 = arith.constant 0 : i32
    return %arg0, %c0_i32, %c0_i32_0 : i32, i32, i32
  }
  func.func @transform_1(%arg0: i32) -> (i32, i32) {
    %c0_i32 = arith.constant 0 : i32
    %c0_i32_0 = arith.constant 0 : i32
    %c0_i32_1 = arith.constant 0 : i32
    return %c0_i32, %c0_i32_0 : i32, i32
  }
  func.func @transform_2(%arg0: i32) -> (i32, i32) {
    %c0_i32 = arith.constant 0 : i32
    %c0_i32_0 = arith.constant 0 : i32
    %c0_i32_1 = arith.constant 0 : i32
    return %c0_i32, %c0_i32_0 : i32, i32
  }
  func.func @transform_3(%arg0: i32) -> (i32, i32) {
    %c0_i32 = arith.constant 0 : i32
    %c0_i32_0 = arith.constant 0 : i32
    %c0_i32_1 = arith.constant 0 : i32
    return %c0_i32, %c0_i32_0 : i32, i32
  }
  func.func @transform_4(%arg0: i32) -> (i32, i32) {
    %c0_i32 = arith.constant 0 : i32
    %c0_i32_0 = arith.constant 0 : i32
    %c0_i32_1 = arith.constant 0 : i32
    return %c0_i32, %c0_i32_0 : i32, i32
  }
  func.func @transform_5(%arg0: i32) -> (i32, i32) {
    %c0_i32 = arith.constant 0 : i32
    %c0_i32_0 = arith.constant 0 : i32
    %c0_i32_1 = arith.constant 0 : i32
    return %c0_i32, %c0_i32_0 : i32, i32
  }
  func.func @transform_6(%arg0: i32) -> (i32, i32) {
    %c0_i32 = arith.constant 0 : i32
    %c0_i32_0 = arith.constant 0 : i32
    %c0_i32_1 = arith.constant 0 : i32
    return %c0_i32, %c0_i32_0 : i32, i32
  }
  func.func @transform_7(%arg0: i32) -> (i32, i32) {
    %c0_i32 = arith.constant 0 : i32
    %c0_i32_0 = arith.constant 0 : i32
    %c0_i32_1 = arith.constant 0 : i32
    return %c0_i32, %c0_i32_0 : i32, i32
  }
  func.func @transform_8(%arg0: i32) -> (i32, i32) {
    %c0_i32 = arith.constant 0 : i32
    %c0_i32_0 = arith.constant 0 : i32
    %c0_i32_1 = arith.constant 0 : i32
    return %c0_i32, %c0_i32_0 : i32, i32
  }
  func.func @transform_9(%arg0: i32) -> (i32, i32) {
    %c0_i32 = arith.constant 0 : i32
    %c0_i32_0 = arith.constant 0 : i32
    %c0_i32_1 = arith.constant 0 : i32
    return %c0_i32, %c0_i32_0 : i32, i32
  }
  func.func @transform_10(%arg0: i32) -> (i32, i32) {
    %c0_i32 = arith.constant 0 : i32
    %c0_i32_0 = arith.constant 0 : i32
    %c0_i32_1 = arith.constant 0 : i32
    return %c0_i32, %c0_i32_0 : i32, i32
  }
  func.func @transform_11(%arg0: i32) -> (i32, i32) {
    %c0_i32 = arith.constant 0 : i32
    %c0_i32_0 = arith.constant 0 : i32
    %c0_i32_1 = arith.constant 0 : i32
    return %c0_i32, %c0_i32_0 : i32, i32
  }
  func.func @transform_12(%arg0: i32) -> (i32, i32) {
    %c0_i32 = arith.constant 0 : i32
    %c0_i32_0 = arith.constant 0 : i32
    %c0_i32_1 = arith.constant 0 : i32
    return %c0_i32, %c0_i32_0 : i32, i32
  }
  func.func @transform_13(%arg0: i32) -> (i32, i32) {
    %c0_i32 = arith.constant 0 : i32
    %c0_i32_0 = arith.constant 0 : i32
    return %arg0, %c0_i32 : i32, i32
  }
  func.func @transform_14(%arg0: i32) -> (i32, i32) {
    %c0_i32 = arith.constant 0 : i32
    %c0_i32_0 = arith.constant 0 : i32
    %c0_i32_1 = arith.constant 0 : i32
    return %c0_i32, %c0_i32_0 : i32, i32
  }
  func.func @transform_15(%arg0: i32) -> (i32, i32) {
    %c0_i32 = arith.constant 0 : i32
    %c0_i32_0 = arith.constant 0 : i32
    %c0_i32_1 = arith.constant 0 : i32
    return %c0_i32, %c0_i32_0 : i32, i32
  }
  func.func @transform_16(%arg0: i32) -> (i32, i32) {
    %c0_i32 = arith.constant 0 : i32
    %c0_i32_0 = arith.constant 0 : i32
    %c0_i32_1 = arith.constant 0 : i32
    return %c0_i32, %c0_i32_0 : i32, i32
  }
  func.func @transform_17(%arg0: i32) -> (i32, i32) {
    %c0_i32 = arith.constant 0 : i32
    %c0_i32_0 = arith.constant 0 : i32
    %c0_i32_1 = arith.constant 0 : i32
    return %c0_i32, %c0_i32_0 : i32, i32
  }
  func.func @transform_18(%arg0: i32) -> (i32, i32) {
    %c0_i32 = arith.constant 0 : i32
    %c0_i32_0 = arith.constant 0 : i32
    %c0_i32_1 = arith.constant 0 : i32
    return %c0_i32, %c0_i32_0 : i32, i32
  }
  func.func @transform_19(%arg0: i32) -> (i32, i32) {
    %c0_i32 = arith.constant 0 : i32
    %c0_i32_0 = arith.constant 0 : i32
    %c0_i32_1 = arith.constant 0 : i32
    return %c0_i32, %c0_i32_0 : i32, i32
  }
  func.func @transform_20(%arg0: i32) -> (i32, i32) {
    %c0_i32 = arith.constant 0 : i32
    %c0_i32_0 = arith.constant 0 : i32
    %c0_i32_1 = arith.constant 0 : i32
    return %c0_i32, %c0_i32_0 : i32, i32
  }
  func.func @transform_21(%arg0: i32) -> (i32, i32) {
    %c0_i32 = arith.constant 0 : i32
    %c0_i32_0 = arith.constant 0 : i32
    %c0_i32_1 = arith.constant 0 : i32
    return %c0_i32, %c0_i32_0 : i32, i32
  }
}

</mosaic_0001>

<sc_bundles>
// kernel: kernel.4.cloned.1.call-start
scs
__scs_entry_jumppad:
0x0: {  	(pc) =	sbr.rel $0x88, $3  }
0x1: {  	(tag) =	ssettag $0x0;
	lr =	simm.s32 $0x1  }
0x2: {  	[smem:$0x3F93] =	sst lr;
	_ =	strace $0xD0000000  }
0x3: {  	_ = 	snop  }
0x4: {  	_ = 	snop  }
0x5: {  	_ = 	snop  }
0x6: {  	_ = 	snop  }
0x7: {  	_ = 	snop  }
__scs_overlays_trampoline_lowered:
0x8: {  	[smem:$0x3FA2] =	sst s0  }
0x9: {  	[smem:$0x3FA3] =	sst s1  }
0xa: {  	[smem:$0x3FA4] =	sst s2  }
0xb: {  	[smem:$0x3FA5] =	sst s3  }
0xc: {  	[smem:$0x3FA6] =	sst s4  }
0xd: {  	[smem:$0x3FA7] =	sst s5  }
0xe: {  	[smem:$0x3FA8] =	sst s6  }
0xf: {  	[smem:$0x3FA9] =	sst s7  }
0x10: {  	[smem:$0x3FAA] =	sst s8  }
0x11: {  	[smem:$0x3FAB] =	sst s9;
	s0 =	simm.s32 @!p0 $0x0  }
0x12: {  	s1 =	sld [smem:$0x3F91];
	s0 =	simm.s32 @p0 $0x1  }
0x13: {  	[smem:$0x3FAC] =	sst s0;
	s0 =	simm.s32 @!p1 $0x0  }
0x14: {  	s2 =	sld [smem:$0x3F90];
	s0 =	simm.s32 @p1 $0x1  }
0x15: {  	[smem:$0x3FAD] =	sst s0;
	s0 =	simm.s32 @!p2 $0x0  }
0x16: {  	s3 =	sld [smem:$0x3FDB];
	s0 =	simm.s32 @p2 $0x1  }
0x17: {  	s4 =	simm.s32 $0x1BF5;
	[smem:$0x3FAF] =	sst s0  }
0x18: {  	s0 =	sld [smem:$0x3F92];
	_ =	swait.ge [sflag:s4], $0x0  }
0x19: {  	s7 =	sld [smem:$0x3F93]  }
0x1a: {  	s8 =	sadd.s32 $0xFFFFE003, lr  }
0x1b: {  	s9 =	sadd.s32 $0xFFFFFEF7, lr;
	s5 =	simm.s32 $0xFFFFFFFF;
	p2 =	slt.u32 s8, $0xFFFFF086  }
0x1c: {  	p1 =	slt.u32 s9, $0xF7A;
	s5 =	simm.s32 @!p2 $0x0  }
0x1d: {  	s5 =	simm.s32 @p1 $0x1;
	p0 =	seq.s32 s7, s2  }
0x1e: {  	s7 =	smul.u32 @!p0 $0xF7A, s2;
	p2 =	seq.s32 @!p0 s5, $0x0  }
0x1f: {  	s9 =	smul.u32 $0xF7A, s1;
	s8 =	simm.s32 @!p0 $0x1BF5;
	p2 =	por !p2, p0  }
0x20: {  	[sflag:s8] =	ssyncset.s32 @!p0 $0xFFFFF086;
	s6 =	sadd.s32 @!p0 s3, s7;
	s7 =	simm.s32 @!p0 $0x108  }
0x21: {  	s3 =	sadd.s32 s3, s9;
	s6 =	sadd.s32 @!p0 $0x88, s6;
	s7 =	simm.s32 @p2 $0x1082  }
0x22: {  	[simem:s7], [sflag:s8] =	dma.local @!p0 [hbm:s6], $0xF7A  }
0x23: {  	s9 =	sor.u32 $0xD0000000, s2;
	s6 =	simm.s32 $0x108;
	_ =	swait.ge @!p0 [sflag:s8], $0x0  }
0x24: {  	s3 =	sadd.s32 $0x88, s3;
	s6 =	simm.s32 @!p1 $0x1082;
	[sflag:s4] =	ssyncset.s32 $0xFFFFF086  }
0x25: {  	[simem:s6], [sflag:s4] =	dma.local [hbm:s3], $0xF7A  }
0x26: {  	[smem:$0x3F93] =	sst s1;
	(tag) =	ssettag s2;
	_ =	strace s9  }
0x27: {  	s1 =	sld [smem:$0x3FA3]  }
0x28: {  	s2 =	sld [smem:$0x3FA4]  }
0x29: {  	s4 =	sld [smem:$0x3FA6]  }
0x2a: {  	p0 =	seq.s32 s5, $0x0;
	s5 =	sld [smem:$0x3FA7]  }
0x2b: {  	s6 =	sld [smem:$0x3FA8]  }
0x2c: {  	s7 =	sld [smem:$0x3FA9]  }
0x2d: {  	s3 =	simm.s32 $0x108;
	s8 =	sld [smem:$0x3FAA]  }
0x2e: {  	s3 =	simm.s32 @!p0 $0x1082;
	s9 =	sld [smem:$0x3FAB]  }
0x2f: {  	lr =	sadd.s32 s0, s3;
	s0 =	sld [smem:$0x3FA2]  }
0x30: {  	s3 =	sld [smem:$0x3FA5]  }
0x31: {  	[smem:$0x3FAE] =	sst s10  }
0x32: {  	s10 =	sld [smem:$0x3FAC];
	_ =	sdelay $0x3  }
0x33: {  	p0 =	seq.s32 s10, $0x1;
	s10 =	sld [smem:$0x3FAE];
	_ =	sdelay $0x3  }
0x34: {  	[smem:$0x3FAE] =	sst s10  }
0x35: {  	s10 =	sld [smem:$0x3FAD];
	_ =	sdelay $0x3  }
0x36: {  	p1 =	seq.s32 s10, $0x1;
	s10 =	sld [smem:$0x3FAE];
	_ =	sdelay $0x3  }
0x37: {  	[smem:$0x3FAE] =	sst s10  }
0x38: {  	s10 =	sld [smem:$0x3FAF]  }
0x39: {  	_ = 	snop;
	(pc) =	sbr.ind lr, $3  }
0x3a: {  	_ = 	snop  }
0x3b: {  	_ = 	snop  }
0x3c: {  	p2 =	seq.s32 s10, $0x1;
	s10 =	sld [smem:$0x3FAE]  }
0x3d: {  	_ =	shalt  }
0x3e: {  	_ =	shalt  }
0x3f: {  	_ =	shalt  }
0x40: {  	_ =	shalt  }
0x41: {  	_ =	shalt  }
0x42: {  	_ =	shalt  }
0x43: {  	_ =	shalt  }
0x44: {  	_ =	shalt  }
0x45: {  	_ =	shalt  }
0x46: {  	_ =	shalt  }
0x47: {  	_ =	shalt  }
0x48: {  	_ =	shalt  }
0x49: {  	_ =	shalt  }
0x4a: {  	_ =	shalt  }
0x4b: {  	_ =	shalt  }
0x4c: {  	_ =	shalt  }
0x4d: {  	_ =	shalt  }
0x4e: {  	_ =	shalt  }
0x4f: {  	_ =	shalt  }
0x50: {  	_ =	shalt  }
0x51: {  	_ =	shalt  }
0x52: {  	_ =	shalt  }
0x53: {  	_ =	shalt  }
0x54: {  	_ =	shalt  }
0x55: {  	_ =	shalt  }
0x56: {  	_ =	shalt  }
0x57: {  	_ =	shalt  }
0x58: {  	_ =	shalt  }
0x59: {  	_ =	shalt  }
0x5a: {  	_ =	shalt  }
0x5b: {  	_ =	shalt  }
0x5c: {  	_ =	shalt  }
0x5d: {  	_ =	shalt  }
0x5e: {  	_ =	shalt  }
0x5f: {  	_ =	shalt  }
0x60: {  	_ =	shalt  }
0x61: {  	_ =	shalt  }
0x62: {  	_ =	shalt  }
0x63: {  	_ =	shalt  }
0x64: {  	_ =	shalt  }
0x65: {  	_ =	shalt  }
0x66: {  	_ =	shalt  }
0x67: {  	_ =	shalt  }
0x68: {  	_ =	shalt  }
0x69: {  	_ =	shalt  }
0x6a: {  	_ =	shalt  }
0x6b: {  	_ =	shalt  }
0x6c: {  	_ =	shalt  }
0x6d: {  	_ =	shalt  }
0x6e: {  	_ =	shalt  }
0x6f: {  	_ =	shalt  }
0x70: {  	_ =	shalt  }
0x71: {  	_ =	shalt  }
0x72: {  	_ =	shalt  }
0x73: {  	_ =	shalt  }
0x74: {  	_ =	shalt  }
0x75: {  	_ =	shalt  }
0x76: {  	_ =	shalt  }
0x77: {  	_ =	shalt  }
0x78: {  	_ =	shalt  }
0x79: {  	_ =	shalt  }
0x7a: {  	_ =	shalt  }
0x7b: {  	_ =	shalt  }
0x7c: {  	_ =	shalt  }
0x7d: {  	_ =	shalt  }
0x7e: {  	_ =	shalt  }
0x7f: {  	_ =	shalt  }
0x80: {  	_ =	shalt  }
0x81: {  	_ =	shalt  }
0x82: {  	_ =	shalt  }
0x83: {  	_ =	shalt  }
0x84: {  	_ =	shalt  }
0x85: {  	_ =	shalt  }
0x86: {  	_ =	shalt  }
0x87: {  	_ =	shalt  }
.Lfunc_end0:
.L_simem_size_0:
called_computation_lowered:
.L_overlay_start_0:
0x88: {  	s2 =	sld [smem:$0x3FD9]  }
0x89: {  	s3 =	sld [smem:$0x3FFE];
	_ =	sdelay $0x1  }
0x8a: {  	s1 =	srdreg.scid  }
0x8b: {  	s0 =	sand.u32 $0x1, s1  }
0x8c: {  	s14 =	sshll.u32 s0, $0xA;
	s2 =	sadd.s32 s3, s2  }
0x8d: {  	s2 =	sadd.s32 s2, s14  }
0x8e: {  	[smem:$0x3FBA] =	sst s2  }
0x8f: {  	_ = 	snop  }
0x90: {  	s2 =	sld [smem:$0x3FD0];
	_ =	sdelay $0x2  }
0x91: {  	s15 =	simm.s32 $0xA;
	s4 =	simm.s32 $0x10  }
0x92: {  	[smem:s4], [sflag:s15] =	dma.local [hbm:s2], $0x1  }
0x93: {  	_ =	swait.eq [sflag:s15], $0x1  }
0x94: {  	s16 =	sld [smem:$0x10]  }
0x95: {  	s17 =	sld [smem:$0x13];
	[sflag:s15] =	ssyncset.done $0x0  }
0x96: {  	s5 =	sld [smem:$0x14];
	[sflag:s15] =	ssyncadd.s32 $0xFFFFFFFF  }
0x97: {  	s18 =	sld [smem:$0x15];
	(tm) =	ssettm $0x1  }
0x98: {  	s6 =	sld [smem:$0x3FFB];
	_ =	sdelay $0x3  }
0x99: {  	_ =	strace s6  }
0x9a: {  	s6 =	sld [smem:$0x3FFC];
	_ =	sdelay $0x3  }
0x9b: {  	_ =	strace s6  }
0x9c: {  	s6 =	sld [smem:$0x3FFD];
	_ =	sdelay $0x3  }
0x9d: {  	_ =	strace s6  }
0x9e: {  	_ =	strace $0x8FFFFFFF  }
0x9f: {  	s19 =	sld [smem:$0x3FDB];
	_ =	sdelay $0x1  }
0xa0: {  	s7 =	simm.s32 $_scs_section_size  }
0xa1: {  	s8 =	simm.s32 $_size__tile_overlayer_lowered;
	s9 =	simm.s32 $_tile_overlayer_lowered  }
0xa2: {  	s22 =	simm.s32 $0x1BFF;
	s21 =	sshll.u32 s9, $0x1;
	s6 =	sadd.s32 s7, s19  }
0xa3: {  	s10 =	simm.s32 $0x0;
	s20 =	sshll.u32 s8, $0x1;
	s8 =	sadd.s32 s21, s6  }
0xa4: {  	[timem:s10], [sflag:s22] =	dma.local [hbm:s8], s20  }
0xa5: {  	_ =	swait.ge [sflag:s22], s20  }
0xa6: {  	s7 =	ssub.s32 $0x0, s20;
	[sflag:s22] =	ssyncset.done $0x0  }
0xa7: {  	[sflag:s22] =	ssyncadd.s32 s7;
	_ =	sdelay $0x1  }
0xa8: {  	s23 =	simm.s32 $0x1B8B  }
0xa9: {  	_ =	swait.ge [sflag:s23], $0x1  }
0xaa: {  	[sflag:s23] =	ssyncset.done $0x0  }
0xab: {  	s25 =	simm.s32 $0x1B8E;
	s24 =	sld [smem:$0x3FFE];
	[sflag:s23] =	ssyncadd.s32 $0xFFFFFFFF  }
0xac: {  	s26 =	simm.s32 $execute0_lowered;
	[smem:$0x3FD2] =	sst s25  }
0xad: {  	s8 =	sshll.u32 s26, $0x1;
	_ =	strace $0x80000046;
	[dreg:$0x1] =	wrdreg $0xFFFFFFFF  }
0xae: {  	s28 =	simm.s32 $_size_execute0_lowered;
	s6 =	sadd.s32 s6, s8;
	[dreg:$0x0] =	wrdreg $0x0  }
0xaf: {  	s8 =	sshll.u32 s28, $0x1;
	[dreg:$0x2] =	wrdreg s6  }
0xb0: {  	[dreg:$0x3] =	wrdreg s8  }
0xb1: {  	[dreg:$0x4] =	wrdreg $0xC0  }
0xb2: {  	_ =	task [dreg:s10], $0x5FFFF  }
0xb3: {  	[dreg:$0x1] =	wrdreg $0xFFFFFFFF  }
0xb4: {  	[dreg:$0x0] =	wrdreg $0x60  }
0xb5: {  	[dreg:$0x2] =	wrdreg s16  }
0xb6: {  	[dreg:$0x3] =	wrdreg s24  }
0xb7: {  	[dreg:$0x4] =	wrdreg s18  }
0xb8: {  	[dreg:$0x5] =	wrdreg s5  }
0xb9: {  	[dreg:$0x6] =	wrdreg s17  }
0xba: {  	[dreg:$0x7] =	wrdreg $0x9  }
0xbb: {  	_ =	task.clear_ibuf [dreg:s10], $0x8FFFF;
	_ =	strace $0x90000046  }
0xbc: {  	s29 =	simm.s32 $0x9;
	_ =	strace $0x80000048  }
0xbd: {  	_ =	swait.ge [sflag:s29], $0x1  }
0xbe: {  	[sflag:s29] =	ssyncadd.s32 $0xFFFFFFFF  }
0xbf: {  	_ =	strace $0x90000048  }
0xc0: {  	_ =	sfence  }
0xc1: {  	s30 =	sld [smem:$0x0];
	_ =	sdelay $0x2  }
0xc2: {  	s31 =	sshll.u32 s1, $0xD;
	s1 =	sshrl.u32 s1, $0x2  }
0xc3: {  	s3 =	sand.u32 $0x4000, s31;
	s1 =	sadd.s32 s1, s30  }
0xc4: {  	s0 =	sor.u32 s3, s0;
	s1 =	sshll.u32 s1, $0x11  }
0xc5: {  	s0 =	sor.u32 s1, s0  }
0xc6: {  	s0 =	sadd.s32 $0x8F2B, s0  }
0xc7: {  	[sflag:s0] =	ssyncadd.remote.s32 $0x1  }
0xc8: {  	_ =	sfence.sel $0xFFFF  }
0xc9: {  	[dreg:$0x0] =	wrdreg $0xFFFFFFFF;
	(pc) =	sbr.abs _section_cstart, $3  }
0xca: {  	[dreg:$0x1] =	wrdreg $0xFFFFFFFF  }
0xcb: {  	_ =	task.clear_ibuf [dreg:s10], $0x2FFFF;
	_ =	strace $0x9FFFFFFF  }
0xcc: {  	(tm) =	ssettm $0x7FFFFFFF  }
0xcd: {  	_ =	shalt  }
tec
execute0_lowered:
.L_overlay_start_1:
0x0: {  	(tag) =	ssettag $0x1  }
0x1: {  	s11 =	rddreg [dreg:$0x0]  }
0x2: {  	s10 =	rddreg [dreg:$0x1]  }
0x3: {  	s2 =	rddreg [dreg:$0x2];
	v0 =	vlaneseq.u32  }
0x4: {  	s3 =	rddreg [dreg:$0x3];
	v2 =	vor.u32 $0x10, v0  }
0x5: {  	s0 =	stileid.u32;
	s4 =	rddreg [dreg:$0x4];
	v3 =	vor.u32 $0x20, v0;
	v4 =	vor.u32 $0x30, v0;
	v5 =	vor.u32 $0x40, v0  }
0x6: {  	s1 =	rddreg [dreg:$0x5];
	s5 =	simm.s32 $0x0;
	s7 =	srdreg.scid;
	v6 =	vor.u32 $0x50, v0;
	v7 =	vor.u32 $0x60, v0;
	v8 =	vor.u32 $0x70, v0  }
0x7: {  	s16 =	simm.s32 $0x200;
	s17 =	simm.s32 $0x280;
	s19 =	simm.s32 $0x400;
	v9 =	vor.u32 $0x80, v0;
	v10 =	vor.u32 $0x90, v0;
	v11 =	vor.u32 $0xA0, v0  }
0x8: {  	s21 =	simm.s32 $0x1700;
	s22 =	simm.s32 $0x0;
	s20 =	sshll.u32 s0, $0x8;
	v12 =	vor.u32 $0xB0, v0;
	v13 =	vor.u32 $0xC0, v0;
	v14 =	vor.u32 $0xD0, v0  }
0x9: {  	[smem:$0x7FF] =	sst s5;
	s6 =	sadd.s32 $0x2400, s10;
	s15 =	sand.u32 $0x1, s7;
	v15 =	vor.u32 $0xE0, v0;
	v16 =	vor.u32 $0xF0, v0;
	v1 =	vor.u32 s20, v0  }
0xa: {  	s7 =	sadd.s32 $0x2600, s10;
	s8 =	sadd.s32 $0x2800, s10;
	s9 =	sadd.s32 $0x2A00, s10;
	v2 =	vor.u32 s20, v2;
	v3 =	vor.u32 s20, v3;
	v4 =	vor.u32 s20, v4  }
0xb: {  	s10 =	sadd.s32 $0x2C00, s10;
	s30 =	sshll.u32 s0, $0x5;
	s31 =	sshll.u32 s0, $0x1;
	v5 =	vor.u32 s20, v5;
	v6 =	vor.u32 s20, v6;
	v7 =	vor.u32 s20, v7  }
.Ltmp0:
0xc: {  	_ =	strace $0x80000047;
	s12 =	ssub.s32 $0x2, s15;
	v8 =	vor.u32 s20, v8;
	v9 =	vor.u32 s20, v9;
	v10 =	vor.u32 s20, v10;
	(pc) =	sbr.rel .LBB2_1-.Ltmp0, $4  }
0xd: {  	s11 =	sadd.s32 s11, s30;
	s18 =	sor.u32 s0, s15;
	p0 =	sne.s32 s15, $0x0;
	v11 =	vor.u32 s20, v11;
	v12 =	vor.u32 s20, v12;
	v13 =	vor.u32 s20, v13  }
0xe: {  	s15 =	simm.s32 $0x1;
	v14 =	vor.u32 s20, v14;
	v15 =	vor.u32 s20, v15;
	v16 =	vor.u32 s20, v16;
	s20 =	simm.s32 $0x700;
	s13 =	sshrl.u32 s12, $0x1  }
0xf: {  	p1 =	sne.s32 s18, $0x0;
	s18 =	simm.s32 $0x300;
	s14 =	ssub.s32 s12, s13  }
0x10: {  	s12 =	sadd.s32 s2, s31;
	s13 =	sadd.s32 s3, s31;
	s14 =	smax.u32 s14, $0x1  }
.LBB2_6:
0x11: {  	v35 =	vmin.f32 v35, v32;
	v30 =	vsel vm1, $0x7F61B1E6, v30  }
0x12: {  	v31 =	vsel vm2, $0x7F61B1E6, v31;
	vm11 =	veq.s32 v6, s24;
	v35 =	vmin.f32 v35, v30  }
0x13: {  	vm12 =	veq.s32 v7, s24;
	v28 =	vsel vm11, $0x7F61B1E6, v28;
	v35 =	vmin.f32 v35, v31  }
0x14: {  	vm13 =	veq.s32 v8, s24;
	v29 =	vsel vm12, $0x7F61B1E6, v29;
	v35 =	vmin.f32 v35, v28  }
0x15: {  	vm14 =	veq.s32 v9, s24;
	v26 =	vsel vm13, $0x7F61B1E6, v26;
	v35 =	vmin.f32 v35, v29  }
0x16: {  	vm15 =	veq.s32 v10, s24;
	v27 =	vsel vm14, $0x7F61B1E6, v27;
	v35 =	vmin.f32 v35, v26  }
0x17: {  	vm4 =	veq.s32 v11, s24;
	v24 =	vsel vm15, $0x7F61B1E6, v24;
	v35 =	vmin.f32 v35, v27  }
0x18: {  	vm5 =	veq.s32 v12, s24;
	v25 =	vsel vm4, $0x7F61B1E6, v25;
	v35 =	vmin.f32 v35, v24  }
0x19: {  	vm6 =	veq.s32 v13, s24;
	v22 =	vsel vm5, $0x7F61B1E6, v22;
	v35 =	vmin.f32 v35, v25  }
0x1a: {  	vm7 =	veq.s32 v14, s24;
	v23 =	vsel vm6, $0x7F61B1E6, v23;
	v35 =	vmin.f32 v35, v22  }
0x1b: {  	vm8 =	veq.s32 v15, s24;
	v19 =	vsel vm7, $0x7F61B1E6, v19;
	v35 =	vmin.f32 v35, v23  }
0x1c: {  	vm9 =	veq.s32 v16, s24;
	v21 =	vsel vm8, $0x7F61B1E6, v21;
	v35 =	vmin.f32 v35, v19  }
0x1d: {  	v20 =	vsel vm9, $0x7F61B1E6, v20;
	v35 =	vmin.f32 v35, v21  }
0x1e: {  	v35 =	vmin.f32 v35, v20  }
0x1f: {  	(xrf0) =	vmin.scan.msk.f32 $0xffff, v35;
	_ =	sdelay $0x5  }
0x20: {  	v35, _, _ =	vpop (xrf0)  }
0x21: {  	v35 =	vbroadcast v35, $0xF;
	_ =	sdelay $0x1  }
0x22: {  	vm10 =	veq.f32 v33, v35  }
0x23: {  	v36 =	vnsel vm10, $0x7FFFFFFF, v2  }
0x24: {  	vm11 =	veq.f32 v34, v35;
	v37 =	vmin.u32 v1, v36  }
0x25: {  	v36 =	vsel vm11, v37, v36  }
0x26: {  	vm12 =	veq.f32 v32, v35;
	v37 =	vmin.u32 v36, v3  }
0x27: {  	v36 =	vsel vm12, v37, v36  }
0x28: {  	vm13 =	veq.f32 v30, v35;
	v37 =	vmin.u32 v36, v4  }
0x29: {  	v36 =	vsel vm13, v37, v36  }
0x2a: {  	vm14 =	veq.f32 v31, v35;
	v37 =	vmin.u32 v36, v5  }
0x2b: {  	v36 =	vsel vm14, v37, v36  }
0x2c: {  	vm15 =	veq.f32 v28, v35;
	v37 =	vmin.u32 v36, v6  }
0x2d: {  	v36 =	vsel vm15, v37, v36  }
0x2e: {  	vm1 =	vlt.s32 v36, v7  }
0x2f: {  	vm4 =	veq.f32 v29, v35;
	v37 =	vsel vm1, v36, v7  }
0x30: {  	v36 =	vsel vm4, v37, v36  }
0x31: {  	vm5 =	vlt.s32 v36, v8  }
0x32: {  	vm6 =	veq.f32 v26, v35;
	v37 =	vsel vm5, v36, v8  }
0x33: {  	v36 =	vsel vm6, v37, v36  }
0x34: {  	vm7 =	vlt.s32 v36, v9  }
0x35: {  	vm8 =	veq.f32 v27, v35;
	v37 =	vsel vm7, v36, v9  }
0x36: {  	v36 =	vsel vm8, v37, v36  }
0x37: {  	vm9 =	vlt.s32 v36, v10  }
0x38: {  	vm10 =	veq.f32 v24, v35;
	v37 =	vsel vm9, v36, v10  }
0x39: {  	v36 =	vsel vm10, v37, v36  }
0x3a: {  	vm11 =	vlt.s32 v36, v11  }
0x3b: {  	vm12 =	veq.f32 v25, v35;
	v37 =	vsel vm11, v36, v11  }
0x3c: {  	v36 =	vsel vm12, v37, v36  }
0x3d: {  	vm13 =	vlt.s32 v36, v12  }
0x3e: {  	vm14 =	veq.f32 v22, v35;
	v37 =	vsel vm13, v36, v12  }
0x3f: {  	v36 =	vsel vm14, v37, v36  }
0x40: {  	vm15 =	vlt.s32 v36, v13  }
0x41: {  	vm4 =	veq.f32 v23, v35;
	v37 =	vsel vm15, v36, v13  }
0x42: {  	v36 =	vsel vm4, v37, v36  }
0x43: {  	vm5 =	vlt.s32 v36, v14  }
0x44: {  	vm6 =	veq.f32 v19, v35;
	v37 =	vsel vm5, v36, v14  }
0x45: {  	v36 =	vsel vm6, v37, v36  }
0x46: {  	vm7 =	vlt.s32 v36, v15  }
0x47: {  	vm8 =	veq.f32 v21, v35;
	v37 =	vsel vm7, v36, v15  }
0x48: {  	v36 =	vsel vm8, v37, v36  }
0x49: {  	vm9 =	vlt.s32 v36, v16  }
0x4a: {  	vm10 =	veq.f32 v20, v35;
	v37 =	vsel vm9, v36, v16  }
0x4b: {  	v36 =	vsel vm10, v37, v36  }
0x4c: {  	v36 =	vxor.u32 $0x80000000, v36  }
0x4d: {  	(xrf0) =	vmin.scan.msk.u32 $0xffff, v36;
	_ =	sdelay $0x5  }
0x4e: {  	v36, _, _ =	vpop (xrf0)  }
0x4f: {  	(v2sf) =	vpush v36, $0xF;
	_ =	sdelay $0xe  }
0x50: {  	s25 =	spop (v2sf)  }
0x51: {  	s25 =	sxor.u32 $0x80000000, s25  }
0x52: {  	vm11 =	veq.s32 v1, s25  }
0x53: {  	vm12 =	veq.s32 v2, s25;
	v60 =	vsel vm11, $0x7F61B1E6, v34  }
0x54: {  	vm13 =	veq.s32 v3, s25;
	v61 =	vsel vm12, $0x7F61B1E6, v33;
	[tilespmem:$0x100] =	vst v60  }
0x55: {  	vm14 =	veq.s32 v4, s25;
	v62 =	vsel vm13, $0x7F61B1E6, v32;
	[tilespmem:$0x110] =	vst v61  }
0x56: {  	vm15 =	veq.s32 v5, s25;
	v30 =	vsel vm14, $0x7F61B1E6, v30;
	[tilespmem:$0x120] =	vst v62  }
0x57: {  	vm4 =	veq.s32 v6, s25;
	v31 =	vsel vm15, $0x7F61B1E6, v31;
	[tilespmem:$0x130] =	vst v30  }
0x58: {  	vm5 =	veq.s32 v7, s25;
	v28 =	vsel vm4, $0x7F61B1E6, v28;
	[tilespmem:$0x140] =	vst v31  }
0x59: {  	vm6 =	veq.s32 v8, s25;
	v29 =	vsel vm5, $0x7F61B1E6, v29;
	[tilespmem:$0x150] =	vst v28  }
0x5a: {  	vm7 =	veq.s32 v9, s25;
	v26 =	vsel vm6, $0x7F61B1E6, v26;
	[tilespmem:$0x160] =	vst v29  }
0x5b: {  	vm8 =	veq.s32 v10, s25;
	v27 =	vsel vm7, $0x7F61B1E6, v27;
	[tilespmem:$0x170] =	vst v26  }
0x5c: {  	vm9 =	veq.s32 v11, s25;
	v24 =	vsel vm8, $0x7F61B1E6, v24;
	[tilespmem:$0x180] =	vst v27  }
0x5d: {  	vm10 =	veq.s32 v12, s25;
	v25 =	vsel vm9, $0x7F61B1E6, v25;
	[tilespmem:$0x190] =	vst v24  }
0x5e: {  	vm11 =	veq.s32 v13, s25;
	v22 =	vsel vm10, $0x7F61B1E6, v22;
	[tilespmem:$0x1A0] =	vst v25  }
0x5f: {  	vm12 =	veq.s32 v14, s25;
	v23 =	vsel vm11, $0x7F61B1E6, v23;
	[tilespmem:$0x1B0] =	vst v22  }
0x60: {  	v63 =	vmov s23;
	vm13 =	veq.s32 v15, s25;
	v19 =	vsel vm12, $0x7F61B1E6, v19;
	[tilespmem:$0x1C0] =	vst v23  }
0x61: {  	vm15 =	veq.s32 v63, v0;
	v21 =	vsel vm13, $0x7F61B1E6, v21;
	[tilespmem:$0x1D0] =	vst v19  }
0x62: {  	v17 =	vsel vm0, s24, v17;
	v18 =	vsel vm15, v35, v18;
	[tilespmem:$0x1E0] =	vst v21  }
0x63: {  	vm14 =	veq.s32 v16, s25;
	v17 =	vsel vm15, s25, v17;
	[tilespmem:$0x200] =	vst v18  }
0x64: {  	v19 =	vsel vm14, $0x7F61B1E6, v20;
	[tilespmem:$0x280] =	vst v17  }
0x65: {  	[tilespmem:$0x1F0] =	vst v19  }
0x66: {  	[hbm4b:s12+s5] =	stream.linear.scatter [tilespmem:s16], [sflag:$0x1], $0x10, $0x38;
	[tilespmem:$0x2700] =	vst v63  }
0x67: {  	_ =	swait.ge [sflag:s15], $0x10  }
0x68: {  	[sflag:s15] =	ssyncset.done $0x0  }
0x69: {  	[sflag:s15] =	ssyncadd.s32 $0xFFFFFFF0  }
0x6a: {  	[hbm4b:s13+s5] =	stream.linear.scatter [tilespmem:s17], [sflag:$0x1], $0x10, $0x38;
	[tilespmem:$0x2700] =	vst v63  }
0x6b: {  	_ =	swait.ge [sflag:s15], $0x10  }
0x6c: {  	[sflag:s15] =	ssyncset.done $0x0  }
0x6d: {  	[sflag:s15] =	ssyncadd.s32 $0xFFFFFFF0  }
.LBB2_7:
.Ltmp1:
0x6e: {  	(pc) =	sbr.rel @!p1 .LBB2_8-.Ltmp1, $2  }
0x6f: {  	_ =	sdelay $0x1  }
0x70: {  	[bflag:$0x0] =	sbarrier.arrive $0xFFFF;
	_ =	sdelay $0x1  }
.LBB2_13:
0x71: {  	s22 =	sadd.s32 $0x1, s22  }
0x72: {  	p2 =	sne.s32 s22, s14  }
.Ltmp2:
0x73: {  	_ = 	snop;
	(pc) =	sbr.rel @!p2 .LBB2_14-.Ltmp2, $1  }
0x74: {  	_ =	sdelay $0x3  }
.LBB2_1:
.Ltmp3:
0x75: {  	(pc) =	sbr.rel @p0 .LBB2_7-.Ltmp3, $1  }
0x76: {  	_ =	sdelay $0x3  }
0x77: {  	s23 =	simm.s32 $0x0  }
0x78: {  	[tilespmem:s23], [sflag:$0x1] =	stream.linear.gather [hbm4b:s11+s23], $0x100, $0x38;
	[tilespmem:$0x2700] =	vst v63  }
0x79: {  	_ =	swait.ge [sflag:s15], $0x100  }
0x7a: {  	[sflag:s15] =	ssyncset.done $0x0  }
0x7b: {  	[sflag:s15] =	ssyncadd.s32 $0xFFFFFF00  }
0x7c: {  	v19 =	vld [tilespmem:$0x10]  }
0x7d: {  	v20 =	vld [tilespmem:$0x20]  }
0x7e: {  	v21 =	vld [tilespmem:$0x30]  }
0x7f: {  	v22 =	vld [tilespmem:$0x40]  }
0x80: {  	v23 =	vld [tilespmem:$0x50]  }
0x81: {  	v24 =	vld [tilespmem:$0x60]  }
0x82: {  	v25 =	vld [tilespmem:$0x70]  }
0x83: {  	v26 =	vld [tilespmem:$0x80]  }
0x84: {  	v34 =	vld [tilespmem:$0xA0]  }
0x85: {  	v31 =	vld [tilespmem:$0x0]  }
0x86: {  	v32 =	vld [tilespmem:$0x10]  }
0x87: {  	v35 =	vld [tilespmem:$0x20]  }
0x88: {  	v29 =	vld [tilespmem:$0x30]  }
0x89: {  	v30 =	vld [tilespmem:$0x40]  }
0x8a: {  	v27 =	vld [tilespmem:$0x50]  }
0x8b: {  	v28 =	vld [tilespmem:$0x60];
	[tilespmem:$0x170] =	vst v25;
	v60 =	vmax.f32 v31, v32  }
0x8c: {  	v25 =	vld [tilespmem:$0x70];
	[tilespmem:$0x1A0] =	vst v34;
	v34 =	vmax.f32 v60, v35  }
0x8d: {  	[tilespmem:$0x180] =	vst v26;
	v26 =	vld [tilespmem:$0x80];
	v34 =	vmax.f32 v34, v29  }
0x8e: {  	[tilespmem:$0x150] =	vst v23;
	v23 =	vld [tilespmem:$0x90];
	v34 =	vmax.f32 v34, v30  }
0x8f: {  	[tilespmem:$0x160] =	vst v24;
	v24 =	vld [tilespmem:$0xA0];
	v34 =	vmax.f32 v34, v27  }
0x90: {  	[tilespmem:$0x120] =	vst v20;
	v20 =	vld [tilespmem:$0xB0];
	v34 =	vmax.f32 v34, v28  }
0x91: {  	[tilespmem:$0x130] =	vst v21;
	v21 =	vld [tilespmem:$0xC0];
	v34 =	vmax.f32 v34, v25  }
0x92: {  	[tilespmem:$0x110] =	vst v19;
	v19 =	vld [tilespmem:$0xD0];
	v34 =	vmax.f32 v34, v26  }
0x93: {  	[tilespmem:$0x140] =	vst v22;
	v22 =	vld [tilespmem:$0xE0];
	v34 =	vmax.f32 v34, v23  }
0x94: {  	v18 =	vld [tilespmem:$0xF0];
	v34 =	vmax.f32 v34, v24  }
0x95: {  	v34 =	vmax.f32 v34, v20  }
0x96: {  	v34 =	vmax.f32 v34, v21  }
0x97: {  	v34 =	vmax.f32 v34, v19  }
0x98: {  	v34 =	vmax.f32 v34, v22  }
0x99: {  	v34 =	vmax.f32 v34, v18  }
0x9a: {  	(xrf0) =	vmax.scan.msk.f32 $0xffff, v34;
	_ =	sdelay $0x5  }
0x9b: {  	v34, _, _ =	vpop (xrf0)  }
0x9c: {  	v36 =	vld [tilespmem:$0xB0];
	v34 =	vbroadcast v34, $0xF  }
0x9d: {  	v37 =	vld [tilespmem:$0xC0]  }
0x9e: {  	vm0 =	veq.f32 v32, v34  }
0x9f: {  	v61 =	vnsel vm0, $0x7FFFFFFF, v2  }
0xa0: {  	vm0 =	veq.f32 v31, v34;
	v62 =	vmin.u32 v1, v61  }
0xa1: {  	[tilespmem:$0x1B0] =	vst v36;
	v36 =	vsel vm0, v62, v61  }
0xa2: {  	[tilespmem:$0x1C0] =	vst v37;
	vm0 =	veq.f32 v35, v34;
	v37 =	vmin.u32 v36, v3  }
0xa3: {  	v36 =	vsel vm0, v37, v36  }
0xa4: {  	vm0 =	veq.f32 v29, v34;
	v37 =	vmin.u32 v36, v4  }
0xa5: {  	v36 =	vsel vm0, v37, v36  }
0xa6: {  	vm0 =	veq.f32 v30, v34;
	v37 =	vmin.u32 v36, v5  }
0xa7: {  	v36 =	vsel vm0, v37, v36  }
0xa8: {  	vm0 =	veq.f32 v27, v34;
	v37 =	vmin.u32 v36, v6  }
0xa9: {  	v36 =	vsel vm0, v37, v36  }
0xaa: {  	vm0 =	vlt.s32 v36, v7  }
0xab: {  	vm1 =	veq.f32 v28, v34;
	v37 =	vsel vm0, v36, v7  }
0xac: {  	v36 =	vsel vm1, v37, v36  }
0xad: {  	vm0 =	vlt.s32 v36, v8  }
0xae: {  	vm1 =	veq.f32 v25, v34;
	v37 =	vsel vm0, v36, v8  }
0xaf: {  	v36 =	vsel vm1, v37, v36  }
0xb0: {  	vm0 =	vlt.s32 v36, v9  }
0xb1: {  	vm1 =	veq.f32 v26, v34;
	v37 =	vsel vm0, v36, v9  }
0xb2: {  	v36 =	vsel vm1, v37, v36  }
0xb3: {  	vm0 =	vlt.s32 v36, v10  }
0xb4: {  	vm1 =	veq.f32 v23, v34;
	v37 =	vsel vm0, v36, v10  }
0xb5: {  	v36 =	vsel vm1, v37, v36  }
0xb6: {  	vm0 =	vlt.s32 v36, v11  }
0xb7: {  	vm1 =	veq.f32 v24, v34;
	v37 =	vsel vm0, v36, v11  }
0xb8: {  	v36 =	vsel vm1, v37, v36  }
0xb9: {  	vm0 =	vlt.s32 v36, v12  }
0xba: {  	vm1 =	veq.f32 v20, v34;
	v37 =	vsel vm0, v36, v12  }
0xbb: {  	v36 =	vsel vm1, v37, v36  }
0xbc: {  	vm0 =	vlt.s32 v36, v13  }
0xbd: {  	vm1 =	veq.f32 v21, v34;
	v37 =	vsel vm0, v36, v13  }
0xbe: {  	v36 =	vsel vm1, v37, v36  }
0xbf: {  	vm0 =	vlt.s32 v36, v14  }
0xc0: {  	vm1 =	veq.f32 v19, v34;
	v37 =	vsel vm0, v36, v14  }
0xc1: {  	v36 =	vsel vm1, v37, v36  }
0xc2: {  	vm0 =	vlt.s32 v36, v15  }
0xc3: {  	vm1 =	veq.f32 v22, v34;
	v37 =	vsel vm0, v36, v15  }
0xc4: {  	v36 =	vsel vm1, v37, v36  }
0xc5: {  	vm0 =	vlt.s32 v36, v16  }
0xc6: {  	vm1 =	veq.f32 v18, v34;
	v37 =	vsel vm0, v36, v16  }
0xc7: {  	v36 =	vsel vm1, v37, v36  }
0xc8: {  	v36 =	vxor.u32 $0x80000000, v36  }
0xc9: {  	(xrf0) =	vmin.scan.msk.u32 $0xffff, v36;
	_ =	sdelay $0x5  }
0xca: {  	v36, _, _ =	vpop (xrf0)  }
0xcb: {  	(v2sf) =	vpush v36, $0xF;
	_ =	sdelay $0x9  }
0xcc: {  	v17 =	vld [tilespmem:$0x0]  }
0xcd: {  	v33 =	vld [tilespmem:$0x90]  }
0xce: {  	v38 =	vld [tilespmem:$0xD0]  }
0xcf: {  	v39 =	vld [tilespmem:$0xE0]  }
0xd0: {  	v63 =	vmov s23  }
0xd1: {  	v59 =	vimm.f32 $0.0e+00;
	[tilespmem:$0x100] =	vst v17;
	vm0 =	veq.s32 v63, v0;
	s31 =	spop (v2sf)  }
0xd2: {  	[tilespmem:$0x190] =	vst v33;
	v17 =	vimm.s32 $0x0;
	v33 =	vsel vm0, v34, v59;
	s25 =	sxor.u32 $0x80000000, s31  }
0xd3: {  	[tilespmem:$0x1D0] =	vst v38;
	vm1 =	veq.s32 v1, s25;
	vm2 =	veq.s32 v2, s25;
	vm3 =	veq.s32 v3, s25  }
0xd4: {  	[tilespmem:$0x1E0] =	vst v39;
	v34 =	vsel vm1, $0xFF61B1E6, v31;
	v32 =	vsel vm2, $0xFF61B1E6, v32;
	v31 =	vsel vm3, $0xFF61B1E6, v35  }
0xd5: {  	s24 =	simm.s32 $0x2;
	s23 =	simm.s32 $0x1;
	[tilespmem:$0x1F0] =	vst v18;
	vm1 =	veq.s32 v4, s25;
	vm2 =	veq.s32 v5, s25;
	v35 =	vmax.f32 v34, v32  }
.LBB2_3:
0xd6: {  	p2 =	seq.s32 s24, $0x7;
	v35 =	vmax.f32 v35, v31;
	v29 =	vsel vm1, $0xFF61B1E6, v29;
	v30 =	vsel vm2, $0xFF61B1E6, v30  }
0xd7: {  	vm1 =	veq.s32 v6, s25;
	vm2 =	veq.s32 v7, s25;
	v35 =	vmax.f32 v35, v29  }
0xd8: {  	v27 =	vsel vm1, $0xFF61B1E6, v27;
	v28 =	vsel vm2, $0xFF61B1E6, v28;
	v35 =	vmax.f32 v35, v30  }
0xd9: {  	vm1 =	veq.s32 v8, s25;
	vm2 =	veq.s32 v9, s25;
	v35 =	vmax.f32 v35, v27  }
0xda: {  	v25 =	vsel vm1, $0xFF61B1E6, v25;
	v26 =	vsel vm2, $0xFF61B1E6, v26;
	v35 =	vmax.f32 v35, v28  }
0xdb: {  	vm1 =	veq.s32 v10, s25;
	vm2 =	veq.s32 v11, s25;
	v35 =	vmax.f32 v35, v25  }
0xdc: {  	v23 =	vsel vm1, $0xFF61B1E6, v23;
	v24 =	vsel vm2, $0xFF61B1E6, v24;
	v35 =	vmax.f32 v35, v26  }
0xdd: {  	vm1 =	veq.s32 v12, s25;
	vm2 =	veq.s32 v13, s25;
	v35 =	vmax.f32 v35, v23  }
0xde: {  	v20 =	vsel vm1, $0xFF61B1E6, v20;
	v21 =	vsel vm2, $0xFF61B1E6, v21;
	v35 =	vmax.f32 v35, v24  }
0xdf: {  	vm1 =	veq.s32 v14, s25;
	vm2 =	veq.s32 v15, s25;
	v35 =	vmax.f32 v35, v20  }
0xe0: {  	v19 =	vsel vm1, $0xFF61B1E6, v19;
	v22 =	vsel vm2, $0xFF61B1E6, v22;
	v35 =	vmax.f32 v35, v21  }
0xe1: {  	v17 =	vsel vm0, s25, v17;
	vm0 =	veq.s32 v16, s25;
	v35 =	vmax.f32 v35, v19  }
0xe2: {  	v18 =	vsel vm0, $0xFF61B1E6, v18;
	v35 =	vmax.f32 v35, v22  }
0xe3: {  	v35 =	vmax.f32 v35, v18  }
0xe4: {  	(xrf0) =	vmax.scan.msk.f32 $0xffff, v35;
	_ =	sdelay $0x5  }
0xe5: {  	v35, _, _ =	vpop (xrf0)  }
0xe6: {  	v36 =	vmov s23;
	s23 =	smov.u32 s24;
	v35 =	vbroadcast v35, $0xF  }
0xe7: {  	vm0 =	veq.s32 v36, v0  }
0xe8: {  	vm1 =	veq.f32 v32, v35;
	v33 =	vsel vm0, v35, v33  }
0xe9: {  	v36 =	vnsel vm1, $0x7FFFFFFF, v2  }
0xea: {  	vm1 =	veq.f32 v34, v35;
	v37 =	vmin.u32 v1, v36  }
0xeb: {  	v36 =	vsel vm1, v37, v36  }
0xec: {  	vm1 =	veq.f32 v31, v35;
	v37 =	vmin.u32 v36, v3  }
0xed: {  	v36 =	vsel vm1, v37, v36  }
0xee: {  	vm1 =	veq.f32 v29, v35;
	v37 =	vmin.u32 v36, v4  }
0xef: {  	v36 =	vsel vm1, v37, v36  }
0xf0: {  	vm1 =	veq.f32 v30, v35;
	v37 =	vmin.u32 v36, v5  }
0xf1: {  	v36 =	vsel vm1, v37, v36  }
0xf2: {  	vm1 =	veq.f32 v27, v35;
	v37 =	vmin.u32 v36, v6  }
0xf3: {  	v36 =	vsel vm1, v37, v36  }
0xf4: {  	vm1 =	vlt.s32 v36, v7  }
0xf5: {  	vm2 =	veq.f32 v28, v35;
	v37 =	vsel vm1, v36, v7  }
0xf6: {  	v36 =	vsel vm2, v37, v36  }
0xf7: {  	vm1 =	vlt.s32 v36, v8  }
0xf8: {  	vm2 =	veq.f32 v25, v35;
	v37 =	vsel vm1, v36, v8  }
0xf9: {  	v36 =	vsel vm2, v37, v36  }
0xfa: {  	vm1 =	vlt.s32 v36, v9  }
0xfb: {  	vm2 =	veq.f32 v26, v35;
	v37 =	vsel vm1, v36, v9  }
0xfc: {  	v36 =	vsel vm2, v37, v36  }
0xfd: {  	vm1 =	vlt.s32 v36, v10  }
0xfe: {  	vm2 =	veq.f32 v23, v35;
	v37 =	vsel vm1, v36, v10  }
0xff: {  	v36 =	vsel vm2, v37, v36  }
0x100: {  	vm1 =	vlt.s32 v36, v11  }
0x101: {  	vm2 =	veq.f32 v24, v35;
	v37 =	vsel vm1, v36, v11  }
0x102: {  	v36 =	vsel vm2, v37, v36  }
0x103: {  	vm1 =	vlt.s32 v36, v12  }
0x104: {  	vm2 =	veq.f32 v20, v35;
	v37 =	vsel vm1, v36, v12  }
0x105: {  	v36 =	vsel vm2, v37, v36  }
0x106: {  	vm1 =	vlt.s32 v36, v13  }
0x107: {  	vm2 =	veq.f32 v21, v35;
	v37 =	vsel vm1, v36, v13  }
0x108: {  	v36 =	vsel vm2, v37, v36  }
0x109: {  	vm1 =	vlt.s32 v36, v14  }
0x10a: {  	vm2 =	veq.f32 v19, v35;
	v37 =	vsel vm1, v36, v14  }
0x10b: {  	v36 =	vsel vm2, v37, v36  }
0x10c: {  	vm1 =	vlt.s32 v36, v15  }
0x10d: {  	vm2 =	veq.f32 v22, v35;
	v37 =	vsel vm1, v36, v15  }
0x10e: {  	v36 =	vsel vm2, v37, v36  }
0x10f: {  	vm1 =	vlt.s32 v36, v16  }
0x110: {  	vm2 =	veq.f32 v18, v35;
	v35 =	vsel vm1, v36, v16  }
0x111: {  	v35 =	vsel vm2, v35, v36  }
0x112: {  	v35 =	vxor.u32 $0x80000000, v35  }
0x113: {  	(xrf0) =	vmin.scan.msk.u32 $0xffff, v35;
	_ =	sdelay $0x5  }
0x114: {  	v35, _, _ =	vpop (xrf0)  }
0x115: {  	(v2sf) =	vpush v35, $0xF;
	_ =	sdelay $0xe  }
.Ltmp4:
0x116: {  	s25 =	spop (v2sf);
	(pc) =	sbr.rel @!p2 .LBB2_3-.Ltmp4, $4  }
0x117: {  	s25 =	sxor.u32 $0x80000000, s25  }
0x118: {  	vm1 =	veq.s32 v1, s25;
	vm2 =	veq.s32 v2, s25;
	vm3 =	veq.s32 v3, s25  }
0x119: {  	v34 =	vsel vm1, $0xFF61B1E6, v34;
	v32 =	vsel vm2, $0xFF61B1E6, v32;
	v31 =	vsel vm3, $0xFF61B1E6, v31  }
0x11a: {  	s24 =	sadd.s32 $0x1, s24;
	vm1 =	veq.s32 v4, s25;
	vm2 =	veq.s32 v5, s25;
	v35 =	vmax.f32 v34, v32  }
0x11b: {  	v35 =	vmax.f32 v35, v31;
	v36 =	vsel vm1, $0xFF61B1E6, v29  }
0x11c: {  	v30 =	vsel vm2, $0xFF61B1E6, v30;
	vm1 =	veq.s32 v6, s25;
	v29 =	vmax.f32 v35, v36  }
0x11d: {  	vm2 =	veq.s32 v7, s25;
	v27 =	vsel vm1, $0xFF61B1E6, v27;
	v29 =	vmax.f32 v29, v30  }
0x11e: {  	v51 =	vsel vm2, $0xFF61B1E6, v28;
	vm1 =	veq.s32 v8, s25;
	v28 =	vmax.f32 v29, v27  }
0x11f: {  	vm2 =	veq.s32 v9, s25;
	v25 =	vsel vm1, $0xFF61B1E6, v25;
	v28 =	vmax.f32 v28, v51  }
0x120: {  	v37 =	vsel vm2, $0xFF61B1E6, v26;
	vm1 =	veq.s32 v10, s25;
	v26 =	vmax.f32 v28, v25  }
0x121: {  	vm2 =	veq.s32 v11, s25;
	v23 =	vsel vm1, $0xFF61B1E6, v23;
	v26 =	vmax.f32 v26, v37  }
0x122: {  	v38 =	vsel vm2, $0xFF61B1E6, v24;
	vm1 =	veq.s32 v12, s25;
	v24 =	vmax.f32 v26, v23  }
0x123: {  	vm2 =	veq.s32 v13, s25;
	v39 =	vsel vm1, $0xFF61B1E6, v20;
	v24 =	vmax.f32 v24, v38  }
0x124: {  	v40 =	vsel vm2, $0xFF61B1E6, v21;
	vm1 =	veq.s32 v14, s25;
	v20 =	vmax.f32 v24, v39  }
0x125: {  	vm2 =	veq.s32 v15, s25;
	v41 =	vsel vm1, $0xFF61B1E6, v19;
	v20 =	vmax.f32 v20, v40  }
0x126: {  	v42 =	vsel vm2, $0xFF61B1E6, v22;
	vm1 =	veq.s32 v16, s25;
	v19 =	vmax.f32 v20, v41  }
0x127: {  	v43 =	vsel vm1, $0xFF61B1E6, v18;
	v19 =	vmax.f32 v19, v42  }
0x128: {  	v18 =	vmax.f32 v19, v43  }
0x129: {  	(xrf0) =	vmax.scan.msk.f32 $0xffff, v18;
	_ =	sdelay $0x5  }
0x12a: {  	v18, _, _ =	vpop (xrf0)  }
0x12b: {  	v18 =	vbroadcast v18, $0xF;
	_ =	sdelay $0x1  }
0x12c: {  	vm1 =	veq.f32 v32, v18  }
0x12d: {  	v19 =	vnsel vm1, $0x7FFFFFFF, v2  }
0x12e: {  	vm1 =	veq.f32 v34, v18;
	v20 =	vmin.u32 v1, v19  }
0x12f: {  	v19 =	vsel vm1, v20, v19  }
0x130: {  	vm1 =	veq.f32 v31, v18;
	v20 =	vmin.u32 v19, v3  }
0x131: {  	v19 =	vsel vm1, v20, v19  }
0x132: {  	vm1 =	veq.f32 v36, v18;
	v20 =	vmin.u32 v19, v4  }
0x133: {  	v19 =	vsel vm1, v20, v19  }
0x134: {  	vm1 =	veq.f32 v30, v18;
	v20 =	vmin.u32 v19, v5  }
0x135: {  	v19 =	vsel vm1, v20, v19  }
0x136: {  	vm1 =	veq.f32 v27, v18;
	v20 =	vmin.u32 v19, v6  }
0x137: {  	v19 =	vsel vm1, v20, v19  }
0x138: {  	vm1 =	vlt.s32 v19, v7  }
0x139: {  	vm2 =	veq.f32 v51, v18;
	v20 =	vsel vm1, v19, v7  }
0x13a: {  	v19 =	vsel vm2, v20, v19  }
0x13b: {  	vm1 =	vlt.s32 v19, v8  }
0x13c: {  	vm2 =	veq.f32 v25, v18;
	v20 =	vsel vm1, v19, v8  }
0x13d: {  	v19 =	vsel vm2, v20, v19  }
0x13e: {  	vm1 =	vlt.s32 v19, v9  }
0x13f: {  	vm2 =	veq.f32 v37, v18;
	v20 =	vsel vm1, v19, v9  }
0x140: {  	v19 =	vsel vm2, v20, v19  }
0x141: {  	vm1 =	vlt.s32 v19, v10  }
0x142: {  	vm2 =	veq.f32 v23, v18;
	v20 =	vsel vm1, v19, v10  }
0x143: {  	v19 =	vsel vm2, v20, v19  }
0x144: {  	vm1 =	vlt.s32 v19, v11  }
0x145: {  	vm2 =	veq.f32 v38, v18;
	v20 =	vsel vm1, v19, v11  }
0x146: {  	v19 =	vsel vm2, v20, v19  }
0x147: {  	vm1 =	vlt.s32 v19, v12  }
0x148: {  	vm2 =	veq.f32 v39, v18;
	v20 =	vsel vm1, v19, v12  }
0x149: {  	v19 =	vsel vm2, v20, v19  }
0x14a: {  	vm1 =	vlt.s32 v19, v13  }
0x14b: {  	vm2 =	veq.f32 v40, v18;
	v20 =	vsel vm1, v19, v13  }
0x14c: {  	v19 =	vsel vm2, v20, v19  }
0x14d: {  	vm1 =	vlt.s32 v19, v14  }
0x14e: {  	vm2 =	veq.f32 v41, v18;
	v20 =	vsel vm1, v19, v14  }
0x14f: {  	v19 =	vsel vm2, v20, v19  }
0x150: {  	vm1 =	vlt.s32 v19, v15  }
0x151: {  	vm2 =	veq.f32 v42, v18;
	v20 =	vsel vm1, v19, v15  }
0x152: {  	v19 =	vsel vm2, v20, v19  }
0x153: {  	vm1 =	vlt.s32 v19, v16  }
0x154: {  	vm2 =	veq.f32 v43, v18;
	v20 =	vsel vm1, v19, v16  }
0x155: {  	v19 =	vsel vm2, v20, v19  }
0x156: {  	v19 =	vxor.u32 $0x80000000, v19  }
0x157: {  	(xrf0) =	vmin.scan.msk.u32 $0xffff, v19;
	_ =	sdelay $0x5  }
0x158: {  	v19, _, _ =	vpop (xrf0)  }
0x159: {  	(v2sf) =	vpush v19, $0xF;
	_ =	sdelay $0xa  }
0x15a: {  	v57 =	vld [tilespmem:$0x100]  }
0x15b: {  	v58 =	vld [tilespmem:$0x110];
	_ =	sdelay $0x2  }
0x15c: {  	s29 =	spop (v2sf)  }
0x15d: {  	v59 =	vld [tilespmem:$0x120];
	v19 =	vmov s23;
	s23 =	sxor.u32 $0x80000000, s29  }
0x15e: {  	v17 =	vsel vm0, s25, v17;
	v60 =	vmin.f32 v57, v58;
	vm2 =	veq.s32 v2, s23  }
0x15f: {  	vm1 =	veq.s32 v19, v0;
	v26 =	vsel vm2, $0xFF61B1E6, v32;
	vm2 =	veq.s32 v5, s23  }
0x160: {  	vm0 =	veq.s32 v1, s23;
	vm3 =	veq.s32 v3, s23;
	v19 =	vsel vm2, $0xFF61B1E6, v30;
	v30 =	vld [tilespmem:$0x130]  }
0x161: {  	v29 =	vsel vm0, $0xFF61B1E6, v34;
	vm0 =	veq.s32 v4, s23;
	v28 =	vsel vm3, $0xFF61B1E6, v31;
	v31 =	vld [tilespmem:$0x140]  }
0x162: {  	v34 =	vmin.f32 v60, v59;
	v22 =	vsel vm0, $0xFF61B1E6, v36;
	vm2 =	veq.s32 v7, s23;
	[tilespmem:$0x20] =	vst v28;
	v28 =	vld [tilespmem:$0x150]  }
0x163: {  	vm0 =	veq.s32 v6, s23;
	[tilespmem:$0x0] =	vst v29;
	v29 =	vld [tilespmem:$0x160];
	v20 =	vsel vm2, $0xFF61B1E6, v51;
	vm2 =	veq.s32 v9, s23  }
0x164: {  	[tilespmem:$0x10] =	vst v26;
	v26 =	vld [tilespmem:$0x170];
	v24 =	vsel vm0, $0xFF61B1E6, v27;
	vm0 =	veq.s32 v8, s23;
	v27 =	vsel vm2, $0xFF61B1E6, v37  }
0x165: {  	v25 =	vsel vm0, $0xFF61B1E6, v25;
	[tilespmem:$0x80] =	vst v27;
	v27 =	vld [tilespmem:$0x180];
	v34 =	vmin.f32 v34, v30  }
0x166: {  	vm0 =	veq.s32 v10, s23;
	vm2 =	veq.s32 v11, s23;
	[tilespmem:$0x50] =	vst v24;
	v24 =	vld [tilespmem:$0x190];
	v34 =	vmin.f32 v34, v31  }
0x167: {  	v21 =	vsel vm2, $0xFF61B1E6, v38;
	vm2 =	veq.s32 v13, s23;
	[tilespmem:$0x70] =	vst v25;
	v25 =	vld [tilespmem:$0x1A0];
	v34 =	vmin.f32 v34, v28  }
0x168: {  	[tilespmem:$0x30] =	vst v22;
	v22 =	vld [tilespmem:$0x1B0];
	v52 =	vsel vm0, $0xFF61B1E6, v23;
	v23 =	vsel vm2, $0xFF61B1E6, v40;
	v34 =	vmin.f32 v34, v29  }
0x169: {  	[tilespmem:$0xC0] =	vst v23;
	v23 =	vld [tilespmem:$0x1C0];
	v34 =	vmin.f32 v34, v26  }
0x16a: {  	[tilespmem:$0x40] =	vst v19;
	v19 =	vld [tilespmem:$0x1D0];
	v34 =	vmin.f32 v34, v27  }
0x16b: {  	[tilespmem:$0xA0] =	vst v21;
	v21 =	vld [tilespmem:$0x1E0];
	v34 =	vmin.f32 v34, v24  }
0x16c: {  	[tilespmem:$0x60] =	vst v20;
	v20 =	vld [tilespmem:$0x1F0];
	v34 =	vmin.f32 v34, v25  }
0x16d: {  	v34 =	vmin.f32 v34, v22  }
0x16e: {  	v34 =	vmin.f32 v34, v23  }
0x16f: {  	v34 =	vmin.f32 v34, v19  }
0x170: {  	v34 =	vmin.f32 v34, v21  }
0x171: {  	v34 =	vmin.f32 v34, v20  }
0x172: {  	(xrf0) =	vmin.scan.msk.f32 $0xffff, v34;
	_ =	sdelay $0x5  }
0x173: {  	vm0 =	veq.s32 v12, s23;
	v34, _, _ =	vpop (xrf0)  }
0x174: {  	v53 =	vsel vm0, $0xFF61B1E6, v39;
	vm0 =	veq.s32 v14, s23;
	v34 =	vbroadcast v34, $0xF  }
0x175: {  	v54 =	vsel vm0, $0xFF61B1E6, v41;
	vm0 =	veq.s32 v16, s23  }
0x176: {  	v56 =	vsel vm0, $0xFF61B1E6, v43;
	vm0 =	veq.f32 v58, v34  }
0x177: {  	v61 =	vnsel vm0, $0x7FFFFFFF, v2  }
0x178: {  	vm0 =	veq.f32 v57, v34;
	v62 =	vmin.u32 v1, v61  }
0x179: {  	v36 =	vsel vm0, v62, v61  }
0x17a: {  	vm0 =	veq.f32 v59, v34;
	v37 =	vmin.u32 v36, v3  }
0x17b: {  	v36 =	vsel vm0, v37, v36  }
0x17c: {  	vm0 =	veq.f32 v30, v34;
	v37 =	vmin.u32 v36, v4  }
0x17d: {  	v36 =	vsel vm0, v37, v36  }
0x17e: {  	vm0 =	veq.f32 v31, v34;
	v37 =	vmin.u32 v36, v5  }
0x17f: {  	v36 =	vsel vm0, v37, v36  }
0x180: {  	vm0 =	veq.f32 v28, v34;
	v37 =	vmin.u32 v36, v6  }
0x181: {  	v36 =	vsel vm0, v37, v36  }
0x182: {  	v18 =	vsel vm1, v18, v33;
	vm0 =	vlt.s32 v36, v7  }
0x183: {  	v17 =	vsel vm1, s23, v17;
	vm1 =	veq.f32 v29, v34;
	v37 =	vsel vm0, v36, v7  }
0x184: {  	v36 =	vsel vm1, v37, v36  }
0x185: {  	vm0 =	vlt.s32 v36, v8  }
0x186: {  	vm1 =	veq.f32 v26, v34;
	v37 =	vsel vm0, v36, v8  }
0x187: {  	v36 =	vsel vm1, v37, v36  }
0x188: {  	vm0 =	vlt.s32 v36, v9  }
0x189: {  	vm1 =	veq.f32 v27, v34;
	v37 =	vsel vm0, v36, v9  }
0x18a: {  	v36 =	vsel vm1, v37, v36  }
0x18b: {  	vm0 =	vlt.s32 v36, v10  }
0x18c: {  	vm1 =	veq.f32 v24, v34;
	v37 =	vsel vm0, v36, v10  }
0x18d: {  	v36 =	vsel vm1, v37, v36  }
0x18e: {  	vm0 =	vlt.s32 v36, v11  }
0x18f: {  	vm1 =	veq.f32 v25, v34;
	v37 =	vsel vm0, v36, v11  }
0x190: {  	v36 =	vsel vm1, v37, v36  }
0x191: {  	vm0 =	vlt.s32 v36, v12  }
0x192: {  	vm1 =	veq.f32 v22, v34;
	v37 =	vsel vm0, v36, v12  }
0x193: {  	v36 =	vsel vm1, v37, v36  }
0x194: {  	vm0 =	vlt.s32 v36, v13  }
0x195: {  	vm1 =	veq.f32 v23, v34;
	v37 =	vsel vm0, v36, v13  }
0x196: {  	v36 =	vsel vm1, v37, v36  }
0x197: {  	vm0 =	vlt.s32 v36, v14  }
0x198: {  	vm1 =	veq.f32 v19, v34;
	v37 =	vsel vm0, v36, v14  }
0x199: {  	v36 =	vsel vm1, v37, v36  }
0x19a: {  	vm0 =	vlt.s32 v36, v15  }
0x19b: {  	vm1 =	veq.f32 v21, v34;
	v37 =	vsel vm0, v36, v15  }
0x19c: {  	v36 =	vsel vm1, v37, v36  }
0x19d: {  	vm0 =	vlt.s32 v36, v16  }
0x19e: {  	vm1 =	veq.f32 v20, v34;
	v37 =	vsel vm0, v36, v16  }
0x19f: {  	v36 =	vsel vm1, v37, v36  }
0x1a0: {  	v36 =	vxor.u32 $0x80000000, v36  }
0x1a1: {  	(xrf0) =	vmin.scan.msk.u32 $0xffff, v36;
	_ =	sdelay $0x5  }
0x1a2: {  	v36, _, _ =	vpop (xrf0)  }
0x1a3: {  	(v2sf) =	vpush v36, $0xF;
	_ =	sdelay $0xc  }
0x1a4: {  	s30 =	simm.s32 $0x8  }
0x1a5: {  	v63 =	vmov s30  }
0x1a6: {  	vm2 =	veq.s32 v15, s23;
	[tilespmem:$0x90] =	vst v52;
	vm0 =	veq.s32 v63, v0;
	s31 =	spop (v2sf)  }
0x1a7: {  	v55 =	vsel vm2, $0xFF61B1E6, v42;
	[tilespmem:$0xB0] =	vst v53;
	v18 =	vsel vm0, v34, v18;
	s24 =	sxor.u32 $0x80000000, s31  }
0x1a8: {  	[tilespmem:$0xD0] =	vst v54;
	vm1 =	veq.s32 v1, s24;
	vm2 =	veq.s32 v2, s24;
	vm3 =	veq.s32 v3, s24  }
0x1a9: {  	[tilespmem:$0xE0] =	vst v55;
	v34 =	vsel vm1, $0x7F61B1E6, v57;
	v33 =	vsel vm2, $0x7F61B1E6, v58;
	v32 =	vsel vm3, $0x7F61B1E6, v59  }
0x1aa: {  	s25 =	simm.s32 $0xA;
	s23 =	simm.s32 $0x9;
	[tilespmem:$0xF0] =	vst v56;
	vm1 =	veq.s32 v4, s24;
	vm2 =	veq.s32 v5, s24;
	v35 =	vmin.f32 v34, v33  }
.LBB2_5:
0x1ab: {  	p2 =	sne.s32 s25, $0xF;
	v35 =	vmin.f32 v35, v32;
	v30 =	vsel vm1, $0x7F61B1E6, v30;
	v31 =	vsel vm2, $0x7F61B1E6, v31  }
0x1ac: {  	vm1 =	veq.s32 v6, s24;
	vm2 =	veq.s32 v7, s24;
	v35 =	vmin.f32 v35, v30  }
0x1ad: {  	v28 =	vsel vm1, $0x7F61B1E6, v28;
	v29 =	vsel vm2, $0x7F61B1E6, v29;
	v35 =	vmin.f32 v35, v31  }
0x1ae: {  	vm1 =	veq.s32 v8, s24;
	vm2 =	veq.s32 v9, s24;
	v35 =	vmin.f32 v35, v28  }
0x1af: {  	v26 =	vsel vm1, $0x7F61B1E6, v26;
	v27 =	vsel vm2, $0x7F61B1E6, v27;
	v35 =	vmin.f32 v35, v29  }
0x1b0: {  	vm1 =	veq.s32 v10, s24;
	vm2 =	veq.s32 v11, s24;
	v35 =	vmin.f32 v35, v26  }
0x1b1: {  	v24 =	vsel vm1, $0x7F61B1E6, v24;
	v25 =	vsel vm2, $0x7F61B1E6, v25;
	v35 =	vmin.f32 v35, v27  }
0x1b2: {  	vm1 =	veq.s32 v12, s24;
	vm2 =	veq.s32 v13, s24;
	v35 =	vmin.f32 v35, v24  }
0x1b3: {  	v22 =	vsel vm1, $0x7F61B1E6, v22;
	v23 =	vsel vm2, $0x7F61B1E6, v23;
	v35 =	vmin.f32 v35, v25  }
0x1b4: {  	vm1 =	veq.s32 v14, s24;
	vm2 =	veq.s32 v15, s24;
	v35 =	vmin.f32 v35, v22  }
0x1b5: {  	v19 =	vsel vm1, $0x7F61B1E6, v19;
	v21 =	vsel vm2, $0x7F61B1E6, v21;
	v35 =	vmin.f32 v35, v23  }
0x1b6: {  	v17 =	vsel vm0, s24, v17;
	vm0 =	veq.s32 v16, s24;
	v35 =	vmin.f32 v35, v19  }
0x1b7: {  	v20 =	vsel vm0, $0x7F61B1E6, v20;
	v35 =	vmin.f32 v35, v21  }
0x1b8: {  	v35 =	vmin.f32 v35, v20  }
0x1b9: {  	(xrf0) =	vmin.scan.msk.f32 $0xffff, v35;
	_ =	sdelay $0x5  }
0x1ba: {  	v35, _, _ =	vpop (xrf0)  }
0x1bb: {  	v36 =	vmov s23;
	s23 =	smov.u32 s25;
	v35 =	vbroadcast v35, $0xF  }
0x1bc: {  	vm0 =	veq.s32 v36, v0  }
0x1bd: {  	vm1 =	veq.f32 v33, v35;
	v18 =	vsel vm0, v35, v18  }
0x1be: {  	v36 =	vnsel vm1, $0x7FFFFFFF, v2  }
0x1bf: {  	vm1 =	veq.f32 v34, v35;
	v37 =	vmin.u32 v1, v36  }
0x1c0: {  	v36 =	vsel vm1, v37, v36  }
0x1c1: {  	vm1 =	veq.f32 v32, v35;
	v37 =	vmin.u32 v36, v3  }
0x1c2: {  	v36 =	vsel vm1, v37, v36  }
0x1c3: {  	vm1 =	veq.f32 v30, v35;
	v37 =	vmin.u32 v36, v4  }
0x1c4: {  	v36 =	vsel vm1, v37, v36  }
0x1c5: {  	vm1 =	veq.f32 v31, v35;
	v37 =	vmin.u32 v36, v5  }
0x1c6: {  	v36 =	vsel vm1, v37, v36  }
0x1c7: {  	vm1 =	veq.f32 v28, v35;
	v37 =	vmin.u32 v36, v6  }
0x1c8: {  	v36 =	vsel vm1, v37, v36  }
0x1c9: {  	vm1 =	vlt.s32 v36, v7  }
0x1ca: {  	vm2 =	veq.f32 v29, v35;
	v37 =	vsel vm1, v36, v7  }
0x1cb: {  	v36 =	vsel vm2, v37, v36  }
0x1cc: {  	vm1 =	vlt.s32 v36, v8  }
0x1cd: {  	vm2 =	veq.f32 v26, v35;
	v37 =	vsel vm1, v36, v8  }
0x1ce: {  	v36 =	vsel vm2, v37, v36  }
0x1cf: {  	vm1 =	vlt.s32 v36, v9  }
0x1d0: {  	vm2 =	veq.f32 v27, v35;
	v37 =	vsel vm1, v36, v9  }
0x1d1: {  	v36 =	vsel vm2, v37, v36  }
0x1d2: {  	vm1 =	vlt.s32 v36, v10  }
0x1d3: {  	vm2 =	veq.f32 v24, v35;
	v37 =	vsel vm1, v36, v10  }
0x1d4: {  	v36 =	vsel vm2, v37, v36  }
0x1d5: {  	vm1 =	vlt.s32 v36, v11  }
0x1d6: {  	vm2 =	veq.f32 v25, v35;
	v37 =	vsel vm1, v36, v11  }
0x1d7: {  	v36 =	vsel vm2, v37, v36  }
0x1d8: {  	vm1 =	vlt.s32 v36, v12  }
0x1d9: {  	vm2 =	veq.f32 v22, v35;
	v37 =	vsel vm1, v36, v12  }
0x1da: {  	v36 =	vsel vm2, v37, v36  }
0x1db: {  	vm1 =	vlt.s32 v36, v13  }
0x1dc: {  	vm2 =	veq.f32 v23, v35;
	v37 =	vsel vm1, v36, v13  }
0x1dd: {  	v36 =	vsel vm2, v37, v36  }
0x1de: {  	vm1 =	vlt.s32 v36, v14  }
0x1df: {  	vm2 =	veq.f32 v19, v35;
	v37 =	vsel vm1, v36, v14  }
0x1e0: {  	v36 =	vsel vm2, v37, v36  }
0x1e1: {  	vm1 =	vlt.s32 v36, v15  }
0x1e2: {  	vm2 =	veq.f32 v21, v35;
	v37 =	vsel vm1, v36, v15  }
0x1e3: {  	v36 =	vsel vm2, v37, v36  }
0x1e4: {  	vm1 =	vlt.s32 v36, v16  }
0x1e5: {  	vm2 =	veq.f32 v20, v35;
	v35 =	vsel vm1, v36, v16  }
0x1e6: {  	v35 =	vsel vm2, v35, v36  }
0x1e7: {  	v35 =	vxor.u32 $0x80000000, v35  }
0x1e8: {  	(xrf0) =	vmin.scan.msk.u32 $0xffff, v35;
	_ =	sdelay $0x5  }
0x1e9: {  	v35, _, _ =	vpop (xrf0)  }
0x1ea: {  	(v2sf) =	vpush v35, $0xF;
	_ =	sdelay $0xe  }
.Ltmp5:
0x1eb: {  	s24 =	spop (v2sf);
	(pc) =	sbr.rel @p2 .LBB2_5-.Ltmp5, $4  }
0x1ec: {  	s24 =	sxor.u32 $0x80000000, s24  }
0x1ed: {  	vm1 =	veq.s32 v1, s24;
	vm2 =	veq.s32 v2, s24;
	vm3 =	veq.s32 v3, s24  }
0x1ee: {  	v34 =	vsel vm1, $0x7F61B1E6, v34;
	v33 =	vsel vm2, $0x7F61B1E6, v33;
	v32 =	vsel vm3, $0x7F61B1E6, v32  }
0x1ef: {  	s25 =	sadd.s32 $0x1, s25;
	vm1 =	veq.s32 v4, s24;
	vm2 =	veq.s32 v5, s24;
	v35 =	vmin.f32 v34, v33  }
.Ltmp6:
0x1f0: {  	_ = 	snop;
	(pc) =	sbr.rel .LBB2_6-.Ltmp6, $1  }
0x1f1: {  	_ =	sdelay $0x3  }
.LBB2_8:
0x1f2: {  	s23 =	simm.s32 $0x0  }
0x1f3: {  	[tilespmem:s18], [sflag:$0x1] =	stream.linear.gather [hbm4b:s2+s23], $0x100, $0x38;
	[tilespmem:$0x2700] =	vst v63  }
0x1f4: {  	_ =	swait.ge [sflag:s15], $0x100  }
0x1f5: {  	[sflag:s15] =	ssyncset.done $0x0  }
0x1f6: {  	[sflag:s15] =	ssyncadd.s32 $0xFFFFFF00  }
0x1f7: {  	[tilespmem:s19], [sflag:$0x1] =	stream.linear.gather [hbm4b:s3+s23], $0x100, $0x38;
	[tilespmem:$0x2700] =	vst v63  }
0x1f8: {  	_ =	swait.ge [sflag:s15], $0x100  }
0x1f9: {  	[sflag:s15] =	ssyncset.done $0x0  }
0x1fa: {  	[sflag:s15] =	ssyncadd.s32 $0xFFFFFF00  }
0x1fb: {  	v17 =	vld [tilespmem:$0x300]  }
0x1fc: {  	v18 =	vld [tilespmem:$0x310]  }
0x1fd: {  	v19 =	vld [tilespmem:$0x320]  }
0x1fe: {  	v20 =	vld [tilespmem:$0x330]  }
0x1ff: {  	v21 =	vld [tilespmem:$0x340]  }
0x200: {  	v22 =	vld [tilespmem:$0x350]  }
0x201: {  	v23 =	vld [tilespmem:$0x360]  }
0x202: {  	v24 =	vld [tilespmem:$0x370]  }
0x203: {  	v27 =	vld [tilespmem:$0x380]  }
0x204: {  	v28 =	vld [tilespmem:$0x390]  }
0x205: {  	v32 =	vld [tilespmem:$0x3A0]  }
0x206: {  	v34 =	vld [tilespmem:$0x3B0]  }
0x207: {  	v35 =	vld [tilespmem:$0x3C0]  }
0x208: {  	vm0 =	vmmov $0xff;
	v36 =	vld [tilespmem:$0x3D0]  }
0x209: {  	v37 =	vld [tilespmem:$0x3E0];
	v18 =	vnsel vm0, $0xFF61B1E6, v18  }
0x20a: {  	v17 =	vnsel vm0, $0xFF61B1E6, v17;
	[tilespmem:$0x510] =	vst v18;
	v18 =	vld [tilespmem:$0x3F0]  }
0x20b: {  	[tilespmem:$0x500] =	vst v17;
	v17 =	vnsel vm0, $0xFF61B1E6, v19;
	v25 =	vld [tilespmem:$0x510]  }
0x20c: {  	[tilespmem:$0x520] =	vst v17;
	v17 =	vnsel vm0, $0xFF61B1E6, v20;
	v29 =	vld [tilespmem:$0x500]  }
0x20d: {  	[tilespmem:$0x530] =	vst v17;
	v17 =	vnsel vm0, $0xFF61B1E6, v21;
	v31 =	vld [tilespmem:$0x520]  }
0x20e: {  	[tilespmem:$0x540] =	vst v17;
	v17 =	vnsel vm0, $0xFF61B1E6, v22;
	v26 =	vld [tilespmem:$0x530]  }
0x20f: {  	[tilespmem:$0x550] =	vst v17;
	v17 =	vnsel vm0, $0xFF61B1E6, v23;
	v30 =	vld [tilespmem:$0x540]  }
0x210: {  	[tilespmem:$0x560] =	vst v17;
	v17 =	vnsel vm0, $0xFF61B1E6, v24;
	v33 =	vld [tilespmem:$0x550]  }
0x211: {  	[tilespmem:$0x570] =	vst v17;
	v17 =	vnsel vm0, $0xFF61B1E6, v27;
	v27 =	vld [tilespmem:$0x560];
	v19 =	vmax.f32 v29, v25  }
0x212: {  	[tilespmem:$0x580] =	vst v17;
	v17 =	vnsel vm0, $0xFF61B1E6, v28;
	v28 =	vld [tilespmem:$0x570];
	v19 =	vmax.f32 v19, v31  }
0x213: {  	[tilespmem:$0x590] =	vst v17;
	v17 =	vnsel vm0, $0xFF61B1E6, v32;
	v32 =	vld [tilespmem:$0x580];
	v19 =	vmax.f32 v19, v26  }
0x214: {  	[tilespmem:$0x5A0] =	vst v17;
	v17 =	vnsel vm0, $0xFF61B1E6, v34;
	v21 =	vld [tilespmem:$0x590];
	v19 =	vmax.f32 v19, v30  }
0x215: {  	[tilespmem:$0x5B0] =	vst v17;
	v17 =	vnsel vm0, $0xFF61B1E6, v35;
	v23 =	vld [tilespmem:$0x5A0];
	v19 =	vmax.f32 v19, v33  }
0x216: {  	[tilespmem:$0x5C0] =	vst v17;
	v17 =	vnsel vm0, $0xFF61B1E6, v36;
	v24 =	vld [tilespmem:$0x5B0];
	v20 =	vmax.f32 v19, v27  }
0x217: {  	[tilespmem:$0x5D0] =	vst v17;
	v17 =	vnsel vm0, $0xFF61B1E6, v37;
	v19 =	vld [tilespmem:$0x5C0];
	v22 =	vmax.f32 v20, v28  }
0x218: {  	[tilespmem:$0x5E0] =	vst v17;
	v17 =	vnsel vm0, $0xFF61B1E6, v18;
	v20 =	vld [tilespmem:$0x5D0];
	v18 =	vmax.f32 v22, v32  }
0x219: {  	[tilespmem:$0x5F0] =	vst v17;
	v22 =	vld [tilespmem:$0x5E0];
	v17 =	vmax.f32 v18, v21  }
0x21a: {  	v18 =	vld [tilespmem:$0x5F0];
	v17 =	vmax.f32 v17, v23  }
0x21b: {  	v17 =	vmax.f32 v17, v24  }
0x21c: {  	v17 =	vmax.f32 v17, v19  }
0x21d: {  	v17 =	vmax.f32 v17, v20  }
0x21e: {  	v48 =	vld [tilespmem:$0x410];
	v17 =	vmax.f32 v17, v22  }
0x21f: {  	v49 =	vld [tilespmem:$0x400];
	v17 =	vmax.f32 v17, v18  }
0x220: {  	(xrf0) =	vmax.scan.msk.f32 $0xffff, v17;
	_ =	sdelay $0x1  }
0x221: {  	v17 =	vld [tilespmem:$0x420]  }
0x222: {  	v34 =	vnsel vm0, $0x7FFFFFFF, v48  }
0x223: {  	v50 =	vld [tilespmem:$0x430];
	v35 =	vnsel vm0, $0x7FFFFFFF, v49;
	[tilespmem:$0x610] =	vst v34  }
0x224: {  	[tilespmem:$0x600] =	vst v35;
	v41 =	vld [tilespmem:$0x610]  }
0x225: {  	v42 =	vld [tilespmem:$0x600];
	v51, _, _ =	vpop (xrf0)  }
0x226: {  	v17 =	vnsel vm0, $0x7FFFFFFF, v17;
	v43 =	vbroadcast v51, $0xF  }
0x227: {  	[tilespmem:$0x620] =	vst v17;
	v17 =	vld [tilespmem:$0x440]  }
0x228: {  	v44 =	vld [tilespmem:$0x620];
	vm1 =	veq.f32 v25, v43  }
0x229: {  	v34 =	vnsel vm0, $0x7FFFFFFF, v50;
	v52 =	vnsel vm1, $0x7FFFFFFF, v41  }
0x22a: {  	v53 =	vld [tilespmem:$0x450];
	[tilespmem:$0x630] =	vst v34;
	vm1 =	vlt.s32 v42, v52  }
0x22b: {  	v45 =	vld [tilespmem:$0x630];
	vm2 =	veq.f32 v29, v43;
	v54 =	vsel vm1, v42, v52  }
0x22c: {  	v17 =	vnsel vm0, $0x7FFFFFFF, v17;
	v35 =	vsel vm2, v54, v52  }
0x22d: {  	[tilespmem:$0x640] =	vst v17;
	v17 =	vld [tilespmem:$0x460];
	vm1 =	vlt.s32 v35, v44  }
0x22e: {  	v46 =	vld [tilespmem:$0x640];
	vm2 =	veq.f32 v31, v43;
	v36 =	vsel vm1, v35, v44  }
0x22f: {  	v34 =	vnsel vm0, $0x7FFFFFFF, v53;
	v35 =	vsel vm2, v36, v35  }
0x230: {  	v55 =	vld [tilespmem:$0x470];
	[tilespmem:$0x650] =	vst v34;
	vm1 =	vlt.s32 v35, v45  }
0x231: {  	v47 =	vld [tilespmem:$0x650];
	vm2 =	veq.f32 v26, v43;
	v36 =	vsel vm1, v35, v45  }
0x232: {  	v17 =	vnsel vm0, $0x7FFFFFFF, v17;
	v35 =	vsel vm2, v36, v35  }
0x233: {  	[tilespmem:$0x660] =	vst v17;
	v17 =	vld [tilespmem:$0x480];
	vm1 =	vlt.s32 v35, v46  }
0x234: {  	v48 =	vld [tilespmem:$0x660];
	vm2 =	veq.f32 v30, v43;
	v36 =	vsel vm1, v35, v46  }
0x235: {  	v34 =	vnsel vm0, $0x7FFFFFFF, v55;
	v35 =	vsel vm2, v36, v35  }
0x236: {  	v56 =	vld [tilespmem:$0x490];
	[tilespmem:$0x670] =	vst v34;
	vm1 =	vlt.s32 v35, v47  }
0x237: {  	v49 =	vld [tilespmem:$0x670];
	vm2 =	veq.f32 v33, v43;
	v36 =	vsel vm1, v35, v47  }
0x238: {  	v17 =	vnsel vm0, $0x7FFFFFFF, v17;
	v35 =	vsel vm2, v36, v35  }
0x239: {  	[tilespmem:$0x680] =	vst v17;
	v17 =	vld [tilespmem:$0x4A0];
	vm1 =	vlt.s32 v35, v48  }
0x23a: {  	v50 =	vld [tilespmem:$0x680];
	vm2 =	veq.f32 v27, v43;
	v36 =	vsel vm1, v35, v48  }
0x23b: {  	v34 =	vnsel vm0, $0x7FFFFFFF, v56;
	v35 =	vsel vm2, v36, v35  }
0x23c: {  	v57 =	vld [tilespmem:$0x4B0];
	[tilespmem:$0x690] =	vst v34;
	vm1 =	vlt.s32 v35, v49  }
0x23d: {  	v34 =	vld [tilespmem:$0x690];
	vm2 =	veq.f32 v28, v43;
	v58 =	vsel vm1, v35, v49  }
0x23e: {  	v17 =	vnsel vm0, $0x7FFFFFFF, v17;
	v37 =	vsel vm2, v58, v35  }
0x23f: {  	[tilespmem:$0x6A0] =	vst v17;
	v17 =	vld [tilespmem:$0x4C0];
	vm1 =	vlt.s32 v37, v50  }
0x240: {  	v35 =	vld [tilespmem:$0x6A0];
	vm2 =	veq.f32 v32, v43;
	v38 =	vsel vm1, v37, v50  }
0x241: {  	v36 =	vnsel vm0, $0x7FFFFFFF, v57;
	v37 =	vsel vm2, v38, v37  }
0x242: {  	v59 =	vld [tilespmem:$0x4D0];
	[tilespmem:$0x6B0] =	vst v36;
	vm1 =	vlt.s32 v37, v34  }
0x243: {  	v36 =	vld [tilespmem:$0x6B0];
	vm2 =	veq.f32 v21, v43;
	v39 =	vsel vm1, v37, v34  }
0x244: {  	v17 =	vnsel vm0, $0x7FFFFFFF, v17;
	v39 =	vsel vm2, v39, v37  }
0x245: {  	[tilespmem:$0x6C0] =	vst v17;
	v17 =	vld [tilespmem:$0x4E0];
	vm1 =	vlt.s32 v39, v35  }
0x246: {  	v37 =	vld [tilespmem:$0x6C0];
	vm2 =	veq.f32 v23, v43;
	v40 =	vsel vm1, v39, v35  }
0x247: {  	v38 =	vnsel vm0, $0x7FFFFFFF, v59;
	v39 =	vsel vm2, v40, v39  }
0x248: {  	v51 =	vld [tilespmem:$0x4F0];
	[tilespmem:$0x6D0] =	vst v38;
	vm1 =	vlt.s32 v39, v36  }
0x249: {  	v38 =	vld [tilespmem:$0x6D0];
	vm2 =	veq.f32 v24, v43;
	v40 =	vsel vm1, v39, v36  }
0x24a: {  	v17 =	vnsel vm0, $0x7FFFFFFF, v17;
	v39 =	vsel vm2, v40, v39  }
0x24b: {  	[tilespmem:$0x6E0] =	vst v17;
	vm1 =	vlt.s32 v39, v37  }
0x24c: {  	v40 =	vld [tilespmem:$0x6E0];
	vm2 =	veq.f32 v19, v43;
	v17 =	vsel vm1, v39, v37  }
0x24d: {  	v51 =	vnsel vm0, $0x7FFFFFFF, v51;
	v17 =	vsel vm2, v17, v39  }
0x24e: {  	[tilespmem:$0x6F0] =	vst v51;
	vm1 =	vlt.s32 v17, v38  }
0x24f: {  	v39 =	vld [tilespmem:$0x6F0];
	vm2 =	veq.f32 v20, v43;
	v60 =	vsel vm1, v17, v38  }
0x250: {  	v17 =	vsel vm2, v60, v17  }
0x251: {  	vm1 =	vlt.s32 v17, v40  }
0x252: {  	vm2 =	veq.f32 v22, v43;
	v51 =	vsel vm1, v17, v40  }
0x253: {  	v17 =	vsel vm2, v51, v17  }
0x254: {  	vm1 =	vlt.s32 v17, v39  }
0x255: {  	vm2 =	veq.f32 v18, v43;
	v61 =	vsel vm1, v17, v39  }
0x256: {  	v17 =	vsel vm2, v61, v17  }
0x257: {  	v17 =	vxor.u32 $0x80000000, v17  }
0x258: {  	(xrf0) =	vmin.scan.msk.u32 $0xffff, v17;
	_ =	sdelay $0x5  }
0x259: {  	v17, _, _ =	vpop (xrf0)  }
0x25a: {  	(v2sf) =	vpush v17, $0xF;
	_ =	sdelay $0xe  }
0x25b: {  	v62 =	vmov s23;
	s31 =	spop (v2sf)  }
0x25c: {  	vm1 =	veq.s32 v62, v0;
	v17 =	vimm.s32 $0x0;
	s24 =	sxor.u32 $0x80000000, s31  }
0x25d: {  	vm2 =	veq.s32 v42, s24;
	vm3 =	veq.s32 v41, s24;
	vm4 =	veq.s32 v44, s24  }
0x25e: {  	vm14 =	veq.s32 v47, s24;
	vm15 =	veq.s32 v50, s24;
	v29 =	vsel vm2, $0xFF61B1E6, v29  }
0x25f: {  	v25 =	vsel vm3, $0xFF61B1E6, v25;
	v31 =	vsel vm4, $0xFF61B1E6, v31;
	vm2 =	veq.s32 v45, s24;
	[tilespmem:$0x500] =	vst v29  }
0x260: {  	vm3 =	veq.s32 v46, s24;
	v32 =	vsel vm15, $0xFF61B1E6, v32;
	[tilespmem:$0x510] =	vst v25;
	v63 =	vsel vm2, $0xFF61B1E6, v26  }
0x261: {  	v41 =	vsel vm3, $0xFF61B1E6, v30;
	[tilespmem:$0x520] =	vst v31;
	vm2 =	veq.s32 v48, s24;
	vm3 =	veq.s32 v49, s24;
	v25 =	vld [tilespmem:$0x510]  }
0x262: {  	s25 =	simm.s32 $0x2;
	s23 =	simm.s32 $0x1;
	v29 =	vsel vm14, $0xFF61B1E6, v33;
	v26 =	vld [tilespmem:$0x500];
	[tilespmem:$0x530] =	vst v63;
	v31 =	vsel vm2, $0xFF61B1E6, v27;
	v42 =	vsel vm3, $0xFF61B1E6, v28  }
.LBB2_9:
0x263: {  	p2 =	sne.s32 s25, $0x7;
	v28 =	vld [tilespmem:$0x520];
	[tilespmem:$0x540] =	vst v41;
	vm2 =	veq.s32 v34, s24;
	vm3 =	veq.s32 v35, s24;
	vm4 =	veq.s32 v36, s24  }
0x264: {  	v27 =	vld [tilespmem:$0x530];
	[tilespmem:$0x550] =	vst v29;
	v21 =	vsel vm2, $0xFF61B1E6, v21;
	v23 =	vsel vm3, $0xFF61B1E6, v23;
	v24 =	vsel vm4, $0xFF61B1E6, v24  }
0x265: {  	vm2 =	veq.s32 v37, s24;
	vm3 =	veq.s32 v38, s24;
	vm4 =	veq.s32 v40, s24;
	v29 =	vld [tilespmem:$0x540];
	[tilespmem:$0x560] =	vst v31  }
0x266: {  	v19 =	vsel vm2, $0xFF61B1E6, v19;
	v20 =	vsel vm3, $0xFF61B1E6, v20;
	v22 =	vsel vm4, $0xFF61B1E6, v22;
	v31 =	vld [tilespmem:$0x550];
	[tilespmem:$0x570] =	vst v42  }
0x267: {  	v17 =	vsel vm1, s24, v17;
	vm1 =	veq.s32 v39, s24;
	v30 =	vld [tilespmem:$0x560];
	v33 =	vmax.f32 v26, v25;
	[tilespmem:$0x580] =	vst v32  }
0x268: {  	v18 =	vsel vm1, $0xFF61B1E6, v18;
	v32 =	vld [tilespmem:$0x570];
	v34 =	vmax.f32 v33, v28;
	[tilespmem:$0x590] =	vst v21  }
0x269: {  	v33 =	vld [tilespmem:$0x580];
	v34 =	vmax.f32 v34, v27;
	[tilespmem:$0x5A0] =	vst v23  }
0x26a: {  	v21 =	vld [tilespmem:$0x590];
	v34 =	vmax.f32 v34, v29;
	[tilespmem:$0x5B0] =	vst v24  }
0x26b: {  	v23 =	vld [tilespmem:$0x5A0];
	v34 =	vmax.f32 v34, v31;
	[tilespmem:$0x5C0] =	vst v19  }
0x26c: {  	v24 =	vld [tilespmem:$0x5B0];
	v34 =	vmax.f32 v34, v30;
	[tilespmem:$0x5D0] =	vst v20  }
0x26d: {  	v19 =	vld [tilespmem:$0x5C0];
	v34 =	vmax.f32 v34, v32;
	[tilespmem:$0x5E0] =	vst v22  }
0x26e: {  	v20 =	vld [tilespmem:$0x5D0];
	v34 =	vmax.f32 v34, v33;
	[tilespmem:$0x5F0] =	vst v18  }
0x26f: {  	v22 =	vld [tilespmem:$0x5E0];
	v34 =	vmax.f32 v34, v21  }
0x270: {  	v18 =	vld [tilespmem:$0x5F0];
	v34 =	vmax.f32 v34, v23  }
0x271: {  	v34 =	vmax.f32 v34, v24  }
0x272: {  	v34 =	vmax.f32 v34, v19  }
0x273: {  	v34 =	vmax.f32 v34, v20  }
0x274: {  	v34 =	vmax.f32 v34, v22  }
0x275: {  	v34 =	vmax.f32 v34, v18  }
0x276: {  	(xrf0) =	vmax.scan.msk.f32 $0xffff, v34;
	_ =	sdelay $0x4  }
0x277: {  	v41 =	vld [tilespmem:$0x610]  }
0x278: {  	v42 =	vld [tilespmem:$0x600];
	v34, _, _ =	vpop (xrf0)  }
0x279: {  	v50 =	vbroadcast v34, $0xF;
	_ =	sdelay $0x1  }
0x27a: {  	v43 =	vld [tilespmem:$0x620];
	vm1 =	veq.f32 v25, v50  }
0x27b: {  	v34 =	vnsel vm1, $0x7FFFFFFF, v41  }
0x27c: {  	vm1 =	vlt.s32 v42, v34  }
0x27d: {  	vm2 =	veq.f32 v26, v50;
	v44 =	vld [tilespmem:$0x630];
	v35 =	vsel vm1, v42, v34  }
0x27e: {  	v34 =	vsel vm2, v35, v34  }
0x27f: {  	vm1 =	vlt.s32 v34, v43  }
0x280: {  	vm2 =	veq.f32 v28, v50;
	v45 =	vld [tilespmem:$0x640];
	v35 =	vsel vm1, v34, v43  }
0x281: {  	v34 =	vsel vm2, v35, v34  }
0x282: {  	vm1 =	vlt.s32 v34, v44  }
0x283: {  	vm2 =	veq.f32 v27, v50;
	v47 =	vld [tilespmem:$0x650];
	v35 =	vsel vm1, v34, v44  }
0x284: {  	v34 =	vsel vm2, v35, v34  }
0x285: {  	vm1 =	vlt.s32 v34, v45  }
0x286: {  	vm2 =	veq.f32 v29, v50;
	v46 =	vld [tilespmem:$0x660];
	v35 =	vsel vm1, v34, v45  }
0x287: {  	v34 =	vsel vm2, v35, v34  }
0x288: {  	vm1 =	vlt.s32 v34, v47  }
0x289: {  	vm2 =	veq.f32 v31, v50;
	v48 =	vld [tilespmem:$0x670];
	v35 =	vsel vm1, v34, v47  }
0x28a: {  	v34 =	vsel vm2, v35, v34  }
0x28b: {  	vm1 =	vlt.s32 v34, v46  }
0x28c: {  	vm2 =	veq.f32 v30, v50;
	v49 =	vld [tilespmem:$0x680];
	v35 =	vsel vm1, v34, v46  }
0x28d: {  	v35 =	vsel vm2, v35, v34  }
0x28e: {  	vm1 =	vlt.s32 v35, v48  }
0x28f: {  	vm2 =	veq.f32 v32, v50;
	v34 =	vld [tilespmem:$0x690];
	v36 =	vsel vm1, v35, v48  }
0x290: {  	v36 =	vsel vm2, v36, v35  }
0x291: {  	vm1 =	vlt.s32 v36, v49  }
0x292: {  	vm2 =	veq.f32 v33, v50;
	v35 =	vld [tilespmem:$0x6A0];
	v37 =	vsel vm1, v36, v49  }
0x293: {  	v37 =	vsel vm2, v37, v36  }
0x294: {  	vm1 =	vlt.s32 v37, v34  }
0x295: {  	vm2 =	veq.f32 v21, v50;
	v36 =	vld [tilespmem:$0x6B0];
	v38 =	vsel vm1, v37, v34  }
0x296: {  	v38 =	vsel vm2, v38, v37  }
0x297: {  	vm1 =	vlt.s32 v38, v35  }
0x298: {  	vm2 =	veq.f32 v23, v50;
	v37 =	vld [tilespmem:$0x6C0];
	v39 =	vsel vm1, v38, v35  }
0x299: {  	v39 =	vsel vm2, v39, v38  }
0x29a: {  	vm1 =	vlt.s32 v39, v36  }
0x29b: {  	vm2 =	veq.f32 v24, v50;
	v38 =	vld [tilespmem:$0x6D0];
	v40 =	vsel vm1, v39, v36  }
0x29c: {  	v39 =	vsel vm2, v40, v39  }
0x29d: {  	vm1 =	vlt.s32 v39, v37  }
0x29e: {  	vm2 =	veq.f32 v19, v50;
	v40 =	vld [tilespmem:$0x6E0];
	v51 =	vsel vm1, v39, v37  }
0x29f: {  	v51 =	vsel vm2, v51, v39  }
0x2a0: {  	vm1 =	vlt.s32 v51, v38  }
0x2a1: {  	vm2 =	veq.f32 v20, v50;
	v39 =	vld [tilespmem:$0x6F0];
	v52 =	vsel vm1, v51, v38  }
0x2a2: {  	v51 =	vsel vm2, v52, v51  }
0x2a3: {  	vm1 =	vlt.s32 v51, v40  }
0x2a4: {  	vm2 =	veq.f32 v22, v50;
	v52 =	vsel vm1, v51, v40  }
0x2a5: {  	v51 =	vsel vm2, v52, v51  }
0x2a6: {  	vm1 =	vlt.s32 v51, v39  }
0x2a7: {  	vm2 =	veq.f32 v18, v50;
	v50 =	vsel vm1, v51, v39  }
0x2a8: {  	v50 =	vsel vm2, v50, v51  }
0x2a9: {  	v50 =	vxor.u32 $0x80000000, v50  }
0x2aa: {  	(xrf0) =	vmin.scan.msk.u32 $0xffff, v50;
	_ =	sdelay $0x5  }
0x2ab: {  	v50, _, _ =	vpop (xrf0)  }
0x2ac: {  	(v2sf) =	vpush v50, $0xF;
	_ =	sdelay $0xe  }
0x2ad: {  	v50 =	vmov s23;
	s23 =	smov.u32 s25;
	s24 =	spop (v2sf)  }
0x2ae: {  	vm1 =	veq.s32 v50, v0;
	s24 =	sxor.u32 $0x80000000, s24  }
0x2af: {  	vm2 =	veq.s32 v42, s24;
	vm3 =	veq.s32 v41, s24;
	vm4 =	veq.s32 v43, s24  }
.Ltmp7:
0x2b0: {  	v26 =	vsel vm2, $0xFF61B1E6, v26;
	v25 =	vsel vm3, $0xFF61B1E6, v25;
	v28 =	vsel vm4, $0xFF61B1E6, v28;
	(pc) =	sbr.rel @p2 .LBB2_9-.Ltmp7, $4  }
0x2b1: {  	vm2 =	veq.s32 v44, s24;
	vm3 =	veq.s32 v45, s24;
	vm4 =	veq.s32 v47, s24;
	[tilespmem:$0x500] =	vst v26  }
0x2b2: {  	v27 =	vsel vm2, $0xFF61B1E6, v27;
	v41 =	vsel vm3, $0xFF61B1E6, v29;
	v29 =	vsel vm4, $0xFF61B1E6, v31;
	[tilespmem:$0x510] =	vst v25  }
0x2b3: {  	vm2 =	veq.s32 v46, s24;
	vm3 =	veq.s32 v48, s24;
	vm4 =	veq.s32 v49, s24;
	v25 =	vld [tilespmem:$0x510];
	[tilespmem:$0x520] =	vst v28  }
0x2b4: {  	s25 =	sadd.s32 $0x1, s25;
	v31 =	vsel vm2, $0xFF61B1E6, v30;
	v42 =	vsel vm3, $0xFF61B1E6, v32;
	v32 =	vsel vm4, $0xFF61B1E6, v33;
	v26 =	vld [tilespmem:$0x500];
	[tilespmem:$0x530] =	vst v27  }
0x2b5: {  	v33 =	vld [tilespmem:$0x520]  }
0x2b6: {  	[tilespmem:$0x540] =	vst v41;
	v30 =	vld [tilespmem:$0x530]  }
0x2b7: {  	[tilespmem:$0x550] =	vst v29;
	v29 =	vld [tilespmem:$0x540]  }
0x2b8: {  	[tilespmem:$0x560] =	vst v31;
	v28 =	vld [tilespmem:$0x550]  }
0x2b9: {  	vm2 =	veq.s32 v34, s24;
	[tilespmem:$0x570] =	vst v42;
	v27 =	vld [tilespmem:$0x560];
	v31 =	vmax.f32 v26, v25  }
0x2ba: {  	vm3 =	veq.s32 v35, s24;
	[tilespmem:$0x580] =	vst v32;
	v34 =	vsel vm2, $0xFF61B1E6, v21;
	v21 =	vld [tilespmem:$0x570];
	v31 =	vmax.f32 v31, v33  }
0x2bb: {  	vm2 =	veq.s32 v36, s24;
	v45 =	vsel vm3, $0xFF61B1E6, v23;
	v23 =	vld [tilespmem:$0x580];
	[tilespmem:$0x590] =	vst v34;
	v31 =	vmax.f32 v31, v30  }
0x2bc: {  	v46 =	vsel vm2, $0xFF61B1E6, v24;
	vm2 =	veq.s32 v37, s24;
	[tilespmem:$0x5A0] =	vst v45;
	v24 =	vld [tilespmem:$0x590];
	v31 =	vmax.f32 v31, v29  }
0x2bd: {  	vm3 =	veq.s32 v38, s24;
	v47 =	vsel vm2, $0xFF61B1E6, v19;
	[tilespmem:$0x5B0] =	vst v46;
	v19 =	vld [tilespmem:$0x5A0];
	v31 =	vmax.f32 v31, v28  }
0x2be: {  	v48 =	vsel vm3, $0xFF61B1E6, v20;
	vm2 =	veq.s32 v40, s24;
	[tilespmem:$0x5C0] =	vst v47;
	v20 =	vld [tilespmem:$0x5B0];
	v31 =	vmax.f32 v31, v27  }
0x2bf: {  	[tilespmem:$0x5D0] =	vst v48;
	v49 =	vsel vm2, $0xFF61B1E6, v22;
	vm2 =	veq.s32 v39, s24;
	v22 =	vld [tilespmem:$0x5C0];
	v50 =	vmax.f32 v31, v21  }
0x2c0: {  	v18 =	vsel vm2, $0xFF61B1E6, v18;
	[tilespmem:$0x5E0] =	vst v49;
	v31 =	vld [tilespmem:$0x5D0];
	v34 =	vmax.f32 v50, v23  }
0x2c1: {  	[tilespmem:$0x5F0] =	vst v18;
	v32 =	vld [tilespmem:$0x5E0];
	v34 =	vmax.f32 v34, v24  }
0x2c2: {  	v18 =	vld [tilespmem:$0x5F0];
	v34 =	vmax.f32 v34, v19  }
0x2c3: {  	v34 =	vmax.f32 v34, v20  }
0x2c4: {  	v34 =	vmax.f32 v34, v22  }
0x2c5: {  	v34 =	vmax.f32 v34, v31  }
0x2c6: {  	v34 =	vmax.f32 v34, v32  }
0x2c7: {  	v34 =	vmax.f32 v34, v18  }
0x2c8: {  	(xrf0) =	vmax.scan.msk.f32 $0xffff, v34;
	_ =	sdelay $0x4  }
0x2c9: {  	v34 =	vld [tilespmem:$0x610]  }
0x2ca: {  	v35 =	vld [tilespmem:$0x600];
	v51, _, _ =	vpop (xrf0)  }
0x2cb: {  	v36 =	vbroadcast v51, $0xF;
	_ =	sdelay $0x1  }
0x2cc: {  	v37 =	vld [tilespmem:$0x620];
	vm2 =	veq.f32 v25, v36  }
0x2cd: {  	v52 =	vnsel vm2, $0x7FFFFFFF, v34  }
0x2ce: {  	vm2 =	vlt.s32 v35, v52  }
0x2cf: {  	v39 =	vld [tilespmem:$0x630];
	vm3 =	veq.f32 v26, v36;
	v53 =	vsel vm2, v35, v52  }
0x2d0: {  	v38 =	vsel vm3, v53, v52  }
0x2d1: {  	vm2 =	vlt.s32 v38, v37  }
0x2d2: {  	v40 =	vld [tilespmem:$0x640];
	vm3 =	veq.f32 v33, v36;
	v54 =	vsel vm2, v38, v37  }
0x2d3: {  	v38 =	vsel vm3, v54, v38  }
0x2d4: {  	vm2 =	vlt.s32 v38, v39  }
0x2d5: {  	v41 =	vld [tilespmem:$0x650];
	vm3 =	veq.f32 v30, v36;
	v55 =	vsel vm2, v38, v39  }
0x2d6: {  	v38 =	vsel vm3, v55, v38  }
0x2d7: {  	vm2 =	vlt.s32 v38, v40  }
0x2d8: {  	v42 =	vld [tilespmem:$0x660];
	vm3 =	veq.f32 v29, v36;
	v43 =	vsel vm2, v38, v40  }
0x2d9: {  	v38 =	vsel vm3, v43, v38  }
0x2da: {  	vm2 =	vlt.s32 v38, v41  }
0x2db: {  	v43 =	vld [tilespmem:$0x670];
	vm3 =	veq.f32 v28, v36;
	v44 =	vsel vm2, v38, v41  }
0x2dc: {  	v38 =	vsel vm3, v44, v38  }
0x2dd: {  	vm2 =	vlt.s32 v38, v42  }
0x2de: {  	v56 =	vld [tilespmem:$0x680];
	vm3 =	veq.f32 v27, v36;
	v45 =	vsel vm2, v38, v42  }
0x2df: {  	v38 =	vsel vm3, v45, v38  }
0x2e0: {  	vm2 =	vlt.s32 v38, v43  }
0x2e1: {  	v57 =	vld [tilespmem:$0x690];
	vm3 =	veq.f32 v21, v36;
	v46 =	vsel vm2, v38, v43  }
0x2e2: {  	v38 =	vsel vm3, v46, v38  }
0x2e3: {  	vm2 =	vlt.s32 v38, v56  }
0x2e4: {  	v58 =	vld [tilespmem:$0x6A0];
	vm3 =	veq.f32 v23, v36;
	v47 =	vsel vm2, v38, v56  }
0x2e5: {  	v38 =	vsel vm3, v47, v38  }
0x2e6: {  	vm2 =	vlt.s32 v38, v57  }
0x2e7: {  	v59 =	vld [tilespmem:$0x6B0];
	vm3 =	veq.f32 v24, v36;
	v48 =	vsel vm2, v38, v57  }
0x2e8: {  	v38 =	vsel vm3, v48, v38  }
0x2e9: {  	vm2 =	vlt.s32 v38, v58  }
0x2ea: {  	v60 =	vld [tilespmem:$0x6C0];
	vm3 =	veq.f32 v19, v36;
	v49 =	vsel vm2, v38, v58  }
0x2eb: {  	v38 =	vsel vm3, v49, v38  }
0x2ec: {  	vm2 =	vlt.s32 v38, v59  }
0x2ed: {  	v61 =	vld [tilespmem:$0x6D0];
	vm3 =	veq.f32 v20, v36;
	v50 =	vsel vm2, v38, v59  }
0x2ee: {  	v38 =	vsel vm3, v50, v38  }
0x2ef: {  	vm2 =	vlt.s32 v38, v60  }
0x2f0: {  	v62 =	vld [tilespmem:$0x6E0];
	vm3 =	veq.f32 v22, v36;
	v51 =	vsel vm2, v38, v60  }
0x2f1: {  	v38 =	vsel vm3, v51, v38  }
0x2f2: {  	vm2 =	vlt.s32 v38, v61  }
0x2f3: {  	v63 =	vld [tilespmem:$0x6F0];
	vm3 =	veq.f32 v31, v36;
	v52 =	vsel vm2, v38, v61  }
0x2f4: {  	v38 =	vsel vm3, v52, v38  }
0x2f5: {  	vm2 =	vlt.s32 v38, v62  }
0x2f6: {  	vm3 =	veq.f32 v32, v36;
	v52 =	vsel vm2, v38, v62  }
0x2f7: {  	v38 =	vsel vm3, v52, v38  }
0x2f8: {  	vm2 =	vlt.s32 v38, v63  }
0x2f9: {  	vm3 =	veq.f32 v18, v36;
	v54 =	vsel vm2, v38, v63  }
0x2fa: {  	v36 =	vsel vm3, v54, v38  }
0x2fb: {  	v36 =	vxor.u32 $0x80000000, v36  }
0x2fc: {  	(xrf0) =	vmin.scan.msk.u32 $0xffff, v36;
	_ =	sdelay $0x5  }
0x2fd: {  	v36, _, _ =	vpop (xrf0)  }
0x2fe: {  	(v2sf) =	vpush v36, $0xF;
	_ =	sdelay $0xe  }
0x2ff: {  	s25 =	spop (v2sf)  }
0x300: {  	s25 =	sxor.u32 $0x80000000, s25  }
0x301: {  	vm2 =	veq.s32 v35, s25  }
0x302: {  	vm3 =	veq.s32 v34, s25;
	v26 =	vsel vm2, $0xFF61B1E6, v26  }
0x303: {  	vm2 =	veq.s32 v37, s25;
	v25 =	vsel vm3, $0xFF61B1E6, v25;
	[tilespmem:$0x500] =	vst v26  }
0x304: {  	vm3 =	veq.s32 v40, s25;
	v26 =	vsel vm2, $0xFF61B1E6, v33;
	[tilespmem:$0x510] =	vst v25  }
0x305: {  	v55 =	vld [tilespmem:$0x3C0];
	vm2 =	veq.s32 v39, s25;
	v29 =	vsel vm3, $0xFF61B1E6, v29;
	[tilespmem:$0x520] =	vst v26  }
0x306: {  	v25 =	vld [tilespmem:$0x300];
	vm3 =	veq.s32 v43, s25;
	v30 =	vsel vm2, $0xFF61B1E6, v30;
	[tilespmem:$0x540] =	vst v29  }
0x307: {  	v26 =	vld [tilespmem:$0x310];
	vm2 =	veq.s32 v41, s25;
	v21 =	vsel vm3, $0xFF61B1E6, v21;
	[tilespmem:$0x530] =	vst v30  }
0x308: {  	v29 =	vld [tilespmem:$0x330];
	vm3 =	veq.s32 v58, s25;
	v28 =	vsel vm2, $0xFF61B1E6, v28;
	[tilespmem:$0x570] =	vst v21  }
0x309: {  	v30 =	vld [tilespmem:$0x320];
	vm2 =	veq.s32 v42, s25;
	v19 =	vsel vm3, $0xFF61B1E6, v19;
	[tilespmem:$0x550] =	vst v28  }
0x30a: {  	v21 =	vld [tilespmem:$0x360];
	v27 =	vsel vm2, $0xFF61B1E6, v27;
	vm2 =	veq.s32 v56, s25;
	[tilespmem:$0x5A0] =	vst v19  }
0x30b: {  	v28 =	vld [tilespmem:$0x340];
	[tilespmem:$0x560] =	vst v27;
	v23 =	vsel vm2, $0xFF61B1E6, v23;
	vm2 =	veq.s32 v57, s25  }
0x30c: {  	v19 =	vld [tilespmem:$0x390];
	v24 =	vsel vm2, $0xFF61B1E6, v24;
	[tilespmem:$0x580] =	vst v23  }
0x30d: {  	v27 =	vld [tilespmem:$0x350];
	vm2 =	veq.s32 v59, s25;
	v25 =	vsel vm0, $0x7F61B1E6, v25;
	[tilespmem:$0x590] =	vst v24  }
0x30e: {  	v56 =	vld [tilespmem:$0x3D0];
	v20 =	vsel vm2, $0xFF61B1E6, v20;
	vm2 =	veq.s32 v60, s25;
	[tilespmem:$0x500] =	vst v25  }
0x30f: {  	v57 =	vld [tilespmem:$0x3E0];
	v22 =	vsel vm2, $0xFF61B1E6, v22;
	[tilespmem:$0x5B0] =	vst v20;
	vm2 =	veq.s32 v62, s25  }
0x310: {  	v23 =	vld [tilespmem:$0x370];
	v21 =	vsel vm0, $0x7F61B1E6, v21;
	[tilespmem:$0x5C0] =	vst v22;
	v32 =	vsel vm2, $0xFF61B1E6, v32;
	vm2 =	veq.s32 v63, s25  }
0x311: {  	v24 =	vld [tilespmem:$0x380];
	[tilespmem:$0x560] =	vst v21;
	v18 =	vsel vm2, $0xFF61B1E6, v18  }
0x312: {  	v20 =	vld [tilespmem:$0x3A0];
	v27 =	vsel vm0, $0x7F61B1E6, v27;
	[tilespmem:$0x5F0] =	vst v18  }
0x313: {  	v22 =	vld [tilespmem:$0x3B0];
	v18 =	vsel vm0, $0x7F61B1E6, v26;
	[tilespmem:$0x550] =	vst v27  }
0x314: {  	vm3 =	veq.s32 v61, s25;
	v26 =	vsel vm0, $0x7F61B1E6, v30;
	v27 =	vld [tilespmem:$0x560];
	[tilespmem:$0x510] =	vst v18  }
0x315: {  	v31 =	vsel vm3, $0xFF61B1E6, v31;
	[tilespmem:$0x520] =	vst v26;
	v26 =	vsel vm0, $0x7F61B1E6, v29;
	v29 =	vld [tilespmem:$0x500]  }
0x316: {  	[tilespmem:$0x5D0] =	vst v31;
	v25 =	vld [tilespmem:$0x510]  }
0x317: {  	[tilespmem:$0x530] =	vst v26;
	v26 =	vsel vm0, $0x7F61B1E6, v28;
	v31 =	vld [tilespmem:$0x520]  }
0x318: {  	[tilespmem:$0x540] =	vst v26;
	v26 =	vld [tilespmem:$0x530]  }
0x319: {  	v30 =	vld [tilespmem:$0x540]  }
0x31a: {  	[tilespmem:$0x5E0] =	vst v32;
	v21 =	vsel vm0, $0x7F61B1E6, v23;
	v34 =	vld [tilespmem:$0x550]  }
0x31b: {  	v18 =	vld [tilespmem:$0x3F0];
	[tilespmem:$0x570] =	vst v21;
	v21 =	vsel vm0, $0x7F61B1E6, v24;
	v23 =	vmin.f32 v29, v25  }
0x31c: {  	v19 =	vsel vm0, $0x7F61B1E6, v19;
	[tilespmem:$0x580] =	vst v21;
	v28 =	vld [tilespmem:$0x570];
	v21 =	vmin.f32 v23, v31  }
0x31d: {  	[tilespmem:$0x590] =	vst v19;
	v19 =	vsel vm0, $0x7F61B1E6, v20;
	v32 =	vld [tilespmem:$0x580];
	v20 =	vmin.f32 v21, v26  }
0x31e: {  	[tilespmem:$0x5A0] =	vst v19;
	v19 =	vsel vm0, $0x7F61B1E6, v22;
	v21 =	vld [tilespmem:$0x590];
	v20 =	vmin.f32 v20, v30  }
0x31f: {  	[tilespmem:$0x5B0] =	vst v19;
	v19 =	vsel vm0, $0x7F61B1E6, v55;
	v23 =	vld [tilespmem:$0x5A0];
	v20 =	vmin.f32 v20, v34  }
0x320: {  	[tilespmem:$0x5C0] =	vst v19;
	v19 =	vsel vm0, $0x7F61B1E6, v56;
	v24 =	vld [tilespmem:$0x5B0];
	v20 =	vmin.f32 v20, v27  }
0x321: {  	v22 =	vsel vm0, $0x7F61B1E6, v57;
	[tilespmem:$0x5D0] =	vst v19;
	v19 =	vld [tilespmem:$0x5C0];
	v58 =	vmin.f32 v20, v28  }
0x322: {  	[tilespmem:$0x5E0] =	vst v22;
	v18 =	vsel vm0, $0x7F61B1E6, v18;
	v20 =	vld [tilespmem:$0x5D0];
	v33 =	vmin.f32 v58, v32  }
0x323: {  	v22 =	vld [tilespmem:$0x5E0];
	[tilespmem:$0x5F0] =	vst v18;
	v33 =	vmin.f32 v33, v21  }
0x324: {  	v18 =	vld [tilespmem:$0x5F0];
	v33 =	vmin.f32 v33, v23  }
0x325: {  	v33 =	vmin.f32 v33, v24  }
0x326: {  	v33 =	vmin.f32 v33, v19  }
0x327: {  	v33 =	vmin.f32 v33, v20  }
0x328: {  	v59 =	vld [tilespmem:$0x410];
	v33 =	vmin.f32 v33, v22  }
0x329: {  	v60 =	vld [tilespmem:$0x400];
	v33 =	vmin.f32 v33, v18  }
0x32a: {  	(xrf0) =	vmin.scan.msk.f32 $0xffff, v33;
	_ =	sdelay $0x1  }
0x32b: {  	v61 =	vld [tilespmem:$0x420]  }
0x32c: {  	v35 =	vsel vm0, $0x7FFFFFFF, v59  }
0x32d: {  	v62 =	vld [tilespmem:$0x430];
	v36 =	vsel vm0, $0x7FFFFFFF, v60;
	[tilespmem:$0x610] =	vst v35  }
0x32e: {  	[tilespmem:$0x600] =	vst v36;
	v41 =	vld [tilespmem:$0x610]  }
0x32f: {  	v42 =	vld [tilespmem:$0x600];
	v63, _, _ =	vpop (xrf0)  }
0x330: {  	v33 =	vsel vm0, $0x7FFFFFFF, v61;
	v43 =	vbroadcast v63, $0xF  }
0x331: {  	v40 =	vld [tilespmem:$0x440];
	[tilespmem:$0x620] =	vst v33  }
0x332: {  	v44 =	vld [tilespmem:$0x620];
	vm2 =	veq.f32 v25, v43  }
0x333: {  	v35 =	vsel vm0, $0x7FFFFFFF, v62;
	v48 =	vnsel vm2, $0x7FFFFFFF, v41  }
0x334: {  	v49 =	vld [tilespmem:$0x450];
	[tilespmem:$0x630] =	vst v35;
	vm2 =	vlt.s32 v42, v48  }
0x335: {  	v45 =	vld [tilespmem:$0x630];
	vm3 =	veq.f32 v29, v43;
	v50 =	vsel vm2, v42, v48  }
0x336: {  	v33 =	vsel vm0, $0x7FFFFFFF, v40;
	v36 =	vsel vm3, v50, v48  }
0x337: {  	v51 =	vld [tilespmem:$0x460];
	[tilespmem:$0x640] =	vst v33;
	vm2 =	vlt.s32 v36, v44  }
0x338: {  	v46 =	vld [tilespmem:$0x640];
	vm3 =	veq.f32 v31, v43;
	v37 =	vsel vm2, v36, v44  }
0x339: {  	v35 =	vsel vm0, $0x7FFFFFFF, v49;
	v36 =	vsel vm3, v37, v36  }
0x33a: {  	v52 =	vld [tilespmem:$0x470];
	[tilespmem:$0x650] =	vst v35;
	vm2 =	vlt.s32 v36, v45  }
0x33b: {  	v47 =	vld [tilespmem:$0x650];
	vm3 =	veq.f32 v26, v43;
	v37 =	vsel vm2, v36, v45  }
0x33c: {  	v33 =	vsel vm0, $0x7FFFFFFF, v51;
	v36 =	vsel vm3, v37, v36  }
0x33d: {  	v53 =	vld [tilespmem:$0x480];
	[tilespmem:$0x660] =	vst v33;
	vm2 =	vlt.s32 v36, v46  }
0x33e: {  	v48 =	vld [tilespmem:$0x660];
	vm3 =	veq.f32 v30, v43;
	v37 =	vsel vm2, v36, v46  }
0x33f: {  	v35 =	vsel vm0, $0x7FFFFFFF, v52;
	v36 =	vsel vm3, v37, v36  }
0x340: {  	v54 =	vld [tilespmem:$0x490];
	[tilespmem:$0x670] =	vst v35;
	vm2 =	vlt.s32 v36, v47  }
0x341: {  	v49 =	vld [tilespmem:$0x670];
	vm3 =	veq.f32 v34, v43;
	v37 =	vsel vm2, v36, v47  }
0x342: {  	v33 =	vsel vm0, $0x7FFFFFFF, v53;
	v36 =	vsel vm3, v37, v36  }
0x343: {  	v55 =	vld [tilespmem:$0x4A0];
	[tilespmem:$0x680] =	vst v33;
	vm2 =	vlt.s32 v36, v48  }
0x344: {  	v50 =	vld [tilespmem:$0x680];
	vm3 =	veq.f32 v27, v43;
	v56 =	vsel vm2, v36, v48  }
0x345: {  	v35 =	vsel vm0, $0x7FFFFFFF, v54;
	v36 =	vsel vm3, v56, v36  }
0x346: {  	v57 =	vld [tilespmem:$0x4B0];
	[tilespmem:$0x690] =	vst v35;
	vm2 =	vlt.s32 v36, v49  }
0x347: {  	v33 =	vld [tilespmem:$0x690];
	vm3 =	veq.f32 v28, v43;
	v58 =	vsel vm2, v36, v49  }
0x348: {  	v37 =	vsel vm0, $0x7FFFFFFF, v55;
	v36 =	vsel vm3, v58, v36  }
0x349: {  	v59 =	vld [tilespmem:$0x4C0];
	[tilespmem:$0x6A0] =	vst v37;
	vm2 =	vlt.s32 v36, v50  }
0x34a: {  	v35 =	vld [tilespmem:$0x6A0];
	vm3 =	veq.f32 v32, v43;
	v60 =	vsel vm2, v36, v50  }
0x34b: {  	v38 =	vsel vm0, $0x7FFFFFFF, v57;
	v39 =	vsel vm3, v60, v36  }
0x34c: {  	[tilespmem:$0x6B0] =	vst v38;
	v61 =	vld [tilespmem:$0x4D0];
	vm2 =	vlt.s32 v39, v33  }
0x34d: {  	v36 =	vld [tilespmem:$0x6B0];
	vm3 =	veq.f32 v21, v43;
	v62 =	vsel vm2, v39, v33  }
0x34e: {  	v37 =	vsel vm0, $0x7FFFFFFF, v59;
	v39 =	vsel vm3, v62, v39  }
0x34f: {  	v63 =	vld [tilespmem:$0x4E0];
	[tilespmem:$0x6C0] =	vst v37;
	vm2 =	vlt.s32 v39, v35  }
0x350: {  	v37 =	vld [tilespmem:$0x6C0];
	vm3 =	veq.f32 v23, v43;
	v56 =	vsel vm2, v39, v35  }
0x351: {  	v38 =	vsel vm0, $0x7FFFFFFF, v61;
	v39 =	vsel vm3, v56, v39  }
0x352: {  	v57 =	vld [tilespmem:$0x4F0];
	[tilespmem:$0x6D0] =	vst v38;
	vm2 =	vlt.s32 v39, v36  }
0x353: {  	v38 =	vld [tilespmem:$0x6D0];
	vm3 =	veq.f32 v24, v43;
	v58 =	vsel vm2, v39, v36  }
0x354: {  	v40 =	vsel vm0, $0x7FFFFFFF, v63;
	v39 =	vsel vm3, v58, v39  }
0x355: {  	[tilespmem:$0x6E0] =	vst v40;
	vm2 =	vlt.s32 v39, v37  }
0x356: {  	v40 =	vld [tilespmem:$0x6E0];
	vm3 =	veq.f32 v19, v43;
	v52 =	vsel vm2, v39, v37  }
0x357: {  	v51 =	vsel vm0, $0x7FFFFFFF, v57;
	v52 =	vsel vm3, v52, v39  }
0x358: {  	[tilespmem:$0x6F0] =	vst v51;
	vm0 =	vlt.s32 v52, v38  }
0x359: {  	vm2 =	veq.f32 v20, v43;
	v39 =	vld [tilespmem:$0x6F0];
	v59 =	vsel vm0, v52, v38  }
0x35a: {  	v51 =	vsel vm2, v59, v52  }
0x35b: {  	vm0 =	vlt.s32 v51, v40  }
0x35c: {  	vm2 =	veq.f32 v22, v43;
	v52 =	vsel vm0, v51, v40  }
0x35d: {  	v51 =	vsel vm2, v52, v51  }
0x35e: {  	vm0 =	vlt.s32 v51, v39  }
0x35f: {  	vm2 =	veq.f32 v18, v43;
	v60 =	vsel vm0, v51, v39  }
0x360: {  	v43 =	vsel vm2, v60, v51  }
0x361: {  	v43 =	vxor.u32 $0x80000000, v43  }
0x362: {  	(xrf0) =	vmin.scan.msk.u32 $0xffff, v43;
	_ =	sdelay $0x5  }
0x363: {  	v43, _, _ =	vpop (xrf0)  }
0x364: {  	(v2sf) =	vpush v43, $0xF;
	_ =	sdelay $0xd  }
0x365: {  	s30 =	simm.s32 $0x8;
	v61 =	vmov s23  }
0x366: {  	v17 =	vsel vm1, s24, v17;
	v62 =	vmov s30;
	vm0 =	veq.s32 v61, v0;
	s31 =	spop (v2sf)  }
0x367: {  	v17 =	vsel vm0, s25, v17;
	vm0 =	veq.s32 v62, v0;
	s25 =	sxor.u32 $0x80000000, s31  }
0x368: {  	vm1 =	veq.s32 v42, s25;
	vm2 =	veq.s32 v41, s25;
	vm3 =	veq.s32 v44, s25  }
0x369: {  	v29 =	vsel vm1, $0x7F61B1E6, v29;
	v25 =	vsel vm2, $0x7F61B1E6, v25;
	v31 =	vsel vm3, $0x7F61B1E6, v31  }
0x36a: {  	vm1 =	veq.s32 v45, s25;
	vm2 =	veq.s32 v46, s25;
	vm3 =	veq.s32 v47, s25;
	[tilespmem:$0x500] =	vst v29  }
0x36b: {  	[tilespmem:$0x510] =	vst v25;
	v63 =	vsel vm1, $0x7F61B1E6, v26;
	v41 =	vsel vm2, $0x7F61B1E6, v30;
	v29 =	vsel vm3, $0x7F61B1E6, v34  }
0x36c: {  	[tilespmem:$0x520] =	vst v31;
	vm1 =	veq.s32 v48, s25;
	vm2 =	veq.s32 v49, s25;
	vm3 =	veq.s32 v50, s25;
	v25 =	vld [tilespmem:$0x510]  }
0x36d: {  	s24 =	simm.s32 $0xA;
	s23 =	simm.s32 $0x9;
	v26 =	vld [tilespmem:$0x500];
	[tilespmem:$0x530] =	vst v63;
	v43 =	vsel vm1, $0x7F61B1E6, v27;
	v42 =	vsel vm2, $0x7F61B1E6, v28;
	v32 =	vsel vm3, $0x7F61B1E6, v32  }
.LBB2_11:
0x36e: {  	p2 =	sne.s32 s24, $0xF;
	v28 =	vld [tilespmem:$0x520];
	[tilespmem:$0x540] =	vst v41;
	vm1 =	veq.s32 v33, s25;
	vm2 =	veq.s32 v35, s25;
	vm3 =	veq.s32 v36, s25  }
0x36f: {  	v27 =	vld [tilespmem:$0x530];
	[tilespmem:$0x550] =	vst v29;
	v21 =	vsel vm1, $0x7F61B1E6, v21;
	v23 =	vsel vm2, $0x7F61B1E6, v23;
	v24 =	vsel vm3, $0x7F61B1E6, v24  }
0x370: {  	vm1 =	veq.s32 v37, s25;
	vm2 =	veq.s32 v38, s25;
	vm3 =	veq.s32 v40, s25;
	v29 =	vld [tilespmem:$0x540];
	[tilespmem:$0x560] =	vst v43  }
0x371: {  	v19 =	vsel vm1, $0x7F61B1E6, v19;
	v20 =	vsel vm2, $0x7F61B1E6, v20;
	v22 =	vsel vm3, $0x7F61B1E6, v22;
	v31 =	vld [tilespmem:$0x550];
	[tilespmem:$0x570] =	vst v42  }
0x372: {  	v17 =	vsel vm0, s25, v17;
	vm0 =	veq.s32 v39, s25;
	v30 =	vld [tilespmem:$0x560];
	v33 =	vmin.f32 v26, v25;
	[tilespmem:$0x580] =	vst v32  }
0x373: {  	v18 =	vsel vm0, $0x7F61B1E6, v18;
	v32 =	vld [tilespmem:$0x570];
	v33 =	vmin.f32 v33, v28;
	[tilespmem:$0x590] =	vst v21  }
0x374: {  	v34 =	vld [tilespmem:$0x580];
	v33 =	vmin.f32 v33, v27;
	[tilespmem:$0x5A0] =	vst v23  }
0x375: {  	v21 =	vld [tilespmem:$0x590];
	v33 =	vmin.f32 v33, v29;
	[tilespmem:$0x5B0] =	vst v24  }
0x376: {  	v23 =	vld [tilespmem:$0x5A0];
	v33 =	vmin.f32 v33, v31;
	[tilespmem:$0x5C0] =	vst v19  }
0x377: {  	v24 =	vld [tilespmem:$0x5B0];
	v33 =	vmin.f32 v33, v30;
	[tilespmem:$0x5D0] =	vst v20  }
0x378: {  	v19 =	vld [tilespmem:$0x5C0];
	v33 =	vmin.f32 v33, v32;
	[tilespmem:$0x5E0] =	vst v22  }
0x379: {  	v20 =	vld [tilespmem:$0x5D0];
	v33 =	vmin.f32 v33, v34;
	[tilespmem:$0x5F0] =	vst v18  }
0x37a: {  	v22 =	vld [tilespmem:$0x5E0];
	v33 =	vmin.f32 v33, v21  }
0x37b: {  	v18 =	vld [tilespmem:$0x5F0];
	v33 =	vmin.f32 v33, v23  }
0x37c: {  	v33 =	vmin.f32 v33, v24  }
0x37d: {  	v33 =	vmin.f32 v33, v19  }
0x37e: {  	v33 =	vmin.f32 v33, v20  }
0x37f: {  	v33 =	vmin.f32 v33, v22  }
0x380: {  	v33 =	vmin.f32 v33, v18  }
0x381: {  	(xrf0) =	vmin.scan.msk.f32 $0xffff, v33;
	_ =	sdelay $0x4  }
0x382: {  	v41 =	vld [tilespmem:$0x610]  }
0x383: {  	v42 =	vld [tilespmem:$0x600];
	v33, _, _ =	vpop (xrf0)  }
0x384: {  	v50 =	vbroadcast v33, $0xF;
	_ =	sdelay $0x1  }
0x385: {  	v43 =	vld [tilespmem:$0x620];
	vm0 =	veq.f32 v25, v50  }
0x386: {  	v33 =	vnsel vm0, $0x7FFFFFFF, v41  }
0x387: {  	vm0 =	vlt.s32 v42, v33  }
0x388: {  	vm1 =	veq.f32 v26, v50;
	v44 =	vld [tilespmem:$0x630];
	v35 =	vsel vm0, v42, v33  }
0x389: {  	v33 =	vsel vm1, v35, v33  }
0x38a: {  	vm0 =	vlt.s32 v33, v43  }
0x38b: {  	vm1 =	veq.f32 v28, v50;
	v45 =	vld [tilespmem:$0x640];
	v35 =	vsel vm0, v33, v43  }
0x38c: {  	v33 =	vsel vm1, v35, v33  }
0x38d: {  	vm0 =	vlt.s32 v33, v44  }
0x38e: {  	vm1 =	veq.f32 v27, v50;
	v47 =	vld [tilespmem:$0x650];
	v35 =	vsel vm0, v33, v44  }
0x38f: {  	v33 =	vsel vm1, v35, v33  }
0x390: {  	vm0 =	vlt.s32 v33, v45  }
0x391: {  	vm1 =	veq.f32 v29, v50;
	v46 =	vld [tilespmem:$0x660];
	v35 =	vsel vm0, v33, v45  }
0x392: {  	v33 =	vsel vm1, v35, v33  }
0x393: {  	vm0 =	vlt.s32 v33, v47  }
0x394: {  	vm1 =	veq.f32 v31, v50;
	v48 =	vld [tilespmem:$0x670];
	v35 =	vsel vm0, v33, v47  }
0x395: {  	v33 =	vsel vm1, v35, v33  }
0x396: {  	vm0 =	vlt.s32 v33, v46  }
0x397: {  	vm1 =	veq.f32 v30, v50;
	v49 =	vld [tilespmem:$0x680];
	v35 =	vsel vm0, v33, v46  }
0x398: {  	v35 =	vsel vm1, v35, v33  }
0x399: {  	vm0 =	vlt.s32 v35, v48  }
0x39a: {  	vm1 =	veq.f32 v32, v50;
	v33 =	vld [tilespmem:$0x690];
	v36 =	vsel vm0, v35, v48  }
0x39b: {  	v36 =	vsel vm1, v36, v35  }
0x39c: {  	vm0 =	vlt.s32 v36, v49  }
0x39d: {  	vm1 =	veq.f32 v34, v50;
	v35 =	vld [tilespmem:$0x6A0];
	v37 =	vsel vm0, v36, v49  }
0x39e: {  	v37 =	vsel vm1, v37, v36  }
0x39f: {  	vm0 =	vlt.s32 v37, v33  }
0x3a0: {  	vm1 =	veq.f32 v21, v50;
	v36 =	vld [tilespmem:$0x6B0];
	v38 =	vsel vm0, v37, v33  }
0x3a1: {  	v38 =	vsel vm1, v38, v37  }
0x3a2: {  	vm0 =	vlt.s32 v38, v35  }
0x3a3: {  	vm1 =	veq.f32 v23, v50;
	v37 =	vld [tilespmem:$0x6C0];
	v39 =	vsel vm0, v38, v35  }
0x3a4: {  	v39 =	vsel vm1, v39, v38  }
0x3a5: {  	vm0 =	vlt.s32 v39, v36  }
0x3a6: {  	vm1 =	veq.f32 v24, v50;
	v38 =	vld [tilespmem:$0x6D0];
	v40 =	vsel vm0, v39, v36  }
0x3a7: {  	v39 =	vsel vm1, v40, v39  }
0x3a8: {  	vm0 =	vlt.s32 v39, v37  }
0x3a9: {  	vm1 =	veq.f32 v19, v50;
	v40 =	vld [tilespmem:$0x6E0];
	v51 =	vsel vm0, v39, v37  }
0x3aa: {  	v51 =	vsel vm1, v51, v39  }
0x3ab: {  	vm0 =	vlt.s32 v51, v38  }
0x3ac: {  	vm1 =	veq.f32 v20, v50;
	v39 =	vld [tilespmem:$0x6F0];
	v52 =	vsel vm0, v51, v38  }
0x3ad: {  	v51 =	vsel vm1, v52, v51  }
0x3ae: {  	vm0 =	vlt.s32 v51, v40  }
0x3af: {  	vm1 =	veq.f32 v22, v50;
	v52 =	vsel vm0, v51, v40  }
0x3b0: {  	v51 =	vsel vm1, v52, v51  }
0x3b1: {  	vm0 =	vlt.s32 v51, v39  }
0x3b2: {  	vm1 =	veq.f32 v18, v50;
	v50 =	vsel vm0, v51, v39  }
0x3b3: {  	v50 =	vsel vm1, v50, v51  }
0x3b4: {  	v50 =	vxor.u32 $0x80000000, v50  }
0x3b5: {  	(xrf0) =	vmin.scan.msk.u32 $0xffff, v50;
	_ =	sdelay $0x5  }
0x3b6: {  	v50, _, _ =	vpop (xrf0)  }
0x3b7: {  	(v2sf) =	vpush v50, $0xF;
	_ =	sdelay $0xe  }
0x3b8: {  	v50 =	vmov s23;
	s23 =	smov.u32 s24;
	s25 =	spop (v2sf)  }
0x3b9: {  	vm0 =	veq.s32 v50, v0;
	s25 =	sxor.u32 $0x80000000, s25  }
0x3ba: {  	vm1 =	veq.s32 v42, s25;
	vm2 =	veq.s32 v41, s25;
	vm3 =	veq.s32 v43, s25  }
.Ltmp8:
0x3bb: {  	v26 =	vsel vm1, $0x7F61B1E6, v26;
	v25 =	vsel vm2, $0x7F61B1E6, v25;
	v28 =	vsel vm3, $0x7F61B1E6, v28;
	(pc) =	sbr.rel @p2 .LBB2_11-.Ltmp8, $4  }
0x3bc: {  	vm1 =	veq.s32 v44, s25;
	vm2 =	veq.s32 v45, s25;
	vm3 =	veq.s32 v47, s25;
	[tilespmem:$0x500] =	vst v26  }
0x3bd: {  	v27 =	vsel vm1, $0x7F61B1E6, v27;
	v41 =	vsel vm2, $0x7F61B1E6, v29;
	v29 =	vsel vm3, $0x7F61B1E6, v31;
	[tilespmem:$0x510] =	vst v25  }
0x3be: {  	vm1 =	veq.s32 v46, s25;
	vm2 =	veq.s32 v48, s25;
	vm3 =	veq.s32 v49, s25;
	v25 =	vld [tilespmem:$0x510];
	[tilespmem:$0x520] =	vst v28  }
0x3bf: {  	s24 =	sadd.s32 $0x1, s24;
	v43 =	vsel vm1, $0x7F61B1E6, v30;
	v42 =	vsel vm2, $0x7F61B1E6, v32;
	v32 =	vsel vm3, $0x7F61B1E6, v34;
	v26 =	vld [tilespmem:$0x500];
	[tilespmem:$0x530] =	vst v27  }
0x3c0: {  	v31 =	vld [tilespmem:$0x520]  }
0x3c1: {  	[tilespmem:$0x540] =	vst v41;
	v30 =	vld [tilespmem:$0x530]  }
0x3c2: {  	[tilespmem:$0x550] =	vst v29;
	v28 =	vld [tilespmem:$0x540]  }
0x3c3: {  	[tilespmem:$0x560] =	vst v43;
	v29 =	vld [tilespmem:$0x550]  }
0x3c4: {  	vm1 =	veq.s32 v33, s25;
	[tilespmem:$0x570] =	vst v42;
	v27 =	vld [tilespmem:$0x560];
	v45 =	vmin.f32 v26, v25  }
0x3c5: {  	vm2 =	veq.s32 v35, s25;
	[tilespmem:$0x580] =	vst v32;
	v34 =	vsel vm1, $0x7F61B1E6, v21;
	v21 =	vld [tilespmem:$0x570];
	v46 =	vmin.f32 v45, v31  }
0x3c6: {  	vm12 =	veq.s32 v36, s25;
	v47 =	vsel vm2, $0x7F61B1E6, v23;
	v23 =	vld [tilespmem:$0x580];
	[tilespmem:$0x590] =	vst v34;
	v32 =	vmin.f32 v46, v30  }
0x3c7: {  	vm13 =	veq.s32 v37, s25;
	v48 =	vsel vm12, $0x7F61B1E6, v24;
	[tilespmem:$0x5A0] =	vst v47;
	v24 =	vld [tilespmem:$0x590];
	v32 =	vmin.f32 v32, v28  }
0x3c8: {  	vm14 =	veq.s32 v38, s25;
	v49 =	vsel vm13, $0x7F61B1E6, v19;
	[tilespmem:$0x5B0] =	vst v48;
	v19 =	vld [tilespmem:$0x5A0];
	v32 =	vmin.f32 v32, v29  }
0x3c9: {  	vm15 =	veq.s32 v40, s25;
	v50 =	vsel vm14, $0x7F61B1E6, v20;
	[tilespmem:$0x5C0] =	vst v49;
	v20 =	vld [tilespmem:$0x5B0];
	v32 =	vmin.f32 v32, v27  }
0x3ca: {  	vm4 =	veq.s32 v39, s25;
	v51 =	vsel vm15, $0x7F61B1E6, v22;
	[tilespmem:$0x5D0] =	vst v50;
	v22 =	vld [tilespmem:$0x5C0];
	v52 =	vmin.f32 v32, v21  }
0x3cb: {  	v18 =	vsel vm4, $0x7F61B1E6, v18;
	[tilespmem:$0x5E0] =	vst v51;
	v32 =	vld [tilespmem:$0x5D0];
	v34 =	vmin.f32 v52, v23  }
0x3cc: {  	[tilespmem:$0x5F0] =	vst v18;
	v33 =	vld [tilespmem:$0x5E0];
	v34 =	vmin.f32 v34, v24  }
0x3cd: {  	v18 =	vld [tilespmem:$0x5F0];
	v34 =	vmin.f32 v34, v19  }
0x3ce: {  	v34 =	vmin.f32 v34, v20  }
0x3cf: {  	v34 =	vmin.f32 v34, v22  }
0x3d0: {  	v34 =	vmin.f32 v34, v32  }
0x3d1: {  	v34 =	vmin.f32 v34, v33  }
0x3d2: {  	v34 =	vmin.f32 v34, v18  }
0x3d3: {  	(xrf0) =	vmin.scan.msk.f32 $0xffff, v34;
	_ =	sdelay $0x4  }
0x3d4: {  	v34 =	vld [tilespmem:$0x610]  }
0x3d5: {  	v35 =	vld [tilespmem:$0x600];
	v53, _, _ =	vpop (xrf0)  }
0x3d6: {  	v36 =	vbroadcast v53, $0xF;
	_ =	sdelay $0x1  }
0x3d7: {  	v37 =	vld [tilespmem:$0x620];
	vm5 =	veq.f32 v25, v36  }
0x3d8: {  	v54 =	vnsel vm5, $0x7FFFFFFF, v34  }
0x3d9: {  	vm1 =	vlt.s32 v35, v54  }
0x3da: {  	v39 =	vld [tilespmem:$0x630];
	vm6 =	veq.f32 v26, v36;
	v55 =	vsel vm1, v35, v54  }
0x3db: {  	v38 =	vsel vm6, v55, v54  }
0x3dc: {  	vm7 =	vlt.s32 v38, v37  }
0x3dd: {  	v40 =	vld [tilespmem:$0x640];
	vm8 =	veq.f32 v31, v36;
	v56 =	vsel vm7, v38, v37  }
0x3de: {  	v38 =	vsel vm8, v56, v38  }
0x3df: {  	vm9 =	vlt.s32 v38, v39  }
0x3e0: {  	v41 =	vld [tilespmem:$0x650];
	vm10 =	veq.f32 v30, v36;
	v57 =	vsel vm9, v38, v39  }
0x3e1: {  	v38 =	vsel vm10, v57, v38  }
0x3e2: {  	vm11 =	vlt.s32 v38, v40  }
0x3e3: {  	v42 =	vld [tilespmem:$0x660];
	vm12 =	veq.f32 v28, v36;
	v58 =	vsel vm11, v38, v40  }
0x3e4: {  	v38 =	vsel vm12, v58, v38  }
0x3e5: {  	vm13 =	vlt.s32 v38, v41  }
0x3e6: {  	v59 =	vld [tilespmem:$0x670];
	vm14 =	veq.f32 v29, v36;
	v44 =	vsel vm13, v38, v41  }
0x3e7: {  	v38 =	vsel vm14, v44, v38  }
0x3e8: {  	vm15 =	vlt.s32 v38, v42  }
0x3e9: {  	vm4 =	veq.f32 v27, v36;
	v44 =	vld [tilespmem:$0x680];
	v45 =	vsel vm15, v38, v42  }
0x3ea: {  	v38 =	vsel vm4, v45, v38  }
0x3eb: {  	vm5 =	vlt.s32 v38, v59  }
0x3ec: {  	vm6 =	veq.f32 v21, v36;
	v45 =	vld [tilespmem:$0x690];
	v46 =	vsel vm5, v38, v59  }
0x3ed: {  	v38 =	vsel vm6, v46, v38  }
0x3ee: {  	vm7 =	vlt.s32 v38, v44  }
0x3ef: {  	v60 =	vld [tilespmem:$0x6A0];
	vm8 =	veq.f32 v23, v36;
	v47 =	vsel vm7, v38, v44  }
0x3f0: {  	v38 =	vsel vm8, v47, v38  }
0x3f1: {  	vm9 =	vlt.s32 v38, v45  }
0x3f2: {  	vm10 =	veq.f32 v24, v36;
	v47 =	vld [tilespmem:$0x6B0];
	v48 =	vsel vm9, v38, v45  }
0x3f3: {  	v38 =	vsel vm10, v48, v38  }
0x3f4: {  	vm11 =	vlt.s32 v38, v60  }
0x3f5: {  	vm12 =	veq.f32 v19, v36;
	v48 =	vld [tilespmem:$0x6C0];
	v49 =	vsel vm11, v38, v60  }
0x3f6: {  	v38 =	vsel vm12, v49, v38  }
0x3f7: {  	vm13 =	vlt.s32 v38, v47  }
0x3f8: {  	v61 =	vld [tilespmem:$0x6D0];
	vm14 =	veq.f32 v20, v36;
	v50 =	vsel vm13, v38, v47  }
0x3f9: {  	v38 =	vsel vm14, v50, v38  }
0x3fa: {  	vm15 =	vlt.s32 v38, v48  }
0x3fb: {  	v62 =	vld [tilespmem:$0x6E0];
	vm4 =	veq.f32 v22, v36;
	v51 =	vsel vm15, v38, v48  }
0x3fc: {  	v38 =	vsel vm4, v51, v38  }
0x3fd: {  	vm5 =	vlt.s32 v38, v61  }
0x3fe: {  	v63 =	vld [tilespmem:$0x6F0];
	vm6 =	veq.f32 v32, v36;
	v52 =	vsel vm5, v38, v61  }
0x3ff: {  	v38 =	vsel vm6, v52, v38  }
0x400: {  	vm7 =	vlt.s32 v38, v62  }
0x401: {  	vm8 =	veq.f32 v33, v36;
	v52 =	vsel vm7, v38, v62  }
0x402: {  	v38 =	vsel vm8, v52, v38  }
0x403: {  	vm9 =	vlt.s32 v38, v63  }
0x404: {  	vm10 =	veq.f32 v18, v36;
	v52 =	vsel vm9, v38, v63  }
0x405: {  	v36 =	vsel vm10, v52, v38  }
0x406: {  	v36 =	vxor.u32 $0x80000000, v36  }
0x407: {  	(xrf0) =	vmin.scan.msk.u32 $0xffff, v36;
	_ =	sdelay $0x5  }
0x408: {  	v36, _, _ =	vpop (xrf0)  }
0x409: {  	(v2sf) =	vpush v36, $0xF;
	_ =	sdelay $0xe  }
0x40a: {  	s24 =	spop (v2sf)  }
0x40b: {  	s24 =	sxor.u32 $0x80000000, s24  }
0x40c: {  	vm11 =	veq.s32 v35, s24  }
0x40d: {  	vm12 =	veq.s32 v34, s24;
	v53 =	vsel vm11, $0x7F61B1E6, v26  }
0x40e: {  	vm13 =	veq.s32 v37, s24;
	v54 =	vsel vm12, $0x7F61B1E6, v25;
	[tilespmem:$0x500] =	vst v53  }
0x40f: {  	vm14 =	veq.s32 v39, s24;
	v55 =	vsel vm13, $0x7F61B1E6, v31;
	[tilespmem:$0x510] =	vst v54  }
0x410: {  	vm15 =	veq.s32 v40, s24;
	v56 =	vsel vm14, $0x7F61B1E6, v30;
	[tilespmem:$0x520] =	vst v55  }
0x411: {  	vm4 =	veq.s32 v41, s24;
	v57 =	vsel vm15, $0x7F61B1E6, v28;
	[tilespmem:$0x530] =	vst v56  }
0x412: {  	vm5 =	veq.s32 v42, s24;
	v58 =	vsel vm4, $0x7F61B1E6, v29;
	[tilespmem:$0x540] =	vst v57  }
0x413: {  	vm6 =	veq.s32 v59, s24;
	v59 =	vsel vm5, $0x7F61B1E6, v27;
	[tilespmem:$0x550] =	vst v58  }
0x414: {  	vm7 =	veq.s32 v44, s24;
	v21 =	vsel vm6, $0x7F61B1E6, v21;
	[tilespmem:$0x560] =	vst v59  }
0x415: {  	vm8 =	veq.s32 v45, s24;
	v23 =	vsel vm7, $0x7F61B1E6, v23;
	[tilespmem:$0x570] =	vst v21  }
0x416: {  	vm9 =	veq.s32 v60, s24;
	v60 =	vsel vm8, $0x7F61B1E6, v24;
	[tilespmem:$0x580] =	vst v23  }
0x417: {  	vm10 =	veq.s32 v47, s24;
	v19 =	vsel vm9, $0x7F61B1E6, v19;
	[tilespmem:$0x590] =	vst v60  }
0x418: {  	v20 =	vsel vm10, $0x7F61B1E6, v20;
	vm11 =	veq.s32 v48, s24;
	[tilespmem:$0x5A0] =	vst v19  }
0x419: {  	vm12 =	veq.s32 v61, s24;
	v19 =	vsel vm11, $0x7F61B1E6, v22;
	[tilespmem:$0x5B0] =	vst v20  }
0x41a: {  	vm14 =	veq.s32 v63, s24;
	v61 =	vsel vm12, $0x7F61B1E6, v32;
	[tilespmem:$0x5C0] =	vst v19  }
0x41b: {  	vm13 =	veq.s32 v62, s24;
	v18 =	vsel vm14, $0x7F61B1E6, v18;
	[tilespmem:$0x5D0] =	vst v61  }
0x41c: {  	v62 =	vmov s23;
	v19 =	vsel vm13, $0x7F61B1E6, v33;
	[tilespmem:$0x5F0] =	vst v18  }
0x41d: {  	v17 =	vsel vm0, s25, v17;
	vm15 =	veq.s32 v62, v0;
	[tilespmem:$0x5E0] =	vst v19  }
0x41e: {  	v17 =	vsel vm15, s24, v17;
	[tilespmem:s20], [sflag:$0x1] =	stream.linear.gather [hbm4b:s6+s5], $0x1000, $0x38;
	[tilespmem:$0x2700] =	vst v63  }
0x41f: {  	vm0 =	vgt.s32 v17, $0x0;
	_ =	swait.ge [sflag:s15], $0x1000  }
0x420: {  	v17 =	vnsel vm0, $0x0, v17;
	[sflag:s15] =	ssyncset.done $0x0  }
0x421: {  	v17 =	vmin.u32 v17, $0xFFF;
	[sflag:s15] =	ssyncadd.s32 $0xFFFFF000  }
0x422: {  	[tilespmem:s21], [sflag:$0x1] =	stream.linear.gather [hbm4b:s7+s5], $0x1000, $0x38;
	[tilespmem:$0x2700] =	vst v63  }
0x423: {  	_ =	swait.ge [sflag:s15], $0x1000  }
0x424: {  	[sflag:s15] =	ssyncset.done $0x0  }
0x425: {  	[sflag:s15] =	ssyncadd.s32 $0xFFFFF000  }
0x426: {  	v18 =	vld.idx.msk [tilespmem:v17+s20+$0x0], $0xffff  }
0x427: {  	v17 =	vld.idx.msk [tilespmem:v17+s21+$0x0], $0xffff;
	_ =	sdelay $0x4  }
0x428: {  	v19 =	vmax.f32 v18, v17  }
0x429: {  	v63 =	vsub.f32 v18, v19  }
0x42a: {  	v19 =	vsub.f32 v17, v19  }
0x42b: {  	v20 =	vmul.f32 $1.442695020e+00, v63  }
0x42c: {  	v19 =	vmul.f32 $1.442695020e+00, v19  }
0x42d: {  	(erf) = vpow2.f32 v20  }
0x42e: {  	(erf) = vpow2.f32 v19;
	_ =	sdelay $0x7  }
0x42f: {  	[tilespmem:$0x200] =	vst v18;
	v19 =	vpop (erf)  }
0x430: {  	[hbm4b:s4+s5] =	stream.linear.scatter [tilespmem:s16], [sflag:$0x1], $0x80, $0x38;
	v18 =	vpop (erf);
	[tilespmem:$0x2700] =	vst v63  }
0x431: {  	_ =	swait.ge [sflag:s15], $0x80  }
0x432: {  	[sflag:s15] =	ssyncset.done $0x0  }
0x433: {  	[sflag:s15] =	ssyncadd.s32 $0xFFFFFF80  }
0x434: {  	[tilespmem:$0x200] =	vst v17  }
0x435: {  	v17 =	vadd.f32 v18, v19;
	[hbm4b:s8+s5] =	stream.linear.scatter [tilespmem:s16], [sflag:$0x1], $0x80, $0x38;
	[tilespmem:$0x2700] =	vst v63  }
0x436: {  	_ =	swait.ge [sflag:s15], $0x80  }
0x437: {  	(erf) = vrcp.f32 v17;
	_ =	sdelay $0x8  }
0x438: {  	v17 =	vpop (erf)  }
0x439: {  	[sflag:s15] =	ssyncset.done $0x0;
	v19 =	vmul.f32 v17, v19  }
0x43a: {  	[sflag:s15] =	ssyncadd.s32 $0xFFFFFF80  }
0x43b: {  	[tilespmem:$0x200] =	vst v19  }
0x43c: {  	[hbm4b:s9+s5] =	stream.linear.scatter [tilespmem:s16], [sflag:$0x1], $0x80, $0x38;
	[tilespmem:$0x2700] =	vst v63  }
0x43d: {  	_ =	swait.ge [sflag:s15], $0x80  }
0x43e: {  	v17 =	vmul.f32 v17, v18;
	[sflag:s15] =	ssyncset.done $0x0  }
0x43f: {  	[sflag:s15] =	ssyncadd.s32 $0xFFFFFF80  }
.Ltmp9:
0x440: {  	[tilespmem:$0x200] =	vst v17;
	(pc) =	sbr.rel .LBB2_13-.Ltmp9, $4  }
0x441: {  	[hbm4b:s10+s5] =	stream.linear.scatter [tilespmem:s16], [sflag:$0x1], $0x80, $0x38;
	[tilespmem:$0x2700] =	vst v63  }
0x442: {  	_ =	swait.ge [sflag:s15], $0x80  }
0x443: {  	[sflag:s15] =	ssyncset.done $0x0  }
0x444: {  	[sflag:s15] =	ssyncadd.s32 $0xFFFFFF80  }
.LBB2_14:
0x445: {  	_ =	sfence.sel $0x180000  }
0x446: {  	[bflag:$0x0] =	sbarrier.arrive $0xFFFF  }
0x447: {  	p0 =	sne.s32 s0, $0x0;
	_ =	strace $0x90000047  }
0x448: {  	s0 =	sadd.s32 @!p0 $0x100000, s1;
	[bflag:$0x2] =	sbarrier.arrive $0xFFFF  }
0x449: {  	[sflag:s0] =	ssyncadd.tile.s32 @!p0 $0x1;
	_ =	shalt  }
.Lfunc_end2:
_tile_overlayer_lowered:
.L_overlay_start_2:
0x44a: {  	(tag) =	ssettag $0x2  }
0x44b: {  	s0 =	rddreg [dreg:$0x0];
	s2 =	stileid.u32  }
0x44c: {  	s1 =	rddreg [dreg:$0x1];
	p0 =	sne.s32 s2, $0x0  }
0x44d: {  	s3 =	rddreg [dreg:$0x2];
	[bflag:$0x3] =	sbarrier.arrive $0xFFFF;
	s2 =	simm.s32 @!p0 $0x1C01  }
0x44e: {  	[timem:s3], [sflag:s2] =	dma.local @!p0 [hbm:s0], s1  }
0x44f: {  	s0 =	simm.s32 @!p0 $0x1  }
0x450: {  	_ =	swait.ge @!p0 [sflag:s0], s1  }
0x451: {  	s1 =	ssub.s32 @!p0 $0x0, s1;
	[sflag:s0] =	ssyncset.done @!p0 $0x0  }
0x452: {  	[sflag:s0] =	ssyncadd.s32 @!p0 s1  }
0x453: {  	[bflag:$0x3] =	sbarrier.arrive $0xFFFF  }
0x454: {  	_ =	shalt  }

</sc_bundles>
